<compile_context>
chip_gen: v7x
topology: tpu7x:2x2x1
jax: 0.10.2.dev20260603
libtpu: 0.0.44.dev20260713+nightly
codegen_flags: <defaults>
</compile_context>

<pallas_src>
import functools

import jax
import jax.numpy as jnp
from jax import lax
from jax.experimental import pallas as pl
from jax.experimental.pallas import tpu as pltpu
from jax.experimental.pallas import tpu_sc as plsc

N = 10000
E = 320000
D = 128
G = 16

NC = 2
NS = 16
NW = NC * NS

CH = 96
RPW = 106
E_PAD = NW * RPW * CH
NP = 10112
ZPT = NP // NS
OPT = 624

_mesh = plsc.VectorSubcoreMesh(core_axis_name="c", subcore_axis_name="s")
f32 = jnp.float32
i32 = jnp.int32


def _zero_rows(rows_v, ncols):
    nv = ncols // 16

    def outer(r, c):
        def inner(k, c2):
            rows_v[r, pl.ds(k * jnp.int32(16), 16)] = jnp.zeros((16,), f32)
            return c2

        return lax.fori_loop(jnp.int32(0), jnp.int32(nv), inner, c)

    lax.fori_loop(jnp.int32(0), jnp.int32(CH), outer, 0)


def _fill_spmem(rows_v, part_s, base, nrows):
    full, rem = nrows // CH, nrows % CH
    for k in range(full):
        pltpu.sync_copy(rows_v, part_s.at[pl.ds(base + k * CH, CH)])
    if rem:
        pltpu.sync_copy(rows_v.at[pl.ds(0, rem)], part_s.at[pl.ds(base + full * CH, rem)])


def _round_body(q_hbm, srcp_hbm, dstp_hbm, out_hbm, idxs_v, idxd_v, rows_a, rows_b, sem_a, sem_b, part_s):
    cid = lax.axis_index("c")
    sid = lax.axis_index("s")
    wid = sid * jnp.int32(NC) + cid
    pltpu.sync_copy(srcp_hbm.at[wid], idxs_v)

    def _src_at(j):
        return idxs_v.at[pl.ds(j * jnp.int32(CH), CH)]

    _zero_rows(rows_a, D)
    _fill_spmem(rows_a, part_s, sid * jnp.int32(ZPT), ZPT)
    plsc.subcore_barrier()

    pltpu.sync_copy(dstp_hbm.at[wid], idxd_v)

    pltpu.async_copy(q_hbm.at[_src_at(jnp.int32(0))], rows_a, sem_a)

    def _pair(j, jl):
        pltpu.make_async_copy(q_hbm.at[_src_at(j)], rows_a, sem_a).wait()
        pltpu.async_copy(q_hbm.at[_src_at(j + 1)], rows_b, sem_b)
        pltpu.sync_copy(rows_a, part_s.at[idxd_v.at[jl]], add=True)
        pltpu.make_async_copy(q_hbm.at[_src_at(j + 1)], rows_b, sem_b).wait()
        pltpu.async_copy(q_hbm.at[_src_at(j + 2)], rows_a, sem_a)
        pltpu.sync_copy(rows_b, part_s.at[idxd_v.at[jl + 1]], add=True)

    def body0(i, c):
        jl = jnp.int32(2) * i
        _pair(jl, jl)
        return c

    lax.fori_loop(jnp.int32(0), jnp.int32(RPW // 2 - 1), body0, 0)
    j = jnp.int32(RPW - 2)
    jl = j
    pltpu.make_async_copy(q_hbm.at[_src_at(j)], rows_a, sem_a).wait()
    pltpu.async_copy(q_hbm.at[_src_at(j + 1)], rows_b, sem_b)
    pltpu.sync_copy(rows_a, part_s.at[idxd_v.at[jl]], add=True)
    pltpu.make_async_copy(q_hbm.at[_src_at(j + 1)], rows_b, sem_b).wait()
    pltpu.sync_copy(rows_b, part_s.at[idxd_v.at[jl + 1]], add=True)
    plsc.subcore_barrier()
    plsc.subcore_barrier()
    r0 = sid * jnp.int32(OPT)

    @pl.when(sid < NS - 1)
    def _():
        pltpu.sync_copy(part_s.at[pl.ds(r0, OPT)], out_hbm.at[cid, pl.ds(r0, OPT)])

    @pl.when(sid == NS - 1)
    def _():
        pltpu.sync_copy(part_s.at[pl.ds((NS - 1) * OPT, N - (NS - 1) * OPT)],
                        out_hbm.at[cid, pl.ds((NS - 1) * OPT, N - (NS - 1) * OPT)])


_round_call = functools.partial(
    pl.kernel,
    out_type=jax.ShapeDtypeStruct((NC, N, D), f32),
    mesh=_mesh,
    scratch_types=[
        pltpu.VMEM((RPW * CH,), i32),
        pltpu.VMEM((RPW, CH), i32),
        pltpu.VMEM((CH, D), f32),
        pltpu.VMEM((CH, D), f32),
        pltpu.SemaphoreType.DMA,
        pltpu.SemaphoreType.DMA,
        pltpu.VMEM_SHARED((NP, D), f32),
    ],
)(_round_body)


def _prep_body(dego_ref, x_ref, dinv_ref, q_ref):
    d = dego_ref[0, :, 0:1] + dego_ref[1, :, 0:1] + 1.0
    dv = lax.rsqrt(d)
    dinv_ref[...] = jnp.broadcast_to(dv, (N, D))
    q_ref[...] = dv * x_ref[...]


def _prep_call(dego, x):
    return pl.pallas_call(
        _prep_body,
        out_shape=[
            jax.ShapeDtypeStruct((N, D), f32),
            jax.ShapeDtypeStruct((N, D), f32),
        ],
    )(dego, x)


def _mid_body(p_ref, q_ref, dinv_ref, out_ref):
    dv = dinv_ref[...]
    out_ref[...] = dv * dv * (p_ref[0] + p_ref[1] + q_ref[...])


def _mid_call(p, q, dinvb):
    return pl.pallas_call(
        _mid_body,
        out_shape=jax.ShapeDtypeStruct((N, D), f32),
    )(p, q, dinvb)


def _lend_body(p_ref, q_ref, dinv_ref, w_ref, b_ref, out_ref):
    dv = dinv_ref[...]
    h = dv * (p_ref[0] + p_ref[1] + q_ref[...])
    z = jnp.tanh(
        lax.dot_general(h, w_ref[...], (((1,), (1,)), ((), ())),
                        preferred_element_type=f32) + b_ref[...]
    )
    out_ref[...] = dv * z


def _lend_call(p, q, dinvb, W, b):
    return pl.pallas_call(
        _lend_body,
        out_shape=jax.ShapeDtypeStruct((N, D), f32),
    )(p, q, dinvb, W, b)


def _final_body(p_ref, q_ref, dinv_ref, w_ref, b_ref, ids_ref, out_ref):
    dv = dinv_ref[...]
    h = dv * (p_ref[0] + p_ref[1] + q_ref[...])
    z = jnp.tanh(
        lax.dot_general(h, w_ref[...], (((1,), (1,)), ((), ())),
                        preferred_element_type=f32) + b_ref[...]
    )
    ids = ids_ref[...]
    iota = lax.broadcasted_iota(i32, (N, G), 1)
    m = (ids == iota).astype(f32)
    ps = lax.dot_general(m, z, (((0,), (0,)), ((), ())), preferred_element_type=f32)
    pc = lax.dot_general(m, jnp.ones((N, D), f32), (((0,), (0,)), ((), ())),
                         preferred_element_type=f32)
    out_ref[...] = ps / jnp.maximum(pc, 1.0)


def _final_call(p, q, dinvb, W, b, ids):
    return pl.pallas_call(
        _final_body,
        out_shape=jax.ShapeDtypeStruct((G, D), f32),
    )(p, q, dinvb, W, b, ids)


def kernel(x, edge_index, batch_ids, W1, b1, W2, b2):
    x = x.astype(f32)
    W1 = W1.astype(f32)
    W2 = W2.astype(f32)
    b1 = b1.astype(f32).reshape(1, D)
    b2 = b2.astype(f32).reshape(1, D)
    src = edge_index[0].astype(i32)
    dst = edge_index[1].astype(i32)
    npad = E_PAD - E
    pad_src = (jnp.arange(npad, dtype=i32) * 131) % N
    pad_dst = N + (jnp.arange(npad, dtype=i32) % (NP - N))
    srcp = jnp.concatenate([src, pad_src]).reshape(NW, RPW * CH)
    dstp = jnp.concatenate([dst, pad_dst]).reshape(NW, RPW, CH)
    ids = batch_ids.astype(i32).reshape(N, 1)

    ones = jnp.ones((N, D), f32)
    pdeg = _round_call(ones, srcp, dstp)
    dinvb, q = _prep_call(pdeg, x)
    p = _round_call(q, srcp, dstp)
    q = _mid_call(p, q, dinvb)
    p = _round_call(q, srcp, dstp)
    q = _lend_call(p, q, dinvb, W1, b1)
    p = _round_call(q, srcp, dstp)
    q = _mid_call(p, q, dinvb)
    p = _round_call(q, srcp, dstp)
    return _final_call(p, q, dinvb, W2, b2, ids)

# --- scband reference (transcript-rebuilt; emitter-appended) ---
"""Pipeline reference for scband-sgembedder-4398046511361 (READ-ONLY COPY).

The authoritative reference and input builder live on the scoring server;
editing this copy changes nothing except your own understanding.
"""

import jax
jax.config.update("jax_enable_x64", True)
import jax.numpy as jnp
import numpy as np

N = 10000
E = 320000
D = 128
G = 16
K = 2


def setup_inputs(seed: int = 0) -> dict:
    key = jax.random.key(seed)
    k1, k2, k3, k4, k5 = jax.random.split(key, 5)
    x = jax.random.normal(k1, (N, D), dtype=jnp.float32)
    edge_index = jax.random.randint(k2, (2, E), 0, N, dtype=jnp.int64)
    batch_ids = jnp.sort(jax.random.randint(k3, (N,), 0, G, dtype=jnp.int64))
    W1 = (jax.random.normal(k4, (D, D), dtype=jnp.float32) * 0.05)
    b1 = jnp.zeros((D,), dtype=jnp.float32)
    W2 = (jax.random.normal(k5, (D, D), dtype=jnp.float32) * 0.05)
    b2 = jnp.zeros((D,), dtype=jnp.float32)
    return {"x": x, "edge_index": edge_index, "batch_ids": batch_ids,
            "W1": W1, "b1": b1, "W2": W2, "b2": b2}


def _sgconv(x, edge_index, W, b, num_nodes, hops):
    # SGConv: x' = (D^-1/2 (A+I) D^-1/2)^K x  @ W^T + b  (gcn_norm with self loops)
    src = edge_index[0]
    dst = edge_index[1]
    loop = jnp.arange(num_nodes, dtype=src.dtype)
    src2 = jnp.concatenate([src, loop])
    dst2 = jnp.concatenate([dst, loop])
    deg = jnp.zeros((num_nodes,), dtype=x.dtype).at[dst2].add(1.0)
    dinv = jnp.where(deg > 0, deg ** -0.5, 0.0)
    norm = dinv[src2] * dinv[dst2]
    h = x
    for _ in range(hops):
        msg = norm[:, None] * h[src2]
        h = jnp.zeros_like(h).at[dst2].add(msg)
    return h @ W.T + b


def reference(x, edge_index, batch_ids, W1, b1, W2, b2):
    # num_message_layers == 2, activation=tanh, dropout p=0.0 (eval -> identity)
    h = _sgconv(x, edge_index, W1, b1, N, K)
    h = jnp.tanh(h)
    h = _sgconv(h, edge_index, W2, b2, N, K)
    h = jnp.tanh(h)
    # global_mean_pool over per-graph batch ids
    sums = jax.ops.segment_sum(h, batch_ids, num_segments=G)
    counts = jax.ops.segment_sum(jnp.ones((N,), dtype=h.dtype), batch_ids, num_segments=G)
    return sums / jnp.maximum(counts, 1.0)[:, None]

if __name__ == "__main__":
    import jax
    _d = setup_inputs()
    print(jax.jit(kernel)(*tuple(_d.values())))

</pallas_src>

<mosaic_0001>
#map = affine_map<(d0, d1) -> (0, 0)>
#map1 = affine_map<(d0, d1) -> (0, 0, 0)>
module attributes {stable_mosaic.version = 14 : i64} {
  func.func @_round_body(%arg0: i32, %arg1: i32, %arg2: memref<10000x128xf32, #tpu.memory_space<hbm>>, %arg3: memref<32x10176xi32, #tpu.memory_space<hbm>>, %arg4: memref<32x106x96xi32, #tpu.memory_space<hbm>>, %arg5: memref<2x10000x128xf32, #tpu.memory_space<hbm>>, %arg6: memref<10176xi32, #tpu.memory_space<vmem>>, %arg7: memref<106x96xi32, #tpu.memory_space<vmem>>, %arg8: memref<96x128xf32, #tpu.memory_space<vmem>>, %arg9: memref<96x128xf32, #tpu.memory_space<vmem>>, %arg10: memref<!tpu.dma_semaphore, #tpu.memory_space<semaphore_mem>>, %arg11: memref<!tpu.dma_semaphore, #tpu.memory_space<semaphore_mem>>, %arg12: memref<10112x128xf32, #tpu.memory_space<vmem_shared>>) attributes {dimension_semantics = [#tpu.dimension_semantics<core_parallel>, #tpu.dimension_semantics<subcore_parallel>], iteration_bounds = array<i64: 2, 16>, scalar_prefetch = 0 : i64, scratch_operands = 7 : i64, tpu.core_type = #tpu.core_type<sc_vector_subcore>, window_params = [{transform_indices = #map}, {transform_indices = #map}, {transform_indices = #map1}, {transform_indices = #map1}]} {
    %mul3A = arith.constant 2 : i32
    %mul3A_0 = arith.muli %arg1, %mul3A : i32
    %add3A = arith.addi %mul3A_0, %arg0 : i32
    "tpu.region"() ({
      %run_scoped3A_81 = tpu.sem_alloc : memref<!tpu.dma_semaphore, #tpu.memory_space<semaphore_mem>>
      %dma_start3A_82 = arith.constant 0 : i32
      %dma_start3A_83 = tpu.memref_slice %arg3[%add3A, %dma_start3A_82] : memref<32x10176xi32, #tpu.memory_space<hbm>> -> memref<1x10176xi32, #tpu.memory_space<hbm>>
      %dma_start3A_84 = tpu.memref_squeeze %dma_start3A_83 : memref<1x10176xi32, #tpu.memory_space<hbm>> -> memref<10176xi32, #tpu.memory_space<hbm>>
      %dma_start3A_85 = arith.constant 0 : i32
      %dma_start3A_86 = tpu.memref_slice %arg3[%add3A, %dma_start3A_85] : memref<32x10176xi32, #tpu.memory_space<hbm>> -> memref<1x10176xi32, #tpu.memory_space<hbm>>
      %dma_start3A_87 = tpu.memref_squeeze %dma_start3A_86 : memref<1x10176xi32, #tpu.memory_space<hbm>> -> memref<10176xi32, #tpu.memory_space<hbm>>
      tpu.enqueue_dma source(%dma_start3A_87 : memref<10176xi32, #tpu.memory_space<hbm>>) target(%arg6 : memref<10176xi32, #tpu.memory_space<vmem>>) target_semaphore(%run_scoped3A_81 : memref<!tpu.dma_semaphore, #tpu.memory_space<semaphore_mem>>)
      %dma_wait3A_88 = arith.constant 0 : i32
      %dma_wait3A_89 = tpu.memref_slice %arg3[%add3A, %dma_wait3A_88] : memref<32x10176xi32, #tpu.memory_space<hbm>> -> memref<1x10176xi32, #tpu.memory_space<hbm>>
      %dma_wait3A_90 = tpu.memref_squeeze %dma_wait3A_89 : memref<1x10176xi32, #tpu.memory_space<hbm>> -> memref<10176xi32, #tpu.memory_space<hbm>>
      %dma_wait3A_91 = arith.constant 0 : i32
      %dma_wait3A_92 = tpu.memref_slice %arg3[%add3A, %dma_wait3A_91] : memref<32x10176xi32, #tpu.memory_space<hbm>> -> memref<1x10176xi32, #tpu.memory_space<hbm>>
      %dma_wait3A_93 = tpu.memref_squeeze %dma_wait3A_92 : memref<1x10176xi32, #tpu.memory_space<hbm>> -> memref<10176xi32, #tpu.memory_space<hbm>>
      tpu.wait_dma2 semaphore(%run_scoped3A_81 : memref<!tpu.dma_semaphore, #tpu.memory_space<semaphore_mem>>) src(%dma_wait3A_93 : memref<10176xi32, #tpu.memory_space<hbm>>) dst(%arg6 : memref<10176xi32, #tpu.memory_space<vmem>>)
      tpu.yield
    }) : () -> ()
    %while3A = arith.constant 0 : i64
    %while3A_1 = arith.constant 0 : i32
    %while3A_2 = arith.constant 96 : i32
    %while3A_3 = arith.subi %while3A_2, %while3A_1 : i32
    %while3A_4 = arith.addi %while3A_1, %while3A_3 : i32
    %while3A_5 = arith.constant 1 : i32
    %while3A_6 = arith.divsi %while3A_3, %while3A_5 : i32
    %while3A_7 = arith.muli %while3A_6, %while3A_5 : i32
    %while3A_8 = arith.addi %while3A_1, %while3A_7 : i32
    %while3A_9 = arith.constant 1 : i32
    scf.for %while3A_81 = %while3A_1 to %while3A_8 step %while3A_9  : i32 {
      %while3A_82 = arith.constant 0 : i32
      %while3A_83 = arith.constant 8 : i32
      %while3A_84 = arith.subi %while3A_83, %while3A_82 : i32
      %while3A_85 = arith.addi %while3A_82, %while3A_84 : i32
      %while3A_86 = arith.constant 1 : i32
      %while3A_87 = arith.divsi %while3A_84, %while3A_86 : i32
      %while3A_88 = arith.muli %while3A_87, %while3A_86 : i32
      %while3A_89 = arith.addi %while3A_82, %while3A_88 : i32
      %while3A_90 = arith.constant 1 : i32
      scf.for %while3A_92 = %while3A_82 to %while3A_89 step %while3A_90  : i32 {
        %broadcast_in_dim3A = arith.constant 0.000000e+00 : f32
        %broadcast_in_dim3A_93 = vector.broadcast %broadcast_in_dim3A : f32 to vector<16xf32>
        %mul3A_94 = arith.constant 16 : i32
        %mul3A_95 = arith.muli %while3A_92, %mul3A_94 : i32
        %swap3A = arith.index_cast %while3A_81 : i32 to index
        %swap3A_96 = arith.index_cast %mul3A_95 : i32 to index
        %swap3A_97 = tpu.vector_load %arg8[%swap3A, %swap3A_96] {strides = array<i32>} : memref<96x128xf32, #tpu.memory_space<vmem>>, vector<1x16xf32>,
        %swap3A_98 = vector.shape_cast %swap3A_97 : vector<1x16xf32> to vector<16xf32>
        %swap3A_99 = vector.shape_cast %broadcast_in_dim3A_93 : vector<16xf32> to vector<1x16xf32>
        tpu.vector_store %arg8[%swap3A, %swap3A_96], %swap3A_99 {strides = array<i32>} : memref<96x128xf32, #tpu.memory_space<vmem>>, vector<1x16xf32>,
      }
      %while3A_91 = arith.constant 1 : i32
      scf.for %while3A_92 = %while3A_89 to %while3A_85 step %while3A_91  : i32 {
        %broadcast_in_dim3A = arith.constant 0.000000e+00 : f32
        %broadcast_in_dim3A_93 = vector.broadcast %broadcast_in_dim3A : f32 to vector<16xf32>
        %mul3A_94 = arith.constant 16 : i32
        %mul3A_95 = arith.muli %while3A_92, %mul3A_94 : i32
        %swap3A = arith.index_cast %while3A_81 : i32 to index
        %swap3A_96 = arith.index_cast %mul3A_95 : i32 to index
        %swap3A_97 = tpu.vector_load %arg8[%swap3A, %swap3A_96] {strides = array<i32>} : memref<96x128xf32, #tpu.memory_space<vmem>>, vector<1x16xf32>,
        %swap3A_98 = vector.shape_cast %swap3A_97 : vector<1x16xf32> to vector<16xf32>
        %swap3A_99 = vector.shape_cast %broadcast_in_dim3A_93 : vector<16xf32> to vector<1x16xf32>
        tpu.vector_store %arg8[%swap3A, %swap3A_96], %swap3A_99 {strides = array<i32>} : memref<96x128xf32, #tpu.memory_space<vmem>>, vector<1x16xf32>,
      }
    }
    %while3A_10 = arith.constant 1 : i32
    scf.for %while3A_81 = %while3A_8 to %while3A_4 step %while3A_10  : i32 {
      %while3A_82 = arith.constant 0 : i32
      %while3A_83 = arith.constant 8 : i32
      %while3A_84 = arith.subi %while3A_83, %while3A_82 : i32
      %while3A_85 = arith.addi %while3A_82, %while3A_84 : i32
      %while3A_86 = arith.constant 1 : i32
      %while3A_87 = arith.divsi %while3A_84, %while3A_86 : i32
      %while3A_88 = arith.muli %while3A_87, %while3A_86 : i32
      %while3A_89 = arith.addi %while3A_82, %while3A_88 : i32
      %while3A_90 = arith.constant 1 : i32
      scf.for %while3A_92 = %while3A_82 to %while3A_89 step %while3A_90  : i32 {
        %broadcast_in_dim3A = arith.constant 0.000000e+00 : f32
        %broadcast_in_dim3A_93 = vector.broadcast %broadcast_in_dim3A : f32 to vector<16xf32>
        %mul3A_94 = arith.constant 16 : i32
        %mul3A_95 = arith.muli %while3A_92, %mul3A_94 : i32
        %swap3A = arith.index_cast %while3A_81 : i32 to index
        %swap3A_96 = arith.index_cast %mul3A_95 : i32 to index
        %swap3A_97 = tpu.vector_load %arg8[%swap3A, %swap3A_96] {strides = array<i32>} : memref<96x128xf32, #tpu.memory_space<vmem>>, vector<1x16xf32>,
        %swap3A_98 = vector.shape_cast %swap3A_97 : vector<1x16xf32> to vector<16xf32>
        %swap3A_99 = vector.shape_cast %broadcast_in_dim3A_93 : vector<16xf32> to vector<1x16xf32>
        tpu.vector_store %arg8[%swap3A, %swap3A_96], %swap3A_99 {strides = array<i32>} : memref<96x128xf32, #tpu.memory_space<vmem>>, vector<1x16xf32>,
      }
      %while3A_91 = arith.constant 1 : i32
      scf.for %while3A_92 = %while3A_89 to %while3A_85 step %while3A_91  : i32 {
        %broadcast_in_dim3A = arith.constant 0.000000e+00 : f32
        %broadcast_in_dim3A_93 = vector.broadcast %broadcast_in_dim3A : f32 to vector<16xf32>
        %mul3A_94 = arith.constant 16 : i32
        %mul3A_95 = arith.muli %while3A_92, %mul3A_94 : i32
        %swap3A = arith.index_cast %while3A_81 : i32 to index
        %swap3A_96 = arith.index_cast %mul3A_95 : i32 to index
        %swap3A_97 = tpu.vector_load %arg8[%swap3A, %swap3A_96] {strides = array<i32>} : memref<96x128xf32, #tpu.memory_space<vmem>>, vector<1x16xf32>,
        %swap3A_98 = vector.shape_cast %swap3A_97 : vector<1x16xf32> to vector<16xf32>
        %swap3A_99 = vector.shape_cast %broadcast_in_dim3A_93 : vector<16xf32> to vector<1x16xf32>
        tpu.vector_store %arg8[%swap3A, %swap3A_96], %swap3A_99 {strides = array<i32>} : memref<96x128xf32, #tpu.memory_space<vmem>>, vector<1x16xf32>,
      }
    }
    %mul3A_11 = arith.constant 632 : i32
    %mul3A_12 = arith.muli %arg1, %mul3A_11 : i32
    %add3A_13 = arith.constant 0 : i32
    %add3A_14 = arith.addi %mul3A_12, %add3A_13 : i32
    "tpu.region"() ({
      %run_scoped3A_81 = tpu.sem_alloc : memref<!tpu.dma_semaphore, #tpu.memory_space<semaphore_mem>>
      %dma_start3A_82 = arith.constant 0 : i32
      %dma_start3A_83 = tpu.memref_slice %arg12[%add3A_14, %dma_start3A_82] : memref<10112x128xf32, #tpu.memory_space<vmem_shared>> -> memref<96x128xf32, #tpu.memory_space<vmem_shared>>
      %dma_start3A_84 = arith.constant 0 : i32
      %dma_start3A_85 = tpu.memref_slice %arg12[%add3A_14, %dma_start3A_84] : memref<10112x128xf32, #tpu.memory_space<vmem_shared>> -> memref<96x128xf32, #tpu.memory_space<vmem_shared>>
      tpu.enqueue_dma source(%arg8 : memref<96x128xf32, #tpu.memory_space<vmem>>) target(%dma_start3A_85 : memref<96x128xf32, #tpu.memory_space<vmem_shared>>) target_semaphore(%run_scoped3A_81 : memref<!tpu.dma_semaphore, #tpu.memory_space<semaphore_mem>>)
      %dma_wait3A_86 = arith.constant 0 : i32
      %dma_wait3A_87 = tpu.memref_slice %arg12[%add3A_14, %dma_wait3A_86] : memref<10112x128xf32, #tpu.memory_space<vmem_shared>> -> memref<96x128xf32, #tpu.memory_space<vmem_shared>>
      %dma_wait3A_88 = arith.constant 0 : i32
      %dma_wait3A_89 = tpu.memref_slice %arg12[%add3A_14, %dma_wait3A_88] : memref<10112x128xf32, #tpu.memory_space<vmem_shared>> -> memref<96x128xf32, #tpu.memory_space<vmem_shared>>
      tpu.wait_dma2 semaphore(%run_scoped3A_81 : memref<!tpu.dma_semaphore, #tpu.memory_space<semaphore_mem>>) src(%arg8 : memref<96x128xf32, #tpu.memory_space<vmem>>) dst(%dma_wait3A_89 : memref<96x128xf32, #tpu.memory_space<vmem_shared>>)
      tpu.yield
    }) : () -> ()
    %add3A_15 = arith.constant 96 : i32
    %add3A_16 = arith.addi %mul3A_12, %add3A_15 : i32
    "tpu.region"() ({
      %run_scoped3A_81 = tpu.sem_alloc : memref<!tpu.dma_semaphore, #tpu.memory_space<semaphore_mem>>
      %dma_start3A_82 = arith.constant 0 : i32
      %dma_start3A_83 = tpu.memref_slice %arg12[%add3A_16, %dma_start3A_82] : memref<10112x128xf32, #tpu.memory_space<vmem_shared>> -> memref<96x128xf32, #tpu.memory_space<vmem_shared>>
      %dma_start3A_84 = arith.constant 0 : i32
      %dma_start3A_85 = tpu.memref_slice %arg12[%add3A_16, %dma_start3A_84] : memref<10112x128xf32, #tpu.memory_space<vmem_shared>> -> memref<96x128xf32, #tpu.memory_space<vmem_shared>>
      tpu.enqueue_dma source(%arg8 : memref<96x128xf32, #tpu.memory_space<vmem>>) target(%dma_start3A_85 : memref<96x128xf32, #tpu.memory_space<vmem_shared>>) target_semaphore(%run_scoped3A_81 : memref<!tpu.dma_semaphore, #tpu.memory_space<semaphore_mem>>)
      %dma_wait3A_86 = arith.constant 0 : i32
      %dma_wait3A_87 = tpu.memref_slice %arg12[%add3A_16, %dma_wait3A_86] : memref<10112x128xf32, #tpu.memory_space<vmem_shared>> -> memref<96x128xf32, #tpu.memory_space<vmem_shared>>
      %dma_wait3A_88 = arith.constant 0 : i32
      %dma_wait3A_89 = tpu.memref_slice %arg12[%add3A_16, %dma_wait3A_88] : memref<10112x128xf32, #tpu.memory_space<vmem_shared>> -> memref<96x128xf32, #tpu.memory_space<vmem_shared>>
      tpu.wait_dma2 semaphore(%run_scoped3A_81 : memref<!tpu.dma_semaphore, #tpu.memory_space<semaphore_mem>>) src(%arg8 : memref<96x128xf32, #tpu.memory_space<vmem>>) dst(%dma_wait3A_89 : memref<96x128xf32, #tpu.memory_space<vmem_shared>>)
      tpu.yield
    }) : () -> ()
    %add3A_17 = arith.constant 192 : i32
    %add3A_18 = arith.addi %mul3A_12, %add3A_17 : i32
    "tpu.region"() ({
      %run_scoped3A_81 = tpu.sem_alloc : memref<!tpu.dma_semaphore, #tpu.memory_space<semaphore_mem>>
      %dma_start3A_82 = arith.constant 0 : i32
      %dma_start3A_83 = tpu.memref_slice %arg12[%add3A_18, %dma_start3A_82] : memref<10112x128xf32, #tpu.memory_space<vmem_shared>> -> memref<96x128xf32, #tpu.memory_space<vmem_shared>>
      %dma_start3A_84 = arith.constant 0 : i32
      %dma_start3A_85 = tpu.memref_slice %arg12[%add3A_18, %dma_start3A_84] : memref<10112x128xf32, #tpu.memory_space<vmem_shared>> -> memref<96x128xf32, #tpu.memory_space<vmem_shared>>
      tpu.enqueue_dma source(%arg8 : memref<96x128xf32, #tpu.memory_space<vmem>>) target(%dma_start3A_85 : memref<96x128xf32, #tpu.memory_space<vmem_shared>>) target_semaphore(%run_scoped3A_81 : memref<!tpu.dma_semaphore, #tpu.memory_space<semaphore_mem>>)
      %dma_wait3A_86 = arith.constant 0 : i32
      %dma_wait3A_87 = tpu.memref_slice %arg12[%add3A_18, %dma_wait3A_86] : memref<10112x128xf32, #tpu.memory_space<vmem_shared>> -> memref<96x128xf32, #tpu.memory_space<vmem_shared>>
      %dma_wait3A_88 = arith.constant 0 : i32
      %dma_wait3A_89 = tpu.memref_slice %arg12[%add3A_18, %dma_wait3A_88] : memref<10112x128xf32, #tpu.memory_space<vmem_shared>> -> memref<96x128xf32, #tpu.memory_space<vmem_shared>>
      tpu.wait_dma2 semaphore(%run_scoped3A_81 : memref<!tpu.dma_semaphore, #tpu.memory_space<semaphore_mem>>) src(%arg8 : memref<96x128xf32, #tpu.memory_space<vmem>>) dst(%dma_wait3A_89 : memref<96x128xf32, #tpu.memory_space<vmem_shared>>)
      tpu.yield
    }) : () -> ()
    %add3A_19 = arith.constant 288 : i32
    %add3A_20 = arith.addi %mul3A_12, %add3A_19 : i32
    "tpu.region"() ({
      %run_scoped3A_81 = tpu.sem_alloc : memref<!tpu.dma_semaphore, #tpu.memory_space<semaphore_mem>>
      %dma_start3A_82 = arith.constant 0 : i32
      %dma_start3A_83 = tpu.memref_slice %arg12[%add3A_20, %dma_start3A_82] : memref<10112x128xf32, #tpu.memory_space<vmem_shared>> -> memref<96x128xf32, #tpu.memory_space<vmem_shared>>
      %dma_start3A_84 = arith.constant 0 : i32
      %dma_start3A_85 = tpu.memref_slice %arg12[%add3A_20, %dma_start3A_84] : memref<10112x128xf32, #tpu.memory_space<vmem_shared>> -> memref<96x128xf32, #tpu.memory_space<vmem_shared>>
      tpu.enqueue_dma source(%arg8 : memref<96x128xf32, #tpu.memory_space<vmem>>) target(%dma_start3A_85 : memref<96x128xf32, #tpu.memory_space<vmem_shared>>) target_semaphore(%run_scoped3A_81 : memref<!tpu.dma_semaphore, #tpu.memory_space<semaphore_mem>>)
      %dma_wait3A_86 = arith.constant 0 : i32
      %dma_wait3A_87 = tpu.memref_slice %arg12[%add3A_20, %dma_wait3A_86] : memref<10112x128xf32, #tpu.memory_space<vmem_shared>> -> memref<96x128xf32, #tpu.memory_space<vmem_shared>>
      %dma_wait3A_88 = arith.constant 0 : i32
      %dma_wait3A_89 = tpu.memref_slice %arg12[%add3A_20, %dma_wait3A_88] : memref<10112x128xf32, #tpu.memory_space<vmem_shared>> -> memref<96x128xf32, #tpu.memory_space<vmem_shared>>
      tpu.wait_dma2 semaphore(%run_scoped3A_81 : memref<!tpu.dma_semaphore, #tpu.memory_space<semaphore_mem>>) src(%arg8 : memref<96x128xf32, #tpu.memory_space<vmem>>) dst(%dma_wait3A_89 : memref<96x128xf32, #tpu.memory_space<vmem_shared>>)
      tpu.yield
    }) : () -> ()
    %add3A_21 = arith.constant 384 : i32
    %add3A_22 = arith.addi %mul3A_12, %add3A_21 : i32
    "tpu.region"() ({
      %run_scoped3A_81 = tpu.sem_alloc : memref<!tpu.dma_semaphore, #tpu.memory_space<semaphore_mem>>
      %dma_start3A_82 = arith.constant 0 : i32
      %dma_start3A_83 = tpu.memref_slice %arg12[%add3A_22, %dma_start3A_82] : memref<10112x128xf32, #tpu.memory_space<vmem_shared>> -> memref<96x128xf32, #tpu.memory_space<vmem_shared>>
      %dma_start3A_84 = arith.constant 0 : i32
      %dma_start3A_85 = tpu.memref_slice %arg12[%add3A_22, %dma_start3A_84] : memref<10112x128xf32, #tpu.memory_space<vmem_shared>> -> memref<96x128xf32, #tpu.memory_space<vmem_shared>>
      tpu.enqueue_dma source(%arg8 : memref<96x128xf32, #tpu.memory_space<vmem>>) target(%dma_start3A_85 : memref<96x128xf32, #tpu.memory_space<vmem_shared>>) target_semaphore(%run_scoped3A_81 : memref<!tpu.dma_semaphore, #tpu.memory_space<semaphore_mem>>)
      %dma_wait3A_86 = arith.constant 0 : i32
      %dma_wait3A_87 = tpu.memref_slice %arg12[%add3A_22, %dma_wait3A_86] : memref<10112x128xf32, #tpu.memory_space<vmem_shared>> -> memref<96x128xf32, #tpu.memory_space<vmem_shared>>
      %dma_wait3A_88 = arith.constant 0 : i32
      %dma_wait3A_89 = tpu.memref_slice %arg12[%add3A_22, %dma_wait3A_88] : memref<10112x128xf32, #tpu.memory_space<vmem_shared>> -> memref<96x128xf32, #tpu.memory_space<vmem_shared>>
      tpu.wait_dma2 semaphore(%run_scoped3A_81 : memref<!tpu.dma_semaphore, #tpu.memory_space<semaphore_mem>>) src(%arg8 : memref<96x128xf32, #tpu.memory_space<vmem>>) dst(%dma_wait3A_89 : memref<96x128xf32, #tpu.memory_space<vmem_shared>>)
      tpu.yield
    }) : () -> ()
    %add3A_23 = arith.constant 480 : i32
    %add3A_24 = arith.addi %mul3A_12, %add3A_23 : i32
    "tpu.region"() ({
      %run_scoped3A_81 = tpu.sem_alloc : memref<!tpu.dma_semaphore, #tpu.memory_space<semaphore_mem>>
      %dma_start3A_82 = arith.constant 0 : i32
      %dma_start3A_83 = tpu.memref_slice %arg12[%add3A_24, %dma_start3A_82] : memref<10112x128xf32, #tpu.memory_space<vmem_shared>> -> memref<96x128xf32, #tpu.memory_space<vmem_shared>>
      %dma_start3A_84 = arith.constant 0 : i32
      %dma_start3A_85 = tpu.memref_slice %arg12[%add3A_24, %dma_start3A_84] : memref<10112x128xf32, #tpu.memory_space<vmem_shared>> -> memref<96x128xf32, #tpu.memory_space<vmem_shared>>
      tpu.enqueue_dma source(%arg8 : memref<96x128xf32, #tpu.memory_space<vmem>>) target(%dma_start3A_85 : memref<96x128xf32, #tpu.memory_space<vmem_shared>>) target_semaphore(%run_scoped3A_81 : memref<!tpu.dma_semaphore, #tpu.memory_space<semaphore_mem>>)
      %dma_wait3A_86 = arith.constant 0 : i32
      %dma_wait3A_87 = tpu.memref_slice %arg12[%add3A_24, %dma_wait3A_86] : memref<10112x128xf32, #tpu.memory_space<vmem_shared>> -> memref<96x128xf32, #tpu.memory_space<vmem_shared>>
      %dma_wait3A_88 = arith.constant 0 : i32
      %dma_wait3A_89 = tpu.memref_slice %arg12[%add3A_24, %dma_wait3A_88] : memref<10112x128xf32, #tpu.memory_space<vmem_shared>> -> memref<96x128xf32, #tpu.memory_space<vmem_shared>>
      tpu.wait_dma2 semaphore(%run_scoped3A_81 : memref<!tpu.dma_semaphore, #tpu.memory_space<semaphore_mem>>) src(%arg8 : memref<96x128xf32, #tpu.memory_space<vmem>>) dst(%dma_wait3A_89 : memref<96x128xf32, #tpu.memory_space<vmem_shared>>)
      tpu.yield
    }) : () -> ()
    %add3A_25 = arith.constant 576 : i32
    %add3A_26 = arith.addi %mul3A_12, %add3A_25 : i32
    "tpu.region"() ({
      %run_scoped3A_81 = tpu.sem_alloc : memref<!tpu.dma_semaphore, #tpu.memory_space<semaphore_mem>>
      %dma_start3A_82 = arith.constant 0 : i32
      %dma_start3A_83 = arith.constant 0 : i32
      %dma_start3A_84 = tpu.memref_slice %arg8[%dma_start3A_82, %dma_start3A_83] : memref<96x128xf32, #tpu.memory_space<vmem>> -> memref<56x128xf32, #tpu.memory_space<vmem>>
      %dma_start3A_85 = arith.constant 0 : i32
      %dma_start3A_86 = tpu.memref_slice %arg12[%add3A_26, %dma_start3A_85] : memref<10112x128xf32, #tpu.memory_space<vmem_shared>> -> memref<56x128xf32, #tpu.memory_space<vmem_shared>>
      %dma_start3A_87 = arith.constant 0 : i32
      %dma_start3A_88 = tpu.memref_slice %arg12[%add3A_26, %dma_start3A_87] : memref<10112x128xf32, #tpu.memory_space<vmem_shared>> -> memref<56x128xf32, #tpu.memory_space<vmem_shared>>
      %dma_start3A_89 = arith.constant 0 : i32
      %dma_start3A_90 = arith.constant 0 : i32
      %dma_start3A_91 = tpu.memref_slice %arg8[%dma_start3A_89, %dma_start3A_90] : memref<96x128xf32, #tpu.memory_space<vmem>> -> memref<56x128xf32, #tpu.memory_space<vmem>>
      tpu.enqueue_dma source(%dma_start3A_91 : memref<56x128xf32, #tpu.memory_space<vmem>>) target(%dma_start3A_88 : memref<56x128xf32, #tpu.memory_space<vmem_shared>>) target_semaphore(%run_scoped3A_81 : memref<!tpu.dma_semaphore, #tpu.memory_space<semaphore_mem>>)
      %dma_wait3A_92 = arith.constant 0 : i32
      %dma_wait3A_93 = arith.constant 0 : i32
      %dma_wait3A_94 = tpu.memref_slice %arg8[%dma_wait3A_92, %dma_wait3A_93] : memref<96x128xf32, #tpu.memory_space<vmem>> -> memref<56x128xf32, #tpu.memory_space<vmem>>
      %dma_wait3A_95 = arith.constant 0 : i32
      %dma_wait3A_96 = tpu.memref_slice %arg12[%add3A_26, %dma_wait3A_95] : memref<10112x128xf32, #tpu.memory_space<vmem_shared>> -> memref<56x128xf32, #tpu.memory_space<vmem_shared>>
      %dma_wait3A_97 = arith.constant 0 : i32
      %dma_wait3A_98 = tpu.memref_slice %arg12[%add3A_26, %dma_wait3A_97] : memref<10112x128xf32, #tpu.memory_space<vmem_shared>> -> memref<56x128xf32, #tpu.memory_space<vmem_shared>>
      %dma_wait3A_99 = arith.constant 0 : i32
      %dma_wait3A_100 = arith.constant 0 : i32
      %dma_wait3A_101 = tpu.memref_slice %arg8[%dma_wait3A_99, %dma_wait3A_100] : memref<96x128xf32, #tpu.memory_space<vmem>> -> memref<56x128xf32, #tpu.memory_space<vmem>>
      tpu.wait_dma2 semaphore(%run_scoped3A_81 : memref<!tpu.dma_semaphore, #tpu.memory_space<semaphore_mem>>) src(%dma_wait3A_101 : memref<56x128xf32, #tpu.memory_space<vmem>>) dst(%dma_wait3A_98 : memref<56x128xf32, #tpu.memory_space<vmem_shared>>)
      tpu.yield
    }) : () -> ()
    %barrier3A = arith.constant 0 : index
    tpu.barrier barrier_id(%barrier3A)
    "tpu.region"() ({
      %run_scoped3A_81 = tpu.sem_alloc : memref<!tpu.dma_semaphore, #tpu.memory_space<semaphore_mem>>
      %dma_start3A_82 = arith.constant 0 : i32
      %dma_start3A_83 = arith.constant 0 : i32
      %dma_start3A_84 = tpu.memref_slice %arg4[%add3A, %dma_start3A_82, %dma_start3A_83] : memref<32x106x96xi32, #tpu.memory_space<hbm>> -> memref<1x106x96xi32, #tpu.memory_space<hbm>>
      %dma_start3A_85 = tpu.memref_squeeze %dma_start3A_84 : memref<1x106x96xi32, #tpu.memory_space<hbm>> -> memref<106x96xi32, #tpu.memory_space<hbm>>
      %dma_start3A_86 = arith.constant 0 : i32
      %dma_start3A_87 = arith.constant 0 : i32
      %dma_start3A_88 = tpu.memref_slice %arg4[%add3A, %dma_start3A_86, %dma_start3A_87] : memref<32x106x96xi32, #tpu.memory_space<hbm>> -> memref<1x106x96xi32, #tpu.memory_space<hbm>>
      %dma_start3A_89 = tpu.memref_squeeze %dma_start3A_88 : memref<1x106x96xi32, #tpu.memory_space<hbm>> -> memref<106x96xi32, #tpu.memory_space<hbm>>
      tpu.enqueue_dma source(%dma_start3A_89 : memref<106x96xi32, #tpu.memory_space<hbm>>) target(%arg7 : memref<106x96xi32, #tpu.memory_space<vmem>>) target_semaphore(%run_scoped3A_81 : memref<!tpu.dma_semaphore, #tpu.memory_space<semaphore_mem>>)
      %dma_wait3A_90 = arith.constant 0 : i32
      %dma_wait3A_91 = arith.constant 0 : i32
      %dma_wait3A_92 = tpu.memref_slice %arg4[%add3A, %dma_wait3A_90, %dma_wait3A_91] : memref<32x106x96xi32, #tpu.memory_space<hbm>> -> memref<1x106x96xi32, #tpu.memory_space<hbm>>
      %dma_wait3A_93 = tpu.memref_squeeze %dma_wait3A_92 : memref<1x106x96xi32, #tpu.memory_space<hbm>> -> memref<106x96xi32, #tpu.memory_space<hbm>>
      %dma_wait3A_94 = arith.constant 0 : i32
      %dma_wait3A_95 = arith.constant 0 : i32
      %dma_wait3A_96 = tpu.memref_slice %arg4[%add3A, %dma_wait3A_94, %dma_wait3A_95] : memref<32x106x96xi32, #tpu.memory_space<hbm>> -> memref<1x106x96xi32, #tpu.memory_space<hbm>>
      %dma_wait3A_97 = tpu.memref_squeeze %dma_wait3A_96 : memref<1x106x96xi32, #tpu.memory_space<hbm>> -> memref<106x96xi32, #tpu.memory_space<hbm>>
      tpu.wait_dma2 semaphore(%run_scoped3A_81 : memref<!tpu.dma_semaphore, #tpu.memory_space<semaphore_mem>>) src(%dma_wait3A_97 : memref<106x96xi32, #tpu.memory_space<hbm>>) dst(%arg7 : memref<106x96xi32, #tpu.memory_space<vmem>>)
      tpu.yield
    }) : () -> ()
    %mul3A_27 = arith.constant 0 : i32
    %mul3A_28 = arith.constant 96 : i32
    %mul3A_29 = arith.muli %mul3A_27, %mul3A_28 : i32
    %dma_start3A = tpu.memref_slice %arg6[%mul3A_29] : memref<10176xi32, #tpu.memory_space<vmem>> -> memref<96xi32, #tpu.memory_space<vmem>>
    %dma_start3A_30 = arith.constant 0 : i32
    %dma_start3A_31 = arith.constant 0 : i32
    %dma_start3A_32 = tpu.memref_slice %arg2[%dma_start3A_30, %dma_start3A_31] : memref<10000x128xf32, #tpu.memory_space<hbm>> -> memref<10000x128xf32, #tpu.memory_space<hbm>>
    tpu.enqueue_indirect_dma source(%dma_start3A_32 : memref<10000x128xf32, #tpu.memory_space<hbm>>) target(%arg8 : memref<96x128xf32, #tpu.memory_space<vmem>>) offsets(%dma_start3A : memref<96xi32, #tpu.memory_space<vmem>>) semaphore(%arg10 : memref<!tpu.dma_semaphore, #tpu.memory_space<semaphore_mem>>)
    %while3A_33 = arith.constant 0 : i64
    %while3A_34 = arith.constant 0 : i32
    %while3A_35 = arith.constant 52 : i32
    %while3A_36 = arith.subi %while3A_35, %while3A_34 : i32
    %while3A_37 = arith.addi %while3A_34, %while3A_36 : i32
    %while3A_38 = arith.constant 1 : i32
    %while3A_39 = arith.divsi %while3A_36, %while3A_38 : i32
    %while3A_40 = arith.muli %while3A_39, %while3A_38 : i32
    %while3A_41 = arith.addi %while3A_34, %while3A_40 : i32
    %while3A_42 = arith.constant 1 : i32
    scf.for %while3A_81 = %while3A_34 to %while3A_41 step %while3A_42  : i32 {
      %mul3A_82 = arith.constant 2 : i32
      %mul3A_83 = arith.muli %mul3A_82, %while3A_81 : i32
      %mul3A_84 = arith.constant 96 : i32
      %mul3A_85 = arith.muli %mul3A_83, %mul3A_84 : i32
      %dma_wait3A_86 = tpu.memref_slice %arg6[%mul3A_85] : memref<10176xi32, #tpu.memory_space<vmem>> -> memref<96xi32, #tpu.memory_space<vmem>>
      %dma_wait3A_87 = arith.constant 0 : i32
      %dma_wait3A_88 = arith.constant 0 : i32
      %dma_wait3A_89 = tpu.memref_slice %arg2[%dma_wait3A_87, %dma_wait3A_88] : memref<10000x128xf32, #tpu.memory_space<hbm>> -> memref<10000x128xf32, #tpu.memory_space<hbm>>
      tpu.wait_indirect_dma semaphore(%arg10 : memref<!tpu.dma_semaphore, #tpu.memory_space<semaphore_mem>>) src(%dma_wait3A_89 : memref<10000x128xf32, #tpu.memory_space<hbm>>) dst(%arg8 : memref<96x128xf32, #tpu.memory_space<vmem>>)
      %add3A_90 = arith.constant 1 : i32
      %add3A_91 = arith.addi %mul3A_83, %add3A_90 : i32
      %mul3A_92 = arith.constant 96 : i32
      %mul3A_93 = arith.muli %add3A_91, %mul3A_92 : i32
      %dma_start3A_94 = tpu.memref_slice %arg6[%mul3A_93] : memref<10176xi32, #tpu.memory_space<vmem>> -> memref<96xi32, #tpu.memory_space<vmem>>
      %dma_start3A_95 = arith.constant 0 : i32
      %dma_start3A_96 = arith.constant 0 : i32
      %dma_start3A_97 = tpu.memref_slice %arg2[%dma_start3A_95, %dma_start3A_96] : memref<10000x128xf32, #tpu.memory_space<hbm>> -> memref<10000x128xf32, #tpu.memory_space<hbm>>
      tpu.enqueue_indirect_dma source(%dma_start3A_97 : memref<10000x128xf32, #tpu.memory_space<hbm>>) target(%arg9 : memref<96x128xf32, #tpu.memory_space<vmem>>) offsets(%dma_start3A_94 : memref<96xi32, #tpu.memory_space<vmem>>) semaphore(%arg11 : memref<!tpu.dma_semaphore, #tpu.memory_space<semaphore_mem>>)
      "tpu.region"() ({
        %run_scoped3A_116 = tpu.sem_alloc : memref<!tpu.dma_semaphore, #tpu.memory_space<semaphore_mem>>
        %dma_start3A_117 = arith.constant 0 : i32
        %dma_start3A_118 = tpu.memref_slice %arg7[%mul3A_83, %dma_start3A_117] : memref<106x96xi32, #tpu.memory_space<vmem>> -> memref<1x96xi32, #tpu.memory_space<vmem>>
        %dma_start3A_119 = tpu.memref_squeeze %dma_start3A_118 : memref<1x96xi32, #tpu.memory_space<vmem>> -> memref<96xi32, #tpu.memory_space<vmem>>
        %dma_start3A_120 = arith.constant 0 : i32
        %dma_start3A_121 = arith.constant 0 : i32
        %dma_start3A_122 = tpu.memref_slice %arg12[%dma_start3A_120, %dma_start3A_121] : memref<10112x128xf32, #tpu.memory_space<vmem_shared>> -> memref<10112x128xf32, #tpu.memory_space<vmem_shared>>
        tpu.enqueue_indirect_dma source(%arg8 : memref<96x128xf32, #tpu.memory_space<vmem>>) target(%dma_start3A_122 : memref<10112x128xf32, #tpu.memory_space<vmem_shared>>) offsets(%dma_start3A_119 : memref<96xi32, #tpu.memory_space<vmem>>) semaphore(%run_scoped3A_116 : memref<!tpu.dma_semaphore, #tpu.memory_space<semaphore_mem>>) {add = true}
        %dma_wait3A_123 = arith.constant 0 : i32
        %dma_wait3A_124 = tpu.memref_slice %arg7[%mul3A_83, %dma_wait3A_123] : memref<106x96xi32, #tpu.memory_space<vmem>> -> memref<1x96xi32, #tpu.memory_space<vmem>>
        %dma_wait3A_125 = tpu.memref_squeeze %dma_wait3A_124 : memref<1x96xi32, #tpu.memory_space<vmem>> -> memref<96xi32, #tpu.memory_space<vmem>>
        %dma_wait3A_126 = arith.constant 0 : i32
        %dma_wait3A_127 = arith.constant 0 : i32
        %dma_wait3A_128 = tpu.memref_slice %arg12[%dma_wait3A_126, %dma_wait3A_127] : memref<10112x128xf32, #tpu.memory_space<vmem_shared>> -> memref<10112x128xf32, #tpu.memory_space<vmem_shared>>
        tpu.wait_indirect_dma semaphore(%run_scoped3A_116 : memref<!tpu.dma_semaphore, #tpu.memory_space<semaphore_mem>>) src(%arg8 : memref<96x128xf32, #tpu.memory_space<vmem>>) dst(%dma_wait3A_128 : memref<10112x128xf32, #tpu.memory_space<vmem_shared>>)
        tpu.yield
      }) : () -> ()
      %add3A_98 = arith.constant 1 : i32
      %add3A_99 = arith.addi %mul3A_83, %add3A_98 : i32
      %mul3A_100 = arith.constant 96 : i32
      %mul3A_101 = arith.muli %add3A_99, %mul3A_100 : i32
      %dma_wait3A_102 = tpu.memref_slice %arg6[%mul3A_101] : memref<10176xi32, #tpu.memory_space<vmem>> -> memref<96xi32, #tpu.memory_space<vmem>>
      %dma_wait3A_103 = arith.constant 0 : i32
      %dma_wait3A_104 = arith.constant 0 : i32
      %dma_wait3A_105 = tpu.memref_slice %arg2[%dma_wait3A_103, %dma_wait3A_104] : memref<10000x128xf32, #tpu.memory_space<hbm>> -> memref<10000x128xf32, #tpu.memory_space<hbm>>
      tpu.wait_indirect_dma semaphore(%arg11 : memref<!tpu.dma_semaphore, #tpu.memory_space<semaphore_mem>>) src(%dma_wait3A_105 : memref<10000x128xf32, #tpu.memory_space<hbm>>) dst(%arg9 : memref<96x128xf32, #tpu.memory_space<vmem>>)
      %add3A_106 = arith.constant 2 : i32
      %add3A_107 = arith.addi %mul3A_83, %add3A_106 : i32
      %mul3A_108 = arith.constant 96 : i32
      %mul3A_109 = arith.muli %add3A_107, %mul3A_108 : i32
      %dma_start3A_110 = tpu.memref_slice %arg6[%mul3A_109] : memref<10176xi32, #tpu.memory_space<vmem>> -> memref<96xi32, #tpu.memory_space<vmem>>
      %dma_start3A_111 = arith.constant 0 : i32
      %dma_start3A_112 = arith.constant 0 : i32
      %dma_start3A_113 = tpu.memref_slice %arg2[%dma_start3A_111, %dma_start3A_112] : memref<10000x128xf32, #tpu.memory_space<hbm>> -> memref<10000x128xf32, #tpu.memory_space<hbm>>
      tpu.enqueue_indirect_dma source(%dma_start3A_113 : memref<10000x128xf32, #tpu.memory_space<hbm>>) target(%arg8 : memref<96x128xf32, #tpu.memory_space<vmem>>) offsets(%dma_start3A_110 : memref<96xi32, #tpu.memory_space<vmem>>) semaphore(%arg10 : memref<!tpu.dma_semaphore, #tpu.memory_space<semaphore_mem>>)
      %add3A_114 = arith.constant 1 : i32
      %add3A_115 = arith.addi %mul3A_83, %add3A_114 : i32
      "tpu.region"() ({
        %run_scoped3A_116 = tpu.sem_alloc : memref<!tpu.dma_semaphore, #tpu.memory_space<semaphore_mem>>
        %dma_start3A_117 = arith.constant 0 : i32
        %dma_start3A_118 = tpu.memref_slice %arg7[%add3A_115, %dma_start3A_117] : memref<106x96xi32, #tpu.memory_space<vmem>> -> memref<1x96xi32, #tpu.memory_space<vmem>>
        %dma_start3A_119 = tpu.memref_squeeze %dma_start3A_118 : memref<1x96xi32, #tpu.memory_space<vmem>> -> memref<96xi32, #tpu.memory_space<vmem>>
        %dma_start3A_120 = arith.constant 0 : i32
        %dma_start3A_121 = arith.constant 0 : i32
        %dma_start3A_122 = tpu.memref_slice %arg12[%dma_start3A_120, %dma_start3A_121] : memref<10112x128xf32, #tpu.memory_space<vmem_shared>> -> memref<10112x128xf32, #tpu.memory_space<vmem_shared>>
        tpu.enqueue_indirect_dma source(%arg9 : memref<96x128xf32, #tpu.memory_space<vmem>>) target(%dma_start3A_122 : memref<10112x128xf32, #tpu.memory_space<vmem_shared>>) offsets(%dma_start3A_119 : memref<96xi32, #tpu.memory_space<vmem>>) semaphore(%run_scoped3A_116 : memref<!tpu.dma_semaphore, #tpu.memory_space<semaphore_mem>>) {add = true}
        %dma_wait3A_123 = arith.constant 0 : i32
        %dma_wait3A_124 = tpu.memref_slice %arg7[%add3A_115, %dma_wait3A_123] : memref<106x96xi32, #tpu.memory_space<vmem>> -> memref<1x96xi32, #tpu.memory_space<vmem>>
        %dma_wait3A_125 = tpu.memref_squeeze %dma_wait3A_124 : memref<1x96xi32, #tpu.memory_space<vmem>> -> memref<96xi32, #tpu.memory_space<vmem>>
        %dma_wait3A_126 = arith.constant 0 : i32
        %dma_wait3A_127 = arith.constant 0 : i32
        %dma_wait3A_128 = tpu.memref_slice %arg12[%dma_wait3A_126, %dma_wait3A_127] : memref<10112x128xf32, #tpu.memory_space<vmem_shared>> -> memref<10112x128xf32, #tpu.memory_space<vmem_shared>>
        tpu.wait_indirect_dma semaphore(%run_scoped3A_116 : memref<!tpu.dma_semaphore, #tpu.memory_space<semaphore_mem>>) src(%arg9 : memref<96x128xf32, #tpu.memory_space<vmem>>) dst(%dma_wait3A_128 : memref<10112x128xf32, #tpu.memory_space<vmem_shared>>)
        tpu.yield
      }) : () -> ()
    }
    %while3A_43 = arith.constant 1 : i32
    scf.for %while3A_81 = %while3A_41 to %while3A_37 step %while3A_43  : i32 {
      %mul3A_82 = arith.constant 2 : i32
      %mul3A_83 = arith.muli %mul3A_82, %while3A_81 : i32
      %mul3A_84 = arith.constant 96 : i32
      %mul3A_85 = arith.muli %mul3A_83, %mul3A_84 : i32
      %dma_wait3A_86 = tpu.memref_slice %arg6[%mul3A_85] : memref<10176xi32, #tpu.memory_space<vmem>> -> memref<96xi32, #tpu.memory_space<vmem>>
      %dma_wait3A_87 = arith.constant 0 : i32
      %dma_wait3A_88 = arith.constant 0 : i32
      %dma_wait3A_89 = tpu.memref_slice %arg2[%dma_wait3A_87, %dma_wait3A_88] : memref<10000x128xf32, #tpu.memory_space<hbm>> -> memref<10000x128xf32, #tpu.memory_space<hbm>>
      tpu.wait_indirect_dma semaphore(%arg10 : memref<!tpu.dma_semaphore, #tpu.memory_space<semaphore_mem>>) src(%dma_wait3A_89 : memref<10000x128xf32, #tpu.memory_space<hbm>>) dst(%arg8 : memref<96x128xf32, #tpu.memory_space<vmem>>)
      %add3A_90 = arith.constant 1 : i32
      %add3A_91 = arith.addi %mul3A_83, %add3A_90 : i32
      %mul3A_92 = arith.constant 96 : i32
      %mul3A_93 = arith.muli %add3A_91, %mul3A_92 : i32
      %dma_start3A_94 = tpu.memref_slice %arg6[%mul3A_93] : memref<10176xi32, #tpu.memory_space<vmem>> -> memref<96xi32, #tpu.memory_space<vmem>>
      %dma_start3A_95 = arith.constant 0 : i32
      %dma_start3A_96 = arith.constant 0 : i32
      %dma_start3A_97 = tpu.memref_slice %arg2[%dma_start3A_95, %dma_start3A_96] : memref<10000x128xf32, #tpu.memory_space<hbm>> -> memref<10000x128xf32, #tpu.memory_space<hbm>>
      tpu.enqueue_indirect_dma source(%dma_start3A_97 : memref<10000x128xf32, #tpu.memory_space<hbm>>) target(%arg9 : memref<96x128xf32, #tpu.memory_space<vmem>>) offsets(%dma_start3A_94 : memref<96xi32, #tpu.memory_space<vmem>>) semaphore(%arg11 : memref<!tpu.dma_semaphore, #tpu.memory_space<semaphore_mem>>)
      "tpu.region"() ({
        %run_scoped3A_116 = tpu.sem_alloc : memref<!tpu.dma_semaphore, #tpu.memory_space<semaphore_mem>>
        %dma_start3A_117 = arith.constant 0 : i32
        %dma_start3A_118 = tpu.memref_slice %arg7[%mul3A_83, %dma_start3A_117] : memref<106x96xi32, #tpu.memory_space<vmem>> -> memref<1x96xi32, #tpu.memory_space<vmem>>
        %dma_start3A_119 = tpu.memref_squeeze %dma_start3A_118 : memref<1x96xi32, #tpu.memory_space<vmem>> -> memref<96xi32, #tpu.memory_space<vmem>>
        %dma_start3A_120 = arith.constant 0 : i32
        %dma_start3A_121 = arith.constant 0 : i32
        %dma_start3A_122 = tpu.memref_slice %arg12[%dma_start3A_120, %dma_start3A_121] : memref<10112x128xf32, #tpu.memory_space<vmem_shared>> -> memref<10112x128xf32, #tpu.memory_space<vmem_shared>>
        tpu.enqueue_indirect_dma source(%arg8 : memref<96x128xf32, #tpu.memory_space<vmem>>) target(%dma_start3A_122 : memref<10112x128xf32, #tpu.memory_space<vmem_shared>>) offsets(%dma_start3A_119 : memref<96xi32, #tpu.memory_space<vmem>>) semaphore(%run_scoped3A_116 : memref<!tpu.dma_semaphore, #tpu.memory_space<semaphore_mem>>) {add = true}
        %dma_wait3A_123 = arith.constant 0 : i32
        %dma_wait3A_124 = tpu.memref_slice %arg7[%mul3A_83, %dma_wait3A_123] : memref<106x96xi32, #tpu.memory_space<vmem>> -> memref<1x96xi32, #tpu.memory_space<vmem>>
        %dma_wait3A_125 = tpu.memref_squeeze %dma_wait3A_124 : memref<1x96xi32, #tpu.memory_space<vmem>> -> memref<96xi32, #tpu.memory_space<vmem>>
        %dma_wait3A_126 = arith.constant 0 : i32
        %dma_wait3A_127 = arith.constant 0 : i32
        %dma_wait3A_128 = tpu.memref_slice %arg12[%dma_wait3A_126, %dma_wait3A_127] : memref<10112x128xf32, #tpu.memory_space<vmem_shared>> -> memref<10112x128xf32, #tpu.memory_space<vmem_shared>>
        tpu.wait_indirect_dma semaphore(%run_scoped3A_116 : memref<!tpu.dma_semaphore, #tpu.memory_space<semaphore_mem>>) src(%arg8 : memref<96x128xf32, #tpu.memory_space<vmem>>) dst(%dma_wait3A_128 : memref<10112x128xf32, #tpu.memory_space<vmem_shared>>)
        tpu.yield
      }) : () -> ()
      %add3A_98 = arith.constant 1 : i32
      %add3A_99 = arith.addi %mul3A_83, %add3A_98 : i32
      %mul3A_100 = arith.constant 96 : i32
      %mul3A_101 = arith.muli %add3A_99, %mul3A_100 : i32
      %dma_wait3A_102 = tpu.memref_slice %arg6[%mul3A_101] : memref<10176xi32, #tpu.memory_space<vmem>> -> memref<96xi32, #tpu.memory_space<vmem>>
      %dma_wait3A_103 = arith.constant 0 : i32
      %dma_wait3A_104 = arith.constant 0 : i32
      %dma_wait3A_105 = tpu.memref_slice %arg2[%dma_wait3A_103, %dma_wait3A_104] : memref<10000x128xf32, #tpu.memory_space<hbm>> -> memref<10000x128xf32, #tpu.memory_space<hbm>>
      tpu.wait_indirect_dma semaphore(%arg11 : memref<!tpu.dma_semaphore, #tpu.memory_space<semaphore_mem>>) src(%dma_wait3A_105 : memref<10000x128xf32, #tpu.memory_space<hbm>>) dst(%arg9 : memref<96x128xf32, #tpu.memory_space<vmem>>)
      %add3A_106 = arith.constant 2 : i32
      %add3A_107 = arith.addi %mul3A_83, %add3A_106 : i32
      %mul3A_108 = arith.constant 96 : i32
      %mul3A_109 = arith.muli %add3A_107, %mul3A_108 : i32
      %dma_start3A_110 = tpu.memref_slice %arg6[%mul3A_109] : memref<10176xi32, #tpu.memory_space<vmem>> -> memref<96xi32, #tpu.memory_space<vmem>>
      %dma_start3A_111 = arith.constant 0 : i32
      %dma_start3A_112 = arith.constant 0 : i32
      %dma_start3A_113 = tpu.memref_slice %arg2[%dma_start3A_111, %dma_start3A_112] : memref<10000x128xf32, #tpu.memory_space<hbm>> -> memref<10000x128xf32, #tpu.memory_space<hbm>>
      tpu.enqueue_indirect_dma source(%dma_start3A_113 : memref<10000x128xf32, #tpu.memory_space<hbm>>) target(%arg8 : memref<96x128xf32, #tpu.memory_space<vmem>>) offsets(%dma_start3A_110 : memref<96xi32, #tpu.memory_space<vmem>>) semaphore(%arg10 : memref<!tpu.dma_semaphore, #tpu.memory_space<semaphore_mem>>)
      %add3A_114 = arith.constant 1 : i32
      %add3A_115 = arith.addi %mul3A_83, %add3A_114 : i32
      "tpu.region"() ({
        %run_scoped3A_116 = tpu.sem_alloc : memref<!tpu.dma_semaphore, #tpu.memory_space<semaphore_mem>>
        %dma_start3A_117 = arith.constant 0 : i32
        %dma_start3A_118 = tpu.memref_slice %arg7[%add3A_115, %dma_start3A_117] : memref<106x96xi32, #tpu.memory_space<vmem>> -> memref<1x96xi32, #tpu.memory_space<vmem>>
        %dma_start3A_119 = tpu.memref_squeeze %dma_start3A_118 : memref<1x96xi32, #tpu.memory_space<vmem>> -> memref<96xi32, #tpu.memory_space<vmem>>
        %dma_start3A_120 = arith.constant 0 : i32
        %dma_start3A_121 = arith.constant 0 : i32
        %dma_start3A_122 = tpu.memref_slice %arg12[%dma_start3A_120, %dma_start3A_121] : memref<10112x128xf32, #tpu.memory_space<vmem_shared>> -> memref<10112x128xf32, #tpu.memory_space<vmem_shared>>
        tpu.enqueue_indirect_dma source(%arg9 : memref<96x128xf32, #tpu.memory_space<vmem>>) target(%dma_start3A_122 : memref<10112x128xf32, #tpu.memory_space<vmem_shared>>) offsets(%dma_start3A_119 : memref<96xi32, #tpu.memory_space<vmem>>) semaphore(%run_scoped3A_116 : memref<!tpu.dma_semaphore, #tpu.memory_space<semaphore_mem>>) {add = true}
        %dma_wait3A_123 = arith.constant 0 : i32
        %dma_wait3A_124 = tpu.memref_slice %arg7[%add3A_115, %dma_wait3A_123] : memref<106x96xi32, #tpu.memory_space<vmem>> -> memref<1x96xi32, #tpu.memory_space<vmem>>
        %dma_wait3A_125 = tpu.memref_squeeze %dma_wait3A_124 : memref<1x96xi32, #tpu.memory_space<vmem>> -> memref<96xi32, #tpu.memory_space<vmem>>
        %dma_wait3A_126 = arith.constant 0 : i32
        %dma_wait3A_127 = arith.constant 0 : i32
        %dma_wait3A_128 = tpu.memref_slice %arg12[%dma_wait3A_126, %dma_wait3A_127] : memref<10112x128xf32, #tpu.memory_space<vmem_shared>> -> memref<10112x128xf32, #tpu.memory_space<vmem_shared>>
        tpu.wait_indirect_dma semaphore(%run_scoped3A_116 : memref<!tpu.dma_semaphore, #tpu.memory_space<semaphore_mem>>) src(%arg9 : memref<96x128xf32, #tpu.memory_space<vmem>>) dst(%dma_wait3A_128 : memref<10112x128xf32, #tpu.memory_space<vmem_shared>>)
        tpu.yield
      }) : () -> ()
    }
    %mul3A_44 = arith.constant 104 : i32
    %mul3A_45 = arith.constant 96 : i32
    %mul3A_46 = arith.muli %mul3A_44, %mul3A_45 : i32
    %dma_wait3A = tpu.memref_slice %arg6[%mul3A_46] : memref<10176xi32, #tpu.memory_space<vmem>> -> memref<96xi32, #tpu.memory_space<vmem>>
    %dma_wait3A_47 = arith.constant 0 : i32
    %dma_wait3A_48 = arith.constant 0 : i32
    %dma_wait3A_49 = tpu.memref_slice %arg2[%dma_wait3A_47, %dma_wait3A_48] : memref<10000x128xf32, #tpu.memory_space<hbm>> -> memref<10000x128xf32, #tpu.memory_space<hbm>>
    tpu.wait_indirect_dma semaphore(%arg10 : memref<!tpu.dma_semaphore, #tpu.memory_space<semaphore_mem>>) src(%dma_wait3A_49 : memref<10000x128xf32, #tpu.memory_space<hbm>>) dst(%arg8 : memref<96x128xf32, #tpu.memory_space<vmem>>)
    %add3A_50 = arith.constant 104 : i32
    %add3A_51 = arith.constant 1 : i32
    %add3A_52 = arith.addi %add3A_50, %add3A_51 : i32
    %mul3A_53 = arith.constant 96 : i32
    %mul3A_54 = arith.muli %add3A_52, %mul3A_53 : i32
    %dma_start3A_55 = tpu.memref_slice %arg6[%mul3A_54] : memref<10176xi32, #tpu.memory_space<vmem>> -> memref<96xi32, #tpu.memory_space<vmem>>
    %dma_start3A_56 = arith.constant 0 : i32
    %dma_start3A_57 = arith.constant 0 : i32
    %dma_start3A_58 = tpu.memref_slice %arg2[%dma_start3A_56, %dma_start3A_57] : memref<10000x128xf32, #tpu.memory_space<hbm>> -> memref<10000x128xf32, #tpu.memory_space<hbm>>
    tpu.enqueue_indirect_dma source(%dma_start3A_58 : memref<10000x128xf32, #tpu.memory_space<hbm>>) target(%arg9 : memref<96x128xf32, #tpu.memory_space<vmem>>) offsets(%dma_start3A_55 : memref<96xi32, #tpu.memory_space<vmem>>) semaphore(%arg11 : memref<!tpu.dma_semaphore, #tpu.memory_space<semaphore_mem>>)
    %run_scoped3A = arith.constant 104 : i32
    "tpu.region"() ({
      %run_scoped3A_81 = tpu.sem_alloc : memref<!tpu.dma_semaphore, #tpu.memory_space<semaphore_mem>>
      %dma_start3A_82 = arith.constant 0 : i32
      %dma_start3A_83 = tpu.memref_slice %arg7[%run_scoped3A, %dma_start3A_82] : memref<106x96xi32, #tpu.memory_space<vmem>> -> memref<1x96xi32, #tpu.memory_space<vmem>>
      %dma_start3A_84 = tpu.memref_squeeze %dma_start3A_83 : memref<1x96xi32, #tpu.memory_space<vmem>> -> memref<96xi32, #tpu.memory_space<vmem>>
      %dma_start3A_85 = arith.constant 0 : i32
      %dma_start3A_86 = arith.constant 0 : i32
      %dma_start3A_87 = tpu.memref_slice %arg12[%dma_start3A_85, %dma_start3A_86] : memref<10112x128xf32, #tpu.memory_space<vmem_shared>> -> memref<10112x128xf32, #tpu.memory_space<vmem_shared>>
      tpu.enqueue_indirect_dma source(%arg8 : memref<96x128xf32, #tpu.memory_space<vmem>>) target(%dma_start3A_87 : memref<10112x128xf32, #tpu.memory_space<vmem_shared>>) offsets(%dma_start3A_84 : memref<96xi32, #tpu.memory_space<vmem>>) semaphore(%run_scoped3A_81 : memref<!tpu.dma_semaphore, #tpu.memory_space<semaphore_mem>>) {add = true}
      %dma_wait3A_88 = arith.constant 0 : i32
      %dma_wait3A_89 = tpu.memref_slice %arg7[%run_scoped3A, %dma_wait3A_88] : memref<106x96xi32, #tpu.memory_space<vmem>> -> memref<1x96xi32, #tpu.memory_space<vmem>>
      %dma_wait3A_90 = tpu.memref_squeeze %dma_wait3A_89 : memref<1x96xi32, #tpu.memory_space<vmem>> -> memref<96xi32, #tpu.memory_space<vmem>>
      %dma_wait3A_91 = arith.constant 0 : i32
      %dma_wait3A_92 = arith.constant 0 : i32
      %dma_wait3A_93 = tpu.memref_slice %arg12[%dma_wait3A_91, %dma_wait3A_92] : memref<10112x128xf32, #tpu.memory_space<vmem_shared>> -> memref<10112x128xf32, #tpu.memory_space<vmem_shared>>
      tpu.wait_indirect_dma semaphore(%run_scoped3A_81 : memref<!tpu.dma_semaphore, #tpu.memory_space<semaphore_mem>>) src(%arg8 : memref<96x128xf32, #tpu.memory_space<vmem>>) dst(%dma_wait3A_93 : memref<10112x128xf32, #tpu.memory_space<vmem_shared>>)
      tpu.yield
    }) : () -> ()
    %add3A_59 = arith.constant 104 : i32
    %add3A_60 = arith.constant 1 : i32
    %add3A_61 = arith.addi %add3A_59, %add3A_60 : i32
    %mul3A_62 = arith.constant 96 : i32
    %mul3A_63 = arith.muli %add3A_61, %mul3A_62 : i32
    %dma_wait3A_64 = tpu.memref_slice %arg6[%mul3A_63] : memref<10176xi32, #tpu.memory_space<vmem>> -> memref<96xi32, #tpu.memory_space<vmem>>
    %dma_wait3A_65 = arith.constant 0 : i32
    %dma_wait3A_66 = arith.constant 0 : i32
    %dma_wait3A_67 = tpu.memref_slice %arg2[%dma_wait3A_65, %dma_wait3A_66] : memref<10000x128xf32, #tpu.memory_space<hbm>> -> memref<10000x128xf32, #tpu.memory_space<hbm>>
    tpu.wait_indirect_dma semaphore(%arg11 : memref<!tpu.dma_semaphore, #tpu.memory_space<semaphore_mem>>) src(%dma_wait3A_67 : memref<10000x128xf32, #tpu.memory_space<hbm>>) dst(%arg9 : memref<96x128xf32, #tpu.memory_space<vmem>>)
    %add3A_68 = arith.constant 104 : i32
    %add3A_69 = arith.constant 1 : i32
    %add3A_70 = arith.addi %add3A_68, %add3A_69 : i32
    "tpu.region"() ({
      %run_scoped3A_81 = tpu.sem_alloc : memref<!tpu.dma_semaphore, #tpu.memory_space<semaphore_mem>>
      %dma_start3A_82 = arith.constant 0 : i32
      %dma_start3A_83 = tpu.memref_slice %arg7[%add3A_70, %dma_start3A_82] : memref<106x96xi32, #tpu.memory_space<vmem>> -> memref<1x96xi32, #tpu.memory_space<vmem>>
      %dma_start3A_84 = tpu.memref_squeeze %dma_start3A_83 : memref<1x96xi32, #tpu.memory_space<vmem>> -> memref<96xi32, #tpu.memory_space<vmem>>
      %dma_start3A_85 = arith.constant 0 : i32
      %dma_start3A_86 = arith.constant 0 : i32
      %dma_start3A_87 = tpu.memref_slice %arg12[%dma_start3A_85, %dma_start3A_86] : memref<10112x128xf32, #tpu.memory_space<vmem_shared>> -> memref<10112x128xf32, #tpu.memory_space<vmem_shared>>
      tpu.enqueue_indirect_dma source(%arg9 : memref<96x128xf32, #tpu.memory_space<vmem>>) target(%dma_start3A_87 : memref<10112x128xf32, #tpu.memory_space<vmem_shared>>) offsets(%dma_start3A_84 : memref<96xi32, #tpu.memory_space<vmem>>) semaphore(%run_scoped3A_81 : memref<!tpu.dma_semaphore, #tpu.memory_space<semaphore_mem>>) {add = true}
      %dma_wait3A_88 = arith.constant 0 : i32
      %dma_wait3A_89 = tpu.memref_slice %arg7[%add3A_70, %dma_wait3A_88] : memref<106x96xi32, #tpu.memory_space<vmem>> -> memref<1x96xi32, #tpu.memory_space<vmem>>
      %dma_wait3A_90 = tpu.memref_squeeze %dma_wait3A_89 : memref<1x96xi32, #tpu.memory_space<vmem>> -> memref<96xi32, #tpu.memory_space<vmem>>
      %dma_wait3A_91 = arith.constant 0 : i32
      %dma_wait3A_92 = arith.constant 0 : i32
      %dma_wait3A_93 = tpu.memref_slice %arg12[%dma_wait3A_91, %dma_wait3A_92] : memref<10112x128xf32, #tpu.memory_space<vmem_shared>> -> memref<10112x128xf32, #tpu.memory_space<vmem_shared>>
      tpu.wait_indirect_dma semaphore(%run_scoped3A_81 : memref<!tpu.dma_semaphore, #tpu.memory_space<semaphore_mem>>) src(%arg9 : memref<96x128xf32, #tpu.memory_space<vmem>>) dst(%dma_wait3A_93 : memref<10112x128xf32, #tpu.memory_space<vmem_shared>>)
      tpu.yield
    }) : () -> ()
    %barrier3A_71 = arith.constant 0 : index
    tpu.barrier barrier_id(%barrier3A_71)
    %barrier3A_72 = arith.constant 0 : index
    tpu.barrier barrier_id(%barrier3A_72)
    %mul3A_73 = arith.constant 624 : i32
    %mul3A_74 = arith.muli %arg1, %mul3A_73 : i32
    %lt3A = arith.constant 15 : i32
    %lt3A_75 = arith.cmpi slt, %arg1, %lt3A : i32
    %convert_element_type3A = arith.extui %lt3A_75 : i1 to i32
    %cond3A = arith.constant 0 : i32
    %cond3A_76 = arith.cmpi ne, %convert_element_type3A, %cond3A : i32
    scf.if %cond3A_76 {
      "tpu.region"() ({
        %run_scoped3A_81 = tpu.sem_alloc : memref<!tpu.dma_semaphore, #tpu.memory_space<semaphore_mem>>
        %dma_start3A_82 = arith.constant 0 : i32
        %dma_start3A_83 = tpu.memref_slice %arg5[%arg0, %mul3A_74, %dma_start3A_82] : memref<2x10000x128xf32, #tpu.memory_space<hbm>> -> memref<1x624x128xf32, #tpu.memory_space<hbm>>
        %dma_start3A_84 = tpu.memref_squeeze %dma_start3A_83 : memref<1x624x128xf32, #tpu.memory_space<hbm>> -> memref<624x128xf32, #tpu.memory_space<hbm>>
        %dma_start3A_85 = arith.constant 0 : i32
        %dma_start3A_86 = tpu.memref_slice %arg12[%mul3A_74, %dma_start3A_85] : memref<10112x128xf32, #tpu.memory_space<vmem_shared>> -> memref<624x128xf32, #tpu.memory_space<vmem_shared>>
        tpu.enqueue_dma source(%dma_start3A_86 : memref<624x128xf32, #tpu.memory_space<vmem_shared>>) target(%dma_start3A_84 : memref<624x128xf32, #tpu.memory_space<hbm>>) target_semaphore(%run_scoped3A_81 : memref<!tpu.dma_semaphore, #tpu.memory_space<semaphore_mem>>)
        %dma_wait3A_87 = arith.constant 0 : i32
        %dma_wait3A_88 = tpu.memref_slice %arg5[%arg0, %mul3A_74, %dma_wait3A_87] : memref<2x10000x128xf32, #tpu.memory_space<hbm>> -> memref<1x624x128xf32, #tpu.memory_space<hbm>>
        %dma_wait3A_89 = tpu.memref_squeeze %dma_wait3A_88 : memref<1x624x128xf32, #tpu.memory_space<hbm>> -> memref<624x128xf32, #tpu.memory_space<hbm>>
        %dma_wait3A_90 = arith.constant 0 : i32
        %dma_wait3A_91 = tpu.memref_slice %arg12[%mul3A_74, %dma_wait3A_90] : memref<10112x128xf32, #tpu.memory_space<vmem_shared>> -> memref<624x128xf32, #tpu.memory_space<vmem_shared>>
        tpu.wait_dma2 semaphore(%run_scoped3A_81 : memref<!tpu.dma_semaphore, #tpu.memory_space<semaphore_mem>>) src(%dma_wait3A_91 : memref<624x128xf32, #tpu.memory_space<vmem_shared>>) dst(%dma_wait3A_89 : memref<624x128xf32, #tpu.memory_space<hbm>>)
        tpu.yield
      }) : () -> ()
    } else {
    }
    %eq3A = arith.constant 15 : i32
    %eq3A_77 = arith.cmpi eq, %arg1, %eq3A : i32
    %convert_element_type3A_78 = arith.extui %eq3A_77 : i1 to i32
    %cond3A_79 = arith.constant 0 : i32
    %cond3A_80 = arith.cmpi ne, %convert_element_type3A_78, %cond3A_79 : i32
    scf.if %cond3A_80 {
      "tpu.region"() ({
        %run_scoped3A_81 = tpu.sem_alloc : memref<!tpu.dma_semaphore, #tpu.memory_space<semaphore_mem>>
        %dma_start3A_82 = arith.constant 9360 : i32
        %dma_start3A_83 = arith.constant 0 : i32
        %dma_start3A_84 = tpu.memref_slice %arg5[%arg0, %dma_start3A_82, %dma_start3A_83] : memref<2x10000x128xf32, #tpu.memory_space<hbm>> -> memref<1x640x128xf32, #tpu.memory_space<hbm>>
        %dma_start3A_85 = tpu.memref_squeeze %dma_start3A_84 : memref<1x640x128xf32, #tpu.memory_space<hbm>> -> memref<640x128xf32, #tpu.memory_space<hbm>>
        %dma_start3A_86 = arith.constant 9360 : i32
        %dma_start3A_87 = arith.constant 0 : i32
        %dma_start3A_88 = tpu.memref_slice %arg12[%dma_start3A_86, %dma_start3A_87] : memref<10112x128xf32, #tpu.memory_space<vmem_shared>> -> memref<640x128xf32, #tpu.memory_space<vmem_shared>>
        tpu.enqueue_dma source(%dma_start3A_88 : memref<640x128xf32, #tpu.memory_space<vmem_shared>>) target(%dma_start3A_85 : memref<640x128xf32, #tpu.memory_space<hbm>>) target_semaphore(%run_scoped3A_81 : memref<!tpu.dma_semaphore, #tpu.memory_space<semaphore_mem>>)
        %dma_wait3A_89 = arith.constant 9360 : i32
        %dma_wait3A_90 = arith.constant 0 : i32
        %dma_wait3A_91 = tpu.memref_slice %arg5[%arg0, %dma_wait3A_89, %dma_wait3A_90] : memref<2x10000x128xf32, #tpu.memory_space<hbm>> -> memref<1x640x128xf32, #tpu.memory_space<hbm>>
        %dma_wait3A_92 = tpu.memref_squeeze %dma_wait3A_91 : memref<1x640x128xf32, #tpu.memory_space<hbm>> -> memref<640x128xf32, #tpu.memory_space<hbm>>
        %dma_wait3A_93 = arith.constant 9360 : i32
        %dma_wait3A_94 = arith.constant 0 : i32
        %dma_wait3A_95 = tpu.memref_slice %arg12[%dma_wait3A_93, %dma_wait3A_94] : memref<10112x128xf32, #tpu.memory_space<vmem_shared>> -> memref<640x128xf32, #tpu.memory_space<vmem_shared>>
        tpu.wait_dma2 semaphore(%run_scoped3A_81 : memref<!tpu.dma_semaphore, #tpu.memory_space<semaphore_mem>>) src(%dma_wait3A_95 : memref<640x128xf32, #tpu.memory_space<vmem_shared>>) dst(%dma_wait3A_92 : memref<640x128xf32, #tpu.memory_space<hbm>>)
        tpu.yield
      }) : () -> ()
    } else {
    }
    return
  }
}

#map = affine_map<(d0, d1) -> (0, 0)>
#map1 = affine_map<(d0, d1) -> (0, 0, 0)>
module attributes {stable_mosaic.version = 14 : i64} {
  func.func @_round_body(%arg0: i32, %arg1: i32, %arg2: memref<10000x128xf32, #tpu.memory_space<hbm>>, %arg3: memref<32x10176xi32, #tpu.memory_space<hbm>>, %arg4: memref<32x106x96xi32, #tpu.memory_space<hbm>>, %arg5: memref<2x10000x128xf32, #tpu.memory_space<hbm>>, %arg6: memref<10176xi32, #tpu.memory_space<vmem>>, %arg7: memref<106x96xi32, #tpu.memory_space<vmem>>, %arg8: memref<96x128xf32, #tpu.memory_space<vmem>>, %arg9: memref<96x128xf32, #tpu.memory_space<vmem>>, %arg10: memref<!tpu.dma_semaphore, #tpu.memory_space<semaphore_mem>>, %arg11: memref<!tpu.dma_semaphore, #tpu.memory_space<semaphore_mem>>, %arg12: memref<10112x128xf32, #tpu.memory_space<vmem_shared>>) attributes {dimension_semantics = [#tpu.dimension_semantics<core_parallel>, #tpu.dimension_semantics<subcore_parallel>], iteration_bounds = array<i64: 2, 16>, scalar_prefetch = 0 : i64, scratch_operands = 7 : i64, tpu.core_type = #tpu.core_type<sc_vector_subcore>, window_params = [{transform_indices = #map}, {transform_indices = #map}, {transform_indices = #map1}, {transform_indices = #map1}]} {
    %mul3A = arith.constant 2 : i32
    %mul3A_0 = arith.muli %arg1, %mul3A : i32
    %add3A = arith.addi %mul3A_0, %arg0 : i32
    "tpu.region"() ({
      %run_scoped3A_81 = tpu.sem_alloc : memref<!tpu.dma_semaphore, #tpu.memory_space<semaphore_mem>>
      %dma_start3A_82 = arith.constant 0 : i32
      %dma_start3A_83 = tpu.memref_slice %arg3[%add3A, %dma_start3A_82] : memref<32x10176xi32, #tpu.memory_space<hbm>> -> memref<1x10176xi32, #tpu.memory_space<hbm>>
      %dma_start3A_84 = tpu.memref_squeeze %dma_start3A_83 : memref<1x10176xi32, #tpu.memory_space<hbm>> -> memref<10176xi32, #tpu.memory_space<hbm>>
      %dma_start3A_85 = arith.constant 0 : i32
      %dma_start3A_86 = tpu.memref_slice %arg3[%add3A, %dma_start3A_85] : memref<32x10176xi32, #tpu.memory_space<hbm>> -> memref<1x10176xi32, #tpu.memory_space<hbm>>
      %dma_start3A_87 = tpu.memref_squeeze %dma_start3A_86 : memref<1x10176xi32, #tpu.memory_space<hbm>> -> memref<10176xi32, #tpu.memory_space<hbm>>
      tpu.enqueue_dma source(%dma_start3A_87 : memref<10176xi32, #tpu.memory_space<hbm>>) target(%arg6 : memref<10176xi32, #tpu.memory_space<vmem>>) target_semaphore(%run_scoped3A_81 : memref<!tpu.dma_semaphore, #tpu.memory_space<semaphore_mem>>)
      %dma_wait3A_88 = arith.constant 0 : i32
      %dma_wait3A_89 = tpu.memref_slice %arg3[%add3A, %dma_wait3A_88] : memref<32x10176xi32, #tpu.memory_space<hbm>> -> memref<1x10176xi32, #tpu.memory_space<hbm>>
      %dma_wait3A_90 = tpu.memref_squeeze %dma_wait3A_89 : memref<1x10176xi32, #tpu.memory_space<hbm>> -> memref<10176xi32, #tpu.memory_space<hbm>>
      %dma_wait3A_91 = arith.constant 0 : i32
      %dma_wait3A_92 = tpu.memref_slice %arg3[%add3A, %dma_wait3A_91] : memref<32x10176xi32, #tpu.memory_space<hbm>> -> memref<1x10176xi32, #tpu.memory_space<hbm>>
      %dma_wait3A_93 = tpu.memref_squeeze %dma_wait3A_92 : memref<1x10176xi32, #tpu.memory_space<hbm>> -> memref<10176xi32, #tpu.memory_space<hbm>>
      tpu.wait_dma2 semaphore(%run_scoped3A_81 : memref<!tpu.dma_semaphore, #tpu.memory_space<semaphore_mem>>) src(%dma_wait3A_93 : memref<10176xi32, #tpu.memory_space<hbm>>) dst(%arg6 : memref<10176xi32, #tpu.memory_space<vmem>>)
      tpu.yield
    }) : () -> ()
    %while3A = arith.constant 0 : i64
    %while3A_1 = arith.constant 0 : i32
    %while3A_2 = arith.constant 96 : i32
    %while3A_3 = arith.subi %while3A_2, %while3A_1 : i32
    %while3A_4 = arith.addi %while3A_1, %while3A_3 : i32
    %while3A_5 = arith.constant 1 : i32
    %while3A_6 = arith.divsi %while3A_3, %while3A_5 : i32
    %while3A_7 = arith.muli %while3A_6, %while3A_5 : i32
    %while3A_8 = arith.addi %while3A_1, %while3A_7 : i32
    %while3A_9 = arith.constant 1 : i32
    scf.for %while3A_81 = %while3A_1 to %while3A_8 step %while3A_9  : i32 {
      %while3A_82 = arith.constant 0 : i32
      %while3A_83 = arith.constant 8 : i32
      %while3A_84 = arith.subi %while3A_83, %while3A_82 : i32
      %while3A_85 = arith.addi %while3A_82, %while3A_84 : i32
      %while3A_86 = arith.constant 1 : i32
      %while3A_87 = arith.divsi %while3A_84, %while3A_86 : i32
      %while3A_88 = arith.muli %while3A_87, %while3A_86 : i32
      %while3A_89 = arith.addi %while3A_82, %while3A_88 : i32
      %while3A_90 = arith.constant 1 : i32
      scf.for %while3A_92 = %while3A_82 to %while3A_89 step %while3A_90  : i32 {
        %broadcast_in_dim3A = arith.constant 0.000000e+00 : f32
        %broadcast_in_dim3A_93 = vector.broadcast %broadcast_in_dim3A : f32 to vector<16xf32>
        %mul3A_94 = arith.constant 16 : i32
        %mul3A_95 = arith.muli %while3A_92, %mul3A_94 : i32
        %swap3A = arith.index_cast %while3A_81 : i32 to index
        %swap3A_96 = arith.index_cast %mul3A_95 : i32 to index
        %swap3A_97 = tpu.vector_load %arg8[%swap3A, %swap3A_96] {strides = array<i32>} : memref<96x128xf32, #tpu.memory_space<vmem>>, vector<1x16xf32>,
        %swap3A_98 = vector.shape_cast %swap3A_97 : vector<1x16xf32> to vector<16xf32>
        %swap3A_99 = vector.shape_cast %broadcast_in_dim3A_93 : vector<16xf32> to vector<1x16xf32>
        tpu.vector_store %arg8[%swap3A, %swap3A_96], %swap3A_99 {strides = array<i32>} : memref<96x128xf32, #tpu.memory_space<vmem>>, vector<1x16xf32>,
      }
      %while3A_91 = arith.constant 1 : i32
      scf.for %while3A_92 = %while3A_89 to %while3A_85 step %while3A_91  : i32 {
        %broadcast_in_dim3A = arith.constant 0.000000e+00 : f32
        %broadcast_in_dim3A_93 = vector.broadcast %broadcast_in_dim3A : f32 to vector<16xf32>
        %mul3A_94 = arith.constant 16 : i32
        %mul3A_95 = arith.muli %while3A_92, %mul3A_94 : i32
        %swap3A = arith.index_cast %while3A_81 : i32 to index
        %swap3A_96 = arith.index_cast %mul3A_95 : i32 to index
        %swap3A_97 = tpu.vector_load %arg8[%swap3A, %swap3A_96] {strides = array<i32>} : memref<96x128xf32, #tpu.memory_space<vmem>>, vector<1x16xf32>,
        %swap3A_98 = vector.shape_cast %swap3A_97 : vector<1x16xf32> to vector<16xf32>
        %swap3A_99 = vector.shape_cast %broadcast_in_dim3A_93 : vector<16xf32> to vector<1x16xf32>
        tpu.vector_store %arg8[%swap3A, %swap3A_96], %swap3A_99 {strides = array<i32>} : memref<96x128xf32, #tpu.memory_space<vmem>>, vector<1x16xf32>,
      }
    }
    %while3A_10 = arith.constant 1 : i32
    scf.for %while3A_81 = %while3A_8 to %while3A_4 step %while3A_10  : i32 {
      %while3A_82 = arith.constant 0 : i32
      %while3A_83 = arith.constant 8 : i32
      %while3A_84 = arith.subi %while3A_83, %while3A_82 : i32
      %while3A_85 = arith.addi %while3A_82, %while3A_84 : i32
      %while3A_86 = arith.constant 1 : i32
      %while3A_87 = arith.divsi %while3A_84, %while3A_86 : i32
      %while3A_88 = arith.muli %while3A_87, %while3A_86 : i32
      %while3A_89 = arith.addi %while3A_82, %while3A_88 : i32
      %while3A_90 = arith.constant 1 : i32
      scf.for %while3A_92 = %while3A_82 to %while3A_89 step %while3A_90  : i32 {
        %broadcast_in_dim3A = arith.constant 0.000000e+00 : f32
        %broadcast_in_dim3A_93 = vector.broadcast %broadcast_in_dim3A : f32 to vector<16xf32>
        %mul3A_94 = arith.constant 16 : i32
        %mul3A_95 = arith.muli %while3A_92, %mul3A_94 : i32
        %swap3A = arith.index_cast %while3A_81 : i32 to index
        %swap3A_96 = arith.index_cast %mul3A_95 : i32 to index
        %swap3A_97 = tpu.vector_load %arg8[%swap3A, %swap3A_96] {strides = array<i32>} : memref<96x128xf32, #tpu.memory_space<vmem>>, vector<1x16xf32>,
        %swap3A_98 = vector.shape_cast %swap3A_97 : vector<1x16xf32> to vector<16xf32>
        %swap3A_99 = vector.shape_cast %broadcast_in_dim3A_93 : vector<16xf32> to vector<1x16xf32>
        tpu.vector_store %arg8[%swap3A, %swap3A_96], %swap3A_99 {strides = array<i32>} : memref<96x128xf32, #tpu.memory_space<vmem>>, vector<1x16xf32>,
      }
      %while3A_91 = arith.constant 1 : i32
      scf.for %while3A_92 = %while3A_89 to %while3A_85 step %while3A_91  : i32 {
        %broadcast_in_dim3A = arith.constant 0.000000e+00 : f32
        %broadcast_in_dim3A_93 = vector.broadcast %broadcast_in_dim3A : f32 to vector<16xf32>
        %mul3A_94 = arith.constant 16 : i32
        %mul3A_95 = arith.muli %while3A_92, %mul3A_94 : i32
        %swap3A = arith.index_cast %while3A_81 : i32 to index
        %swap3A_96 = arith.index_cast %mul3A_95 : i32 to index
        %swap3A_97 = tpu.vector_load %arg8[%swap3A, %swap3A_96] {strides = array<i32>} : memref<96x128xf32, #tpu.memory_space<vmem>>, vector<1x16xf32>,
        %swap3A_98 = vector.shape_cast %swap3A_97 : vector<1x16xf32> to vector<16xf32>
        %swap3A_99 = vector.shape_cast %broadcast_in_dim3A_93 : vector<16xf32> to vector<1x16xf32>
        tpu.vector_store %arg8[%swap3A, %swap3A_96], %swap3A_99 {strides = array<i32>} : memref<96x128xf32, #tpu.memory_space<vmem>>, vector<1x16xf32>,
      }
    }
    %mul3A_11 = arith.constant 632 : i32
    %mul3A_12 = arith.muli %arg1, %mul3A_11 : i32
    %add3A_13 = arith.constant 0 : i32
    %add3A_14 = arith.addi %mul3A_12, %add3A_13 : i32
    "tpu.region"() ({
      %run_scoped3A_81 = tpu.sem_alloc : memref<!tpu.dma_semaphore, #tpu.memory_space<semaphore_mem>>
      %dma_start3A_82 = arith.constant 0 : i32
      %dma_start3A_83 = tpu.memref_slice %arg12[%add3A_14, %dma_start3A_82] : memref<10112x128xf32, #tpu.memory_space<vmem_shared>> -> memref<96x128xf32, #tpu.memory_space<vmem_shared>>
      %dma_start3A_84 = arith.constant 0 : i32
      %dma_start3A_85 = tpu.memref_slice %arg12[%add3A_14, %dma_start3A_84] : memref<10112x128xf32, #tpu.memory_space<vmem_shared>> -> memref<96x128xf32, #tpu.memory_space<vmem_shared>>
      tpu.enqueue_dma source(%arg8 : memref<96x128xf32, #tpu.memory_space<vmem>>) target(%dma_start3A_85 : memref<96x128xf32, #tpu.memory_space<vmem_shared>>) target_semaphore(%run_scoped3A_81 : memref<!tpu.dma_semaphore, #tpu.memory_space<semaphore_mem>>)
      %dma_wait3A_86 = arith.constant 0 : i32
      %dma_wait3A_87 = tpu.memref_slice %arg12[%add3A_14, %dma_wait3A_86] : memref<10112x128xf32, #tpu.memory_space<vmem_shared>> -> memref<96x128xf32, #tpu.memory_space<vmem_shared>>
      %dma_wait3A_88 = arith.constant 0 : i32
      %dma_wait3A_89 = tpu.memref_slice %arg12[%add3A_14, %dma_wait3A_88] : memref<10112x128xf32, #tpu.memory_space<vmem_shared>> -> memref<96x128xf32, #tpu.memory_space<vmem_shared>>
      tpu.wait_dma2 semaphore(%run_scoped3A_81 : memref<!tpu.dma_semaphore, #tpu.memory_space<semaphore_mem>>) src(%arg8 : memref<96x128xf32, #tpu.memory_space<vmem>>) dst(%dma_wait3A_89 : memref<96x128xf32, #tpu.memory_space<vmem_shared>>)
      tpu.yield
    }) : () -> ()
    %add3A_15 = arith.constant 96 : i32
    %add3A_16 = arith.addi %mul3A_12, %add3A_15 : i32
    "tpu.region"() ({
      %run_scoped3A_81 = tpu.sem_alloc : memref<!tpu.dma_semaphore, #tpu.memory_space<semaphore_mem>>
      %dma_start3A_82 = arith.constant 0 : i32
      %dma_start3A_83 = tpu.memref_slice %arg12[%add3A_16, %dma_start3A_82] : memref<10112x128xf32, #tpu.memory_space<vmem_shared>> -> memref<96x128xf32, #tpu.memory_space<vmem_shared>>
      %dma_start3A_84 = arith.constant 0 : i32
      %dma_start3A_85 = tpu.memref_slice %arg12[%add3A_16, %dma_start3A_84] : memref<10112x128xf32, #tpu.memory_space<vmem_shared>> -> memref<96x128xf32, #tpu.memory_space<vmem_shared>>
      tpu.enqueue_dma source(%arg8 : memref<96x128xf32, #tpu.memory_space<vmem>>) target(%dma_start3A_85 : memref<96x128xf32, #tpu.memory_space<vmem_shared>>) target_semaphore(%run_scoped3A_81 : memref<!tpu.dma_semaphore, #tpu.memory_space<semaphore_mem>>)
      %dma_wait3A_86 = arith.constant 0 : i32
      %dma_wait3A_87 = tpu.memref_slice %arg12[%add3A_16, %dma_wait3A_86] : memref<10112x128xf32, #tpu.memory_space<vmem_shared>> -> memref<96x128xf32, #tpu.memory_space<vmem_shared>>
      %dma_wait3A_88 = arith.constant 0 : i32
      %dma_wait3A_89 = tpu.memref_slice %arg12[%add3A_16, %dma_wait3A_88] : memref<10112x128xf32, #tpu.memory_space<vmem_shared>> -> memref<96x128xf32, #tpu.memory_space<vmem_shared>>
      tpu.wait_dma2 semaphore(%run_scoped3A_81 : memref<!tpu.dma_semaphore, #tpu.memory_space<semaphore_mem>>) src(%arg8 : memref<96x128xf32, #tpu.memory_space<vmem>>) dst(%dma_wait3A_89 : memref<96x128xf32, #tpu.memory_space<vmem_shared>>)
      tpu.yield
    }) : () -> ()
    %add3A_17 = arith.constant 192 : i32
    %add3A_18 = arith.addi %mul3A_12, %add3A_17 : i32
    "tpu.region"() ({
      %run_scoped3A_81 = tpu.sem_alloc : memref<!tpu.dma_semaphore, #tpu.memory_space<semaphore_mem>>
      %dma_start3A_82 = arith.constant 0 : i32
      %dma_start3A_83 = tpu.memref_slice %arg12[%add3A_18, %dma_start3A_82] : memref<10112x128xf32, #tpu.memory_space<vmem_shared>> -> memref<96x128xf32, #tpu.memory_space<vmem_shared>>
      %dma_start3A_84 = arith.constant 0 : i32
      %dma_start3A_85 = tpu.memref_slice %arg12[%add3A_18, %dma_start3A_84] : memref<10112x128xf32, #tpu.memory_space<vmem_shared>> -> memref<96x128xf32, #tpu.memory_space<vmem_shared>>
      tpu.enqueue_dma source(%arg8 : memref<96x128xf32, #tpu.memory_space<vmem>>) target(%dma_start3A_85 : memref<96x128xf32, #tpu.memory_space<vmem_shared>>) target_semaphore(%run_scoped3A_81 : memref<!tpu.dma_semaphore, #tpu.memory_space<semaphore_mem>>)
      %dma_wait3A_86 = arith.constant 0 : i32
      %dma_wait3A_87 = tpu.memref_slice %arg12[%add3A_18, %dma_wait3A_86] : memref<10112x128xf32, #tpu.memory_space<vmem_shared>> -> memref<96x128xf32, #tpu.memory_space<vmem_shared>>
      %dma_wait3A_88 = arith.constant 0 : i32
      %dma_wait3A_89 = tpu.memref_slice %arg12[%add3A_18, %dma_wait3A_88] : memref<10112x128xf32, #tpu.memory_space<vmem_shared>> -> memref<96x128xf32, #tpu.memory_space<vmem_shared>>
      tpu.wait_dma2 semaphore(%run_scoped3A_81 : memref<!tpu.dma_semaphore, #tpu.memory_space<semaphore_mem>>) src(%arg8 : memref<96x128xf32, #tpu.memory_space<vmem>>) dst(%dma_wait3A_89 : memref<96x128xf32, #tpu.memory_space<vmem_shared>>)
      tpu.yield
    }) : () -> ()
    %add3A_19 = arith.constant 288 : i32
    %add3A_20 = arith.addi %mul3A_12, %add3A_19 : i32
    "tpu.region"() ({
      %run_scoped3A_81 = tpu.sem_alloc : memref<!tpu.dma_semaphore, #tpu.memory_space<semaphore_mem>>
      %dma_start3A_82 = arith.constant 0 : i32
      %dma_start3A_83 = tpu.memref_slice %arg12[%add3A_20, %dma_start3A_82] : memref<10112x128xf32, #tpu.memory_space<vmem_shared>> -> memref<96x128xf32, #tpu.memory_space<vmem_shared>>
      %dma_start3A_84 = arith.constant 0 : i32
      %dma_start3A_85 = tpu.memref_slice %arg12[%add3A_20, %dma_start3A_84] : memref<10112x128xf32, #tpu.memory_space<vmem_shared>> -> memref<96x128xf32, #tpu.memory_space<vmem_shared>>
      tpu.enqueue_dma source(%arg8 : memref<96x128xf32, #tpu.memory_space<vmem>>) target(%dma_start3A_85 : memref<96x128xf32, #tpu.memory_space<vmem_shared>>) target_semaphore(%run_scoped3A_81 : memref<!tpu.dma_semaphore, #tpu.memory_space<semaphore_mem>>)
      %dma_wait3A_86 = arith.constant 0 : i32
      %dma_wait3A_87 = tpu.memref_slice %arg12[%add3A_20, %dma_wait3A_86] : memref<10112x128xf32, #tpu.memory_space<vmem_shared>> -> memref<96x128xf32, #tpu.memory_space<vmem_shared>>
      %dma_wait3A_88 = arith.constant 0 : i32
      %dma_wait3A_89 = tpu.memref_slice %arg12[%add3A_20, %dma_wait3A_88] : memref<10112x128xf32, #tpu.memory_space<vmem_shared>> -> memref<96x128xf32, #tpu.memory_space<vmem_shared>>
      tpu.wait_dma2 semaphore(%run_scoped3A_81 : memref<!tpu.dma_semaphore, #tpu.memory_space<semaphore_mem>>) src(%arg8 : memref<96x128xf32, #tpu.memory_space<vmem>>) dst(%dma_wait3A_89 : memref<96x128xf32, #tpu.memory_space<vmem_shared>>)
      tpu.yield
    }) : () -> ()
    %add3A_21 = arith.constant 384 : i32
    %add3A_22 = arith.addi %mul3A_12, %add3A_21 : i32
    "tpu.region"() ({
      %run_scoped3A_81 = tpu.sem_alloc : memref<!tpu.dma_semaphore, #tpu.memory_space<semaphore_mem>>
      %dma_start3A_82 = arith.constant 0 : i32
      %dma_start3A_83 = tpu.memref_slice %arg12[%add3A_22, %dma_start3A_82] : memref<10112x128xf32, #tpu.memory_space<vmem_shared>> -> memref<96x128xf32, #tpu.memory_space<vmem_shared>>
      %dma_start3A_84 = arith.constant 0 : i32
      %dma_start3A_85 = tpu.memref_slice %arg12[%add3A_22, %dma_start3A_84] : memref<10112x128xf32, #tpu.memory_space<vmem_shared>> -> memref<96x128xf32, #tpu.memory_space<vmem_shared>>
      tpu.enqueue_dma source(%arg8 : memref<96x128xf32, #tpu.memory_space<vmem>>) target(%dma_start3A_85 : memref<96x128xf32, #tpu.memory_space<vmem_shared>>) target_semaphore(%run_scoped3A_81 : memref<!tpu.dma_semaphore, #tpu.memory_space<semaphore_mem>>)
      %dma_wait3A_86 = arith.constant 0 : i32
      %dma_wait3A_87 = tpu.memref_slice %arg12[%add3A_22, %dma_wait3A_86] : memref<10112x128xf32, #tpu.memory_space<vmem_shared>> -> memref<96x128xf32, #tpu.memory_space<vmem_shared>>
      %dma_wait3A_88 = arith.constant 0 : i32
      %dma_wait3A_89 = tpu.memref_slice %arg12[%add3A_22, %dma_wait3A_88] : memref<10112x128xf32, #tpu.memory_space<vmem_shared>> -> memref<96x128xf32, #tpu.memory_space<vmem_shared>>
      tpu.wait_dma2 semaphore(%run_scoped3A_81 : memref<!tpu.dma_semaphore, #tpu.memory_space<semaphore_mem>>) src(%arg8 : memref<96x128xf32, #tpu.memory_space<vmem>>) dst(%dma_wait3A_89 : memref<96x128xf32, #tpu.memory_space<vmem_shared>>)
      tpu.yield
    }) : () -> ()
    %add3A_23 = arith.constant 480 : i32
    %add3A_24 = arith.addi %mul3A_12, %add3A_23 : i32
    "tpu.region"() ({
      %run_scoped3A_81 = tpu.sem_alloc : memref<!tpu.dma_semaphore, #tpu.memory_space<semaphore_mem>>
      %dma_start3A_82 = arith.constant 0 : i32
      %dma_start3A_83 = tpu.memref_slice %arg12[%add3A_24, %dma_start3A_82] : memref<10112x128xf32, #tpu.memory_space<vmem_shared>> -> memref<96x128xf32, #tpu.memory_space<vmem_shared>>
      %dma_start3A_84 = arith.constant 0 : i32
      %dma_start3A_85 = tpu.memref_slice %arg12[%add3A_24, %dma_start3A_84] : memref<10112x128xf32, #tpu.memory_space<vmem_shared>> -> memref<96x128xf32, #tpu.memory_space<vmem_shared>>
      tpu.enqueue_dma source(%arg8 : memref<96x128xf32, #tpu.memory_space<vmem>>) target(%dma_start3A_85 : memref<96x128xf32, #tpu.memory_space<vmem_shared>>) target_semaphore(%run_scoped3A_81 : memref<!tpu.dma_semaphore, #tpu.memory_space<semaphore_mem>>)
      %dma_wait3A_86 = arith.constant 0 : i32
      %dma_wait3A_87 = tpu.memref_slice %arg12[%add3A_24, %dma_wait3A_86] : memref<10112x128xf32, #tpu.memory_space<vmem_shared>> -> memref<96x128xf32, #tpu.memory_space<vmem_shared>>
      %dma_wait3A_88 = arith.constant 0 : i32
      %dma_wait3A_89 = tpu.memref_slice %arg12[%add3A_24, %dma_wait3A_88] : memref<10112x128xf32, #tpu.memory_space<vmem_shared>> -> memref<96x128xf32, #tpu.memory_space<vmem_shared>>
      tpu.wait_dma2 semaphore(%run_scoped3A_81 : memref<!tpu.dma_semaphore, #tpu.memory_space<semaphore_mem>>) src(%arg8 : memref<96x128xf32, #tpu.memory_space<vmem>>) dst(%dma_wait3A_89 : memref<96x128xf32, #tpu.memory_space<vmem_shared>>)
      tpu.yield
    }) : () -> ()
    %add3A_25 = arith.constant 576 : i32
    %add3A_26 = arith.addi %mul3A_12, %add3A_25 : i32
    "tpu.region"() ({
      %run_scoped3A_81 = tpu.sem_alloc : memref<!tpu.dma_semaphore, #tpu.memory_space<semaphore_mem>>
      %dma_start3A_82 = arith.constant 0 : i32
      %dma_start3A_83 = arith.constant 0 : i32
      %dma_start3A_84 = tpu.memref_slice %arg8[%dma_start3A_82, %dma_start3A_83] : memref<96x128xf32, #tpu.memory_space<vmem>> -> memref<56x128xf32, #tpu.memory_space<vmem>>
      %dma_start3A_85 = arith.constant 0 : i32
      %dma_start3A_86 = tpu.memref_slice %arg12[%add3A_26, %dma_start3A_85] : memref<10112x128xf32, #tpu.memory_space<vmem_shared>> -> memref<56x128xf32, #tpu.memory_space<vmem_shared>>
      %dma_start3A_87 = arith.constant 0 : i32
      %dma_start3A_88 = tpu.memref_slice %arg12[%add3A_26, %dma_start3A_87] : memref<10112x128xf32, #tpu.memory_space<vmem_shared>> -> memref<56x128xf32, #tpu.memory_space<vmem_shared>>
      %dma_start3A_89 = arith.constant 0 : i32
      %dma_start3A_90 = arith.constant 0 : i32
      %dma_start3A_91 = tpu.memref_slice %arg8[%dma_start3A_89, %dma_start3A_90] : memref<96x128xf32, #tpu.memory_space<vmem>> -> memref<56x128xf32, #tpu.memory_space<vmem>>
      tpu.enqueue_dma source(%dma_start3A_91 : memref<56x128xf32, #tpu.memory_space<vmem>>) target(%dma_start3A_88 : memref<56x128xf32, #tpu.memory_space<vmem_shared>>) target_semaphore(%run_scoped3A_81 : memref<!tpu.dma_semaphore, #tpu.memory_space<semaphore_mem>>)
      %dma_wait3A_92 = arith.constant 0 : i32
      %dma_wait3A_93 = arith.constant 0 : i32
      %dma_wait3A_94 = tpu.memref_slice %arg8[%dma_wait3A_92, %dma_wait3A_93] : memref<96x128xf32, #tpu.memory_space<vmem>> -> memref<56x128xf32, #tpu.memory_space<vmem>>
      %dma_wait3A_95 = arith.constant 0 : i32
      %dma_wait3A_96 = tpu.memref_slice %arg12[%add3A_26, %dma_wait3A_95] : memref<10112x128xf32, #tpu.memory_space<vmem_shared>> -> memref<56x128xf32, #tpu.memory_space<vmem_shared>>
      %dma_wait3A_97 = arith.constant 0 : i32
      %dma_wait3A_98 = tpu.memref_slice %arg12[%add3A_26, %dma_wait3A_97] : memref<10112x128xf32, #tpu.memory_space<vmem_shared>> -> memref<56x128xf32, #tpu.memory_space<vmem_shared>>
      %dma_wait3A_99 = arith.constant 0 : i32
      %dma_wait3A_100 = arith.constant 0 : i32
      %dma_wait3A_101 = tpu.memref_slice %arg8[%dma_wait3A_99, %dma_wait3A_100] : memref<96x128xf32, #tpu.memory_space<vmem>> -> memref<56x128xf32, #tpu.memory_space<vmem>>
      tpu.wait_dma2 semaphore(%run_scoped3A_81 : memref<!tpu.dma_semaphore, #tpu.memory_space<semaphore_mem>>) src(%dma_wait3A_101 : memref<56x128xf32, #tpu.memory_space<vmem>>) dst(%dma_wait3A_98 : memref<56x128xf32, #tpu.memory_space<vmem_shared>>)
      tpu.yield
    }) : () -> ()
    %barrier3A = arith.constant 0 : index
    tpu.barrier barrier_id(%barrier3A)
    "tpu.region"() ({
      %run_scoped3A_81 = tpu.sem_alloc : memref<!tpu.dma_semaphore, #tpu.memory_space<semaphore_mem>>
      %dma_start3A_82 = arith.constant 0 : i32
      %dma_start3A_83 = arith.constant 0 : i32
      %dma_start3A_84 = tpu.memref_slice %arg4[%add3A, %dma_start3A_82, %dma_start3A_83] : memref<32x106x96xi32, #tpu.memory_space<hbm>> -> memref<1x106x96xi32, #tpu.memory_space<hbm>>
      %dma_start3A_85 = tpu.memref_squeeze %dma_start3A_84 : memref<1x106x96xi32, #tpu.memory_space<hbm>> -> memref<106x96xi32, #tpu.memory_space<hbm>>
      %dma_start3A_86 = arith.constant 0 : i32
      %dma_start3A_87 = arith.constant 0 : i32
      %dma_start3A_88 = tpu.memref_slice %arg4[%add3A, %dma_start3A_86, %dma_start3A_87] : memref<32x106x96xi32, #tpu.memory_space<hbm>> -> memref<1x106x96xi32, #tpu.memory_space<hbm>>
      %dma_start3A_89 = tpu.memref_squeeze %dma_start3A_88 : memref<1x106x96xi32, #tpu.memory_space<hbm>> -> memref<106x96xi32, #tpu.memory_space<hbm>>
      tpu.enqueue_dma source(%dma_start3A_89 : memref<106x96xi32, #tpu.memory_space<hbm>>) target(%arg7 : memref<106x96xi32, #tpu.memory_space<vmem>>) target_semaphore(%run_scoped3A_81 : memref<!tpu.dma_semaphore, #tpu.memory_space<semaphore_mem>>)
      %dma_wait3A_90 = arith.constant 0 : i32
      %dma_wait3A_91 = arith.constant 0 : i32
      %dma_wait3A_92 = tpu.memref_slice %arg4[%add3A, %dma_wait3A_90, %dma_wait3A_91] : memref<32x106x96xi32, #tpu.memory_space<hbm>> -> memref<1x106x96xi32, #tpu.memory_space<hbm>>
      %dma_wait3A_93 = tpu.memref_squeeze %dma_wait3A_92 : memref<1x106x96xi32, #tpu.memory_space<hbm>> -> memref<106x96xi32, #tpu.memory_space<hbm>>
      %dma_wait3A_94 = arith.constant 0 : i32
      %dma_wait3A_95 = arith.constant 0 : i32
      %dma_wait3A_96 = tpu.memref_slice %arg4[%add3A, %dma_wait3A_94, %dma_wait3A_95] : memref<32x106x96xi32, #tpu.memory_space<hbm>> -> memref<1x106x96xi32, #tpu.memory_space<hbm>>
      %dma_wait3A_97 = tpu.memref_squeeze %dma_wait3A_96 : memref<1x106x96xi32, #tpu.memory_space<hbm>> -> memref<106x96xi32, #tpu.memory_space<hbm>>
      tpu.wait_dma2 semaphore(%run_scoped3A_81 : memref<!tpu.dma_semaphore, #tpu.memory_space<semaphore_mem>>) src(%dma_wait3A_97 : memref<106x96xi32, #tpu.memory_space<hbm>>) dst(%arg7 : memref<106x96xi32, #tpu.memory_space<vmem>>)
      tpu.yield
    }) : () -> ()
    %mul3A_27 = arith.constant 0 : i32
    %mul3A_28 = arith.constant 96 : i32
    %mul3A_29 = arith.muli %mul3A_27, %mul3A_28 : i32
    %dma_start3A = tpu.memref_slice %arg6[%mul3A_29] : memref<10176xi32, #tpu.memory_space<vmem>> -> memref<96xi32, #tpu.memory_space<vmem>>
    %dma_start3A_30 = arith.constant 0 : i32
    %dma_start3A_31 = arith.constant 0 : i32
    %dma_start3A_32 = tpu.memref_slice %arg2[%dma_start3A_30, %dma_start3A_31] : memref<10000x128xf32, #tpu.memory_space<hbm>> -> memref<10000x128xf32, #tpu.memory_space<hbm>>
    tpu.enqueue_indirect_dma source(%dma_start3A_32 : memref<10000x128xf32, #tpu.memory_space<hbm>>) target(%arg8 : memref<96x128xf32, #tpu.memory_space<vmem>>) offsets(%dma_start3A : memref<96xi32, #tpu.memory_space<vmem>>) semaphore(%arg10 : memref<!tpu.dma_semaphore, #tpu.memory_space<semaphore_mem>>)
    %while3A_33 = arith.constant 0 : i64
    %while3A_34 = arith.constant 0 : i32
    %while3A_35 = arith.constant 52 : i32
    %while3A_36 = arith.subi %while3A_35, %while3A_34 : i32
    %while3A_37 = arith.addi %while3A_34, %while3A_36 : i32
    %while3A_38 = arith.constant 1 : i32
    %while3A_39 = arith.divsi %while3A_36, %while3A_38 : i32
    %while3A_40 = arith.muli %while3A_39, %while3A_38 : i32
    %while3A_41 = arith.addi %while3A_34, %while3A_40 : i32
    %while3A_42 = arith.constant 1 : i32
    scf.for %while3A_81 = %while3A_34 to %while3A_41 step %while3A_42  : i32 {
      %mul3A_82 = arith.constant 2 : i32
      %mul3A_83 = arith.muli %mul3A_82, %while3A_81 : i32
      %mul3A_84 = arith.constant 96 : i32
      %mul3A_85 = arith.muli %mul3A_83, %mul3A_84 : i32
      %dma_wait3A_86 = tpu.memref_slice %arg6[%mul3A_85] : memref<10176xi32, #tpu.memory_space<vmem>> -> memref<96xi32, #tpu.memory_space<vmem>>
      %dma_wait3A_87 = arith.constant 0 : i32
      %dma_wait3A_88 = arith.constant 0 : i32
      %dma_wait3A_89 = tpu.memref_slice %arg2[%dma_wait3A_87, %dma_wait3A_88] : memref<10000x128xf32, #tpu.memory_space<hbm>> -> memref<10000x128xf32, #tpu.memory_space<hbm>>
      tpu.wait_indirect_dma semaphore(%arg10 : memref<!tpu.dma_semaphore, #tpu.memory_space<semaphore_mem>>) src(%dma_wait3A_89 : memref<10000x128xf32, #tpu.memory_space<hbm>>) dst(%arg8 : memref<96x128xf32, #tpu.memory_space<vmem>>)
      %add3A_90 = arith.constant 1 : i32
      %add3A_91 = arith.addi %mul3A_83, %add3A_90 : i32
      %mul3A_92 = arith.constant 96 : i32
      %mul3A_93 = arith.muli %add3A_91, %mul3A_92 : i32
      %dma_start3A_94 = tpu.memref_slice %arg6[%mul3A_93] : memref<10176xi32, #tpu.memory_space<vmem>> -> memref<96xi32, #tpu.memory_space<vmem>>
      %dma_start3A_95 = arith.constant 0 : i32
      %dma_start3A_96 = arith.constant 0 : i32
      %dma_start3A_97 = tpu.memref_slice %arg2[%dma_start3A_95, %dma_start3A_96] : memref<10000x128xf32, #tpu.memory_space<hbm>> -> memref<10000x128xf32, #tpu.memory_space<hbm>>
      tpu.enqueue_indirect_dma source(%dma_start3A_97 : memref<10000x128xf32, #tpu.memory_space<hbm>>) target(%arg9 : memref<96x128xf32, #tpu.memory_space<vmem>>) offsets(%dma_start3A_94 : memref<96xi32, #tpu.memory_space<vmem>>) semaphore(%arg11 : memref<!tpu.dma_semaphore, #tpu.memory_space<semaphore_mem>>)
      "tpu.region"() ({
        %run_scoped3A_116 = tpu.sem_alloc : memref<!tpu.dma_semaphore, #tpu.memory_space<semaphore_mem>>
        %dma_start3A_117 = arith.constant 0 : i32
        %dma_start3A_118 = tpu.memref_slice %arg7[%mul3A_83, %dma_start3A_117] : memref<106x96xi32, #tpu.memory_space<vmem>> -> memref<1x96xi32, #tpu.memory_space<vmem>>
        %dma_start3A_119 = tpu.memref_squeeze %dma_start3A_118 : memref<1x96xi32, #tpu.memory_space<vmem>> -> memref<96xi32, #tpu.memory_space<vmem>>
        %dma_start3A_120 = arith.constant 0 : i32
        %dma_start3A_121 = arith.constant 0 : i32
        %dma_start3A_122 = tpu.memref_slice %arg12[%dma_start3A_120, %dma_start3A_121] : memref<10112x128xf32, #tpu.memory_space<vmem_shared>> -> memref<10112x128xf32, #tpu.memory_space<vmem_shared>>
        tpu.enqueue_indirect_dma source(%arg8 : memref<96x128xf32, #tpu.memory_space<vmem>>) target(%dma_start3A_122 : memref<10112x128xf32, #tpu.memory_space<vmem_shared>>) offsets(%dma_start3A_119 : memref<96xi32, #tpu.memory_space<vmem>>) semaphore(%run_scoped3A_116 : memref<!tpu.dma_semaphore, #tpu.memory_space<semaphore_mem>>) {add = true}
        %dma_wait3A_123 = arith.constant 0 : i32
        %dma_wait3A_124 = tpu.memref_slice %arg7[%mul3A_83, %dma_wait3A_123] : memref<106x96xi32, #tpu.memory_space<vmem>> -> memref<1x96xi32, #tpu.memory_space<vmem>>
        %dma_wait3A_125 = tpu.memref_squeeze %dma_wait3A_124 : memref<1x96xi32, #tpu.memory_space<vmem>> -> memref<96xi32, #tpu.memory_space<vmem>>
        %dma_wait3A_126 = arith.constant 0 : i32
        %dma_wait3A_127 = arith.constant 0 : i32
        %dma_wait3A_128 = tpu.memref_slice %arg12[%dma_wait3A_126, %dma_wait3A_127] : memref<10112x128xf32, #tpu.memory_space<vmem_shared>> -> memref<10112x128xf32, #tpu.memory_space<vmem_shared>>
        tpu.wait_indirect_dma semaphore(%run_scoped3A_116 : memref<!tpu.dma_semaphore, #tpu.memory_space<semaphore_mem>>) src(%arg8 : memref<96x128xf32, #tpu.memory_space<vmem>>) dst(%dma_wait3A_128 : memref<10112x128xf32, #tpu.memory_space<vmem_shared>>)
        tpu.yield
      }) : () -> ()
      %add3A_98 = arith.constant 1 : i32
      %add3A_99 = arith.addi %mul3A_83, %add3A_98 : i32
      %mul3A_100 = arith.constant 96 : i32
      %mul3A_101 = arith.muli %add3A_99, %mul3A_100 : i32
      %dma_wait3A_102 = tpu.memref_slice %arg6[%mul3A_101] : memref<10176xi32, #tpu.memory_space<vmem>> -> memref<96xi32, #tpu.memory_space<vmem>>
      %dma_wait3A_103 = arith.constant 0 : i32
      %dma_wait3A_104 = arith.constant 0 : i32
      %dma_wait3A_105 = tpu.memref_slice %arg2[%dma_wait3A_103, %dma_wait3A_104] : memref<10000x128xf32, #tpu.memory_space<hbm>> -> memref<10000x128xf32, #tpu.memory_space<hbm>>
      tpu.wait_indirect_dma semaphore(%arg11 : memref<!tpu.dma_semaphore, #tpu.memory_space<semaphore_mem>>) src(%dma_wait3A_105 : memref<10000x128xf32, #tpu.memory_space<hbm>>) dst(%arg9 : memref<96x128xf32, #tpu.memory_space<vmem>>)
      %add3A_106 = arith.constant 2 : i32
      %add3A_107 = arith.addi %mul3A_83, %add3A_106 : i32
      %mul3A_108 = arith.constant 96 : i32
      %mul3A_109 = arith.muli %add3A_107, %mul3A_108 : i32
      %dma_start3A_110 = tpu.memref_slice %arg6[%mul3A_109] : memref<10176xi32, #tpu.memory_space<vmem>> -> memref<96xi32, #tpu.memory_space<vmem>>
      %dma_start3A_111 = arith.constant 0 : i32
      %dma_start3A_112 = arith.constant 0 : i32
      %dma_start3A_113 = tpu.memref_slice %arg2[%dma_start3A_111, %dma_start3A_112] : memref<10000x128xf32, #tpu.memory_space<hbm>> -> memref<10000x128xf32, #tpu.memory_space<hbm>>
      tpu.enqueue_indirect_dma source(%dma_start3A_113 : memref<10000x128xf32, #tpu.memory_space<hbm>>) target(%arg8 : memref<96x128xf32, #tpu.memory_space<vmem>>) offsets(%dma_start3A_110 : memref<96xi32, #tpu.memory_space<vmem>>) semaphore(%arg10 : memref<!tpu.dma_semaphore, #tpu.memory_space<semaphore_mem>>)
      %add3A_114 = arith.constant 1 : i32
      %add3A_115 = arith.addi %mul3A_83, %add3A_114 : i32
      "tpu.region"() ({
        %run_scoped3A_116 = tpu.sem_alloc : memref<!tpu.dma_semaphore, #tpu.memory_space<semaphore_mem>>
        %dma_start3A_117 = arith.constant 0 : i32
        %dma_start3A_118 = tpu.memref_slice %arg7[%add3A_115, %dma_start3A_117] : memref<106x96xi32, #tpu.memory_space<vmem>> -> memref<1x96xi32, #tpu.memory_space<vmem>>
        %dma_start3A_119 = tpu.memref_squeeze %dma_start3A_118 : memref<1x96xi32, #tpu.memory_space<vmem>> -> memref<96xi32, #tpu.memory_space<vmem>>
        %dma_start3A_120 = arith.constant 0 : i32
        %dma_start3A_121 = arith.constant 0 : i32
        %dma_start3A_122 = tpu.memref_slice %arg12[%dma_start3A_120, %dma_start3A_121] : memref<10112x128xf32, #tpu.memory_space<vmem_shared>> -> memref<10112x128xf32, #tpu.memory_space<vmem_shared>>
        tpu.enqueue_indirect_dma source(%arg9 : memref<96x128xf32, #tpu.memory_space<vmem>>) target(%dma_start3A_122 : memref<10112x128xf32, #tpu.memory_space<vmem_shared>>) offsets(%dma_start3A_119 : memref<96xi32, #tpu.memory_space<vmem>>) semaphore(%run_scoped3A_116 : memref<!tpu.dma_semaphore, #tpu.memory_space<semaphore_mem>>) {add = true}
        %dma_wait3A_123 = arith.constant 0 : i32
        %dma_wait3A_124 = tpu.memref_slice %arg7[%add3A_115, %dma_wait3A_123] : memref<106x96xi32, #tpu.memory_space<vmem>> -> memref<1x96xi32, #tpu.memory_space<vmem>>
        %dma_wait3A_125 = tpu.memref_squeeze %dma_wait3A_124 : memref<1x96xi32, #tpu.memory_space<vmem>> -> memref<96xi32, #tpu.memory_space<vmem>>
        %dma_wait3A_126 = arith.constant 0 : i32
        %dma_wait3A_127 = arith.constant 0 : i32
        %dma_wait3A_128 = tpu.memref_slice %arg12[%dma_wait3A_126, %dma_wait3A_127] : memref<10112x128xf32, #tpu.memory_space<vmem_shared>> -> memref<10112x128xf32, #tpu.memory_space<vmem_shared>>
        tpu.wait_indirect_dma semaphore(%run_scoped3A_116 : memref<!tpu.dma_semaphore, #tpu.memory_space<semaphore_mem>>) src(%arg9 : memref<96x128xf32, #tpu.memory_space<vmem>>) dst(%dma_wait3A_128 : memref<10112x128xf32, #tpu.memory_space<vmem_shared>>)
        tpu.yield
      }) : () -> ()
    }
    %while3A_43 = arith.constant 1 : i32
    scf.for %while3A_81 = %while3A_41 to %while3A_37 step %while3A_43  : i32 {
      %mul3A_82 = arith.constant 2 : i32
      %mul3A_83 = arith.muli %mul3A_82, %while3A_81 : i32
      %mul3A_84 = arith.constant 96 : i32
      %mul3A_85 = arith.muli %mul3A_83, %mul3A_84 : i32
      %dma_wait3A_86 = tpu.memref_slice %arg6[%mul3A_85] : memref<10176xi32, #tpu.memory_space<vmem>> -> memref<96xi32, #tpu.memory_space<vmem>>
      %dma_wait3A_87 = arith.constant 0 : i32
      %dma_wait3A_88 = arith.constant 0 : i32
      %dma_wait3A_89 = tpu.memref_slice %arg2[%dma_wait3A_87, %dma_wait3A_88] : memref<10000x128xf32, #tpu.memory_space<hbm>> -> memref<10000x128xf32, #tpu.memory_space<hbm>>
      tpu.wait_indirect_dma semaphore(%arg10 : memref<!tpu.dma_semaphore, #tpu.memory_space<semaphore_mem>>) src(%dma_wait3A_89 : memref<10000x128xf32, #tpu.memory_space<hbm>>) dst(%arg8 : memref<96x128xf32, #tpu.memory_space<vmem>>)
      %add3A_90 = arith.constant 1 : i32
      %add3A_91 = arith.addi %mul3A_83, %add3A_90 : i32
      %mul3A_92 = arith.constant 96 : i32
      %mul3A_93 = arith.muli %add3A_91, %mul3A_92 : i32
      %dma_start3A_94 = tpu.memref_slice %arg6[%mul3A_93] : memref<10176xi32, #tpu.memory_space<vmem>> -> memref<96xi32, #tpu.memory_space<vmem>>
      %dma_start3A_95 = arith.constant 0 : i32
      %dma_start3A_96 = arith.constant 0 : i32
      %dma_start3A_97 = tpu.memref_slice %arg2[%dma_start3A_95, %dma_start3A_96] : memref<10000x128xf32, #tpu.memory_space<hbm>> -> memref<10000x128xf32, #tpu.memory_space<hbm>>
      tpu.enqueue_indirect_dma source(%dma_start3A_97 : memref<10000x128xf32, #tpu.memory_space<hbm>>) target(%arg9 : memref<96x128xf32, #tpu.memory_space<vmem>>) offsets(%dma_start3A_94 : memref<96xi32, #tpu.memory_space<vmem>>) semaphore(%arg11 : memref<!tpu.dma_semaphore, #tpu.memory_space<semaphore_mem>>)
      "tpu.region"() ({
        %run_scoped3A_116 = tpu.sem_alloc : memref<!tpu.dma_semaphore, #tpu.memory_space<semaphore_mem>>
        %dma_start3A_117 = arith.constant 0 : i32
        %dma_start3A_118 = tpu.memref_slice %arg7[%mul3A_83, %dma_start3A_117] : memref<106x96xi32, #tpu.memory_space<vmem>> -> memref<1x96xi32, #tpu.memory_space<vmem>>
        %dma_start3A_119 = tpu.memref_squeeze %dma_start3A_118 : memref<1x96xi32, #tpu.memory_space<vmem>> -> memref<96xi32, #tpu.memory_space<vmem>>
        %dma_start3A_120 = arith.constant 0 : i32
        %dma_start3A_121 = arith.constant 0 : i32
        %dma_start3A_122 = tpu.memref_slice %arg12[%dma_start3A_120, %dma_start3A_121] : memref<10112x128xf32, #tpu.memory_space<vmem_shared>> -> memref<10112x128xf32, #tpu.memory_space<vmem_shared>>
        tpu.enqueue_indirect_dma source(%arg8 : memref<96x128xf32, #tpu.memory_space<vmem>>) target(%dma_start3A_122 : memref<10112x128xf32, #tpu.memory_space<vmem_shared>>) offsets(%dma_start3A_119 : memref<96xi32, #tpu.memory_space<vmem>>) semaphore(%run_scoped3A_116 : memref<!tpu.dma_semaphore, #tpu.memory_space<semaphore_mem>>) {add = true}
        %dma_wait3A_123 = arith.constant 0 : i32
        %dma_wait3A_124 = tpu.memref_slice %arg7[%mul3A_83, %dma_wait3A_123] : memref<106x96xi32, #tpu.memory_space<vmem>> -> memref<1x96xi32, #tpu.memory_space<vmem>>
        %dma_wait3A_125 = tpu.memref_squeeze %dma_wait3A_124 : memref<1x96xi32, #tpu.memory_space<vmem>> -> memref<96xi32, #tpu.memory_space<vmem>>
        %dma_wait3A_126 = arith.constant 0 : i32
        %dma_wait3A_127 = arith.constant 0 : i32
        %dma_wait3A_128 = tpu.memref_slice %arg12[%dma_wait3A_126, %dma_wait3A_127] : memref<10112x128xf32, #tpu.memory_space<vmem_shared>> -> memref<10112x128xf32, #tpu.memory_space<vmem_shared>>
        tpu.wait_indirect_dma semaphore(%run_scoped3A_116 : memref<!tpu.dma_semaphore, #tpu.memory_space<semaphore_mem>>) src(%arg8 : memref<96x128xf32, #tpu.memory_space<vmem>>) dst(%dma_wait3A_128 : memref<10112x128xf32, #tpu.memory_space<vmem_shared>>)
        tpu.yield
      }) : () -> ()
      %add3A_98 = arith.constant 1 : i32
      %add3A_99 = arith.addi %mul3A_83, %add3A_98 : i32
      %mul3A_100 = arith.constant 96 : i32
      %mul3A_101 = arith.muli %add3A_99, %mul3A_100 : i32
      %dma_wait3A_102 = tpu.memref_slice %arg6[%mul3A_101] : memref<10176xi32, #tpu.memory_space<vmem>> -> memref<96xi32, #tpu.memory_space<vmem>>
      %dma_wait3A_103 = arith.constant 0 : i32
      %dma_wait3A_104 = arith.constant 0 : i32
      %dma_wait3A_105 = tpu.memref_slice %arg2[%dma_wait3A_103, %dma_wait3A_104] : memref<10000x128xf32, #tpu.memory_space<hbm>> -> memref<10000x128xf32, #tpu.memory_space<hbm>>
      tpu.wait_indirect_dma semaphore(%arg11 : memref<!tpu.dma_semaphore, #tpu.memory_space<semaphore_mem>>) src(%dma_wait3A_105 : memref<10000x128xf32, #tpu.memory_space<hbm>>) dst(%arg9 : memref<96x128xf32, #tpu.memory_space<vmem>>)
      %add3A_106 = arith.constant 2 : i32
      %add3A_107 = arith.addi %mul3A_83, %add3A_106 : i32
      %mul3A_108 = arith.constant 96 : i32
      %mul3A_109 = arith.muli %add3A_107, %mul3A_108 : i32
      %dma_start3A_110 = tpu.memref_slice %arg6[%mul3A_109] : memref<10176xi32, #tpu.memory_space<vmem>> -> memref<96xi32, #tpu.memory_space<vmem>>
      %dma_start3A_111 = arith.constant 0 : i32
      %dma_start3A_112 = arith.constant 0 : i32
      %dma_start3A_113 = tpu.memref_slice %arg2[%dma_start3A_111, %dma_start3A_112] : memref<10000x128xf32, #tpu.memory_space<hbm>> -> memref<10000x128xf32, #tpu.memory_space<hbm>>
      tpu.enqueue_indirect_dma source(%dma_start3A_113 : memref<10000x128xf32, #tpu.memory_space<hbm>>) target(%arg8 : memref<96x128xf32, #tpu.memory_space<vmem>>) offsets(%dma_start3A_110 : memref<96xi32, #tpu.memory_space<vmem>>) semaphore(%arg10 : memref<!tpu.dma_semaphore, #tpu.memory_space<semaphore_mem>>)
      %add3A_114 = arith.constant 1 : i32
      %add3A_115 = arith.addi %mul3A_83, %add3A_114 : i32
      "tpu.region"() ({
        %run_scoped3A_116 = tpu.sem_alloc : memref<!tpu.dma_semaphore, #tpu.memory_space<semaphore_mem>>
        %dma_start3A_117 = arith.constant 0 : i32
        %dma_start3A_118 = tpu.memref_slice %arg7[%add3A_115, %dma_start3A_117] : memref<106x96xi32, #tpu.memory_space<vmem>> -> memref<1x96xi32, #tpu.memory_space<vmem>>
        %dma_start3A_119 = tpu.memref_squeeze %dma_start3A_118 : memref<1x96xi32, #tpu.memory_space<vmem>> -> memref<96xi32, #tpu.memory_space<vmem>>
        %dma_start3A_120 = arith.constant 0 : i32
        %dma_start3A_121 = arith.constant 0 : i32
        %dma_start3A_122 = tpu.memref_slice %arg12[%dma_start3A_120, %dma_start3A_121] : memref<10112x128xf32, #tpu.memory_space<vmem_shared>> -> memref<10112x128xf32, #tpu.memory_space<vmem_shared>>
        tpu.enqueue_indirect_dma source(%arg9 : memref<96x128xf32, #tpu.memory_space<vmem>>) target(%dma_start3A_122 : memref<10112x128xf32, #tpu.memory_space<vmem_shared>>) offsets(%dma_start3A_119 : memref<96xi32, #tpu.memory_space<vmem>>) semaphore(%run_scoped3A_116 : memref<!tpu.dma_semaphore, #tpu.memory_space<semaphore_mem>>) {add = true}
        %dma_wait3A_123 = arith.constant 0 : i32
        %dma_wait3A_124 = tpu.memref_slice %arg7[%add3A_115, %dma_wait3A_123] : memref<106x96xi32, #tpu.memory_space<vmem>> -> memref<1x96xi32, #tpu.memory_space<vmem>>
        %dma_wait3A_125 = tpu.memref_squeeze %dma_wait3A_124 : memref<1x96xi32, #tpu.memory_space<vmem>> -> memref<96xi32, #tpu.memory_space<vmem>>
        %dma_wait3A_126 = arith.constant 0 : i32
        %dma_wait3A_127 = arith.constant 0 : i32
        %dma_wait3A_128 = tpu.memref_slice %arg12[%dma_wait3A_126, %dma_wait3A_127] : memref<10112x128xf32, #tpu.memory_space<vmem_shared>> -> memref<10112x128xf32, #tpu.memory_space<vmem_shared>>
        tpu.wait_indirect_dma semaphore(%run_scoped3A_116 : memref<!tpu.dma_semaphore, #tpu.memory_space<semaphore_mem>>) src(%arg9 : memref<96x128xf32, #tpu.memory_space<vmem>>) dst(%dma_wait3A_128 : memref<10112x128xf32, #tpu.memory_space<vmem_shared>>)
        tpu.yield
      }) : () -> ()
    }
    %mul3A_44 = arith.constant 104 : i32
    %mul3A_45 = arith.constant 96 : i32
    %mul3A_46 = arith.muli %mul3A_44, %mul3A_45 : i32
    %dma_wait3A = tpu.memref_slice %arg6[%mul3A_46] : memref<10176xi32, #tpu.memory_space<vmem>> -> memref<96xi32, #tpu.memory_space<vmem>>
    %dma_wait3A_47 = arith.constant 0 : i32
    %dma_wait3A_48 = arith.constant 0 : i32
    %dma_wait3A_49 = tpu.memref_slice %arg2[%dma_wait3A_47, %dma_wait3A_48] : memref<10000x128xf32, #tpu.memory_space<hbm>> -> memref<10000x128xf32, #tpu.memory_space<hbm>>
    tpu.wait_indirect_dma semaphore(%arg10 : memref<!tpu.dma_semaphore, #tpu.memory_space<semaphore_mem>>) src(%dma_wait3A_49 : memref<10000x128xf32, #tpu.memory_space<hbm>>) dst(%arg8 : memref<96x128xf32, #tpu.memory_space<vmem>>)
    %add3A_50 = arith.constant 104 : i32
    %add3A_51 = arith.constant 1 : i32
    %add3A_52 = arith.addi %add3A_50, %add3A_51 : i32
    %mul3A_53 = arith.constant 96 : i32
    %mul3A_54 = arith.muli %add3A_52, %mul3A_53 : i32
    %dma_start3A_55 = tpu.memref_slice %arg6[%mul3A_54] : memref<10176xi32, #tpu.memory_space<vmem>> -> memref<96xi32, #tpu.memory_space<vmem>>
    %dma_start3A_56 = arith.constant 0 : i32
    %dma_start3A_57 = arith.constant 0 : i32
    %dma_start3A_58 = tpu.memref_slice %arg2[%dma_start3A_56, %dma_start3A_57] : memref<10000x128xf32, #tpu.memory_space<hbm>> -> memref<10000x128xf32, #tpu.memory_space<hbm>>
    tpu.enqueue_indirect_dma source(%dma_start3A_58 : memref<10000x128xf32, #tpu.memory_space<hbm>>) target(%arg9 : memref<96x128xf32, #tpu.memory_space<vmem>>) offsets(%dma_start3A_55 : memref<96xi32, #tpu.memory_space<vmem>>) semaphore(%arg11 : memref<!tpu.dma_semaphore, #tpu.memory_space<semaphore_mem>>)
    %run_scoped3A = arith.constant 104 : i32
    "tpu.region"() ({
      %run_scoped3A_81 = tpu.sem_alloc : memref<!tpu.dma_semaphore, #tpu.memory_space<semaphore_mem>>
      %dma_start3A_82 = arith.constant 0 : i32
      %dma_start3A_83 = tpu.memref_slice %arg7[%run_scoped3A, %dma_start3A_82] : memref<106x96xi32, #tpu.memory_space<vmem>> -> memref<1x96xi32, #tpu.memory_space<vmem>>
      %dma_start3A_84 = tpu.memref_squeeze %dma_start3A_83 : memref<1x96xi32, #tpu.memory_space<vmem>> -> memref<96xi32, #tpu.memory_space<vmem>>
      %dma_start3A_85 = arith.constant 0 : i32
      %dma_start3A_86 = arith.constant 0 : i32
      %dma_start3A_87 = tpu.memref_slice %arg12[%dma_start3A_85, %dma_start3A_86] : memref<10112x128xf32, #tpu.memory_space<vmem_shared>> -> memref<10112x128xf32, #tpu.memory_space<vmem_shared>>
      tpu.enqueue_indirect_dma source(%arg8 : memref<96x128xf32, #tpu.memory_space<vmem>>) target(%dma_start3A_87 : memref<10112x128xf32, #tpu.memory_space<vmem_shared>>) offsets(%dma_start3A_84 : memref<96xi32, #tpu.memory_space<vmem>>) semaphore(%run_scoped3A_81 : memref<!tpu.dma_semaphore, #tpu.memory_space<semaphore_mem>>) {add = true}
      %dma_wait3A_88 = arith.constant 0 : i32
      %dma_wait3A_89 = tpu.memref_slice %arg7[%run_scoped3A, %dma_wait3A_88] : memref<106x96xi32, #tpu.memory_space<vmem>> -> memref<1x96xi32, #tpu.memory_space<vmem>>
      %dma_wait3A_90 = tpu.memref_squeeze %dma_wait3A_89 : memref<1x96xi32, #tpu.memory_space<vmem>> -> memref<96xi32, #tpu.memory_space<vmem>>
      %dma_wait3A_91 = arith.constant 0 : i32
      %dma_wait3A_92 = arith.constant 0 : i32
      %dma_wait3A_93 = tpu.memref_slice %arg12[%dma_wait3A_91, %dma_wait3A_92] : memref<10112x128xf32, #tpu.memory_space<vmem_shared>> -> memref<10112x128xf32, #tpu.memory_space<vmem_shared>>
      tpu.wait_indirect_dma semaphore(%run_scoped3A_81 : memref<!tpu.dma_semaphore, #tpu.memory_space<semaphore_mem>>) src(%arg8 : memref<96x128xf32, #tpu.memory_space<vmem>>) dst(%dma_wait3A_93 : memref<10112x128xf32, #tpu.memory_space<vmem_shared>>)
      tpu.yield
    }) : () -> ()
    %add3A_59 = arith.constant 104 : i32
    %add3A_60 = arith.constant 1 : i32
    %add3A_61 = arith.addi %add3A_59, %add3A_60 : i32
    %mul3A_62 = arith.constant 96 : i32
    %mul3A_63 = arith.muli %add3A_61, %mul3A_62 : i32
    %dma_wait3A_64 = tpu.memref_slice %arg6[%mul3A_63] : memref<10176xi32, #tpu.memory_space<vmem>> -> memref<96xi32, #tpu.memory_space<vmem>>
    %dma_wait3A_65 = arith.constant 0 : i32
    %dma_wait3A_66 = arith.constant 0 : i32
    %dma_wait3A_67 = tpu.memref_slice %arg2[%dma_wait3A_65, %dma_wait3A_66] : memref<10000x128xf32, #tpu.memory_space<hbm>> -> memref<10000x128xf32, #tpu.memory_space<hbm>>
    tpu.wait_indirect_dma semaphore(%arg11 : memref<!tpu.dma_semaphore, #tpu.memory_space<semaphore_mem>>) src(%dma_wait3A_67 : memref<10000x128xf32, #tpu.memory_space<hbm>>) dst(%arg9 : memref<96x128xf32, #tpu.memory_space<vmem>>)
    %add3A_68 = arith.constant 104 : i32
    %add3A_69 = arith.constant 1 : i32
    %add3A_70 = arith.addi %add3A_68, %add3A_69 : i32
    "tpu.region"() ({
      %run_scoped3A_81 = tpu.sem_alloc : memref<!tpu.dma_semaphore, #tpu.memory_space<semaphore_mem>>
      %dma_start3A_82 = arith.constant 0 : i32
      %dma_start3A_83 = tpu.memref_slice %arg7[%add3A_70, %dma_start3A_82] : memref<106x96xi32, #tpu.memory_space<vmem>> -> memref<1x96xi32, #tpu.memory_space<vmem>>
      %dma_start3A_84 = tpu.memref_squeeze %dma_start3A_83 : memref<1x96xi32, #tpu.memory_space<vmem>> -> memref<96xi32, #tpu.memory_space<vmem>>
      %dma_start3A_85 = arith.constant 0 : i32
      %dma_start3A_86 = arith.constant 0 : i32
      %dma_start3A_87 = tpu.memref_slice %arg12[%dma_start3A_85, %dma_start3A_86] : memref<10112x128xf32, #tpu.memory_space<vmem_shared>> -> memref<10112x128xf32, #tpu.memory_space<vmem_shared>>
      tpu.enqueue_indirect_dma source(%arg9 : memref<96x128xf32, #tpu.memory_space<vmem>>) target(%dma_start3A_87 : memref<10112x128xf32, #tpu.memory_space<vmem_shared>>) offsets(%dma_start3A_84 : memref<96xi32, #tpu.memory_space<vmem>>) semaphore(%run_scoped3A_81 : memref<!tpu.dma_semaphore, #tpu.memory_space<semaphore_mem>>) {add = true}
      %dma_wait3A_88 = arith.constant 0 : i32
      %dma_wait3A_89 = tpu.memref_slice %arg7[%add3A_70, %dma_wait3A_88] : memref<106x96xi32, #tpu.memory_space<vmem>> -> memref<1x96xi32, #tpu.memory_space<vmem>>
      %dma_wait3A_90 = tpu.memref_squeeze %dma_wait3A_89 : memref<1x96xi32, #tpu.memory_space<vmem>> -> memref<96xi32, #tpu.memory_space<vmem>>
      %dma_wait3A_91 = arith.constant 0 : i32
      %dma_wait3A_92 = arith.constant 0 : i32
      %dma_wait3A_93 = tpu.memref_slice %arg12[%dma_wait3A_91, %dma_wait3A_92] : memref<10112x128xf32, #tpu.memory_space<vmem_shared>> -> memref<10112x128xf32, #tpu.memory_space<vmem_shared>>
      tpu.wait_indirect_dma semaphore(%run_scoped3A_81 : memref<!tpu.dma_semaphore, #tpu.memory_space<semaphore_mem>>) src(%arg9 : memref<96x128xf32, #tpu.memory_space<vmem>>) dst(%dma_wait3A_93 : memref<10112x128xf32, #tpu.memory_space<vmem_shared>>)
      tpu.yield
    }) : () -> ()
    %barrier3A_71 = arith.constant 0 : index
    tpu.barrier barrier_id(%barrier3A_71)
    %barrier3A_72 = arith.constant 0 : index
    tpu.barrier barrier_id(%barrier3A_72)
    %mul3A_73 = arith.constant 624 : i32
    %mul3A_74 = arith.muli %arg1, %mul3A_73 : i32
    %lt3A = arith.constant 15 : i32
    %lt3A_75 = arith.cmpi slt, %arg1, %lt3A : i32
    %convert_element_type3A = arith.extui %lt3A_75 : i1 to i32
    %cond3A = arith.constant 0 : i32
    %cond3A_76 = arith.cmpi ne, %convert_element_type3A, %cond3A : i32
    scf.if %cond3A_76 {
      "tpu.region"() ({
        %run_scoped3A_81 = tpu.sem_alloc : memref<!tpu.dma_semaphore, #tpu.memory_space<semaphore_mem>>
        %dma_start3A_82 = arith.constant 0 : i32
        %dma_start3A_83 = tpu.memref_slice %arg5[%arg0, %mul3A_74, %dma_start3A_82] : memref<2x10000x128xf32, #tpu.memory_space<hbm>> -> memref<1x624x128xf32, #tpu.memory_space<hbm>>
        %dma_start3A_84 = tpu.memref_squeeze %dma_start3A_83 : memref<1x624x128xf32, #tpu.memory_space<hbm>> -> memref<624x128xf32, #tpu.memory_space<hbm>>
        %dma_start3A_85 = arith.constant 0 : i32
        %dma_start3A_86 = tpu.memref_slice %arg12[%mul3A_74, %dma_start3A_85] : memref<10112x128xf32, #tpu.memory_space<vmem_shared>> -> memref<624x128xf32, #tpu.memory_space<vmem_shared>>
        tpu.enqueue_dma source(%dma_start3A_86 : memref<624x128xf32, #tpu.memory_space<vmem_shared>>) target(%dma_start3A_84 : memref<624x128xf32, #tpu.memory_space<hbm>>) target_semaphore(%run_scoped3A_81 : memref<!tpu.dma_semaphore, #tpu.memory_space<semaphore_mem>>)
        %dma_wait3A_87 = arith.constant 0 : i32
        %dma_wait3A_88 = tpu.memref_slice %arg5[%arg0, %mul3A_74, %dma_wait3A_87] : memref<2x10000x128xf32, #tpu.memory_space<hbm>> -> memref<1x624x128xf32, #tpu.memory_space<hbm>>
        %dma_wait3A_89 = tpu.memref_squeeze %dma_wait3A_88 : memref<1x624x128xf32, #tpu.memory_space<hbm>> -> memref<624x128xf32, #tpu.memory_space<hbm>>
        %dma_wait3A_90 = arith.constant 0 : i32
        %dma_wait3A_91 = tpu.memref_slice %arg12[%mul3A_74, %dma_wait3A_90] : memref<10112x128xf32, #tpu.memory_space<vmem_shared>> -> memref<624x128xf32, #tpu.memory_space<vmem_shared>>
        tpu.wait_dma2 semaphore(%run_scoped3A_81 : memref<!tpu.dma_semaphore, #tpu.memory_space<semaphore_mem>>) src(%dma_wait3A_91 : memref<624x128xf32, #tpu.memory_space<vmem_shared>>) dst(%dma_wait3A_89 : memref<624x128xf32, #tpu.memory_space<hbm>>)
        tpu.yield
      }) : () -> ()
    } else {
    }
    %eq3A = arith.constant 15 : i32
    %eq3A_77 = arith.cmpi eq, %arg1, %eq3A : i32
    %convert_element_type3A_78 = arith.extui %eq3A_77 : i1 to i32
    %cond3A_79 = arith.constant 0 : i32
    %cond3A_80 = arith.cmpi ne, %convert_element_type3A_78, %cond3A_79 : i32
    scf.if %cond3A_80 {
      "tpu.region"() ({
        %run_scoped3A_81 = tpu.sem_alloc : memref<!tpu.dma_semaphore, #tpu.memory_space<semaphore_mem>>
        %dma_start3A_82 = arith.constant 9360 : i32
        %dma_start3A_83 = arith.constant 0 : i32
        %dma_start3A_84 = tpu.memref_slice %arg5[%arg0, %dma_start3A_82, %dma_start3A_83] : memref<2x10000x128xf32, #tpu.memory_space<hbm>> -> memref<1x640x128xf32, #tpu.memory_space<hbm>>
        %dma_start3A_85 = tpu.memref_squeeze %dma_start3A_84 : memref<1x640x128xf32, #tpu.memory_space<hbm>> -> memref<640x128xf32, #tpu.memory_space<hbm>>
        %dma_start3A_86 = arith.constant 9360 : i32
        %dma_start3A_87 = arith.constant 0 : i32
        %dma_start3A_88 = tpu.memref_slice %arg12[%dma_start3A_86, %dma_start3A_87] : memref<10112x128xf32, #tpu.memory_space<vmem_shared>> -> memref<640x128xf32, #tpu.memory_space<vmem_shared>>
        tpu.enqueue_dma source(%dma_start3A_88 : memref<640x128xf32, #tpu.memory_space<vmem_shared>>) target(%dma_start3A_85 : memref<640x128xf32, #tpu.memory_space<hbm>>) target_semaphore(%run_scoped3A_81 : memref<!tpu.dma_semaphore, #tpu.memory_space<semaphore_mem>>)
        %dma_wait3A_89 = arith.constant 9360 : i32
        %dma_wait3A_90 = arith.constant 0 : i32
        %dma_wait3A_91 = tpu.memref_slice %arg5[%arg0, %dma_wait3A_89, %dma_wait3A_90] : memref<2x10000x128xf32, #tpu.memory_space<hbm>> -> memref<1x640x128xf32, #tpu.memory_space<hbm>>
        %dma_wait3A_92 = tpu.memref_squeeze %dma_wait3A_91 : memref<1x640x128xf32, #tpu.memory_space<hbm>> -> memref<640x128xf32, #tpu.memory_space<hbm>>
        %dma_wait3A_93 = arith.constant 9360 : i32
        %dma_wait3A_94 = arith.constant 0 : i32
        %dma_wait3A_95 = tpu.memref_slice %arg12[%dma_wait3A_93, %dma_wait3A_94] : memref<10112x128xf32, #tpu.memory_space<vmem_shared>> -> memref<640x128xf32, #tpu.memory_space<vmem_shared>>
        tpu.wait_dma2 semaphore(%run_scoped3A_81 : memref<!tpu.dma_semaphore, #tpu.memory_space<semaphore_mem>>) src(%dma_wait3A_95 : memref<640x128xf32, #tpu.memory_space<vmem_shared>>) dst(%dma_wait3A_92 : memref<640x128xf32, #tpu.memory_space<hbm>>)
        tpu.yield
      }) : () -> ()
    } else {
    }
    return
  }
}

#map = affine_map<(d0, d1) -> (0, 0)>
#map1 = affine_map<(d0, d1) -> (0, 0, 0)>
module attributes {stable_mosaic.version = 14 : i64} {
  func.func @_round_body(%arg0: i32, %arg1: i32, %arg2: memref<10000x128xf32, #tpu.memory_space<hbm>>, %arg3: memref<32x10176xi32, #tpu.memory_space<hbm>>, %arg4: memref<32x106x96xi32, #tpu.memory_space<hbm>>, %arg5: memref<2x10000x128xf32, #tpu.memory_space<hbm>>, %arg6: memref<10176xi32, #tpu.memory_space<vmem>>, %arg7: memref<106x96xi32, #tpu.memory_space<vmem>>, %arg8: memref<96x128xf32, #tpu.memory_space<vmem>>, %arg9: memref<96x128xf32, #tpu.memory_space<vmem>>, %arg10: memref<!tpu.dma_semaphore, #tpu.memory_space<semaphore_mem>>, %arg11: memref<!tpu.dma_semaphore, #tpu.memory_space<semaphore_mem>>, %arg12: memref<10112x128xf32, #tpu.memory_space<vmem_shared>>) attributes {dimension_semantics = [#tpu.dimension_semantics<core_parallel>, #tpu.dimension_semantics<subcore_parallel>], iteration_bounds = array<i64: 2, 16>, scalar_prefetch = 0 : i64, scratch_operands = 7 : i64, tpu.core_type = #tpu.core_type<sc_vector_subcore>, window_params = [{transform_indices = #map}, {transform_indices = #map}, {transform_indices = #map1}, {transform_indices = #map1}]} {
    %mul3A = arith.constant 2 : i32
    %mul3A_0 = arith.muli %arg1, %mul3A : i32
    %add3A = arith.addi %mul3A_0, %arg0 : i32
    "tpu.region"() ({
      %run_scoped3A_81 = tpu.sem_alloc : memref<!tpu.dma_semaphore, #tpu.memory_space<semaphore_mem>>
      %dma_start3A_82 = arith.constant 0 : i32
      %dma_start3A_83 = tpu.memref_slice %arg3[%add3A, %dma_start3A_82] : memref<32x10176xi32, #tpu.memory_space<hbm>> -> memref<1x10176xi32, #tpu.memory_space<hbm>>
      %dma_start3A_84 = tpu.memref_squeeze %dma_start3A_83 : memref<1x10176xi32, #tpu.memory_space<hbm>> -> memref<10176xi32, #tpu.memory_space<hbm>>
      %dma_start3A_85 = arith.constant 0 : i32
      %dma_start3A_86 = tpu.memref_slice %arg3[%add3A, %dma_start3A_85] : memref<32x10176xi32, #tpu.memory_space<hbm>> -> memref<1x10176xi32, #tpu.memory_space<hbm>>
      %dma_start3A_87 = tpu.memref_squeeze %dma_start3A_86 : memref<1x10176xi32, #tpu.memory_space<hbm>> -> memref<10176xi32, #tpu.memory_space<hbm>>
      tpu.enqueue_dma source(%dma_start3A_87 : memref<10176xi32, #tpu.memory_space<hbm>>) target(%arg6 : memref<10176xi32, #tpu.memory_space<vmem>>) target_semaphore(%run_scoped3A_81 : memref<!tpu.dma_semaphore, #tpu.memory_space<semaphore_mem>>)
      %dma_wait3A_88 = arith.constant 0 : i32
      %dma_wait3A_89 = tpu.memref_slice %arg3[%add3A, %dma_wait3A_88] : memref<32x10176xi32, #tpu.memory_space<hbm>> -> memref<1x10176xi32, #tpu.memory_space<hbm>>
      %dma_wait3A_90 = tpu.memref_squeeze %dma_wait3A_89 : memref<1x10176xi32, #tpu.memory_space<hbm>> -> memref<10176xi32, #tpu.memory_space<hbm>>
      %dma_wait3A_91 = arith.constant 0 : i32
      %dma_wait3A_92 = tpu.memref_slice %arg3[%add3A, %dma_wait3A_91] : memref<32x10176xi32, #tpu.memory_space<hbm>> -> memref<1x10176xi32, #tpu.memory_space<hbm>>
      %dma_wait3A_93 = tpu.memref_squeeze %dma_wait3A_92 : memref<1x10176xi32, #tpu.memory_space<hbm>> -> memref<10176xi32, #tpu.memory_space<hbm>>
      tpu.wait_dma2 semaphore(%run_scoped3A_81 : memref<!tpu.dma_semaphore, #tpu.memory_space<semaphore_mem>>) src(%dma_wait3A_93 : memref<10176xi32, #tpu.memory_space<hbm>>) dst(%arg6 : memref<10176xi32, #tpu.memory_space<vmem>>)
      tpu.yield
    }) : () -> ()
    %while3A = arith.constant 0 : i64
    %while3A_1 = arith.constant 0 : i32
    %while3A_2 = arith.constant 96 : i32
    %while3A_3 = arith.subi %while3A_2, %while3A_1 : i32
    %while3A_4 = arith.addi %while3A_1, %while3A_3 : i32
    %while3A_5 = arith.constant 1 : i32
    %while3A_6 = arith.divsi %while3A_3, %while3A_5 : i32
    %while3A_7 = arith.muli %while3A_6, %while3A_5 : i32
    %while3A_8 = arith.addi %while3A_1, %while3A_7 : i32
    %while3A_9 = arith.constant 1 : i32
    scf.for %while3A_81 = %while3A_1 to %while3A_8 step %while3A_9  : i32 {
      %while3A_82 = arith.constant 0 : i32
      %while3A_83 = arith.constant 8 : i32
      %while3A_84 = arith.subi %while3A_83, %while3A_82 : i32
      %while3A_85 = arith.addi %while3A_82, %while3A_84 : i32
      %while3A_86 = arith.constant 1 : i32
      %while3A_87 = arith.divsi %while3A_84, %while3A_86 : i32
      %while3A_88 = arith.muli %while3A_87, %while3A_86 : i32
      %while3A_89 = arith.addi %while3A_82, %while3A_88 : i32
      %while3A_90 = arith.constant 1 : i32
      scf.for %while3A_92 = %while3A_82 to %while3A_89 step %while3A_90  : i32 {
        %broadcast_in_dim3A = arith.constant 0.000000e+00 : f32
        %broadcast_in_dim3A_93 = vector.broadcast %broadcast_in_dim3A : f32 to vector<16xf32>
        %mul3A_94 = arith.constant 16 : i32
        %mul3A_95 = arith.muli %while3A_92, %mul3A_94 : i32
        %swap3A = arith.index_cast %while3A_81 : i32 to index
        %swap3A_96 = arith.index_cast %mul3A_95 : i32 to index
        %swap3A_97 = tpu.vector_load %arg8[%swap3A, %swap3A_96] {strides = array<i32>} : memref<96x128xf32, #tpu.memory_space<vmem>>, vector<1x16xf32>,
        %swap3A_98 = vector.shape_cast %swap3A_97 : vector<1x16xf32> to vector<16xf32>
        %swap3A_99 = vector.shape_cast %broadcast_in_dim3A_93 : vector<16xf32> to vector<1x16xf32>
        tpu.vector_store %arg8[%swap3A, %swap3A_96], %swap3A_99 {strides = array<i32>} : memref<96x128xf32, #tpu.memory_space<vmem>>, vector<1x16xf32>,
      }
      %while3A_91 = arith.constant 1 : i32
      scf.for %while3A_92 = %while3A_89 to %while3A_85 step %while3A_91  : i32 {
        %broadcast_in_dim3A = arith.constant 0.000000e+00 : f32
        %broadcast_in_dim3A_93 = vector.broadcast %broadcast_in_dim3A : f32 to vector<16xf32>
        %mul3A_94 = arith.constant 16 : i32
        %mul3A_95 = arith.muli %while3A_92, %mul3A_94 : i32
        %swap3A = arith.index_cast %while3A_81 : i32 to index
        %swap3A_96 = arith.index_cast %mul3A_95 : i32 to index
        %swap3A_97 = tpu.vector_load %arg8[%swap3A, %swap3A_96] {strides = array<i32>} : memref<96x128xf32, #tpu.memory_space<vmem>>, vector<1x16xf32>,
        %swap3A_98 = vector.shape_cast %swap3A_97 : vector<1x16xf32> to vector<16xf32>
        %swap3A_99 = vector.shape_cast %broadcast_in_dim3A_93 : vector<16xf32> to vector<1x16xf32>
        tpu.vector_store %arg8[%swap3A, %swap3A_96], %swap3A_99 {strides = array<i32>} : memref<96x128xf32, #tpu.memory_space<vmem>>, vector<1x16xf32>,
      }
    }
    %while3A_10 = arith.constant 1 : i32
    scf.for %while3A_81 = %while3A_8 to %while3A_4 step %while3A_10  : i32 {
      %while3A_82 = arith.constant 0 : i32
      %while3A_83 = arith.constant 8 : i32
      %while3A_84 = arith.subi %while3A_83, %while3A_82 : i32
      %while3A_85 = arith.addi %while3A_82, %while3A_84 : i32
      %while3A_86 = arith.constant 1 : i32
      %while3A_87 = arith.divsi %while3A_84, %while3A_86 : i32
      %while3A_88 = arith.muli %while3A_87, %while3A_86 : i32
      %while3A_89 = arith.addi %while3A_82, %while3A_88 : i32
      %while3A_90 = arith.constant 1 : i32
      scf.for %while3A_92 = %while3A_82 to %while3A_89 step %while3A_90  : i32 {
        %broadcast_in_dim3A = arith.constant 0.000000e+00 : f32
        %broadcast_in_dim3A_93 = vector.broadcast %broadcast_in_dim3A : f32 to vector<16xf32>
        %mul3A_94 = arith.constant 16 : i32
        %mul3A_95 = arith.muli %while3A_92, %mul3A_94 : i32
        %swap3A = arith.index_cast %while3A_81 : i32 to index
        %swap3A_96 = arith.index_cast %mul3A_95 : i32 to index
        %swap3A_97 = tpu.vector_load %arg8[%swap3A, %swap3A_96] {strides = array<i32>} : memref<96x128xf32, #tpu.memory_space<vmem>>, vector<1x16xf32>,
        %swap3A_98 = vector.shape_cast %swap3A_97 : vector<1x16xf32> to vector<16xf32>
        %swap3A_99 = vector.shape_cast %broadcast_in_dim3A_93 : vector<16xf32> to vector<1x16xf32>
        tpu.vector_store %arg8[%swap3A, %swap3A_96], %swap3A_99 {strides = array<i32>} : memref<96x128xf32, #tpu.memory_space<vmem>>, vector<1x16xf32>,
      }
      %while3A_91 = arith.constant 1 : i32
      scf.for %while3A_92 = %while3A_89 to %while3A_85 step %while3A_91  : i32 {
        %broadcast_in_dim3A = arith.constant 0.000000e+00 : f32
        %broadcast_in_dim3A_93 = vector.broadcast %broadcast_in_dim3A : f32 to vector<16xf32>
        %mul3A_94 = arith.constant 16 : i32
        %mul3A_95 = arith.muli %while3A_92, %mul3A_94 : i32
        %swap3A = arith.index_cast %while3A_81 : i32 to index
        %swap3A_96 = arith.index_cast %mul3A_95 : i32 to index
        %swap3A_97 = tpu.vector_load %arg8[%swap3A, %swap3A_96] {strides = array<i32>} : memref<96x128xf32, #tpu.memory_space<vmem>>, vector<1x16xf32>,
        %swap3A_98 = vector.shape_cast %swap3A_97 : vector<1x16xf32> to vector<16xf32>
        %swap3A_99 = vector.shape_cast %broadcast_in_dim3A_93 : vector<16xf32> to vector<1x16xf32>
        tpu.vector_store %arg8[%swap3A, %swap3A_96], %swap3A_99 {strides = array<i32>} : memref<96x128xf32, #tpu.memory_space<vmem>>, vector<1x16xf32>,
      }
    }
    %mul3A_11 = arith.constant 632 : i32
    %mul3A_12 = arith.muli %arg1, %mul3A_11 : i32
    %add3A_13 = arith.constant 0 : i32
    %add3A_14 = arith.addi %mul3A_12, %add3A_13 : i32
    "tpu.region"() ({
      %run_scoped3A_81 = tpu.sem_alloc : memref<!tpu.dma_semaphore, #tpu.memory_space<semaphore_mem>>
      %dma_start3A_82 = arith.constant 0 : i32
      %dma_start3A_83 = tpu.memref_slice %arg12[%add3A_14, %dma_start3A_82] : memref<10112x128xf32, #tpu.memory_space<vmem_shared>> -> memref<96x128xf32, #tpu.memory_space<vmem_shared>>
      %dma_start3A_84 = arith.constant 0 : i32
      %dma_start3A_85 = tpu.memref_slice %arg12[%add3A_14, %dma_start3A_84] : memref<10112x128xf32, #tpu.memory_space<vmem_shared>> -> memref<96x128xf32, #tpu.memory_space<vmem_shared>>
      tpu.enqueue_dma source(%arg8 : memref<96x128xf32, #tpu.memory_space<vmem>>) target(%dma_start3A_85 : memref<96x128xf32, #tpu.memory_space<vmem_shared>>) target_semaphore(%run_scoped3A_81 : memref<!tpu.dma_semaphore, #tpu.memory_space<semaphore_mem>>)
      %dma_wait3A_86 = arith.constant 0 : i32
      %dma_wait3A_87 = tpu.memref_slice %arg12[%add3A_14, %dma_wait3A_86] : memref<10112x128xf32, #tpu.memory_space<vmem_shared>> -> memref<96x128xf32, #tpu.memory_space<vmem_shared>>
      %dma_wait3A_88 = arith.constant 0 : i32
      %dma_wait3A_89 = tpu.memref_slice %arg12[%add3A_14, %dma_wait3A_88] : memref<10112x128xf32, #tpu.memory_space<vmem_shared>> -> memref<96x128xf32, #tpu.memory_space<vmem_shared>>
      tpu.wait_dma2 semaphore(%run_scoped3A_81 : memref<!tpu.dma_semaphore, #tpu.memory_space<semaphore_mem>>) src(%arg8 : memref<96x128xf32, #tpu.memory_space<vmem>>) dst(%dma_wait3A_89 : memref<96x128xf32, #tpu.memory_space<vmem_shared>>)
      tpu.yield
    }) : () -> ()
    %add3A_15 = arith.constant 96 : i32
    %add3A_16 = arith.addi %mul3A_12, %add3A_15 : i32
    "tpu.region"() ({
      %run_scoped3A_81 = tpu.sem_alloc : memref<!tpu.dma_semaphore, #tpu.memory_space<semaphore_mem>>
      %dma_start3A_82 = arith.constant 0 : i32
      %dma_start3A_83 = tpu.memref_slice %arg12[%add3A_16, %dma_start3A_82] : memref<10112x128xf32, #tpu.memory_space<vmem_shared>> -> memref<96x128xf32, #tpu.memory_space<vmem_shared>>
      %dma_start3A_84 = arith.constant 0 : i32
      %dma_start3A_85 = tpu.memref_slice %arg12[%add3A_16, %dma_start3A_84] : memref<10112x128xf32, #tpu.memory_space<vmem_shared>> -> memref<96x128xf32, #tpu.memory_space<vmem_shared>>
      tpu.enqueue_dma source(%arg8 : memref<96x128xf32, #tpu.memory_space<vmem>>) target(%dma_start3A_85 : memref<96x128xf32, #tpu.memory_space<vmem_shared>>) target_semaphore(%run_scoped3A_81 : memref<!tpu.dma_semaphore, #tpu.memory_space<semaphore_mem>>)
      %dma_wait3A_86 = arith.constant 0 : i32
      %dma_wait3A_87 = tpu.memref_slice %arg12[%add3A_16, %dma_wait3A_86] : memref<10112x128xf32, #tpu.memory_space<vmem_shared>> -> memref<96x128xf32, #tpu.memory_space<vmem_shared>>
      %dma_wait3A_88 = arith.constant 0 : i32
      %dma_wait3A_89 = tpu.memref_slice %arg12[%add3A_16, %dma_wait3A_88] : memref<10112x128xf32, #tpu.memory_space<vmem_shared>> -> memref<96x128xf32, #tpu.memory_space<vmem_shared>>
      tpu.wait_dma2 semaphore(%run_scoped3A_81 : memref<!tpu.dma_semaphore, #tpu.memory_space<semaphore_mem>>) src(%arg8 : memref<96x128xf32, #tpu.memory_space<vmem>>) dst(%dma_wait3A_89 : memref<96x128xf32, #tpu.memory_space<vmem_shared>>)
      tpu.yield
    }) : () -> ()
    %add3A_17 = arith.constant 192 : i32
    %add3A_18 = arith.addi %mul3A_12, %add3A_17 : i32
    "tpu.region"() ({
      %run_scoped3A_81 = tpu.sem_alloc : memref<!tpu.dma_semaphore, #tpu.memory_space<semaphore_mem>>
      %dma_start3A_82 = arith.constant 0 : i32
      %dma_start3A_83 = tpu.memref_slice %arg12[%add3A_18, %dma_start3A_82] : memref<10112x128xf32, #tpu.memory_space<vmem_shared>> -> memref<96x128xf32, #tpu.memory_space<vmem_shared>>
      %dma_start3A_84 = arith.constant 0 : i32
      %dma_start3A_85 = tpu.memref_slice %arg12[%add3A_18, %dma_start3A_84] : memref<10112x128xf32, #tpu.memory_space<vmem_shared>> -> memref<96x128xf32, #tpu.memory_space<vmem_shared>>
      tpu.enqueue_dma source(%arg8 : memref<96x128xf32, #tpu.memory_space<vmem>>) target(%dma_start3A_85 : memref<96x128xf32, #tpu.memory_space<vmem_shared>>) target_semaphore(%run_scoped3A_81 : memref<!tpu.dma_semaphore, #tpu.memory_space<semaphore_mem>>)
      %dma_wait3A_86 = arith.constant 0 : i32
      %dma_wait3A_87 = tpu.memref_slice %arg12[%add3A_18, %dma_wait3A_86] : memref<10112x128xf32, #tpu.memory_space<vmem_shared>> -> memref<96x128xf32, #tpu.memory_space<vmem_shared>>
      %dma_wait3A_88 = arith.constant 0 : i32
      %dma_wait3A_89 = tpu.memref_slice %arg12[%add3A_18, %dma_wait3A_88] : memref<10112x128xf32, #tpu.memory_space<vmem_shared>> -> memref<96x128xf32, #tpu.memory_space<vmem_shared>>
      tpu.wait_dma2 semaphore(%run_scoped3A_81 : memref<!tpu.dma_semaphore, #tpu.memory_space<semaphore_mem>>) src(%arg8 : memref<96x128xf32, #tpu.memory_space<vmem>>) dst(%dma_wait3A_89 : memref<96x128xf32, #tpu.memory_space<vmem_shared>>)
      tpu.yield
    }) : () -> ()
    %add3A_19 = arith.constant 288 : i32
    %add3A_20 = arith.addi %mul3A_12, %add3A_19 : i32
    "tpu.region"() ({
      %run_scoped3A_81 = tpu.sem_alloc : memref<!tpu.dma_semaphore, #tpu.memory_space<semaphore_mem>>
      %dma_start3A_82 = arith.constant 0 : i32
      %dma_start3A_83 = tpu.memref_slice %arg12[%add3A_20, %dma_start3A_82] : memref<10112x128xf32, #tpu.memory_space<vmem_shared>> -> memref<96x128xf32, #tpu.memory_space<vmem_shared>>
      %dma_start3A_84 = arith.constant 0 : i32
      %dma_start3A_85 = tpu.memref_slice %arg12[%add3A_20, %dma_start3A_84] : memref<10112x128xf32, #tpu.memory_space<vmem_shared>> -> memref<96x128xf32, #tpu.memory_space<vmem_shared>>
      tpu.enqueue_dma source(%arg8 : memref<96x128xf32, #tpu.memory_space<vmem>>) target(%dma_start3A_85 : memref<96x128xf32, #tpu.memory_space<vmem_shared>>) target_semaphore(%run_scoped3A_81 : memref<!tpu.dma_semaphore, #tpu.memory_space<semaphore_mem>>)
      %dma_wait3A_86 = arith.constant 0 : i32
      %dma_wait3A_87 = tpu.memref_slice %arg12[%add3A_20, %dma_wait3A_86] : memref<10112x128xf32, #tpu.memory_space<vmem_shared>> -> memref<96x128xf32, #tpu.memory_space<vmem_shared>>
      %dma_wait3A_88 = arith.constant 0 : i32
      %dma_wait3A_89 = tpu.memref_slice %arg12[%add3A_20, %dma_wait3A_88] : memref<10112x128xf32, #tpu.memory_space<vmem_shared>> -> memref<96x128xf32, #tpu.memory_space<vmem_shared>>
      tpu.wait_dma2 semaphore(%run_scoped3A_81 : memref<!tpu.dma_semaphore, #tpu.memory_space<semaphore_mem>>) src(%arg8 : memref<96x128xf32, #tpu.memory_space<vmem>>) dst(%dma_wait3A_89 : memref<96x128xf32, #tpu.memory_space<vmem_shared>>)
      tpu.yield
    }) : () -> ()
    %add3A_21 = arith.constant 384 : i32
    %add3A_22 = arith.addi %mul3A_12, %add3A_21 : i32
    "tpu.region"() ({
      %run_scoped3A_81 = tpu.sem_alloc : memref<!tpu.dma_semaphore, #tpu.memory_space<semaphore_mem>>
      %dma_start3A_82 = arith.constant 0 : i32
      %dma_start3A_83 = tpu.memref_slice %arg12[%add3A_22, %dma_start3A_82] : memref<10112x128xf32, #tpu.memory_space<vmem_shared>> -> memref<96x128xf32, #tpu.memory_space<vmem_shared>>
      %dma_start3A_84 = arith.constant 0 : i32
      %dma_start3A_85 = tpu.memref_slice %arg12[%add3A_22, %dma_start3A_84] : memref<10112x128xf32, #tpu.memory_space<vmem_shared>> -> memref<96x128xf32, #tpu.memory_space<vmem_shared>>
      tpu.enqueue_dma source(%arg8 : memref<96x128xf32, #tpu.memory_space<vmem>>) target(%dma_start3A_85 : memref<96x128xf32, #tpu.memory_space<vmem_shared>>) target_semaphore(%run_scoped3A_81 : memref<!tpu.dma_semaphore, #tpu.memory_space<semaphore_mem>>)
      %dma_wait3A_86 = arith.constant 0 : i32
      %dma_wait3A_87 = tpu.memref_slice %arg12[%add3A_22, %dma_wait3A_86] : memref<10112x128xf32, #tpu.memory_space<vmem_shared>> -> memref<96x128xf32, #tpu.memory_space<vmem_shared>>
      %dma_wait3A_88 = arith.constant 0 : i32
      %dma_wait3A_89 = tpu.memref_slice %arg12[%add3A_22, %dma_wait3A_88] : memref<10112x128xf32, #tpu.memory_space<vmem_shared>> -> memref<96x128xf32, #tpu.memory_space<vmem_shared>>
      tpu.wait_dma2 semaphore(%run_scoped3A_81 : memref<!tpu.dma_semaphore, #tpu.memory_space<semaphore_mem>>) src(%arg8 : memref<96x128xf32, #tpu.memory_space<vmem>>) dst(%dma_wait3A_89 : memref<96x128xf32, #tpu.memory_space<vmem_shared>>)
      tpu.yield
    }) : () -> ()
    %add3A_23 = arith.constant 480 : i32
    %add3A_24 = arith.addi %mul3A_12, %add3A_23 : i32
    "tpu.region"() ({
      %run_scoped3A_81 = tpu.sem_alloc : memref<!tpu.dma_semaphore, #tpu.memory_space<semaphore_mem>>
      %dma_start3A_82 = arith.constant 0 : i32
      %dma_start3A_83 = tpu.memref_slice %arg12[%add3A_24, %dma_start3A_82] : memref<10112x128xf32, #tpu.memory_space<vmem_shared>> -> memref<96x128xf32, #tpu.memory_space<vmem_shared>>
      %dma_start3A_84 = arith.constant 0 : i32
      %dma_start3A_85 = tpu.memref_slice %arg12[%add3A_24, %dma_start3A_84] : memref<10112x128xf32, #tpu.memory_space<vmem_shared>> -> memref<96x128xf32, #tpu.memory_space<vmem_shared>>
      tpu.enqueue_dma source(%arg8 : memref<96x128xf32, #tpu.memory_space<vmem>>) target(%dma_start3A_85 : memref<96x128xf32, #tpu.memory_space<vmem_shared>>) target_semaphore(%run_scoped3A_81 : memref<!tpu.dma_semaphore, #tpu.memory_space<semaphore_mem>>)
      %dma_wait3A_86 = arith.constant 0 : i32
      %dma_wait3A_87 = tpu.memref_slice %arg12[%add3A_24, %dma_wait3A_86] : memref<10112x128xf32, #tpu.memory_space<vmem_shared>> -> memref<96x128xf32, #tpu.memory_space<vmem_shared>>
      %dma_wait3A_88 = arith.constant 0 : i32
      %dma_wait3A_89 = tpu.memref_slice %arg12[%add3A_24, %dma_wait3A_88] : memref<10112x128xf32, #tpu.memory_space<vmem_shared>> -> memref<96x128xf32, #tpu.memory_space<vmem_shared>>
      tpu.wait_dma2 semaphore(%run_scoped3A_81 : memref<!tpu.dma_semaphore, #tpu.memory_space<semaphore_mem>>) src(%arg8 : memref<96x128xf32, #tpu.memory_space<vmem>>) dst(%dma_wait3A_89 : memref<96x128xf32, #tpu.memory_space<vmem_shared>>)
      tpu.yield
    }) : () -> ()
    %add3A_25 = arith.constant 576 : i32
    %add3A_26 = arith.addi %mul3A_12, %add3A_25 : i32
    "tpu.region"() ({
      %run_scoped3A_81 = tpu.sem_alloc : memref<!tpu.dma_semaphore, #tpu.memory_space<semaphore_mem>>
      %dma_start3A_82 = arith.constant 0 : i32
      %dma_start3A_83 = arith.constant 0 : i32
      %dma_start3A_84 = tpu.memref_slice %arg8[%dma_start3A_82, %dma_start3A_83] : memref<96x128xf32, #tpu.memory_space<vmem>> -> memref<56x128xf32, #tpu.memory_space<vmem>>
      %dma_start3A_85 = arith.constant 0 : i32
      %dma_start3A_86 = tpu.memref_slice %arg12[%add3A_26, %dma_start3A_85] : memref<10112x128xf32, #tpu.memory_space<vmem_shared>> -> memref<56x128xf32, #tpu.memory_space<vmem_shared>>
      %dma_start3A_87 = arith.constant 0 : i32
      %dma_start3A_88 = tpu.memref_slice %arg12[%add3A_26, %dma_start3A_87] : memref<10112x128xf32, #tpu.memory_space<vmem_shared>> -> memref<56x128xf32, #tpu.memory_space<vmem_shared>>
      %dma_start3A_89 = arith.constant 0 : i32
      %dma_start3A_90 = arith.constant 0 : i32
      %dma_start3A_91 = tpu.memref_slice %arg8[%dma_start3A_89, %dma_start3A_90] : memref<96x128xf32, #tpu.memory_space<vmem>> -> memref<56x128xf32, #tpu.memory_space<vmem>>
      tpu.enqueue_dma source(%dma_start3A_91 : memref<56x128xf32, #tpu.memory_space<vmem>>) target(%dma_start3A_88 : memref<56x128xf32, #tpu.memory_space<vmem_shared>>) target_semaphore(%run_scoped3A_81 : memref<!tpu.dma_semaphore, #tpu.memory_space<semaphore_mem>>)
      %dma_wait3A_92 = arith.constant 0 : i32
      %dma_wait3A_93 = arith.constant 0 : i32
      %dma_wait3A_94 = tpu.memref_slice %arg8[%dma_wait3A_92, %dma_wait3A_93] : memref<96x128xf32, #tpu.memory_space<vmem>> -> memref<56x128xf32, #tpu.memory_space<vmem>>
      %dma_wait3A_95 = arith.constant 0 : i32
      %dma_wait3A_96 = tpu.memref_slice %arg12[%add3A_26, %dma_wait3A_95] : memref<10112x128xf32, #tpu.memory_space<vmem_shared>> -> memref<56x128xf32, #tpu.memory_space<vmem_shared>>
      %dma_wait3A_97 = arith.constant 0 : i32
      %dma_wait3A_98 = tpu.memref_slice %arg12[%add3A_26, %dma_wait3A_97] : memref<10112x128xf32, #tpu.memory_space<vmem_shared>> -> memref<56x128xf32, #tpu.memory_space<vmem_shared>>
      %dma_wait3A_99 = arith.constant 0 : i32
      %dma_wait3A_100 = arith.constant 0 : i32
      %dma_wait3A_101 = tpu.memref_slice %arg8[%dma_wait3A_99, %dma_wait3A_100] : memref<96x128xf32, #tpu.memory_space<vmem>> -> memref<56x128xf32, #tpu.memory_space<vmem>>
      tpu.wait_dma2 semaphore(%run_scoped3A_81 : memref<!tpu.dma_semaphore, #tpu.memory_space<semaphore_mem>>) src(%dma_wait3A_101 : memref<56x128xf32, #tpu.memory_space<vmem>>) dst(%dma_wait3A_98 : memref<56x128xf32, #tpu.memory_space<vmem_shared>>)
      tpu.yield
    }) : () -> ()
    %barrier3A = arith.constant 0 : index
    tpu.barrier barrier_id(%barrier3A)
    "tpu.region"() ({
      %run_scoped3A_81 = tpu.sem_alloc : memref<!tpu.dma_semaphore, #tpu.memory_space<semaphore_mem>>
      %dma_start3A_82 = arith.constant 0 : i32
      %dma_start3A_83 = arith.constant 0 : i32
      %dma_start3A_84 = tpu.memref_slice %arg4[%add3A, %dma_start3A_82, %dma_start3A_83] : memref<32x106x96xi32, #tpu.memory_space<hbm>> -> memref<1x106x96xi32, #tpu.memory_space<hbm>>
      %dma_start3A_85 = tpu.memref_squeeze %dma_start3A_84 : memref<1x106x96xi32, #tpu.memory_space<hbm>> -> memref<106x96xi32, #tpu.memory_space<hbm>>
      %dma_start3A_86 = arith.constant 0 : i32
      %dma_start3A_87 = arith.constant 0 : i32
      %dma_start3A_88 = tpu.memref_slice %arg4[%add3A, %dma_start3A_86, %dma_start3A_87] : memref<32x106x96xi32, #tpu.memory_space<hbm>> -> memref<1x106x96xi32, #tpu.memory_space<hbm>>
      %dma_start3A_89 = tpu.memref_squeeze %dma_start3A_88 : memref<1x106x96xi32, #tpu.memory_space<hbm>> -> memref<106x96xi32, #tpu.memory_space<hbm>>
      tpu.enqueue_dma source(%dma_start3A_89 : memref<106x96xi32, #tpu.memory_space<hbm>>) target(%arg7 : memref<106x96xi32, #tpu.memory_space<vmem>>) target_semaphore(%run_scoped3A_81 : memref<!tpu.dma_semaphore, #tpu.memory_space<semaphore_mem>>)
      %dma_wait3A_90 = arith.constant 0 : i32
      %dma_wait3A_91 = arith.constant 0 : i32
      %dma_wait3A_92 = tpu.memref_slice %arg4[%add3A, %dma_wait3A_90, %dma_wait3A_91] : memref<32x106x96xi32, #tpu.memory_space<hbm>> -> memref<1x106x96xi32, #tpu.memory_space<hbm>>
      %dma_wait3A_93 = tpu.memref_squeeze %dma_wait3A_92 : memref<1x106x96xi32, #tpu.memory_space<hbm>> -> memref<106x96xi32, #tpu.memory_space<hbm>>
      %dma_wait3A_94 = arith.constant 0 : i32
      %dma_wait3A_95 = arith.constant 0 : i32
      %dma_wait3A_96 = tpu.memref_slice %arg4[%add3A, %dma_wait3A_94, %dma_wait3A_95] : memref<32x106x96xi32, #tpu.memory_space<hbm>> -> memref<1x106x96xi32, #tpu.memory_space<hbm>>
      %dma_wait3A_97 = tpu.memref_squeeze %dma_wait3A_96 : memref<1x106x96xi32, #tpu.memory_space<hbm>> -> memref<106x96xi32, #tpu.memory_space<hbm>>
      tpu.wait_dma2 semaphore(%run_scoped3A_81 : memref<!tpu.dma_semaphore, #tpu.memory_space<semaphore_mem>>) src(%dma_wait3A_97 : memref<106x96xi32, #tpu.memory_space<hbm>>) dst(%arg7 : memref<106x96xi32, #tpu.memory_space<vmem>>)
      tpu.yield
    }) : () -> ()
    %mul3A_27 = arith.constant 0 : i32
    %mul3A_28 = arith.constant 96 : i32
    %mul3A_29 = arith.muli %mul3A_27, %mul3A_28 : i32
    %dma_start3A = tpu.memref_slice %arg6[%mul3A_29] : memref<10176xi32, #tpu.memory_space<vmem>> -> memref<96xi32, #tpu.memory_space<vmem>>
    %dma_start3A_30 = arith.constant 0 : i32
    %dma_start3A_31 = arith.constant 0 : i32
    %dma_start3A_32 = tpu.memref_slice %arg2[%dma_start3A_30, %dma_start3A_31] : memref<10000x128xf32, #tpu.memory_space<hbm>> -> memref<10000x128xf32, #tpu.memory_space<hbm>>
    tpu.enqueue_indirect_dma source(%dma_start3A_32 : memref<10000x128xf32, #tpu.memory_space<hbm>>) target(%arg8 : memref<96x128xf32, #tpu.memory_space<vmem>>) offsets(%dma_start3A : memref<96xi32, #tpu.memory_space<vmem>>) semaphore(%arg10 : memref<!tpu.dma_semaphore, #tpu.memory_space<semaphore_mem>>)
    %while3A_33 = arith.constant 0 : i64
    %while3A_34 = arith.constant 0 : i32
    %while3A_35 = arith.constant 52 : i32
    %while3A_36 = arith.subi %while3A_35, %while3A_34 : i32
    %while3A_37 = arith.addi %while3A_34, %while3A_36 : i32
    %while3A_38 = arith.constant 1 : i32
    %while3A_39 = arith.divsi %while3A_36, %while3A_38 : i32
    %while3A_40 = arith.muli %while3A_39, %while3A_38 : i32
    %while3A_41 = arith.addi %while3A_34, %while3A_40 : i32
    %while3A_42 = arith.constant 1 : i32
    scf.for %while3A_81 = %while3A_34 to %while3A_41 step %while3A_42  : i32 {
      %mul3A_82 = arith.constant 2 : i32
      %mul3A_83 = arith.muli %mul3A_82, %while3A_81 : i32
      %mul3A_84 = arith.constant 96 : i32
      %mul3A_85 = arith.muli %mul3A_83, %mul3A_84 : i32
      %dma_wait3A_86 = tpu.memref_slice %arg6[%mul3A_85] : memref<10176xi32, #tpu.memory_space<vmem>> -> memref<96xi32, #tpu.memory_space<vmem>>
      %dma_wait3A_87 = arith.constant 0 : i32
      %dma_wait3A_88 = arith.constant 0 : i32
      %dma_wait3A_89 = tpu.memref_slice %arg2[%dma_wait3A_87, %dma_wait3A_88] : memref<10000x128xf32, #tpu.memory_space<hbm>> -> memref<10000x128xf32, #tpu.memory_space<hbm>>
      tpu.wait_indirect_dma semaphore(%arg10 : memref<!tpu.dma_semaphore, #tpu.memory_space<semaphore_mem>>) src(%dma_wait3A_89 : memref<10000x128xf32, #tpu.memory_space<hbm>>) dst(%arg8 : memref<96x128xf32, #tpu.memory_space<vmem>>)
      %add3A_90 = arith.constant 1 : i32
      %add3A_91 = arith.addi %mul3A_83, %add3A_90 : i32
      %mul3A_92 = arith.constant 96 : i32
      %mul3A_93 = arith.muli %add3A_91, %mul3A_92 : i32
      %dma_start3A_94 = tpu.memref_slice %arg6[%mul3A_93] : memref<10176xi32, #tpu.memory_space<vmem>> -> memref<96xi32, #tpu.memory_space<vmem>>
      %dma_start3A_95 = arith.constant 0 : i32
      %dma_start3A_96 = arith.constant 0 : i32
      %dma_start3A_97 = tpu.memref_slice %arg2[%dma_start3A_95, %dma_start3A_96] : memref<10000x128xf32, #tpu.memory_space<hbm>> -> memref<10000x128xf32, #tpu.memory_space<hbm>>
      tpu.enqueue_indirect_dma source(%dma_start3A_97 : memref<10000x128xf32, #tpu.memory_space<hbm>>) target(%arg9 : memref<96x128xf32, #tpu.memory_space<vmem>>) offsets(%dma_start3A_94 : memref<96xi32, #tpu.memory_space<vmem>>) semaphore(%arg11 : memref<!tpu.dma_semaphore, #tpu.memory_space<semaphore_mem>>)
      "tpu.region"() ({
        %run_scoped3A_116 = tpu.sem_alloc : memref<!tpu.dma_semaphore, #tpu.memory_space<semaphore_mem>>
        %dma_start3A_117 = arith.constant 0 : i32
        %dma_start3A_118 = tpu.memref_slice %arg7[%mul3A_83, %dma_start3A_117] : memref<106x96xi32, #tpu.memory_space<vmem>> -> memref<1x96xi32, #tpu.memory_space<vmem>>
        %dma_start3A_119 = tpu.memref_squeeze %dma_start3A_118 : memref<1x96xi32, #tpu.memory_space<vmem>> -> memref<96xi32, #tpu.memory_space<vmem>>
        %dma_start3A_120 = arith.constant 0 : i32
        %dma_start3A_121 = arith.constant 0 : i32
        %dma_start3A_122 = tpu.memref_slice %arg12[%dma_start3A_120, %dma_start3A_121] : memref<10112x128xf32, #tpu.memory_space<vmem_shared>> -> memref<10112x128xf32, #tpu.memory_space<vmem_shared>>
        tpu.enqueue_indirect_dma source(%arg8 : memref<96x128xf32, #tpu.memory_space<vmem>>) target(%dma_start3A_122 : memref<10112x128xf32, #tpu.memory_space<vmem_shared>>) offsets(%dma_start3A_119 : memref<96xi32, #tpu.memory_space<vmem>>) semaphore(%run_scoped3A_116 : memref<!tpu.dma_semaphore, #tpu.memory_space<semaphore_mem>>) {add = true}
        %dma_wait3A_123 = arith.constant 0 : i32
        %dma_wait3A_124 = tpu.memref_slice %arg7[%mul3A_83, %dma_wait3A_123] : memref<106x96xi32, #tpu.memory_space<vmem>> -> memref<1x96xi32, #tpu.memory_space<vmem>>
        %dma_wait3A_125 = tpu.memref_squeeze %dma_wait3A_124 : memref<1x96xi32, #tpu.memory_space<vmem>> -> memref<96xi32, #tpu.memory_space<vmem>>
        %dma_wait3A_126 = arith.constant 0 : i32
        %dma_wait3A_127 = arith.constant 0 : i32
        %dma_wait3A_128 = tpu.memref_slice %arg12[%dma_wait3A_126, %dma_wait3A_127] : memref<10112x128xf32, #tpu.memory_space<vmem_shared>> -> memref<10112x128xf32, #tpu.memory_space<vmem_shared>>
        tpu.wait_indirect_dma semaphore(%run_scoped3A_116 : memref<!tpu.dma_semaphore, #tpu.memory_space<semaphore_mem>>) src(%arg8 : memref<96x128xf32, #tpu.memory_space<vmem>>) dst(%dma_wait3A_128 : memref<10112x128xf32, #tpu.memory_space<vmem_shared>>)
        tpu.yield
      }) : () -> ()
      %add3A_98 = arith.constant 1 : i32
      %add3A_99 = arith.addi %mul3A_83, %add3A_98 : i32
      %mul3A_100 = arith.constant 96 : i32
      %mul3A_101 = arith.muli %add3A_99, %mul3A_100 : i32
      %dma_wait3A_102 = tpu.memref_slice %arg6[%mul3A_101] : memref<10176xi32, #tpu.memory_space<vmem>> -> memref<96xi32, #tpu.memory_space<vmem>>
      %dma_wait3A_103 = arith.constant 0 : i32
      %dma_wait3A_104 = arith.constant 0 : i32
      %dma_wait3A_105 = tpu.memref_slice %arg2[%dma_wait3A_103, %dma_wait3A_104] : memref<10000x128xf32, #tpu.memory_space<hbm>> -> memref<10000x128xf32, #tpu.memory_space<hbm>>
      tpu.wait_indirect_dma semaphore(%arg11 : memref<!tpu.dma_semaphore, #tpu.memory_space<semaphore_mem>>) src(%dma_wait3A_105 : memref<10000x128xf32, #tpu.memory_space<hbm>>) dst(%arg9 : memref<96x128xf32, #tpu.memory_space<vmem>>)
      %add3A_106 = arith.constant 2 : i32
      %add3A_107 = arith.addi %mul3A_83, %add3A_106 : i32
      %mul3A_108 = arith.constant 96 : i32
      %mul3A_109 = arith.muli %add3A_107, %mul3A_108 : i32
      %dma_start3A_110 = tpu.memref_slice %arg6[%mul3A_109] : memref<10176xi32, #tpu.memory_space<vmem>> -> memref<96xi32, #tpu.memory_space<vmem>>
      %dma_start3A_111 = arith.constant 0 : i32
      %dma_start3A_112 = arith.constant 0 : i32
      %dma_start3A_113 = tpu.memref_slice %arg2[%dma_start3A_111, %dma_start3A_112] : memref<10000x128xf32, #tpu.memory_space<hbm>> -> memref<10000x128xf32, #tpu.memory_space<hbm>>
      tpu.enqueue_indirect_dma source(%dma_start3A_113 : memref<10000x128xf32, #tpu.memory_space<hbm>>) target(%arg8 : memref<96x128xf32, #tpu.memory_space<vmem>>) offsets(%dma_start3A_110 : memref<96xi32, #tpu.memory_space<vmem>>) semaphore(%arg10 : memref<!tpu.dma_semaphore, #tpu.memory_space<semaphore_mem>>)
      %add3A_114 = arith.constant 1 : i32
      %add3A_115 = arith.addi %mul3A_83, %add3A_114 : i32
      "tpu.region"() ({
        %run_scoped3A_116 = tpu.sem_alloc : memref<!tpu.dma_semaphore, #tpu.memory_space<semaphore_mem>>
        %dma_start3A_117 = arith.constant 0 : i32
        %dma_start3A_118 = tpu.memref_slice %arg7[%add3A_115, %dma_start3A_117] : memref<106x96xi32, #tpu.memory_space<vmem>> -> memref<1x96xi32, #tpu.memory_space<vmem>>
        %dma_start3A_119 = tpu.memref_squeeze %dma_start3A_118 : memref<1x96xi32, #tpu.memory_space<vmem>> -> memref<96xi32, #tpu.memory_space<vmem>>
        %dma_start3A_120 = arith.constant 0 : i32
        %dma_start3A_121 = arith.constant 0 : i32
        %dma_start3A_122 = tpu.memref_slice %arg12[%dma_start3A_120, %dma_start3A_121] : memref<10112x128xf32, #tpu.memory_space<vmem_shared>> -> memref<10112x128xf32, #tpu.memory_space<vmem_shared>>
        tpu.enqueue_indirect_dma source(%arg9 : memref<96x128xf32, #tpu.memory_space<vmem>>) target(%dma_start3A_122 : memref<10112x128xf32, #tpu.memory_space<vmem_shared>>) offsets(%dma_start3A_119 : memref<96xi32, #tpu.memory_space<vmem>>) semaphore(%run_scoped3A_116 : memref<!tpu.dma_semaphore, #tpu.memory_space<semaphore_mem>>) {add = true}
        %dma_wait3A_123 = arith.constant 0 : i32
        %dma_wait3A_124 = tpu.memref_slice %arg7[%add3A_115, %dma_wait3A_123] : memref<106x96xi32, #tpu.memory_space<vmem>> -> memref<1x96xi32, #tpu.memory_space<vmem>>
        %dma_wait3A_125 = tpu.memref_squeeze %dma_wait3A_124 : memref<1x96xi32, #tpu.memory_space<vmem>> -> memref<96xi32, #tpu.memory_space<vmem>>
        %dma_wait3A_126 = arith.constant 0 : i32
        %dma_wait3A_127 = arith.constant 0 : i32
        %dma_wait3A_128 = tpu.memref_slice %arg12[%dma_wait3A_126, %dma_wait3A_127] : memref<10112x128xf32, #tpu.memory_space<vmem_shared>> -> memref<10112x128xf32, #tpu.memory_space<vmem_shared>>
        tpu.wait_indirect_dma semaphore(%run_scoped3A_116 : memref<!tpu.dma_semaphore, #tpu.memory_space<semaphore_mem>>) src(%arg9 : memref<96x128xf32, #tpu.memory_space<vmem>>) dst(%dma_wait3A_128 : memref<10112x128xf32, #tpu.memory_space<vmem_shared>>)
        tpu.yield
      }) : () -> ()
    }
    %while3A_43 = arith.constant 1 : i32
    scf.for %while3A_81 = %while3A_41 to %while3A_37 step %while3A_43  : i32 {
      %mul3A_82 = arith.constant 2 : i32
      %mul3A_83 = arith.muli %mul3A_82, %while3A_81 : i32
      %mul3A_84 = arith.constant 96 : i32
      %mul3A_85 = arith.muli %mul3A_83, %mul3A_84 : i32
      %dma_wait3A_86 = tpu.memref_slice %arg6[%mul3A_85] : memref<10176xi32, #tpu.memory_space<vmem>> -> memref<96xi32, #tpu.memory_space<vmem>>
      %dma_wait3A_87 = arith.constant 0 : i32
      %dma_wait3A_88 = arith.constant 0 : i32
      %dma_wait3A_89 = tpu.memref_slice %arg2[%dma_wait3A_87, %dma_wait3A_88] : memref<10000x128xf32, #tpu.memory_space<hbm>> -> memref<10000x128xf32, #tpu.memory_space<hbm>>
      tpu.wait_indirect_dma semaphore(%arg10 : memref<!tpu.dma_semaphore, #tpu.memory_space<semaphore_mem>>) src(%dma_wait3A_89 : memref<10000x128xf32, #tpu.memory_space<hbm>>) dst(%arg8 : memref<96x128xf32, #tpu.memory_space<vmem>>)
      %add3A_90 = arith.constant 1 : i32
      %add3A_91 = arith.addi %mul3A_83, %add3A_90 : i32
      %mul3A_92 = arith.constant 96 : i32
      %mul3A_93 = arith.muli %add3A_91, %mul3A_92 : i32
      %dma_start3A_94 = tpu.memref_slice %arg6[%mul3A_93] : memref<10176xi32, #tpu.memory_space<vmem>> -> memref<96xi32, #tpu.memory_space<vmem>>
      %dma_start3A_95 = arith.constant 0 : i32
      %dma_start3A_96 = arith.constant 0 : i32
      %dma_start3A_97 = tpu.memref_slice %arg2[%dma_start3A_95, %dma_start3A_96] : memref<10000x128xf32, #tpu.memory_space<hbm>> -> memref<10000x128xf32, #tpu.memory_space<hbm>>
      tpu.enqueue_indirect_dma source(%dma_start3A_97 : memref<10000x128xf32, #tpu.memory_space<hbm>>) target(%arg9 : memref<96x128xf32, #tpu.memory_space<vmem>>) offsets(%dma_start3A_94 : memref<96xi32, #tpu.memory_space<vmem>>) semaphore(%arg11 : memref<!tpu.dma_semaphore, #tpu.memory_space<semaphore_mem>>)
      "tpu.region"() ({
        %run_scoped3A_116 = tpu.sem_alloc : memref<!tpu.dma_semaphore, #tpu.memory_space<semaphore_mem>>
        %dma_start3A_117 = arith.constant 0 : i32
        %dma_start3A_118 = tpu.memref_slice %arg7[%mul3A_83, %dma_start3A_117] : memref<106x96xi32, #tpu.memory_space<vmem>> -> memref<1x96xi32, #tpu.memory_space<vmem>>
        %dma_start3A_119 = tpu.memref_squeeze %dma_start3A_118 : memref<1x96xi32, #tpu.memory_space<vmem>> -> memref<96xi32, #tpu.memory_space<vmem>>
        %dma_start3A_120 = arith.constant 0 : i32
        %dma_start3A_121 = arith.constant 0 : i32
        %dma_start3A_122 = tpu.memref_slice %arg12[%dma_start3A_120, %dma_start3A_121] : memref<10112x128xf32, #tpu.memory_space<vmem_shared>> -> memref<10112x128xf32, #tpu.memory_space<vmem_shared>>
        tpu.enqueue_indirect_dma source(%arg8 : memref<96x128xf32, #tpu.memory_space<vmem>>) target(%dma_start3A_122 : memref<10112x128xf32, #tpu.memory_space<vmem_shared>>) offsets(%dma_start3A_119 : memref<96xi32, #tpu.memory_space<vmem>>) semaphore(%run_scoped3A_116 : memref<!tpu.dma_semaphore, #tpu.memory_space<semaphore_mem>>) {add = true}
        %dma_wait3A_123 = arith.constant 0 : i32
        %dma_wait3A_124 = tpu.memref_slice %arg7[%mul3A_83, %dma_wait3A_123] : memref<106x96xi32, #tpu.memory_space<vmem>> -> memref<1x96xi32, #tpu.memory_space<vmem>>
        %dma_wait3A_125 = tpu.memref_squeeze %dma_wait3A_124 : memref<1x96xi32, #tpu.memory_space<vmem>> -> memref<96xi32, #tpu.memory_space<vmem>>
        %dma_wait3A_126 = arith.constant 0 : i32
        %dma_wait3A_127 = arith.constant 0 : i32
        %dma_wait3A_128 = tpu.memref_slice %arg12[%dma_wait3A_126, %dma_wait3A_127] : memref<10112x128xf32, #tpu.memory_space<vmem_shared>> -> memref<10112x128xf32, #tpu.memory_space<vmem_shared>>
        tpu.wait_indirect_dma semaphore(%run_scoped3A_116 : memref<!tpu.dma_semaphore, #tpu.memory_space<semaphore_mem>>) src(%arg8 : memref<96x128xf32, #tpu.memory_space<vmem>>) dst(%dma_wait3A_128 : memref<10112x128xf32, #tpu.memory_space<vmem_shared>>)
        tpu.yield
      }) : () -> ()
      %add3A_98 = arith.constant 1 : i32
      %add3A_99 = arith.addi %mul3A_83, %add3A_98 : i32
      %mul3A_100 = arith.constant 96 : i32
      %mul3A_101 = arith.muli %add3A_99, %mul3A_100 : i32
      %dma_wait3A_102 = tpu.memref_slice %arg6[%mul3A_101] : memref<10176xi32, #tpu.memory_space<vmem>> -> memref<96xi32, #tpu.memory_space<vmem>>
      %dma_wait3A_103 = arith.constant 0 : i32
      %dma_wait3A_104 = arith.constant 0 : i32
      %dma_wait3A_105 = tpu.memref_slice %arg2[%dma_wait3A_103, %dma_wait3A_104] : memref<10000x128xf32, #tpu.memory_space<hbm>> -> memref<10000x128xf32, #tpu.memory_space<hbm>>
      tpu.wait_indirect_dma semaphore(%arg11 : memref<!tpu.dma_semaphore, #tpu.memory_space<semaphore_mem>>) src(%dma_wait3A_105 : memref<10000x128xf32, #tpu.memory_space<hbm>>) dst(%arg9 : memref<96x128xf32, #tpu.memory_space<vmem>>)
      %add3A_106 = arith.constant 2 : i32
      %add3A_107 = arith.addi %mul3A_83, %add3A_106 : i32
      %mul3A_108 = arith.constant 96 : i32
      %mul3A_109 = arith.muli %add3A_107, %mul3A_108 : i32
      %dma_start3A_110 = tpu.memref_slice %arg6[%mul3A_109] : memref<10176xi32, #tpu.memory_space<vmem>> -> memref<96xi32, #tpu.memory_space<vmem>>
      %dma_start3A_111 = arith.constant 0 : i32
      %dma_start3A_112 = arith.constant 0 : i32
      %dma_start3A_113 = tpu.memref_slice %arg2[%dma_start3A_111, %dma_start3A_112] : memref<10000x128xf32, #tpu.memory_space<hbm>> -> memref<10000x128xf32, #tpu.memory_space<hbm>>
      tpu.enqueue_indirect_dma source(%dma_start3A_113 : memref<10000x128xf32, #tpu.memory_space<hbm>>) target(%arg8 : memref<96x128xf32, #tpu.memory_space<vmem>>) offsets(%dma_start3A_110 : memref<96xi32, #tpu.memory_space<vmem>>) semaphore(%arg10 : memref<!tpu.dma_semaphore, #tpu.memory_space<semaphore_mem>>)
      %add3A_114 = arith.constant 1 : i32
      %add3A_115 = arith.addi %mul3A_83, %add3A_114 : i32
      "tpu.region"() ({
        %run_scoped3A_116 = tpu.sem_alloc : memref<!tpu.dma_semaphore, #tpu.memory_space<semaphore_mem>>
        %dma_start3A_117 = arith.constant 0 : i32
        %dma_start3A_118 = tpu.memref_slice %arg7[%add3A_115, %dma_start3A_117] : memref<106x96xi32, #tpu.memory_space<vmem>> -> memref<1x96xi32, #tpu.memory_space<vmem>>
        %dma_start3A_119 = tpu.memref_squeeze %dma_start3A_118 : memref<1x96xi32, #tpu.memory_space<vmem>> -> memref<96xi32, #tpu.memory_space<vmem>>
        %dma_start3A_120 = arith.constant 0 : i32
        %dma_start3A_121 = arith.constant 0 : i32
        %dma_start3A_122 = tpu.memref_slice %arg12[%dma_start3A_120, %dma_start3A_121] : memref<10112x128xf32, #tpu.memory_space<vmem_shared>> -> memref<10112x128xf32, #tpu.memory_space<vmem_shared>>
        tpu.enqueue_indirect_dma source(%arg9 : memref<96x128xf32, #tpu.memory_space<vmem>>) target(%dma_start3A_122 : memref<10112x128xf32, #tpu.memory_space<vmem_shared>>) offsets(%dma_start3A_119 : memref<96xi32, #tpu.memory_space<vmem>>) semaphore(%run_scoped3A_116 : memref<!tpu.dma_semaphore, #tpu.memory_space<semaphore_mem>>) {add = true}
        %dma_wait3A_123 = arith.constant 0 : i32
        %dma_wait3A_124 = tpu.memref_slice %arg7[%add3A_115, %dma_wait3A_123] : memref<106x96xi32, #tpu.memory_space<vmem>> -> memref<1x96xi32, #tpu.memory_space<vmem>>
        %dma_wait3A_125 = tpu.memref_squeeze %dma_wait3A_124 : memref<1x96xi32, #tpu.memory_space<vmem>> -> memref<96xi32, #tpu.memory_space<vmem>>
        %dma_wait3A_126 = arith.constant 0 : i32
        %dma_wait3A_127 = arith.constant 0 : i32
        %dma_wait3A_128 = tpu.memref_slice %arg12[%dma_wait3A_126, %dma_wait3A_127] : memref<10112x128xf32, #tpu.memory_space<vmem_shared>> -> memref<10112x128xf32, #tpu.memory_space<vmem_shared>>
        tpu.wait_indirect_dma semaphore(%run_scoped3A_116 : memref<!tpu.dma_semaphore, #tpu.memory_space<semaphore_mem>>) src(%arg9 : memref<96x128xf32, #tpu.memory_space<vmem>>) dst(%dma_wait3A_128 : memref<10112x128xf32, #tpu.memory_space<vmem_shared>>)
        tpu.yield
      }) : () -> ()
    }
    %mul3A_44 = arith.constant 104 : i32
    %mul3A_45 = arith.constant 96 : i32
    %mul3A_46 = arith.muli %mul3A_44, %mul3A_45 : i32
    %dma_wait3A = tpu.memref_slice %arg6[%mul3A_46] : memref<10176xi32, #tpu.memory_space<vmem>> -> memref<96xi32, #tpu.memory_space<vmem>>
    %dma_wait3A_47 = arith.constant 0 : i32
    %dma_wait3A_48 = arith.constant 0 : i32
    %dma_wait3A_49 = tpu.memref_slice %arg2[%dma_wait3A_47, %dma_wait3A_48] : memref<10000x128xf32, #tpu.memory_space<hbm>> -> memref<10000x128xf32, #tpu.memory_space<hbm>>
    tpu.wait_indirect_dma semaphore(%arg10 : memref<!tpu.dma_semaphore, #tpu.memory_space<semaphore_mem>>) src(%dma_wait3A_49 : memref<10000x128xf32, #tpu.memory_space<hbm>>) dst(%arg8 : memref<96x128xf32, #tpu.memory_space<vmem>>)
    %add3A_50 = arith.constant 104 : i32
    %add3A_51 = arith.constant 1 : i32
    %add3A_52 = arith.addi %add3A_50, %add3A_51 : i32
    %mul3A_53 = arith.constant 96 : i32
    %mul3A_54 = arith.muli %add3A_52, %mul3A_53 : i32
    %dma_start3A_55 = tpu.memref_slice %arg6[%mul3A_54] : memref<10176xi32, #tpu.memory_space<vmem>> -> memref<96xi32, #tpu.memory_space<vmem>>
    %dma_start3A_56 = arith.constant 0 : i32
    %dma_start3A_57 = arith.constant 0 : i32
    %dma_start3A_58 = tpu.memref_slice %arg2[%dma_start3A_56, %dma_start3A_57] : memref<10000x128xf32, #tpu.memory_space<hbm>> -> memref<10000x128xf32, #tpu.memory_space<hbm>>
    tpu.enqueue_indirect_dma source(%dma_start3A_58 : memref<10000x128xf32, #tpu.memory_space<hbm>>) target(%arg9 : memref<96x128xf32, #tpu.memory_space<vmem>>) offsets(%dma_start3A_55 : memref<96xi32, #tpu.memory_space<vmem>>) semaphore(%arg11 : memref<!tpu.dma_semaphore, #tpu.memory_space<semaphore_mem>>)
    %run_scoped3A = arith.constant 104 : i32
    "tpu.region"() ({
      %run_scoped3A_81 = tpu.sem_alloc : memref<!tpu.dma_semaphore, #tpu.memory_space<semaphore_mem>>
      %dma_start3A_82 = arith.constant 0 : i32
      %dma_start3A_83 = tpu.memref_slice %arg7[%run_scoped3A, %dma_start3A_82] : memref<106x96xi32, #tpu.memory_space<vmem>> -> memref<1x96xi32, #tpu.memory_space<vmem>>
      %dma_start3A_84 = tpu.memref_squeeze %dma_start3A_83 : memref<1x96xi32, #tpu.memory_space<vmem>> -> memref<96xi32, #tpu.memory_space<vmem>>
      %dma_start3A_85 = arith.constant 0 : i32
      %dma_start3A_86 = arith.constant 0 : i32
      %dma_start3A_87 = tpu.memref_slice %arg12[%dma_start3A_85, %dma_start3A_86] : memref<10112x128xf32, #tpu.memory_space<vmem_shared>> -> memref<10112x128xf32, #tpu.memory_space<vmem_shared>>
      tpu.enqueue_indirect_dma source(%arg8 : memref<96x128xf32, #tpu.memory_space<vmem>>) target(%dma_start3A_87 : memref<10112x128xf32, #tpu.memory_space<vmem_shared>>) offsets(%dma_start3A_84 : memref<96xi32, #tpu.memory_space<vmem>>) semaphore(%run_scoped3A_81 : memref<!tpu.dma_semaphore, #tpu.memory_space<semaphore_mem>>) {add = true}
      %dma_wait3A_88 = arith.constant 0 : i32
      %dma_wait3A_89 = tpu.memref_slice %arg7[%run_scoped3A, %dma_wait3A_88] : memref<106x96xi32, #tpu.memory_space<vmem>> -> memref<1x96xi32, #tpu.memory_space<vmem>>
      %dma_wait3A_90 = tpu.memref_squeeze %dma_wait3A_89 : memref<1x96xi32, #tpu.memory_space<vmem>> -> memref<96xi32, #tpu.memory_space<vmem>>
      %dma_wait3A_91 = arith.constant 0 : i32
      %dma_wait3A_92 = arith.constant 0 : i32
      %dma_wait3A_93 = tpu.memref_slice %arg12[%dma_wait3A_91, %dma_wait3A_92] : memref<10112x128xf32, #tpu.memory_space<vmem_shared>> -> memref<10112x128xf32, #tpu.memory_space<vmem_shared>>
      tpu.wait_indirect_dma semaphore(%run_scoped3A_81 : memref<!tpu.dma_semaphore, #tpu.memory_space<semaphore_mem>>) src(%arg8 : memref<96x128xf32, #tpu.memory_space<vmem>>) dst(%dma_wait3A_93 : memref<10112x128xf32, #tpu.memory_space<vmem_shared>>)
      tpu.yield
    }) : () -> ()
    %add3A_59 = arith.constant 104 : i32
    %add3A_60 = arith.constant 1 : i32
    %add3A_61 = arith.addi %add3A_59, %add3A_60 : i32
    %mul3A_62 = arith.constant 96 : i32
    %mul3A_63 = arith.muli %add3A_61, %mul3A_62 : i32
    %dma_wait3A_64 = tpu.memref_slice %arg6[%mul3A_63] : memref<10176xi32, #tpu.memory_space<vmem>> -> memref<96xi32, #tpu.memory_space<vmem>>
    %dma_wait3A_65 = arith.constant 0 : i32
    %dma_wait3A_66 = arith.constant 0 : i32
    %dma_wait3A_67 = tpu.memref_slice %arg2[%dma_wait3A_65, %dma_wait3A_66] : memref<10000x128xf32, #tpu.memory_space<hbm>> -> memref<10000x128xf32, #tpu.memory_space<hbm>>
    tpu.wait_indirect_dma semaphore(%arg11 : memref<!tpu.dma_semaphore, #tpu.memory_space<semaphore_mem>>) src(%dma_wait3A_67 : memref<10000x128xf32, #tpu.memory_space<hbm>>) dst(%arg9 : memref<96x128xf32, #tpu.memory_space<vmem>>)
    %add3A_68 = arith.constant 104 : i32
    %add3A_69 = arith.constant 1 : i32
    %add3A_70 = arith.addi %add3A_68, %add3A_69 : i32
    "tpu.region"() ({
      %run_scoped3A_81 = tpu.sem_alloc : memref<!tpu.dma_semaphore, #tpu.memory_space<semaphore_mem>>
      %dma_start3A_82 = arith.constant 0 : i32
      %dma_start3A_83 = tpu.memref_slice %arg7[%add3A_70, %dma_start3A_82] : memref<106x96xi32, #tpu.memory_space<vmem>> -> memref<1x96xi32, #tpu.memory_space<vmem>>
      %dma_start3A_84 = tpu.memref_squeeze %dma_start3A_83 : memref<1x96xi32, #tpu.memory_space<vmem>> -> memref<96xi32, #tpu.memory_space<vmem>>
      %dma_start3A_85 = arith.constant 0 : i32
      %dma_start3A_86 = arith.constant 0 : i32
      %dma_start3A_87 = tpu.memref_slice %arg12[%dma_start3A_85, %dma_start3A_86] : memref<10112x128xf32, #tpu.memory_space<vmem_shared>> -> memref<10112x128xf32, #tpu.memory_space<vmem_shared>>
      tpu.enqueue_indirect_dma source(%arg9 : memref<96x128xf32, #tpu.memory_space<vmem>>) target(%dma_start3A_87 : memref<10112x128xf32, #tpu.memory_space<vmem_shared>>) offsets(%dma_start3A_84 : memref<96xi32, #tpu.memory_space<vmem>>) semaphore(%run_scoped3A_81 : memref<!tpu.dma_semaphore, #tpu.memory_space<semaphore_mem>>) {add = true}
      %dma_wait3A_88 = arith.constant 0 : i32
      %dma_wait3A_89 = tpu.memref_slice %arg7[%add3A_70, %dma_wait3A_88] : memref<106x96xi32, #tpu.memory_space<vmem>> -> memref<1x96xi32, #tpu.memory_space<vmem>>
      %dma_wait3A_90 = tpu.memref_squeeze %dma_wait3A_89 : memref<1x96xi32, #tpu.memory_space<vmem>> -> memref<96xi32, #tpu.memory_space<vmem>>
      %dma_wait3A_91 = arith.constant 0 : i32
      %dma_wait3A_92 = arith.constant 0 : i32
      %dma_wait3A_93 = tpu.memref_slice %arg12[%dma_wait3A_91, %dma_wait3A_92] : memref<10112x128xf32, #tpu.memory_space<vmem_shared>> -> memref<10112x128xf32, #tpu.memory_space<vmem_shared>>
      tpu.wait_indirect_dma semaphore(%run_scoped3A_81 : memref<!tpu.dma_semaphore, #tpu.memory_space<semaphore_mem>>) src(%arg9 : memref<96x128xf32, #tpu.memory_space<vmem>>) dst(%dma_wait3A_93 : memref<10112x128xf32, #tpu.memory_space<vmem_shared>>)
      tpu.yield
    }) : () -> ()
    %barrier3A_71 = arith.constant 0 : index
    tpu.barrier barrier_id(%barrier3A_71)
    %barrier3A_72 = arith.constant 0 : index
    tpu.barrier barrier_id(%barrier3A_72)
    %mul3A_73 = arith.constant 624 : i32
    %mul3A_74 = arith.muli %arg1, %mul3A_73 : i32
    %lt3A = arith.constant 15 : i32
    %lt3A_75 = arith.cmpi slt, %arg1, %lt3A : i32
    %convert_element_type3A = arith.extui %lt3A_75 : i1 to i32
    %cond3A = arith.constant 0 : i32
    %cond3A_76 = arith.cmpi ne, %convert_element_type3A, %cond3A : i32
    scf.if %cond3A_76 {
      "tpu.region"() ({
        %run_scoped3A_81 = tpu.sem_alloc : memref<!tpu.dma_semaphore, #tpu.memory_space<semaphore_mem>>
        %dma_start3A_82 = arith.constant 0 : i32
        %dma_start3A_83 = tpu.memref_slice %arg5[%arg0, %mul3A_74, %dma_start3A_82] : memref<2x10000x128xf32, #tpu.memory_space<hbm>> -> memref<1x624x128xf32, #tpu.memory_space<hbm>>
        %dma_start3A_84 = tpu.memref_squeeze %dma_start3A_83 : memref<1x624x128xf32, #tpu.memory_space<hbm>> -> memref<624x128xf32, #tpu.memory_space<hbm>>
        %dma_start3A_85 = arith.constant 0 : i32
        %dma_start3A_86 = tpu.memref_slice %arg12[%mul3A_74, %dma_start3A_85] : memref<10112x128xf32, #tpu.memory_space<vmem_shared>> -> memref<624x128xf32, #tpu.memory_space<vmem_shared>>
        tpu.enqueue_dma source(%dma_start3A_86 : memref<624x128xf32, #tpu.memory_space<vmem_shared>>) target(%dma_start3A_84 : memref<624x128xf32, #tpu.memory_space<hbm>>) target_semaphore(%run_scoped3A_81 : memref<!tpu.dma_semaphore, #tpu.memory_space<semaphore_mem>>)
        %dma_wait3A_87 = arith.constant 0 : i32
        %dma_wait3A_88 = tpu.memref_slice %arg5[%arg0, %mul3A_74, %dma_wait3A_87] : memref<2x10000x128xf32, #tpu.memory_space<hbm>> -> memref<1x624x128xf32, #tpu.memory_space<hbm>>
        %dma_wait3A_89 = tpu.memref_squeeze %dma_wait3A_88 : memref<1x624x128xf32, #tpu.memory_space<hbm>> -> memref<624x128xf32, #tpu.memory_space<hbm>>
        %dma_wait3A_90 = arith.constant 0 : i32
        %dma_wait3A_91 = tpu.memref_slice %arg12[%mul3A_74, %dma_wait3A_90] : memref<10112x128xf32, #tpu.memory_space<vmem_shared>> -> memref<624x128xf32, #tpu.memory_space<vmem_shared>>
        tpu.wait_dma2 semaphore(%run_scoped3A_81 : memref<!tpu.dma_semaphore, #tpu.memory_space<semaphore_mem>>) src(%dma_wait3A_91 : memref<624x128xf32, #tpu.memory_space<vmem_shared>>) dst(%dma_wait3A_89 : memref<624x128xf32, #tpu.memory_space<hbm>>)
        tpu.yield
      }) : () -> ()
    } else {
    }
    %eq3A = arith.constant 15 : i32
    %eq3A_77 = arith.cmpi eq, %arg1, %eq3A : i32
    %convert_element_type3A_78 = arith.extui %eq3A_77 : i1 to i32
    %cond3A_79 = arith.constant 0 : i32
    %cond3A_80 = arith.cmpi ne, %convert_element_type3A_78, %cond3A_79 : i32
    scf.if %cond3A_80 {
      "tpu.region"() ({
        %run_scoped3A_81 = tpu.sem_alloc : memref<!tpu.dma_semaphore, #tpu.memory_space<semaphore_mem>>
        %dma_start3A_82 = arith.constant 9360 : i32
        %dma_start3A_83 = arith.constant 0 : i32
        %dma_start3A_84 = tpu.memref_slice %arg5[%arg0, %dma_start3A_82, %dma_start3A_83] : memref<2x10000x128xf32, #tpu.memory_space<hbm>> -> memref<1x640x128xf32, #tpu.memory_space<hbm>>
        %dma_start3A_85 = tpu.memref_squeeze %dma_start3A_84 : memref<1x640x128xf32, #tpu.memory_space<hbm>> -> memref<640x128xf32, #tpu.memory_space<hbm>>
        %dma_start3A_86 = arith.constant 9360 : i32
        %dma_start3A_87 = arith.constant 0 : i32
        %dma_start3A_88 = tpu.memref_slice %arg12[%dma_start3A_86, %dma_start3A_87] : memref<10112x128xf32, #tpu.memory_space<vmem_shared>> -> memref<640x128xf32, #tpu.memory_space<vmem_shared>>
        tpu.enqueue_dma source(%dma_start3A_88 : memref<640x128xf32, #tpu.memory_space<vmem_shared>>) target(%dma_start3A_85 : memref<640x128xf32, #tpu.memory_space<hbm>>) target_semaphore(%run_scoped3A_81 : memref<!tpu.dma_semaphore, #tpu.memory_space<semaphore_mem>>)
        %dma_wait3A_89 = arith.constant 9360 : i32
        %dma_wait3A_90 = arith.constant 0 : i32
        %dma_wait3A_91 = tpu.memref_slice %arg5[%arg0, %dma_wait3A_89, %dma_wait3A_90] : memref<2x10000x128xf32, #tpu.memory_space<hbm>> -> memref<1x640x128xf32, #tpu.memory_space<hbm>>
        %dma_wait3A_92 = tpu.memref_squeeze %dma_wait3A_91 : memref<1x640x128xf32, #tpu.memory_space<hbm>> -> memref<640x128xf32, #tpu.memory_space<hbm>>
        %dma_wait3A_93 = arith.constant 9360 : i32
        %dma_wait3A_94 = arith.constant 0 : i32
        %dma_wait3A_95 = tpu.memref_slice %arg12[%dma_wait3A_93, %dma_wait3A_94] : memref<10112x128xf32, #tpu.memory_space<vmem_shared>> -> memref<640x128xf32, #tpu.memory_space<vmem_shared>>
        tpu.wait_dma2 semaphore(%run_scoped3A_81 : memref<!tpu.dma_semaphore, #tpu.memory_space<semaphore_mem>>) src(%dma_wait3A_95 : memref<640x128xf32, #tpu.memory_space<vmem_shared>>) dst(%dma_wait3A_92 : memref<640x128xf32, #tpu.memory_space<hbm>>)
        tpu.yield
      }) : () -> ()
    } else {
    }
    return
  }
}

#map = affine_map<(d0, d1) -> (0, 0)>
#map1 = affine_map<(d0, d1) -> (0, 0, 0)>
module attributes {stable_mosaic.version = 14 : i64} {
  func.func @_round_body(%arg0: i32, %arg1: i32, %arg2: memref<10000x128xf32, #tpu.memory_space<hbm>>, %arg3: memref<32x10176xi32, #tpu.memory_space<hbm>>, %arg4: memref<32x106x96xi32, #tpu.memory_space<hbm>>, %arg5: memref<2x10000x128xf32, #tpu.memory_space<hbm>>, %arg6: memref<10176xi32, #tpu.memory_space<vmem>>, %arg7: memref<106x96xi32, #tpu.memory_space<vmem>>, %arg8: memref<96x128xf32, #tpu.memory_space<vmem>>, %arg9: memref<96x128xf32, #tpu.memory_space<vmem>>, %arg10: memref<!tpu.dma_semaphore, #tpu.memory_space<semaphore_mem>>, %arg11: memref<!tpu.dma_semaphore, #tpu.memory_space<semaphore_mem>>, %arg12: memref<10112x128xf32, #tpu.memory_space<vmem_shared>>) attributes {dimension_semantics = [#tpu.dimension_semantics<core_parallel>, #tpu.dimension_semantics<subcore_parallel>], iteration_bounds = array<i64: 2, 16>, scalar_prefetch = 0 : i64, scratch_operands = 7 : i64, tpu.core_type = #tpu.core_type<sc_vector_subcore>, window_params = [{transform_indices = #map}, {transform_indices = #map}, {transform_indices = #map1}, {transform_indices = #map1}]} {
    %mul3A = arith.constant 2 : i32
    %mul3A_0 = arith.muli %arg1, %mul3A : i32
    %add3A = arith.addi %mul3A_0, %arg0 : i32
    "tpu.region"() ({
      %run_scoped3A_81 = tpu.sem_alloc : memref<!tpu.dma_semaphore, #tpu.memory_space<semaphore_mem>>
      %dma_start3A_82 = arith.constant 0 : i32
      %dma_start3A_83 = tpu.memref_slice %arg3[%add3A, %dma_start3A_82] : memref<32x10176xi32, #tpu.memory_space<hbm>> -> memref<1x10176xi32, #tpu.memory_space<hbm>>
      %dma_start3A_84 = tpu.memref_squeeze %dma_start3A_83 : memref<1x10176xi32, #tpu.memory_space<hbm>> -> memref<10176xi32, #tpu.memory_space<hbm>>
      %dma_start3A_85 = arith.constant 0 : i32
      %dma_start3A_86 = tpu.memref_slice %arg3[%add3A, %dma_start3A_85] : memref<32x10176xi32, #tpu.memory_space<hbm>> -> memref<1x10176xi32, #tpu.memory_space<hbm>>
      %dma_start3A_87 = tpu.memref_squeeze %dma_start3A_86 : memref<1x10176xi32, #tpu.memory_space<hbm>> -> memref<10176xi32, #tpu.memory_space<hbm>>
      tpu.enqueue_dma source(%dma_start3A_87 : memref<10176xi32, #tpu.memory_space<hbm>>) target(%arg6 : memref<10176xi32, #tpu.memory_space<vmem>>) target_semaphore(%run_scoped3A_81 : memref<!tpu.dma_semaphore, #tpu.memory_space<semaphore_mem>>)
      %dma_wait3A_88 = arith.constant 0 : i32
      %dma_wait3A_89 = tpu.memref_slice %arg3[%add3A, %dma_wait3A_88] : memref<32x10176xi32, #tpu.memory_space<hbm>> -> memref<1x10176xi32, #tpu.memory_space<hbm>>
      %dma_wait3A_90 = tpu.memref_squeeze %dma_wait3A_89 : memref<1x10176xi32, #tpu.memory_space<hbm>> -> memref<10176xi32, #tpu.memory_space<hbm>>
      %dma_wait3A_91 = arith.constant 0 : i32
      %dma_wait3A_92 = tpu.memref_slice %arg3[%add3A, %dma_wait3A_91] : memref<32x10176xi32, #tpu.memory_space<hbm>> -> memref<1x10176xi32, #tpu.memory_space<hbm>>
      %dma_wait3A_93 = tpu.memref_squeeze %dma_wait3A_92 : memref<1x10176xi32, #tpu.memory_space<hbm>> -> memref<10176xi32, #tpu.memory_space<hbm>>
      tpu.wait_dma2 semaphore(%run_scoped3A_81 : memref<!tpu.dma_semaphore, #tpu.memory_space<semaphore_mem>>) src(%dma_wait3A_93 : memref<10176xi32, #tpu.memory_space<hbm>>) dst(%arg6 : memref<10176xi32, #tpu.memory_space<vmem>>)
      tpu.yield
    }) : () -> ()
    %while3A = arith.constant 0 : i64
    %while3A_1 = arith.constant 0 : i32
    %while3A_2 = arith.constant 96 : i32
    %while3A_3 = arith.subi %while3A_2, %while3A_1 : i32
    %while3A_4 = arith.addi %while3A_1, %while3A_3 : i32
    %while3A_5 = arith.constant 1 : i32
    %while3A_6 = arith.divsi %while3A_3, %while3A_5 : i32
    %while3A_7 = arith.muli %while3A_6, %while3A_5 : i32
    %while3A_8 = arith.addi %while3A_1, %while3A_7 : i32
    %while3A_9 = arith.constant 1 : i32
    scf.for %while3A_81 = %while3A_1 to %while3A_8 step %while3A_9  : i32 {
      %while3A_82 = arith.constant 0 : i32
      %while3A_83 = arith.constant 8 : i32
      %while3A_84 = arith.subi %while3A_83, %while3A_82 : i32
      %while3A_85 = arith.addi %while3A_82, %while3A_84 : i32
      %while3A_86 = arith.constant 1 : i32
      %while3A_87 = arith.divsi %while3A_84, %while3A_86 : i32
      %while3A_88 = arith.muli %while3A_87, %while3A_86 : i32
      %while3A_89 = arith.addi %while3A_82, %while3A_88 : i32
      %while3A_90 = arith.constant 1 : i32
      scf.for %while3A_92 = %while3A_82 to %while3A_89 step %while3A_90  : i32 {
        %broadcast_in_dim3A = arith.constant 0.000000e+00 : f32
        %broadcast_in_dim3A_93 = vector.broadcast %broadcast_in_dim3A : f32 to vector<16xf32>
        %mul3A_94 = arith.constant 16 : i32
        %mul3A_95 = arith.muli %while3A_92, %mul3A_94 : i32
        %swap3A = arith.index_cast %while3A_81 : i32 to index
        %swap3A_96 = arith.index_cast %mul3A_95 : i32 to index
        %swap3A_97 = tpu.vector_load %arg8[%swap3A, %swap3A_96] {strides = array<i32>} : memref<96x128xf32, #tpu.memory_space<vmem>>, vector<1x16xf32>,
        %swap3A_98 = vector.shape_cast %swap3A_97 : vector<1x16xf32> to vector<16xf32>
        %swap3A_99 = vector.shape_cast %broadcast_in_dim3A_93 : vector<16xf32> to vector<1x16xf32>
        tpu.vector_store %arg8[%swap3A, %swap3A_96], %swap3A_99 {strides = array<i32>} : memref<96x128xf32, #tpu.memory_space<vmem>>, vector<1x16xf32>,
      }
      %while3A_91 = arith.constant 1 : i32
      scf.for %while3A_92 = %while3A_89 to %while3A_85 step %while3A_91  : i32 {
        %broadcast_in_dim3A = arith.constant 0.000000e+00 : f32
        %broadcast_in_dim3A_93 = vector.broadcast %broadcast_in_dim3A : f32 to vector<16xf32>
        %mul3A_94 = arith.constant 16 : i32
        %mul3A_95 = arith.muli %while3A_92, %mul3A_94 : i32
        %swap3A = arith.index_cast %while3A_81 : i32 to index
        %swap3A_96 = arith.index_cast %mul3A_95 : i32 to index
        %swap3A_97 = tpu.vector_load %arg8[%swap3A, %swap3A_96] {strides = array<i32>} : memref<96x128xf32, #tpu.memory_space<vmem>>, vector<1x16xf32>,
        %swap3A_98 = vector.shape_cast %swap3A_97 : vector<1x16xf32> to vector<16xf32>
        %swap3A_99 = vector.shape_cast %broadcast_in_dim3A_93 : vector<16xf32> to vector<1x16xf32>
        tpu.vector_store %arg8[%swap3A, %swap3A_96], %swap3A_99 {strides = array<i32>} : memref<96x128xf32, #tpu.memory_space<vmem>>, vector<1x16xf32>,
      }
    }
    %while3A_10 = arith.constant 1 : i32
    scf.for %while3A_81 = %while3A_8 to %while3A_4 step %while3A_10  : i32 {
      %while3A_82 = arith.constant 0 : i32
      %while3A_83 = arith.constant 8 : i32
      %while3A_84 = arith.subi %while3A_83, %while3A_82 : i32
      %while3A_85 = arith.addi %while3A_82, %while3A_84 : i32
      %while3A_86 = arith.constant 1 : i32
      %while3A_87 = arith.divsi %while3A_84, %while3A_86 : i32
      %while3A_88 = arith.muli %while3A_87, %while3A_86 : i32
      %while3A_89 = arith.addi %while3A_82, %while3A_88 : i32
      %while3A_90 = arith.constant 1 : i32
      scf.for %while3A_92 = %while3A_82 to %while3A_89 step %while3A_90  : i32 {
        %broadcast_in_dim3A = arith.constant 0.000000e+00 : f32
        %broadcast_in_dim3A_93 = vector.broadcast %broadcast_in_dim3A : f32 to vector<16xf32>
        %mul3A_94 = arith.constant 16 : i32
        %mul3A_95 = arith.muli %while3A_92, %mul3A_94 : i32
        %swap3A = arith.index_cast %while3A_81 : i32 to index
        %swap3A_96 = arith.index_cast %mul3A_95 : i32 to index
        %swap3A_97 = tpu.vector_load %arg8[%swap3A, %swap3A_96] {strides = array<i32>} : memref<96x128xf32, #tpu.memory_space<vmem>>, vector<1x16xf32>,
        %swap3A_98 = vector.shape_cast %swap3A_97 : vector<1x16xf32> to vector<16xf32>
        %swap3A_99 = vector.shape_cast %broadcast_in_dim3A_93 : vector<16xf32> to vector<1x16xf32>
        tpu.vector_store %arg8[%swap3A, %swap3A_96], %swap3A_99 {strides = array<i32>} : memref<96x128xf32, #tpu.memory_space<vmem>>, vector<1x16xf32>,
      }
      %while3A_91 = arith.constant 1 : i32
      scf.for %while3A_92 = %while3A_89 to %while3A_85 step %while3A_91  : i32 {
        %broadcast_in_dim3A = arith.constant 0.000000e+00 : f32
        %broadcast_in_dim3A_93 = vector.broadcast %broadcast_in_dim3A : f32 to vector<16xf32>
        %mul3A_94 = arith.constant 16 : i32
        %mul3A_95 = arith.muli %while3A_92, %mul3A_94 : i32
        %swap3A = arith.index_cast %while3A_81 : i32 to index
        %swap3A_96 = arith.index_cast %mul3A_95 : i32 to index
        %swap3A_97 = tpu.vector_load %arg8[%swap3A, %swap3A_96] {strides = array<i32>} : memref<96x128xf32, #tpu.memory_space<vmem>>, vector<1x16xf32>,
        %swap3A_98 = vector.shape_cast %swap3A_97 : vector<1x16xf32> to vector<16xf32>
        %swap3A_99 = vector.shape_cast %broadcast_in_dim3A_93 : vector<16xf32> to vector<1x16xf32>
        tpu.vector_store %arg8[%swap3A, %swap3A_96], %swap3A_99 {strides = array<i32>} : memref<96x128xf32, #tpu.memory_space<vmem>>, vector<1x16xf32>,
      }
    }
    %mul3A_11 = arith.constant 632 : i32
    %mul3A_12 = arith.muli %arg1, %mul3A_11 : i32
    %add3A_13 = arith.constant 0 : i32
    %add3A_14 = arith.addi %mul3A_12, %add3A_13 : i32
    "tpu.region"() ({
      %run_scoped3A_81 = tpu.sem_alloc : memref<!tpu.dma_semaphore, #tpu.memory_space<semaphore_mem>>
      %dma_start3A_82 = arith.constant 0 : i32
      %dma_start3A_83 = tpu.memref_slice %arg12[%add3A_14, %dma_start3A_82] : memref<10112x128xf32, #tpu.memory_space<vmem_shared>> -> memref<96x128xf32, #tpu.memory_space<vmem_shared>>
      %dma_start3A_84 = arith.constant 0 : i32
      %dma_start3A_85 = tpu.memref_slice %arg12[%add3A_14, %dma_start3A_84] : memref<10112x128xf32, #tpu.memory_space<vmem_shared>> -> memref<96x128xf32, #tpu.memory_space<vmem_shared>>
      tpu.enqueue_dma source(%arg8 : memref<96x128xf32, #tpu.memory_space<vmem>>) target(%dma_start3A_85 : memref<96x128xf32, #tpu.memory_space<vmem_shared>>) target_semaphore(%run_scoped3A_81 : memref<!tpu.dma_semaphore, #tpu.memory_space<semaphore_mem>>)
      %dma_wait3A_86 = arith.constant 0 : i32
      %dma_wait3A_87 = tpu.memref_slice %arg12[%add3A_14, %dma_wait3A_86] : memref<10112x128xf32, #tpu.memory_space<vmem_shared>> -> memref<96x128xf32, #tpu.memory_space<vmem_shared>>
      %dma_wait3A_88 = arith.constant 0 : i32
      %dma_wait3A_89 = tpu.memref_slice %arg12[%add3A_14, %dma_wait3A_88] : memref<10112x128xf32, #tpu.memory_space<vmem_shared>> -> memref<96x128xf32, #tpu.memory_space<vmem_shared>>
      tpu.wait_dma2 semaphore(%run_scoped3A_81 : memref<!tpu.dma_semaphore, #tpu.memory_space<semaphore_mem>>) src(%arg8 : memref<96x128xf32, #tpu.memory_space<vmem>>) dst(%dma_wait3A_89 : memref<96x128xf32, #tpu.memory_space<vmem_shared>>)
      tpu.yield
    }) : () -> ()
    %add3A_15 = arith.constant 96 : i32
    %add3A_16 = arith.addi %mul3A_12, %add3A_15 : i32
    "tpu.region"() ({
      %run_scoped3A_81 = tpu.sem_alloc : memref<!tpu.dma_semaphore, #tpu.memory_space<semaphore_mem>>
      %dma_start3A_82 = arith.constant 0 : i32
      %dma_start3A_83 = tpu.memref_slice %arg12[%add3A_16, %dma_start3A_82] : memref<10112x128xf32, #tpu.memory_space<vmem_shared>> -> memref<96x128xf32, #tpu.memory_space<vmem_shared>>
      %dma_start3A_84 = arith.constant 0 : i32
      %dma_start3A_85 = tpu.memref_slice %arg12[%add3A_16, %dma_start3A_84] : memref<10112x128xf32, #tpu.memory_space<vmem_shared>> -> memref<96x128xf32, #tpu.memory_space<vmem_shared>>
      tpu.enqueue_dma source(%arg8 : memref<96x128xf32, #tpu.memory_space<vmem>>) target(%dma_start3A_85 : memref<96x128xf32, #tpu.memory_space<vmem_shared>>) target_semaphore(%run_scoped3A_81 : memref<!tpu.dma_semaphore, #tpu.memory_space<semaphore_mem>>)
      %dma_wait3A_86 = arith.constant 0 : i32
      %dma_wait3A_87 = tpu.memref_slice %arg12[%add3A_16, %dma_wait3A_86] : memref<10112x128xf32, #tpu.memory_space<vmem_shared>> -> memref<96x128xf32, #tpu.memory_space<vmem_shared>>
      %dma_wait3A_88 = arith.constant 0 : i32
      %dma_wait3A_89 = tpu.memref_slice %arg12[%add3A_16, %dma_wait3A_88] : memref<10112x128xf32, #tpu.memory_space<vmem_shared>> -> memref<96x128xf32, #tpu.memory_space<vmem_shared>>
      tpu.wait_dma2 semaphore(%run_scoped3A_81 : memref<!tpu.dma_semaphore, #tpu.memory_space<semaphore_mem>>) src(%arg8 : memref<96x128xf32, #tpu.memory_space<vmem>>) dst(%dma_wait3A_89 : memref<96x128xf32, #tpu.memory_space<vmem_shared>>)
      tpu.yield
    }) : () -> ()
    %add3A_17 = arith.constant 192 : i32
    %add3A_18 = arith.addi %mul3A_12, %add3A_17 : i32
    "tpu.region"() ({
      %run_scoped3A_81 = tpu.sem_alloc : memref<!tpu.dma_semaphore, #tpu.memory_space<semaphore_mem>>
      %dma_start3A_82 = arith.constant 0 : i32
      %dma_start3A_83 = tpu.memref_slice %arg12[%add3A_18, %dma_start3A_82] : memref<10112x128xf32, #tpu.memory_space<vmem_shared>> -> memref<96x128xf32, #tpu.memory_space<vmem_shared>>
      %dma_start3A_84 = arith.constant 0 : i32
      %dma_start3A_85 = tpu.memref_slice %arg12[%add3A_18, %dma_start3A_84] : memref<10112x128xf32, #tpu.memory_space<vmem_shared>> -> memref<96x128xf32, #tpu.memory_space<vmem_shared>>
      tpu.enqueue_dma source(%arg8 : memref<96x128xf32, #tpu.memory_space<vmem>>) target(%dma_start3A_85 : memref<96x128xf32, #tpu.memory_space<vmem_shared>>) target_semaphore(%run_scoped3A_81 : memref<!tpu.dma_semaphore, #tpu.memory_space<semaphore_mem>>)
      %dma_wait3A_86 = arith.constant 0 : i32
      %dma_wait3A_87 = tpu.memref_slice %arg12[%add3A_18, %dma_wait3A_86] : memref<10112x128xf32, #tpu.memory_space<vmem_shared>> -> memref<96x128xf32, #tpu.memory_space<vmem_shared>>
      %dma_wait3A_88 = arith.constant 0 : i32
      %dma_wait3A_89 = tpu.memref_slice %arg12[%add3A_18, %dma_wait3A_88] : memref<10112x128xf32, #tpu.memory_space<vmem_shared>> -> memref<96x128xf32, #tpu.memory_space<vmem_shared>>
      tpu.wait_dma2 semaphore(%run_scoped3A_81 : memref<!tpu.dma_semaphore, #tpu.memory_space<semaphore_mem>>) src(%arg8 : memref<96x128xf32, #tpu.memory_space<vmem>>) dst(%dma_wait3A_89 : memref<96x128xf32, #tpu.memory_space<vmem_shared>>)
      tpu.yield
    }) : () -> ()
    %add3A_19 = arith.constant 288 : i32
    %add3A_20 = arith.addi %mul3A_12, %add3A_19 : i32
    "tpu.region"() ({
      %run_scoped3A_81 = tpu.sem_alloc : memref<!tpu.dma_semaphore, #tpu.memory_space<semaphore_mem>>
      %dma_start3A_82 = arith.constant 0 : i32
      %dma_start3A_83 = tpu.memref_slice %arg12[%add3A_20, %dma_start3A_82] : memref<10112x128xf32, #tpu.memory_space<vmem_shared>> -> memref<96x128xf32, #tpu.memory_space<vmem_shared>>
      %dma_start3A_84 = arith.constant 0 : i32
      %dma_start3A_85 = tpu.memref_slice %arg12[%add3A_20, %dma_start3A_84] : memref<10112x128xf32, #tpu.memory_space<vmem_shared>> -> memref<96x128xf32, #tpu.memory_space<vmem_shared>>
      tpu.enqueue_dma source(%arg8 : memref<96x128xf32, #tpu.memory_space<vmem>>) target(%dma_start3A_85 : memref<96x128xf32, #tpu.memory_space<vmem_shared>>) target_semaphore(%run_scoped3A_81 : memref<!tpu.dma_semaphore, #tpu.memory_space<semaphore_mem>>)
      %dma_wait3A_86 = arith.constant 0 : i32
      %dma_wait3A_87 = tpu.memref_slice %arg12[%add3A_20, %dma_wait3A_86] : memref<10112x128xf32, #tpu.memory_space<vmem_shared>> -> memref<96x128xf32, #tpu.memory_space<vmem_shared>>
      %dma_wait3A_88 = arith.constant 0 : i32
      %dma_wait3A_89 = tpu.memref_slice %arg12[%add3A_20, %dma_wait3A_88] : memref<10112x128xf32, #tpu.memory_space<vmem_shared>> -> memref<96x128xf32, #tpu.memory_space<vmem_shared>>
      tpu.wait_dma2 semaphore(%run_scoped3A_81 : memref<!tpu.dma_semaphore, #tpu.memory_space<semaphore_mem>>) src(%arg8 : memref<96x128xf32, #tpu.memory_space<vmem>>) dst(%dma_wait3A_89 : memref<96x128xf32, #tpu.memory_space<vmem_shared>>)
      tpu.yield
    }) : () -> ()
    %add3A_21 = arith.constant 384 : i32
    %add3A_22 = arith.addi %mul3A_12, %add3A_21 : i32
    "tpu.region"() ({
      %run_scoped3A_81 = tpu.sem_alloc : memref<!tpu.dma_semaphore, #tpu.memory_space<semaphore_mem>>
      %dma_start3A_82 = arith.constant 0 : i32
      %dma_start3A_83 = tpu.memref_slice %arg12[%add3A_22, %dma_start3A_82] : memref<10112x128xf32, #tpu.memory_space<vmem_shared>> -> memref<96x128xf32, #tpu.memory_space<vmem_shared>>
      %dma_start3A_84 = arith.constant 0 : i32
      %dma_start3A_85 = tpu.memref_slice %arg12[%add3A_22, %dma_start3A_84] : memref<10112x128xf32, #tpu.memory_space<vmem_shared>> -> memref<96x128xf32, #tpu.memory_space<vmem_shared>>
      tpu.enqueue_dma source(%arg8 : memref<96x128xf32, #tpu.memory_space<vmem>>) target(%dma_start3A_85 : memref<96x128xf32, #tpu.memory_space<vmem_shared>>) target_semaphore(%run_scoped3A_81 : memref<!tpu.dma_semaphore, #tpu.memory_space<semaphore_mem>>)
      %dma_wait3A_86 = arith.constant 0 : i32
      %dma_wait3A_87 = tpu.memref_slice %arg12[%add3A_22, %dma_wait3A_86] : memref<10112x128xf32, #tpu.memory_space<vmem_shared>> -> memref<96x128xf32, #tpu.memory_space<vmem_shared>>
      %dma_wait3A_88 = arith.constant 0 : i32
      %dma_wait3A_89 = tpu.memref_slice %arg12[%add3A_22, %dma_wait3A_88] : memref<10112x128xf32, #tpu.memory_space<vmem_shared>> -> memref<96x128xf32, #tpu.memory_space<vmem_shared>>
      tpu.wait_dma2 semaphore(%run_scoped3A_81 : memref<!tpu.dma_semaphore, #tpu.memory_space<semaphore_mem>>) src(%arg8 : memref<96x128xf32, #tpu.memory_space<vmem>>) dst(%dma_wait3A_89 : memref<96x128xf32, #tpu.memory_space<vmem_shared>>)
      tpu.yield
    }) : () -> ()
    %add3A_23 = arith.constant 480 : i32
    %add3A_24 = arith.addi %mul3A_12, %add3A_23 : i32
    "tpu.region"() ({
      %run_scoped3A_81 = tpu.sem_alloc : memref<!tpu.dma_semaphore, #tpu.memory_space<semaphore_mem>>
      %dma_start3A_82 = arith.constant 0 : i32
      %dma_start3A_83 = tpu.memref_slice %arg12[%add3A_24, %dma_start3A_82] : memref<10112x128xf32, #tpu.memory_space<vmem_shared>> -> memref<96x128xf32, #tpu.memory_space<vmem_shared>>
      %dma_start3A_84 = arith.constant 0 : i32
      %dma_start3A_85 = tpu.memref_slice %arg12[%add3A_24, %dma_start3A_84] : memref<10112x128xf32, #tpu.memory_space<vmem_shared>> -> memref<96x128xf32, #tpu.memory_space<vmem_shared>>
      tpu.enqueue_dma source(%arg8 : memref<96x128xf32, #tpu.memory_space<vmem>>) target(%dma_start3A_85 : memref<96x128xf32, #tpu.memory_space<vmem_shared>>) target_semaphore(%run_scoped3A_81 : memref<!tpu.dma_semaphore, #tpu.memory_space<semaphore_mem>>)
      %dma_wait3A_86 = arith.constant 0 : i32
      %dma_wait3A_87 = tpu.memref_slice %arg12[%add3A_24, %dma_wait3A_86] : memref<10112x128xf32, #tpu.memory_space<vmem_shared>> -> memref<96x128xf32, #tpu.memory_space<vmem_shared>>
      %dma_wait3A_88 = arith.constant 0 : i32
      %dma_wait3A_89 = tpu.memref_slice %arg12[%add3A_24, %dma_wait3A_88] : memref<10112x128xf32, #tpu.memory_space<vmem_shared>> -> memref<96x128xf32, #tpu.memory_space<vmem_shared>>
      tpu.wait_dma2 semaphore(%run_scoped3A_81 : memref<!tpu.dma_semaphore, #tpu.memory_space<semaphore_mem>>) src(%arg8 : memref<96x128xf32, #tpu.memory_space<vmem>>) dst(%dma_wait3A_89 : memref<96x128xf32, #tpu.memory_space<vmem_shared>>)
      tpu.yield
    }) : () -> ()
    %add3A_25 = arith.constant 576 : i32
    %add3A_26 = arith.addi %mul3A_12, %add3A_25 : i32
    "tpu.region"() ({
      %run_scoped3A_81 = tpu.sem_alloc : memref<!tpu.dma_semaphore, #tpu.memory_space<semaphore_mem>>
      %dma_start3A_82 = arith.constant 0 : i32
      %dma_start3A_83 = arith.constant 0 : i32
      %dma_start3A_84 = tpu.memref_slice %arg8[%dma_start3A_82, %dma_start3A_83] : memref<96x128xf32, #tpu.memory_space<vmem>> -> memref<56x128xf32, #tpu.memory_space<vmem>>
      %dma_start3A_85 = arith.constant 0 : i32
      %dma_start3A_86 = tpu.memref_slice %arg12[%add3A_26, %dma_start3A_85] : memref<10112x128xf32, #tpu.memory_space<vmem_shared>> -> memref<56x128xf32, #tpu.memory_space<vmem_shared>>
      %dma_start3A_87 = arith.constant 0 : i32
      %dma_start3A_88 = tpu.memref_slice %arg12[%add3A_26, %dma_start3A_87] : memref<10112x128xf32, #tpu.memory_space<vmem_shared>> -> memref<56x128xf32, #tpu.memory_space<vmem_shared>>
      %dma_start3A_89 = arith.constant 0 : i32
      %dma_start3A_90 = arith.constant 0 : i32
      %dma_start3A_91 = tpu.memref_slice %arg8[%dma_start3A_89, %dma_start3A_90] : memref<96x128xf32, #tpu.memory_space<vmem>> -> memref<56x128xf32, #tpu.memory_space<vmem>>
      tpu.enqueue_dma source(%dma_start3A_91 : memref<56x128xf32, #tpu.memory_space<vmem>>) target(%dma_start3A_88 : memref<56x128xf32, #tpu.memory_space<vmem_shared>>) target_semaphore(%run_scoped3A_81 : memref<!tpu.dma_semaphore, #tpu.memory_space<semaphore_mem>>)
      %dma_wait3A_92 = arith.constant 0 : i32
      %dma_wait3A_93 = arith.constant 0 : i32
      %dma_wait3A_94 = tpu.memref_slice %arg8[%dma_wait3A_92, %dma_wait3A_93] : memref<96x128xf32, #tpu.memory_space<vmem>> -> memref<56x128xf32, #tpu.memory_space<vmem>>
      %dma_wait3A_95 = arith.constant 0 : i32
      %dma_wait3A_96 = tpu.memref_slice %arg12[%add3A_26, %dma_wait3A_95] : memref<10112x128xf32, #tpu.memory_space<vmem_shared>> -> memref<56x128xf32, #tpu.memory_space<vmem_shared>>
      %dma_wait3A_97 = arith.constant 0 : i32
      %dma_wait3A_98 = tpu.memref_slice %arg12[%add3A_26, %dma_wait3A_97] : memref<10112x128xf32, #tpu.memory_space<vmem_shared>> -> memref<56x128xf32, #tpu.memory_space<vmem_shared>>
      %dma_wait3A_99 = arith.constant 0 : i32
      %dma_wait3A_100 = arith.constant 0 : i32
      %dma_wait3A_101 = tpu.memref_slice %arg8[%dma_wait3A_99, %dma_wait3A_100] : memref<96x128xf32, #tpu.memory_space<vmem>> -> memref<56x128xf32, #tpu.memory_space<vmem>>
      tpu.wait_dma2 semaphore(%run_scoped3A_81 : memref<!tpu.dma_semaphore, #tpu.memory_space<semaphore_mem>>) src(%dma_wait3A_101 : memref<56x128xf32, #tpu.memory_space<vmem>>) dst(%dma_wait3A_98 : memref<56x128xf32, #tpu.memory_space<vmem_shared>>)
      tpu.yield
    }) : () -> ()
    %barrier3A = arith.constant 0 : index
    tpu.barrier barrier_id(%barrier3A)
    "tpu.region"() ({
      %run_scoped3A_81 = tpu.sem_alloc : memref<!tpu.dma_semaphore, #tpu.memory_space<semaphore_mem>>
      %dma_start3A_82 = arith.constant 0 : i32
      %dma_start3A_83 = arith.constant 0 : i32
      %dma_start3A_84 = tpu.memref_slice %arg4[%add3A, %dma_start3A_82, %dma_start3A_83] : memref<32x106x96xi32, #tpu.memory_space<hbm>> -> memref<1x106x96xi32, #tpu.memory_space<hbm>>
      %dma_start3A_85 = tpu.memref_squeeze %dma_start3A_84 : memref<1x106x96xi32, #tpu.memory_space<hbm>> -> memref<106x96xi32, #tpu.memory_space<hbm>>
      %dma_start3A_86 = arith.constant 0 : i32
      %dma_start3A_87 = arith.constant 0 : i32
      %dma_start3A_88 = tpu.memref_slice %arg4[%add3A, %dma_start3A_86, %dma_start3A_87] : memref<32x106x96xi32, #tpu.memory_space<hbm>> -> memref<1x106x96xi32, #tpu.memory_space<hbm>>
      %dma_start3A_89 = tpu.memref_squeeze %dma_start3A_88 : memref<1x106x96xi32, #tpu.memory_space<hbm>> -> memref<106x96xi32, #tpu.memory_space<hbm>>
      tpu.enqueue_dma source(%dma_start3A_89 : memref<106x96xi32, #tpu.memory_space<hbm>>) target(%arg7 : memref<106x96xi32, #tpu.memory_space<vmem>>) target_semaphore(%run_scoped3A_81 : memref<!tpu.dma_semaphore, #tpu.memory_space<semaphore_mem>>)
      %dma_wait3A_90 = arith.constant 0 : i32
      %dma_wait3A_91 = arith.constant 0 : i32
      %dma_wait3A_92 = tpu.memref_slice %arg4[%add3A, %dma_wait3A_90, %dma_wait3A_91] : memref<32x106x96xi32, #tpu.memory_space<hbm>> -> memref<1x106x96xi32, #tpu.memory_space<hbm>>
      %dma_wait3A_93 = tpu.memref_squeeze %dma_wait3A_92 : memref<1x106x96xi32, #tpu.memory_space<hbm>> -> memref<106x96xi32, #tpu.memory_space<hbm>>
      %dma_wait3A_94 = arith.constant 0 : i32
      %dma_wait3A_95 = arith.constant 0 : i32
      %dma_wait3A_96 = tpu.memref_slice %arg4[%add3A, %dma_wait3A_94, %dma_wait3A_95] : memref<32x106x96xi32, #tpu.memory_space<hbm>> -> memref<1x106x96xi32, #tpu.memory_space<hbm>>
      %dma_wait3A_97 = tpu.memref_squeeze %dma_wait3A_96 : memref<1x106x96xi32, #tpu.memory_space<hbm>> -> memref<106x96xi32, #tpu.memory_space<hbm>>
      tpu.wait_dma2 semaphore(%run_scoped3A_81 : memref<!tpu.dma_semaphore, #tpu.memory_space<semaphore_mem>>) src(%dma_wait3A_97 : memref<106x96xi32, #tpu.memory_space<hbm>>) dst(%arg7 : memref<106x96xi32, #tpu.memory_space<vmem>>)
      tpu.yield
    }) : () -> ()
    %mul3A_27 = arith.constant 0 : i32
    %mul3A_28 = arith.constant 96 : i32
    %mul3A_29 = arith.muli %mul3A_27, %mul3A_28 : i32
    %dma_start3A = tpu.memref_slice %arg6[%mul3A_29] : memref<10176xi32, #tpu.memory_space<vmem>> -> memref<96xi32, #tpu.memory_space<vmem>>
    %dma_start3A_30 = arith.constant 0 : i32
    %dma_start3A_31 = arith.constant 0 : i32
    %dma_start3A_32 = tpu.memref_slice %arg2[%dma_start3A_30, %dma_start3A_31] : memref<10000x128xf32, #tpu.memory_space<hbm>> -> memref<10000x128xf32, #tpu.memory_space<hbm>>
    tpu.enqueue_indirect_dma source(%dma_start3A_32 : memref<10000x128xf32, #tpu.memory_space<hbm>>) target(%arg8 : memref<96x128xf32, #tpu.memory_space<vmem>>) offsets(%dma_start3A : memref<96xi32, #tpu.memory_space<vmem>>) semaphore(%arg10 : memref<!tpu.dma_semaphore, #tpu.memory_space<semaphore_mem>>)
    %while3A_33 = arith.constant 0 : i64
    %while3A_34 = arith.constant 0 : i32
    %while3A_35 = arith.constant 52 : i32
    %while3A_36 = arith.subi %while3A_35, %while3A_34 : i32
    %while3A_37 = arith.addi %while3A_34, %while3A_36 : i32
    %while3A_38 = arith.constant 1 : i32
    %while3A_39 = arith.divsi %while3A_36, %while3A_38 : i32
    %while3A_40 = arith.muli %while3A_39, %while3A_38 : i32
    %while3A_41 = arith.addi %while3A_34, %while3A_40 : i32
    %while3A_42 = arith.constant 1 : i32
    scf.for %while3A_81 = %while3A_34 to %while3A_41 step %while3A_42  : i32 {
      %mul3A_82 = arith.constant 2 : i32
      %mul3A_83 = arith.muli %mul3A_82, %while3A_81 : i32
      %mul3A_84 = arith.constant 96 : i32
      %mul3A_85 = arith.muli %mul3A_83, %mul3A_84 : i32
      %dma_wait3A_86 = tpu.memref_slice %arg6[%mul3A_85] : memref<10176xi32, #tpu.memory_space<vmem>> -> memref<96xi32, #tpu.memory_space<vmem>>
      %dma_wait3A_87 = arith.constant 0 : i32
      %dma_wait3A_88 = arith.constant 0 : i32
      %dma_wait3A_89 = tpu.memref_slice %arg2[%dma_wait3A_87, %dma_wait3A_88] : memref<10000x128xf32, #tpu.memory_space<hbm>> -> memref<10000x128xf32, #tpu.memory_space<hbm>>
      tpu.wait_indirect_dma semaphore(%arg10 : memref<!tpu.dma_semaphore, #tpu.memory_space<semaphore_mem>>) src(%dma_wait3A_89 : memref<10000x128xf32, #tpu.memory_space<hbm>>) dst(%arg8 : memref<96x128xf32, #tpu.memory_space<vmem>>)
      %add3A_90 = arith.constant 1 : i32
      %add3A_91 = arith.addi %mul3A_83, %add3A_90 : i32
      %mul3A_92 = arith.constant 96 : i32
      %mul3A_93 = arith.muli %add3A_91, %mul3A_92 : i32
      %dma_start3A_94 = tpu.memref_slice %arg6[%mul3A_93] : memref<10176xi32, #tpu.memory_space<vmem>> -> memref<96xi32, #tpu.memory_space<vmem>>
      %dma_start3A_95 = arith.constant 0 : i32
      %dma_start3A_96 = arith.constant 0 : i32
      %dma_start3A_97 = tpu.memref_slice %arg2[%dma_start3A_95, %dma_start3A_96] : memref<10000x128xf32, #tpu.memory_space<hbm>> -> memref<10000x128xf32, #tpu.memory_space<hbm>>
      tpu.enqueue_indirect_dma source(%dma_start3A_97 : memref<10000x128xf32, #tpu.memory_space<hbm>>) target(%arg9 : memref<96x128xf32, #tpu.memory_space<vmem>>) offsets(%dma_start3A_94 : memref<96xi32, #tpu.memory_space<vmem>>) semaphore(%arg11 : memref<!tpu.dma_semaphore, #tpu.memory_space<semaphore_mem>>)
      "tpu.region"() ({
        %run_scoped3A_116 = tpu.sem_alloc : memref<!tpu.dma_semaphore, #tpu.memory_space<semaphore_mem>>
        %dma_start3A_117 = arith.constant 0 : i32
        %dma_start3A_118 = tpu.memref_slice %arg7[%mul3A_83, %dma_start3A_117] : memref<106x96xi32, #tpu.memory_space<vmem>> -> memref<1x96xi32, #tpu.memory_space<vmem>>
        %dma_start3A_119 = tpu.memref_squeeze %dma_start3A_118 : memref<1x96xi32, #tpu.memory_space<vmem>> -> memref<96xi32, #tpu.memory_space<vmem>>
        %dma_start3A_120 = arith.constant 0 : i32
        %dma_start3A_121 = arith.constant 0 : i32
        %dma_start3A_122 = tpu.memref_slice %arg12[%dma_start3A_120, %dma_start3A_121] : memref<10112x128xf32, #tpu.memory_space<vmem_shared>> -> memref<10112x128xf32, #tpu.memory_space<vmem_shared>>
        tpu.enqueue_indirect_dma source(%arg8 : memref<96x128xf32, #tpu.memory_space<vmem>>) target(%dma_start3A_122 : memref<10112x128xf32, #tpu.memory_space<vmem_shared>>) offsets(%dma_start3A_119 : memref<96xi32, #tpu.memory_space<vmem>>) semaphore(%run_scoped3A_116 : memref<!tpu.dma_semaphore, #tpu.memory_space<semaphore_mem>>) {add = true}
        %dma_wait3A_123 = arith.constant 0 : i32
        %dma_wait3A_124 = tpu.memref_slice %arg7[%mul3A_83, %dma_wait3A_123] : memref<106x96xi32, #tpu.memory_space<vmem>> -> memref<1x96xi32, #tpu.memory_space<vmem>>
        %dma_wait3A_125 = tpu.memref_squeeze %dma_wait3A_124 : memref<1x96xi32, #tpu.memory_space<vmem>> -> memref<96xi32, #tpu.memory_space<vmem>>
        %dma_wait3A_126 = arith.constant 0 : i32
        %dma_wait3A_127 = arith.constant 0 : i32
        %dma_wait3A_128 = tpu.memref_slice %arg12[%dma_wait3A_126, %dma_wait3A_127] : memref<10112x128xf32, #tpu.memory_space<vmem_shared>> -> memref<10112x128xf32, #tpu.memory_space<vmem_shared>>
        tpu.wait_indirect_dma semaphore(%run_scoped3A_116 : memref<!tpu.dma_semaphore, #tpu.memory_space<semaphore_mem>>) src(%arg8 : memref<96x128xf32, #tpu.memory_space<vmem>>) dst(%dma_wait3A_128 : memref<10112x128xf32, #tpu.memory_space<vmem_shared>>)
        tpu.yield
      }) : () -> ()
      %add3A_98 = arith.constant 1 : i32
      %add3A_99 = arith.addi %mul3A_83, %add3A_98 : i32
      %mul3A_100 = arith.constant 96 : i32
      %mul3A_101 = arith.muli %add3A_99, %mul3A_100 : i32
      %dma_wait3A_102 = tpu.memref_slice %arg6[%mul3A_101] : memref<10176xi32, #tpu.memory_space<vmem>> -> memref<96xi32, #tpu.memory_space<vmem>>
      %dma_wait3A_103 = arith.constant 0 : i32
      %dma_wait3A_104 = arith.constant 0 : i32
      %dma_wait3A_105 = tpu.memref_slice %arg2[%dma_wait3A_103, %dma_wait3A_104] : memref<10000x128xf32, #tpu.memory_space<hbm>> -> memref<10000x128xf32, #tpu.memory_space<hbm>>
      tpu.wait_indirect_dma semaphore(%arg11 : memref<!tpu.dma_semaphore, #tpu.memory_space<semaphore_mem>>) src(%dma_wait3A_105 : memref<10000x128xf32, #tpu.memory_space<hbm>>) dst(%arg9 : memref<96x128xf32, #tpu.memory_space<vmem>>)
      %add3A_106 = arith.constant 2 : i32
      %add3A_107 = arith.addi %mul3A_83, %add3A_106 : i32
      %mul3A_108 = arith.constant 96 : i32
      %mul3A_109 = arith.muli %add3A_107, %mul3A_108 : i32
      %dma_start3A_110 = tpu.memref_slice %arg6[%mul3A_109] : memref<10176xi32, #tpu.memory_space<vmem>> -> memref<96xi32, #tpu.memory_space<vmem>>
      %dma_start3A_111 = arith.constant 0 : i32
      %dma_start3A_112 = arith.constant 0 : i32
      %dma_start3A_113 = tpu.memref_slice %arg2[%dma_start3A_111, %dma_start3A_112] : memref<10000x128xf32, #tpu.memory_space<hbm>> -> memref<10000x128xf32, #tpu.memory_space<hbm>>
      tpu.enqueue_indirect_dma source(%dma_start3A_113 : memref<10000x128xf32, #tpu.memory_space<hbm>>) target(%arg8 : memref<96x128xf32, #tpu.memory_space<vmem>>) offsets(%dma_start3A_110 : memref<96xi32, #tpu.memory_space<vmem>>) semaphore(%arg10 : memref<!tpu.dma_semaphore, #tpu.memory_space<semaphore_mem>>)
      %add3A_114 = arith.constant 1 : i32
      %add3A_115 = arith.addi %mul3A_83, %add3A_114 : i32
      "tpu.region"() ({
        %run_scoped3A_116 = tpu.sem_alloc : memref<!tpu.dma_semaphore, #tpu.memory_space<semaphore_mem>>
        %dma_start3A_117 = arith.constant 0 : i32
        %dma_start3A_118 = tpu.memref_slice %arg7[%add3A_115, %dma_start3A_117] : memref<106x96xi32, #tpu.memory_space<vmem>> -> memref<1x96xi32, #tpu.memory_space<vmem>>
        %dma_start3A_119 = tpu.memref_squeeze %dma_start3A_118 : memref<1x96xi32, #tpu.memory_space<vmem>> -> memref<96xi32, #tpu.memory_space<vmem>>
        %dma_start3A_120 = arith.constant 0 : i32
        %dma_start3A_121 = arith.constant 0 : i32
        %dma_start3A_122 = tpu.memref_slice %arg12[%dma_start3A_120, %dma_start3A_121] : memref<10112x128xf32, #tpu.memory_space<vmem_shared>> -> memref<10112x128xf32, #tpu.memory_space<vmem_shared>>
        tpu.enqueue_indirect_dma source(%arg9 : memref<96x128xf32, #tpu.memory_space<vmem>>) target(%dma_start3A_122 : memref<10112x128xf32, #tpu.memory_space<vmem_shared>>) offsets(%dma_start3A_119 : memref<96xi32, #tpu.memory_space<vmem>>) semaphore(%run_scoped3A_116 : memref<!tpu.dma_semaphore, #tpu.memory_space<semaphore_mem>>) {add = true}
        %dma_wait3A_123 = arith.constant 0 : i32
        %dma_wait3A_124 = tpu.memref_slice %arg7[%add3A_115, %dma_wait3A_123] : memref<106x96xi32, #tpu.memory_space<vmem>> -> memref<1x96xi32, #tpu.memory_space<vmem>>
        %dma_wait3A_125 = tpu.memref_squeeze %dma_wait3A_124 : memref<1x96xi32, #tpu.memory_space<vmem>> -> memref<96xi32, #tpu.memory_space<vmem>>
        %dma_wait3A_126 = arith.constant 0 : i32
        %dma_wait3A_127 = arith.constant 0 : i32
        %dma_wait3A_128 = tpu.memref_slice %arg12[%dma_wait3A_126, %dma_wait3A_127] : memref<10112x128xf32, #tpu.memory_space<vmem_shared>> -> memref<10112x128xf32, #tpu.memory_space<vmem_shared>>
        tpu.wait_indirect_dma semaphore(%run_scoped3A_116 : memref<!tpu.dma_semaphore, #tpu.memory_space<semaphore_mem>>) src(%arg9 : memref<96x128xf32, #tpu.memory_space<vmem>>) dst(%dma_wait3A_128 : memref<10112x128xf32, #tpu.memory_space<vmem_shared>>)
        tpu.yield
      }) : () -> ()
    }
    %while3A_43 = arith.constant 1 : i32
    scf.for %while3A_81 = %while3A_41 to %while3A_37 step %while3A_43  : i32 {
      %mul3A_82 = arith.constant 2 : i32
      %mul3A_83 = arith.muli %mul3A_82, %while3A_81 : i32
      %mul3A_84 = arith.constant 96 : i32
      %mul3A_85 = arith.muli %mul3A_83, %mul3A_84 : i32
      %dma_wait3A_86 = tpu.memref_slice %arg6[%mul3A_85] : memref<10176xi32, #tpu.memory_space<vmem>> -> memref<96xi32, #tpu.memory_space<vmem>>
      %dma_wait3A_87 = arith.constant 0 : i32
      %dma_wait3A_88 = arith.constant 0 : i32
      %dma_wait3A_89 = tpu.memref_slice %arg2[%dma_wait3A_87, %dma_wait3A_88] : memref<10000x128xf32, #tpu.memory_space<hbm>> -> memref<10000x128xf32, #tpu.memory_space<hbm>>
      tpu.wait_indirect_dma semaphore(%arg10 : memref<!tpu.dma_semaphore, #tpu.memory_space<semaphore_mem>>) src(%dma_wait3A_89 : memref<10000x128xf32, #tpu.memory_space<hbm>>) dst(%arg8 : memref<96x128xf32, #tpu.memory_space<vmem>>)
      %add3A_90 = arith.constant 1 : i32
      %add3A_91 = arith.addi %mul3A_83, %add3A_90 : i32
      %mul3A_92 = arith.constant 96 : i32
      %mul3A_93 = arith.muli %add3A_91, %mul3A_92 : i32
      %dma_start3A_94 = tpu.memref_slice %arg6[%mul3A_93] : memref<10176xi32, #tpu.memory_space<vmem>> -> memref<96xi32, #tpu.memory_space<vmem>>
      %dma_start3A_95 = arith.constant 0 : i32
      %dma_start3A_96 = arith.constant 0 : i32
      %dma_start3A_97 = tpu.memref_slice %arg2[%dma_start3A_95, %dma_start3A_96] : memref<10000x128xf32, #tpu.memory_space<hbm>> -> memref<10000x128xf32, #tpu.memory_space<hbm>>
      tpu.enqueue_indirect_dma source(%dma_start3A_97 : memref<10000x128xf32, #tpu.memory_space<hbm>>) target(%arg9 : memref<96x128xf32, #tpu.memory_space<vmem>>) offsets(%dma_start3A_94 : memref<96xi32, #tpu.memory_space<vmem>>) semaphore(%arg11 : memref<!tpu.dma_semaphore, #tpu.memory_space<semaphore_mem>>)
      "tpu.region"() ({
        %run_scoped3A_116 = tpu.sem_alloc : memref<!tpu.dma_semaphore, #tpu.memory_space<semaphore_mem>>
        %dma_start3A_117 = arith.constant 0 : i32
        %dma_start3A_118 = tpu.memref_slice %arg7[%mul3A_83, %dma_start3A_117] : memref<106x96xi32, #tpu.memory_space<vmem>> -> memref<1x96xi32, #tpu.memory_space<vmem>>
        %dma_start3A_119 = tpu.memref_squeeze %dma_start3A_118 : memref<1x96xi32, #tpu.memory_space<vmem>> -> memref<96xi32, #tpu.memory_space<vmem>>
        %dma_start3A_120 = arith.constant 0 : i32
        %dma_start3A_121 = arith.constant 0 : i32
        %dma_start3A_122 = tpu.memref_slice %arg12[%dma_start3A_120, %dma_start3A_121] : memref<10112x128xf32, #tpu.memory_space<vmem_shared>> -> memref<10112x128xf32, #tpu.memory_space<vmem_shared>>
        tpu.enqueue_indirect_dma source(%arg8 : memref<96x128xf32, #tpu.memory_space<vmem>>) target(%dma_start3A_122 : memref<10112x128xf32, #tpu.memory_space<vmem_shared>>) offsets(%dma_start3A_119 : memref<96xi32, #tpu.memory_space<vmem>>) semaphore(%run_scoped3A_116 : memref<!tpu.dma_semaphore, #tpu.memory_space<semaphore_mem>>) {add = true}
        %dma_wait3A_123 = arith.constant 0 : i32
        %dma_wait3A_124 = tpu.memref_slice %arg7[%mul3A_83, %dma_wait3A_123] : memref<106x96xi32, #tpu.memory_space<vmem>> -> memref<1x96xi32, #tpu.memory_space<vmem>>
        %dma_wait3A_125 = tpu.memref_squeeze %dma_wait3A_124 : memref<1x96xi32, #tpu.memory_space<vmem>> -> memref<96xi32, #tpu.memory_space<vmem>>
        %dma_wait3A_126 = arith.constant 0 : i32
        %dma_wait3A_127 = arith.constant 0 : i32
        %dma_wait3A_128 = tpu.memref_slice %arg12[%dma_wait3A_126, %dma_wait3A_127] : memref<10112x128xf32, #tpu.memory_space<vmem_shared>> -> memref<10112x128xf32, #tpu.memory_space<vmem_shared>>
        tpu.wait_indirect_dma semaphore(%run_scoped3A_116 : memref<!tpu.dma_semaphore, #tpu.memory_space<semaphore_mem>>) src(%arg8 : memref<96x128xf32, #tpu.memory_space<vmem>>) dst(%dma_wait3A_128 : memref<10112x128xf32, #tpu.memory_space<vmem_shared>>)
        tpu.yield
      }) : () -> ()
      %add3A_98 = arith.constant 1 : i32
      %add3A_99 = arith.addi %mul3A_83, %add3A_98 : i32
      %mul3A_100 = arith.constant 96 : i32
      %mul3A_101 = arith.muli %add3A_99, %mul3A_100 : i32
      %dma_wait3A_102 = tpu.memref_slice %arg6[%mul3A_101] : memref<10176xi32, #tpu.memory_space<vmem>> -> memref<96xi32, #tpu.memory_space<vmem>>
      %dma_wait3A_103 = arith.constant 0 : i32
      %dma_wait3A_104 = arith.constant 0 : i32
      %dma_wait3A_105 = tpu.memref_slice %arg2[%dma_wait3A_103, %dma_wait3A_104] : memref<10000x128xf32, #tpu.memory_space<hbm>> -> memref<10000x128xf32, #tpu.memory_space<hbm>>
      tpu.wait_indirect_dma semaphore(%arg11 : memref<!tpu.dma_semaphore, #tpu.memory_space<semaphore_mem>>) src(%dma_wait3A_105 : memref<10000x128xf32, #tpu.memory_space<hbm>>) dst(%arg9 : memref<96x128xf32, #tpu.memory_space<vmem>>)
      %add3A_106 = arith.constant 2 : i32
      %add3A_107 = arith.addi %mul3A_83, %add3A_106 : i32
      %mul3A_108 = arith.constant 96 : i32
      %mul3A_109 = arith.muli %add3A_107, %mul3A_108 : i32
      %dma_start3A_110 = tpu.memref_slice %arg6[%mul3A_109] : memref<10176xi32, #tpu.memory_space<vmem>> -> memref<96xi32, #tpu.memory_space<vmem>>
      %dma_start3A_111 = arith.constant 0 : i32
      %dma_start3A_112 = arith.constant 0 : i32
      %dma_start3A_113 = tpu.memref_slice %arg2[%dma_start3A_111, %dma_start3A_112] : memref<10000x128xf32, #tpu.memory_space<hbm>> -> memref<10000x128xf32, #tpu.memory_space<hbm>>
      tpu.enqueue_indirect_dma source(%dma_start3A_113 : memref<10000x128xf32, #tpu.memory_space<hbm>>) target(%arg8 : memref<96x128xf32, #tpu.memory_space<vmem>>) offsets(%dma_start3A_110 : memref<96xi32, #tpu.memory_space<vmem>>) semaphore(%arg10 : memref<!tpu.dma_semaphore, #tpu.memory_space<semaphore_mem>>)
      %add3A_114 = arith.constant 1 : i32
      %add3A_115 = arith.addi %mul3A_83, %add3A_114 : i32
      "tpu.region"() ({
        %run_scoped3A_116 = tpu.sem_alloc : memref<!tpu.dma_semaphore, #tpu.memory_space<semaphore_mem>>
        %dma_start3A_117 = arith.constant 0 : i32
        %dma_start3A_118 = tpu.memref_slice %arg7[%add3A_115, %dma_start3A_117] : memref<106x96xi32, #tpu.memory_space<vmem>> -> memref<1x96xi32, #tpu.memory_space<vmem>>
        %dma_start3A_119 = tpu.memref_squeeze %dma_start3A_118 : memref<1x96xi32, #tpu.memory_space<vmem>> -> memref<96xi32, #tpu.memory_space<vmem>>
        %dma_start3A_120 = arith.constant 0 : i32
        %dma_start3A_121 = arith.constant 0 : i32
        %dma_start3A_122 = tpu.memref_slice %arg12[%dma_start3A_120, %dma_start3A_121] : memref<10112x128xf32, #tpu.memory_space<vmem_shared>> -> memref<10112x128xf32, #tpu.memory_space<vmem_shared>>
        tpu.enqueue_indirect_dma source(%arg9 : memref<96x128xf32, #tpu.memory_space<vmem>>) target(%dma_start3A_122 : memref<10112x128xf32, #tpu.memory_space<vmem_shared>>) offsets(%dma_start3A_119 : memref<96xi32, #tpu.memory_space<vmem>>) semaphore(%run_scoped3A_116 : memref<!tpu.dma_semaphore, #tpu.memory_space<semaphore_mem>>) {add = true}
        %dma_wait3A_123 = arith.constant 0 : i32
        %dma_wait3A_124 = tpu.memref_slice %arg7[%add3A_115, %dma_wait3A_123] : memref<106x96xi32, #tpu.memory_space<vmem>> -> memref<1x96xi32, #tpu.memory_space<vmem>>
        %dma_wait3A_125 = tpu.memref_squeeze %dma_wait3A_124 : memref<1x96xi32, #tpu.memory_space<vmem>> -> memref<96xi32, #tpu.memory_space<vmem>>
        %dma_wait3A_126 = arith.constant 0 : i32
        %dma_wait3A_127 = arith.constant 0 : i32
        %dma_wait3A_128 = tpu.memref_slice %arg12[%dma_wait3A_126, %dma_wait3A_127] : memref<10112x128xf32, #tpu.memory_space<vmem_shared>> -> memref<10112x128xf32, #tpu.memory_space<vmem_shared>>
        tpu.wait_indirect_dma semaphore(%run_scoped3A_116 : memref<!tpu.dma_semaphore, #tpu.memory_space<semaphore_mem>>) src(%arg9 : memref<96x128xf32, #tpu.memory_space<vmem>>) dst(%dma_wait3A_128 : memref<10112x128xf32, #tpu.memory_space<vmem_shared>>)
        tpu.yield
      }) : () -> ()
    }
    %mul3A_44 = arith.constant 104 : i32
    %mul3A_45 = arith.constant 96 : i32
    %mul3A_46 = arith.muli %mul3A_44, %mul3A_45 : i32
    %dma_wait3A = tpu.memref_slice %arg6[%mul3A_46] : memref<10176xi32, #tpu.memory_space<vmem>> -> memref<96xi32, #tpu.memory_space<vmem>>
    %dma_wait3A_47 = arith.constant 0 : i32
    %dma_wait3A_48 = arith.constant 0 : i32
    %dma_wait3A_49 = tpu.memref_slice %arg2[%dma_wait3A_47, %dma_wait3A_48] : memref<10000x128xf32, #tpu.memory_space<hbm>> -> memref<10000x128xf32, #tpu.memory_space<hbm>>
    tpu.wait_indirect_dma semaphore(%arg10 : memref<!tpu.dma_semaphore, #tpu.memory_space<semaphore_mem>>) src(%dma_wait3A_49 : memref<10000x128xf32, #tpu.memory_space<hbm>>) dst(%arg8 : memref<96x128xf32, #tpu.memory_space<vmem>>)
    %add3A_50 = arith.constant 104 : i32
    %add3A_51 = arith.constant 1 : i32
    %add3A_52 = arith.addi %add3A_50, %add3A_51 : i32
    %mul3A_53 = arith.constant 96 : i32
    %mul3A_54 = arith.muli %add3A_52, %mul3A_53 : i32
    %dma_start3A_55 = tpu.memref_slice %arg6[%mul3A_54] : memref<10176xi32, #tpu.memory_space<vmem>> -> memref<96xi32, #tpu.memory_space<vmem>>
    %dma_start3A_56 = arith.constant 0 : i32
    %dma_start3A_57 = arith.constant 0 : i32
    %dma_start3A_58 = tpu.memref_slice %arg2[%dma_start3A_56, %dma_start3A_57] : memref<10000x128xf32, #tpu.memory_space<hbm>> -> memref<10000x128xf32, #tpu.memory_space<hbm>>
    tpu.enqueue_indirect_dma source(%dma_start3A_58 : memref<10000x128xf32, #tpu.memory_space<hbm>>) target(%arg9 : memref<96x128xf32, #tpu.memory_space<vmem>>) offsets(%dma_start3A_55 : memref<96xi32, #tpu.memory_space<vmem>>) semaphore(%arg11 : memref<!tpu.dma_semaphore, #tpu.memory_space<semaphore_mem>>)
    %run_scoped3A = arith.constant 104 : i32
    "tpu.region"() ({
      %run_scoped3A_81 = tpu.sem_alloc : memref<!tpu.dma_semaphore, #tpu.memory_space<semaphore_mem>>
      %dma_start3A_82 = arith.constant 0 : i32
      %dma_start3A_83 = tpu.memref_slice %arg7[%run_scoped3A, %dma_start3A_82] : memref<106x96xi32, #tpu.memory_space<vmem>> -> memref<1x96xi32, #tpu.memory_space<vmem>>
      %dma_start3A_84 = tpu.memref_squeeze %dma_start3A_83 : memref<1x96xi32, #tpu.memory_space<vmem>> -> memref<96xi32, #tpu.memory_space<vmem>>
      %dma_start3A_85 = arith.constant 0 : i32
      %dma_start3A_86 = arith.constant 0 : i32
      %dma_start3A_87 = tpu.memref_slice %arg12[%dma_start3A_85, %dma_start3A_86] : memref<10112x128xf32, #tpu.memory_space<vmem_shared>> -> memref<10112x128xf32, #tpu.memory_space<vmem_shared>>
      tpu.enqueue_indirect_dma source(%arg8 : memref<96x128xf32, #tpu.memory_space<vmem>>) target(%dma_start3A_87 : memref<10112x128xf32, #tpu.memory_space<vmem_shared>>) offsets(%dma_start3A_84 : memref<96xi32, #tpu.memory_space<vmem>>) semaphore(%run_scoped3A_81 : memref<!tpu.dma_semaphore, #tpu.memory_space<semaphore_mem>>) {add = true}
      %dma_wait3A_88 = arith.constant 0 : i32
      %dma_wait3A_89 = tpu.memref_slice %arg7[%run_scoped3A, %dma_wait3A_88] : memref<106x96xi32, #tpu.memory_space<vmem>> -> memref<1x96xi32, #tpu.memory_space<vmem>>
      %dma_wait3A_90 = tpu.memref_squeeze %dma_wait3A_89 : memref<1x96xi32, #tpu.memory_space<vmem>> -> memref<96xi32, #tpu.memory_space<vmem>>
      %dma_wait3A_91 = arith.constant 0 : i32
      %dma_wait3A_92 = arith.constant 0 : i32
      %dma_wait3A_93 = tpu.memref_slice %arg12[%dma_wait3A_91, %dma_wait3A_92] : memref<10112x128xf32, #tpu.memory_space<vmem_shared>> -> memref<10112x128xf32, #tpu.memory_space<vmem_shared>>
      tpu.wait_indirect_dma semaphore(%run_scoped3A_81 : memref<!tpu.dma_semaphore, #tpu.memory_space<semaphore_mem>>) src(%arg8 : memref<96x128xf32, #tpu.memory_space<vmem>>) dst(%dma_wait3A_93 : memref<10112x128xf32, #tpu.memory_space<vmem_shared>>)
      tpu.yield
    }) : () -> ()
    %add3A_59 = arith.constant 104 : i32
    %add3A_60 = arith.constant 1 : i32
    %add3A_61 = arith.addi %add3A_59, %add3A_60 : i32
    %mul3A_62 = arith.constant 96 : i32
    %mul3A_63 = arith.muli %add3A_61, %mul3A_62 : i32
    %dma_wait3A_64 = tpu.memref_slice %arg6[%mul3A_63] : memref<10176xi32, #tpu.memory_space<vmem>> -> memref<96xi32, #tpu.memory_space<vmem>>
    %dma_wait3A_65 = arith.constant 0 : i32
    %dma_wait3A_66 = arith.constant 0 : i32
    %dma_wait3A_67 = tpu.memref_slice %arg2[%dma_wait3A_65, %dma_wait3A_66] : memref<10000x128xf32, #tpu.memory_space<hbm>> -> memref<10000x128xf32, #tpu.memory_space<hbm>>
    tpu.wait_indirect_dma semaphore(%arg11 : memref<!tpu.dma_semaphore, #tpu.memory_space<semaphore_mem>>) src(%dma_wait3A_67 : memref<10000x128xf32, #tpu.memory_space<hbm>>) dst(%arg9 : memref<96x128xf32, #tpu.memory_space<vmem>>)
    %add3A_68 = arith.constant 104 : i32
    %add3A_69 = arith.constant 1 : i32
    %add3A_70 = arith.addi %add3A_68, %add3A_69 : i32
    "tpu.region"() ({
      %run_scoped3A_81 = tpu.sem_alloc : memref<!tpu.dma_semaphore, #tpu.memory_space<semaphore_mem>>
      %dma_start3A_82 = arith.constant 0 : i32
      %dma_start3A_83 = tpu.memref_slice %arg7[%add3A_70, %dma_start3A_82] : memref<106x96xi32, #tpu.memory_space<vmem>> -> memref<1x96xi32, #tpu.memory_space<vmem>>
      %dma_start3A_84 = tpu.memref_squeeze %dma_start3A_83 : memref<1x96xi32, #tpu.memory_space<vmem>> -> memref<96xi32, #tpu.memory_space<vmem>>
      %dma_start3A_85 = arith.constant 0 : i32
      %dma_start3A_86 = arith.constant 0 : i32
      %dma_start3A_87 = tpu.memref_slice %arg12[%dma_start3A_85, %dma_start3A_86] : memref<10112x128xf32, #tpu.memory_space<vmem_shared>> -> memref<10112x128xf32, #tpu.memory_space<vmem_shared>>
      tpu.enqueue_indirect_dma source(%arg9 : memref<96x128xf32, #tpu.memory_space<vmem>>) target(%dma_start3A_87 : memref<10112x128xf32, #tpu.memory_space<vmem_shared>>) offsets(%dma_start3A_84 : memref<96xi32, #tpu.memory_space<vmem>>) semaphore(%run_scoped3A_81 : memref<!tpu.dma_semaphore, #tpu.memory_space<semaphore_mem>>) {add = true}
      %dma_wait3A_88 = arith.constant 0 : i32
      %dma_wait3A_89 = tpu.memref_slice %arg7[%add3A_70, %dma_wait3A_88] : memref<106x96xi32, #tpu.memory_space<vmem>> -> memref<1x96xi32, #tpu.memory_space<vmem>>
      %dma_wait3A_90 = tpu.memref_squeeze %dma_wait3A_89 : memref<1x96xi32, #tpu.memory_space<vmem>> -> memref<96xi32, #tpu.memory_space<vmem>>
      %dma_wait3A_91 = arith.constant 0 : i32
      %dma_wait3A_92 = arith.constant 0 : i32
      %dma_wait3A_93 = tpu.memref_slice %arg12[%dma_wait3A_91, %dma_wait3A_92] : memref<10112x128xf32, #tpu.memory_space<vmem_shared>> -> memref<10112x128xf32, #tpu.memory_space<vmem_shared>>
      tpu.wait_indirect_dma semaphore(%run_scoped3A_81 : memref<!tpu.dma_semaphore, #tpu.memory_space<semaphore_mem>>) src(%arg9 : memref<96x128xf32, #tpu.memory_space<vmem>>) dst(%dma_wait3A_93 : memref<10112x128xf32, #tpu.memory_space<vmem_shared>>)
      tpu.yield
    }) : () -> ()
    %barrier3A_71 = arith.constant 0 : index
    tpu.barrier barrier_id(%barrier3A_71)
    %barrier3A_72 = arith.constant 0 : index
    tpu.barrier barrier_id(%barrier3A_72)
    %mul3A_73 = arith.constant 624 : i32
    %mul3A_74 = arith.muli %arg1, %mul3A_73 : i32
    %lt3A = arith.constant 15 : i32
    %lt3A_75 = arith.cmpi slt, %arg1, %lt3A : i32
    %convert_element_type3A = arith.extui %lt3A_75 : i1 to i32
    %cond3A = arith.constant 0 : i32
    %cond3A_76 = arith.cmpi ne, %convert_element_type3A, %cond3A : i32
    scf.if %cond3A_76 {
      "tpu.region"() ({
        %run_scoped3A_81 = tpu.sem_alloc : memref<!tpu.dma_semaphore, #tpu.memory_space<semaphore_mem>>
        %dma_start3A_82 = arith.constant 0 : i32
        %dma_start3A_83 = tpu.memref_slice %arg5[%arg0, %mul3A_74, %dma_start3A_82] : memref<2x10000x128xf32, #tpu.memory_space<hbm>> -> memref<1x624x128xf32, #tpu.memory_space<hbm>>
        %dma_start3A_84 = tpu.memref_squeeze %dma_start3A_83 : memref<1x624x128xf32, #tpu.memory_space<hbm>> -> memref<624x128xf32, #tpu.memory_space<hbm>>
        %dma_start3A_85 = arith.constant 0 : i32
        %dma_start3A_86 = tpu.memref_slice %arg12[%mul3A_74, %dma_start3A_85] : memref<10112x128xf32, #tpu.memory_space<vmem_shared>> -> memref<624x128xf32, #tpu.memory_space<vmem_shared>>
        tpu.enqueue_dma source(%dma_start3A_86 : memref<624x128xf32, #tpu.memory_space<vmem_shared>>) target(%dma_start3A_84 : memref<624x128xf32, #tpu.memory_space<hbm>>) target_semaphore(%run_scoped3A_81 : memref<!tpu.dma_semaphore, #tpu.memory_space<semaphore_mem>>)
        %dma_wait3A_87 = arith.constant 0 : i32
        %dma_wait3A_88 = tpu.memref_slice %arg5[%arg0, %mul3A_74, %dma_wait3A_87] : memref<2x10000x128xf32, #tpu.memory_space<hbm>> -> memref<1x624x128xf32, #tpu.memory_space<hbm>>
        %dma_wait3A_89 = tpu.memref_squeeze %dma_wait3A_88 : memref<1x624x128xf32, #tpu.memory_space<hbm>> -> memref<624x128xf32, #tpu.memory_space<hbm>>
        %dma_wait3A_90 = arith.constant 0 : i32
        %dma_wait3A_91 = tpu.memref_slice %arg12[%mul3A_74, %dma_wait3A_90] : memref<10112x128xf32, #tpu.memory_space<vmem_shared>> -> memref<624x128xf32, #tpu.memory_space<vmem_shared>>
        tpu.wait_dma2 semaphore(%run_scoped3A_81 : memref<!tpu.dma_semaphore, #tpu.memory_space<semaphore_mem>>) src(%dma_wait3A_91 : memref<624x128xf32, #tpu.memory_space<vmem_shared>>) dst(%dma_wait3A_89 : memref<624x128xf32, #tpu.memory_space<hbm>>)
        tpu.yield
      }) : () -> ()
    } else {
    }
    %eq3A = arith.constant 15 : i32
    %eq3A_77 = arith.cmpi eq, %arg1, %eq3A : i32
    %convert_element_type3A_78 = arith.extui %eq3A_77 : i1 to i32
    %cond3A_79 = arith.constant 0 : i32
    %cond3A_80 = arith.cmpi ne, %convert_element_type3A_78, %cond3A_79 : i32
    scf.if %cond3A_80 {
      "tpu.region"() ({
        %run_scoped3A_81 = tpu.sem_alloc : memref<!tpu.dma_semaphore, #tpu.memory_space<semaphore_mem>>
        %dma_start3A_82 = arith.constant 9360 : i32
        %dma_start3A_83 = arith.constant 0 : i32
        %dma_start3A_84 = tpu.memref_slice %arg5[%arg0, %dma_start3A_82, %dma_start3A_83] : memref<2x10000x128xf32, #tpu.memory_space<hbm>> -> memref<1x640x128xf32, #tpu.memory_space<hbm>>
        %dma_start3A_85 = tpu.memref_squeeze %dma_start3A_84 : memref<1x640x128xf32, #tpu.memory_space<hbm>> -> memref<640x128xf32, #tpu.memory_space<hbm>>
        %dma_start3A_86 = arith.constant 9360 : i32
        %dma_start3A_87 = arith.constant 0 : i32
        %dma_start3A_88 = tpu.memref_slice %arg12[%dma_start3A_86, %dma_start3A_87] : memref<10112x128xf32, #tpu.memory_space<vmem_shared>> -> memref<640x128xf32, #tpu.memory_space<vmem_shared>>
        tpu.enqueue_dma source(%dma_start3A_88 : memref<640x128xf32, #tpu.memory_space<vmem_shared>>) target(%dma_start3A_85 : memref<640x128xf32, #tpu.memory_space<hbm>>) target_semaphore(%run_scoped3A_81 : memref<!tpu.dma_semaphore, #tpu.memory_space<semaphore_mem>>)
        %dma_wait3A_89 = arith.constant 9360 : i32
        %dma_wait3A_90 = arith.constant 0 : i32
        %dma_wait3A_91 = tpu.memref_slice %arg5[%arg0, %dma_wait3A_89, %dma_wait3A_90] : memref<2x10000x128xf32, #tpu.memory_space<hbm>> -> memref<1x640x128xf32, #tpu.memory_space<hbm>>
        %dma_wait3A_92 = tpu.memref_squeeze %dma_wait3A_91 : memref<1x640x128xf32, #tpu.memory_space<hbm>> -> memref<640x128xf32, #tpu.memory_space<hbm>>
        %dma_wait3A_93 = arith.constant 9360 : i32
        %dma_wait3A_94 = arith.constant 0 : i32
        %dma_wait3A_95 = tpu.memref_slice %arg12[%dma_wait3A_93, %dma_wait3A_94] : memref<10112x128xf32, #tpu.memory_space<vmem_shared>> -> memref<640x128xf32, #tpu.memory_space<vmem_shared>>
        tpu.wait_dma2 semaphore(%run_scoped3A_81 : memref<!tpu.dma_semaphore, #tpu.memory_space<semaphore_mem>>) src(%dma_wait3A_95 : memref<640x128xf32, #tpu.memory_space<vmem_shared>>) dst(%dma_wait3A_92 : memref<640x128xf32, #tpu.memory_space<hbm>>)
        tpu.yield
      }) : () -> ()
    } else {
    }
    return
  }
}

#map = affine_map<(d0, d1) -> (0, 0)>
#map1 = affine_map<(d0, d1) -> (0, 0, 0)>
module attributes {stable_mosaic.version = 14 : i64} {
  func.func @_round_body(%arg0: i32, %arg1: i32, %arg2: memref<10000x128xf32, #tpu.memory_space<hbm>>, %arg3: memref<32x10176xi32, #tpu.memory_space<hbm>>, %arg4: memref<32x106x96xi32, #tpu.memory_space<hbm>>, %arg5: memref<2x10000x128xf32, #tpu.memory_space<hbm>>, %arg6: memref<10176xi32, #tpu.memory_space<vmem>>, %arg7: memref<106x96xi32, #tpu.memory_space<vmem>>, %arg8: memref<96x128xf32, #tpu.memory_space<vmem>>, %arg9: memref<96x128xf32, #tpu.memory_space<vmem>>, %arg10: memref<!tpu.dma_semaphore, #tpu.memory_space<semaphore_mem>>, %arg11: memref<!tpu.dma_semaphore, #tpu.memory_space<semaphore_mem>>, %arg12: memref<10112x128xf32, #tpu.memory_space<vmem_shared>>) attributes {dimension_semantics = [#tpu.dimension_semantics<core_parallel>, #tpu.dimension_semantics<subcore_parallel>], iteration_bounds = array<i64: 2, 16>, scalar_prefetch = 0 : i64, scratch_operands = 7 : i64, tpu.core_type = #tpu.core_type<sc_vector_subcore>, window_params = [{transform_indices = #map}, {transform_indices = #map}, {transform_indices = #map1}, {transform_indices = #map1}]} {
    %mul3A = arith.constant 2 : i32
    %mul3A_0 = arith.muli %arg1, %mul3A : i32
    %add3A = arith.addi %mul3A_0, %arg0 : i32
    "tpu.region"() ({
      %run_scoped3A_81 = tpu.sem_alloc : memref<!tpu.dma_semaphore, #tpu.memory_space<semaphore_mem>>
      %dma_start3A_82 = arith.constant 0 : i32
      %dma_start3A_83 = tpu.memref_slice %arg3[%add3A, %dma_start3A_82] : memref<32x10176xi32, #tpu.memory_space<hbm>> -> memref<1x10176xi32, #tpu.memory_space<hbm>>
      %dma_start3A_84 = tpu.memref_squeeze %dma_start3A_83 : memref<1x10176xi32, #tpu.memory_space<hbm>> -> memref<10176xi32, #tpu.memory_space<hbm>>
      %dma_start3A_85 = arith.constant 0 : i32
      %dma_start3A_86 = tpu.memref_slice %arg3[%add3A, %dma_start3A_85] : memref<32x10176xi32, #tpu.memory_space<hbm>> -> memref<1x10176xi32, #tpu.memory_space<hbm>>
      %dma_start3A_87 = tpu.memref_squeeze %dma_start3A_86 : memref<1x10176xi32, #tpu.memory_space<hbm>> -> memref<10176xi32, #tpu.memory_space<hbm>>
      tpu.enqueue_dma source(%dma_start3A_87 : memref<10176xi32, #tpu.memory_space<hbm>>) target(%arg6 : memref<10176xi32, #tpu.memory_space<vmem>>) target_semaphore(%run_scoped3A_81 : memref<!tpu.dma_semaphore, #tpu.memory_space<semaphore_mem>>)
      %dma_wait3A_88 = arith.constant 0 : i32
      %dma_wait3A_89 = tpu.memref_slice %arg3[%add3A, %dma_wait3A_88] : memref<32x10176xi32, #tpu.memory_space<hbm>> -> memref<1x10176xi32, #tpu.memory_space<hbm>>
      %dma_wait3A_90 = tpu.memref_squeeze %dma_wait3A_89 : memref<1x10176xi32, #tpu.memory_space<hbm>> -> memref<10176xi32, #tpu.memory_space<hbm>>
      %dma_wait3A_91 = arith.constant 0 : i32
      %dma_wait3A_92 = tpu.memref_slice %arg3[%add3A, %dma_wait3A_91] : memref<32x10176xi32, #tpu.memory_space<hbm>> -> memref<1x10176xi32, #tpu.memory_space<hbm>>
      %dma_wait3A_93 = tpu.memref_squeeze %dma_wait3A_92 : memref<1x10176xi32, #tpu.memory_space<hbm>> -> memref<10176xi32, #tpu.memory_space<hbm>>
      tpu.wait_dma2 semaphore(%run_scoped3A_81 : memref<!tpu.dma_semaphore, #tpu.memory_space<semaphore_mem>>) src(%dma_wait3A_93 : memref<10176xi32, #tpu.memory_space<hbm>>) dst(%arg6 : memref<10176xi32, #tpu.memory_space<vmem>>)
      tpu.yield
    }) : () -> ()
    %while3A = arith.constant 0 : i64
    %while3A_1 = arith.constant 0 : i32
    %while3A_2 = arith.constant 96 : i32
    %while3A_3 = arith.subi %while3A_2, %while3A_1 : i32
    %while3A_4 = arith.addi %while3A_1, %while3A_3 : i32
    %while3A_5 = arith.constant 1 : i32
    %while3A_6 = arith.divsi %while3A_3, %while3A_5 : i32
    %while3A_7 = arith.muli %while3A_6, %while3A_5 : i32
    %while3A_8 = arith.addi %while3A_1, %while3A_7 : i32
    %while3A_9 = arith.constant 1 : i32
    scf.for %while3A_81 = %while3A_1 to %while3A_8 step %while3A_9  : i32 {
      %while3A_82 = arith.constant 0 : i32
      %while3A_83 = arith.constant 8 : i32
      %while3A_84 = arith.subi %while3A_83, %while3A_82 : i32
      %while3A_85 = arith.addi %while3A_82, %while3A_84 : i32
      %while3A_86 = arith.constant 1 : i32
      %while3A_87 = arith.divsi %while3A_84, %while3A_86 : i32
      %while3A_88 = arith.muli %while3A_87, %while3A_86 : i32
      %while3A_89 = arith.addi %while3A_82, %while3A_88 : i32
      %while3A_90 = arith.constant 1 : i32
      scf.for %while3A_92 = %while3A_82 to %while3A_89 step %while3A_90  : i32 {
        %broadcast_in_dim3A = arith.constant 0.000000e+00 : f32
        %broadcast_in_dim3A_93 = vector.broadcast %broadcast_in_dim3A : f32 to vector<16xf32>
        %mul3A_94 = arith.constant 16 : i32
        %mul3A_95 = arith.muli %while3A_92, %mul3A_94 : i32
        %swap3A = arith.index_cast %while3A_81 : i32 to index
        %swap3A_96 = arith.index_cast %mul3A_95 : i32 to index
        %swap3A_97 = tpu.vector_load %arg8[%swap3A, %swap3A_96] {strides = array<i32>} : memref<96x128xf32, #tpu.memory_space<vmem>>, vector<1x16xf32>,
        %swap3A_98 = vector.shape_cast %swap3A_97 : vector<1x16xf32> to vector<16xf32>
        %swap3A_99 = vector.shape_cast %broadcast_in_dim3A_93 : vector<16xf32> to vector<1x16xf32>
        tpu.vector_store %arg8[%swap3A, %swap3A_96], %swap3A_99 {strides = array<i32>} : memref<96x128xf32, #tpu.memory_space<vmem>>, vector<1x16xf32>,
      }
      %while3A_91 = arith.constant 1 : i32
      scf.for %while3A_92 = %while3A_89 to %while3A_85 step %while3A_91  : i32 {
        %broadcast_in_dim3A = arith.constant 0.000000e+00 : f32
        %broadcast_in_dim3A_93 = vector.broadcast %broadcast_in_dim3A : f32 to vector<16xf32>
        %mul3A_94 = arith.constant 16 : i32
        %mul3A_95 = arith.muli %while3A_92, %mul3A_94 : i32
        %swap3A = arith.index_cast %while3A_81 : i32 to index
        %swap3A_96 = arith.index_cast %mul3A_95 : i32 to index
        %swap3A_97 = tpu.vector_load %arg8[%swap3A, %swap3A_96] {strides = array<i32>} : memref<96x128xf32, #tpu.memory_space<vmem>>, vector<1x16xf32>,
        %swap3A_98 = vector.shape_cast %swap3A_97 : vector<1x16xf32> to vector<16xf32>
        %swap3A_99 = vector.shape_cast %broadcast_in_dim3A_93 : vector<16xf32> to vector<1x16xf32>
        tpu.vector_store %arg8[%swap3A, %swap3A_96], %swap3A_99 {strides = array<i32>} : memref<96x128xf32, #tpu.memory_space<vmem>>, vector<1x16xf32>,
      }
    }
    %while3A_10 = arith.constant 1 : i32
    scf.for %while3A_81 = %while3A_8 to %while3A_4 step %while3A_10  : i32 {
      %while3A_82 = arith.constant 0 : i32
      %while3A_83 = arith.constant 8 : i32
      %while3A_84 = arith.subi %while3A_83, %while3A_82 : i32
      %while3A_85 = arith.addi %while3A_82, %while3A_84 : i32
      %while3A_86 = arith.constant 1 : i32
      %while3A_87 = arith.divsi %while3A_84, %while3A_86 : i32
      %while3A_88 = arith.muli %while3A_87, %while3A_86 : i32
      %while3A_89 = arith.addi %while3A_82, %while3A_88 : i32
      %while3A_90 = arith.constant 1 : i32
      scf.for %while3A_92 = %while3A_82 to %while3A_89 step %while3A_90  : i32 {
        %broadcast_in_dim3A = arith.constant 0.000000e+00 : f32
        %broadcast_in_dim3A_93 = vector.broadcast %broadcast_in_dim3A : f32 to vector<16xf32>
        %mul3A_94 = arith.constant 16 : i32
        %mul3A_95 = arith.muli %while3A_92, %mul3A_94 : i32
        %swap3A = arith.index_cast %while3A_81 : i32 to index
        %swap3A_96 = arith.index_cast %mul3A_95 : i32 to index
        %swap3A_97 = tpu.vector_load %arg8[%swap3A, %swap3A_96] {strides = array<i32>} : memref<96x128xf32, #tpu.memory_space<vmem>>, vector<1x16xf32>,
        %swap3A_98 = vector.shape_cast %swap3A_97 : vector<1x16xf32> to vector<16xf32>
        %swap3A_99 = vector.shape_cast %broadcast_in_dim3A_93 : vector<16xf32> to vector<1x16xf32>
        tpu.vector_store %arg8[%swap3A, %swap3A_96], %swap3A_99 {strides = array<i32>} : memref<96x128xf32, #tpu.memory_space<vmem>>, vector<1x16xf32>,
      }
      %while3A_91 = arith.constant 1 : i32
      scf.for %while3A_92 = %while3A_89 to %while3A_85 step %while3A_91  : i32 {
        %broadcast_in_dim3A = arith.constant 0.000000e+00 : f32
        %broadcast_in_dim3A_93 = vector.broadcast %broadcast_in_dim3A : f32 to vector<16xf32>
        %mul3A_94 = arith.constant 16 : i32
        %mul3A_95 = arith.muli %while3A_92, %mul3A_94 : i32
        %swap3A = arith.index_cast %while3A_81 : i32 to index
        %swap3A_96 = arith.index_cast %mul3A_95 : i32 to index
        %swap3A_97 = tpu.vector_load %arg8[%swap3A, %swap3A_96] {strides = array<i32>} : memref<96x128xf32, #tpu.memory_space<vmem>>, vector<1x16xf32>,
        %swap3A_98 = vector.shape_cast %swap3A_97 : vector<1x16xf32> to vector<16xf32>
        %swap3A_99 = vector.shape_cast %broadcast_in_dim3A_93 : vector<16xf32> to vector<1x16xf32>
        tpu.vector_store %arg8[%swap3A, %swap3A_96], %swap3A_99 {strides = array<i32>} : memref<96x128xf32, #tpu.memory_space<vmem>>, vector<1x16xf32>,
      }
    }
    %mul3A_11 = arith.constant 632 : i32
    %mul3A_12 = arith.muli %arg1, %mul3A_11 : i32
    %add3A_13 = arith.constant 0 : i32
    %add3A_14 = arith.addi %mul3A_12, %add3A_13 : i32
    "tpu.region"() ({
      %run_scoped3A_81 = tpu.sem_alloc : memref<!tpu.dma_semaphore, #tpu.memory_space<semaphore_mem>>
      %dma_start3A_82 = arith.constant 0 : i32
      %dma_start3A_83 = tpu.memref_slice %arg12[%add3A_14, %dma_start3A_82] : memref<10112x128xf32, #tpu.memory_space<vmem_shared>> -> memref<96x128xf32, #tpu.memory_space<vmem_shared>>
      %dma_start3A_84 = arith.constant 0 : i32
      %dma_start3A_85 = tpu.memref_slice %arg12[%add3A_14, %dma_start3A_84] : memref<10112x128xf32, #tpu.memory_space<vmem_shared>> -> memref<96x128xf32, #tpu.memory_space<vmem_shared>>
      tpu.enqueue_dma source(%arg8 : memref<96x128xf32, #tpu.memory_space<vmem>>) target(%dma_start3A_85 : memref<96x128xf32, #tpu.memory_space<vmem_shared>>) target_semaphore(%run_scoped3A_81 : memref<!tpu.dma_semaphore, #tpu.memory_space<semaphore_mem>>)
      %dma_wait3A_86 = arith.constant 0 : i32
      %dma_wait3A_87 = tpu.memref_slice %arg12[%add3A_14, %dma_wait3A_86] : memref<10112x128xf32, #tpu.memory_space<vmem_shared>> -> memref<96x128xf32, #tpu.memory_space<vmem_shared>>
      %dma_wait3A_88 = arith.constant 0 : i32
      %dma_wait3A_89 = tpu.memref_slice %arg12[%add3A_14, %dma_wait3A_88] : memref<10112x128xf32, #tpu.memory_space<vmem_shared>> -> memref<96x128xf32, #tpu.memory_space<vmem_shared>>
      tpu.wait_dma2 semaphore(%run_scoped3A_81 : memref<!tpu.dma_semaphore, #tpu.memory_space<semaphore_mem>>) src(%arg8 : memref<96x128xf32, #tpu.memory_space<vmem>>) dst(%dma_wait3A_89 : memref<96x128xf32, #tpu.memory_space<vmem_shared>>)
      tpu.yield
    }) : () -> ()
    %add3A_15 = arith.constant 96 : i32
    %add3A_16 = arith.addi %mul3A_12, %add3A_15 : i32
    "tpu.region"() ({
      %run_scoped3A_81 = tpu.sem_alloc : memref<!tpu.dma_semaphore, #tpu.memory_space<semaphore_mem>>
      %dma_start3A_82 = arith.constant 0 : i32
      %dma_start3A_83 = tpu.memref_slice %arg12[%add3A_16, %dma_start3A_82] : memref<10112x128xf32, #tpu.memory_space<vmem_shared>> -> memref<96x128xf32, #tpu.memory_space<vmem_shared>>
      %dma_start3A_84 = arith.constant 0 : i32
      %dma_start3A_85 = tpu.memref_slice %arg12[%add3A_16, %dma_start3A_84] : memref<10112x128xf32, #tpu.memory_space<vmem_shared>> -> memref<96x128xf32, #tpu.memory_space<vmem_shared>>
      tpu.enqueue_dma source(%arg8 : memref<96x128xf32, #tpu.memory_space<vmem>>) target(%dma_start3A_85 : memref<96x128xf32, #tpu.memory_space<vmem_shared>>) target_semaphore(%run_scoped3A_81 : memref<!tpu.dma_semaphore, #tpu.memory_space<semaphore_mem>>)
      %dma_wait3A_86 = arith.constant 0 : i32
      %dma_wait3A_87 = tpu.memref_slice %arg12[%add3A_16, %dma_wait3A_86] : memref<10112x128xf32, #tpu.memory_space<vmem_shared>> -> memref<96x128xf32, #tpu.memory_space<vmem_shared>>
      %dma_wait3A_88 = arith.constant 0 : i32
      %dma_wait3A_89 = tpu.memref_slice %arg12[%add3A_16, %dma_wait3A_88] : memref<10112x128xf32, #tpu.memory_space<vmem_shared>> -> memref<96x128xf32, #tpu.memory_space<vmem_shared>>
      tpu.wait_dma2 semaphore(%run_scoped3A_81 : memref<!tpu.dma_semaphore, #tpu.memory_space<semaphore_mem>>) src(%arg8 : memref<96x128xf32, #tpu.memory_space<vmem>>) dst(%dma_wait3A_89 : memref<96x128xf32, #tpu.memory_space<vmem_shared>>)
      tpu.yield
    }) : () -> ()
    %add3A_17 = arith.constant 192 : i32
    %add3A_18 = arith.addi %mul3A_12, %add3A_17 : i32
    "tpu.region"() ({
      %run_scoped3A_81 = tpu.sem_alloc : memref<!tpu.dma_semaphore, #tpu.memory_space<semaphore_mem>>
      %dma_start3A_82 = arith.constant 0 : i32
      %dma_start3A_83 = tpu.memref_slice %arg12[%add3A_18, %dma_start3A_82] : memref<10112x128xf32, #tpu.memory_space<vmem_shared>> -> memref<96x128xf32, #tpu.memory_space<vmem_shared>>
      %dma_start3A_84 = arith.constant 0 : i32
      %dma_start3A_85 = tpu.memref_slice %arg12[%add3A_18, %dma_start3A_84] : memref<10112x128xf32, #tpu.memory_space<vmem_shared>> -> memref<96x128xf32, #tpu.memory_space<vmem_shared>>
      tpu.enqueue_dma source(%arg8 : memref<96x128xf32, #tpu.memory_space<vmem>>) target(%dma_start3A_85 : memref<96x128xf32, #tpu.memory_space<vmem_shared>>) target_semaphore(%run_scoped3A_81 : memref<!tpu.dma_semaphore, #tpu.memory_space<semaphore_mem>>)
      %dma_wait3A_86 = arith.constant 0 : i32
      %dma_wait3A_87 = tpu.memref_slice %arg12[%add3A_18, %dma_wait3A_86] : memref<10112x128xf32, #tpu.memory_space<vmem_shared>> -> memref<96x128xf32, #tpu.memory_space<vmem_shared>>
      %dma_wait3A_88 = arith.constant 0 : i32
      %dma_wait3A_89 = tpu.memref_slice %arg12[%add3A_18, %dma_wait3A_88] : memref<10112x128xf32, #tpu.memory_space<vmem_shared>> -> memref<96x128xf32, #tpu.memory_space<vmem_shared>>
      tpu.wait_dma2 semaphore(%run_scoped3A_81 : memref<!tpu.dma_semaphore, #tpu.memory_space<semaphore_mem>>) src(%arg8 : memref<96x128xf32, #tpu.memory_space<vmem>>) dst(%dma_wait3A_89 : memref<96x128xf32, #tpu.memory_space<vmem_shared>>)
      tpu.yield
    }) : () -> ()
    %add3A_19 = arith.constant 288 : i32
    %add3A_20 = arith.addi %mul3A_12, %add3A_19 : i32
    "tpu.region"() ({
      %run_scoped3A_81 = tpu.sem_alloc : memref<!tpu.dma_semaphore, #tpu.memory_space<semaphore_mem>>
      %dma_start3A_82 = arith.constant 0 : i32
      %dma_start3A_83 = tpu.memref_slice %arg12[%add3A_20, %dma_start3A_82] : memref<10112x128xf32, #tpu.memory_space<vmem_shared>> -> memref<96x128xf32, #tpu.memory_space<vmem_shared>>
      %dma_start3A_84 = arith.constant 0 : i32
      %dma_start3A_85 = tpu.memref_slice %arg12[%add3A_20, %dma_start3A_84] : memref<10112x128xf32, #tpu.memory_space<vmem_shared>> -> memref<96x128xf32, #tpu.memory_space<vmem_shared>>
      tpu.enqueue_dma source(%arg8 : memref<96x128xf32, #tpu.memory_space<vmem>>) target(%dma_start3A_85 : memref<96x128xf32, #tpu.memory_space<vmem_shared>>) target_semaphore(%run_scoped3A_81 : memref<!tpu.dma_semaphore, #tpu.memory_space<semaphore_mem>>)
      %dma_wait3A_86 = arith.constant 0 : i32
      %dma_wait3A_87 = tpu.memref_slice %arg12[%add3A_20, %dma_wait3A_86] : memref<10112x128xf32, #tpu.memory_space<vmem_shared>> -> memref<96x128xf32, #tpu.memory_space<vmem_shared>>
      %dma_wait3A_88 = arith.constant 0 : i32
      %dma_wait3A_89 = tpu.memref_slice %arg12[%add3A_20, %dma_wait3A_88] : memref<10112x128xf32, #tpu.memory_space<vmem_shared>> -> memref<96x128xf32, #tpu.memory_space<vmem_shared>>
      tpu.wait_dma2 semaphore(%run_scoped3A_81 : memref<!tpu.dma_semaphore, #tpu.memory_space<semaphore_mem>>) src(%arg8 : memref<96x128xf32, #tpu.memory_space<vmem>>) dst(%dma_wait3A_89 : memref<96x128xf32, #tpu.memory_space<vmem_shared>>)
      tpu.yield
    }) : () -> ()
    %add3A_21 = arith.constant 384 : i32
    %add3A_22 = arith.addi %mul3A_12, %add3A_21 : i32
    "tpu.region"() ({
      %run_scoped3A_81 = tpu.sem_alloc : memref<!tpu.dma_semaphore, #tpu.memory_space<semaphore_mem>>
      %dma_start3A_82 = arith.constant 0 : i32
      %dma_start3A_83 = tpu.memref_slice %arg12[%add3A_22, %dma_start3A_82] : memref<10112x128xf32, #tpu.memory_space<vmem_shared>> -> memref<96x128xf32, #tpu.memory_space<vmem_shared>>
      %dma_start3A_84 = arith.constant 0 : i32
      %dma_start3A_85 = tpu.memref_slice %arg12[%add3A_22, %dma_start3A_84] : memref<10112x128xf32, #tpu.memory_space<vmem_shared>> -> memref<96x128xf32, #tpu.memory_space<vmem_shared>>
      tpu.enqueue_dma source(%arg8 : memref<96x128xf32, #tpu.memory_space<vmem>>) target(%dma_start3A_85 : memref<96x128xf32, #tpu.memory_space<vmem_shared>>) target_semaphore(%run_scoped3A_81 : memref<!tpu.dma_semaphore, #tpu.memory_space<semaphore_mem>>)
      %dma_wait3A_86 = arith.constant 0 : i32
      %dma_wait3A_87 = tpu.memref_slice %arg12[%add3A_22, %dma_wait3A_86] : memref<10112x128xf32, #tpu.memory_space<vmem_shared>> -> memref<96x128xf32, #tpu.memory_space<vmem_shared>>
      %dma_wait3A_88 = arith.constant 0 : i32
      %dma_wait3A_89 = tpu.memref_slice %arg12[%add3A_22, %dma_wait3A_88] : memref<10112x128xf32, #tpu.memory_space<vmem_shared>> -> memref<96x128xf32, #tpu.memory_space<vmem_shared>>
      tpu.wait_dma2 semaphore(%run_scoped3A_81 : memref<!tpu.dma_semaphore, #tpu.memory_space<semaphore_mem>>) src(%arg8 : memref<96x128xf32, #tpu.memory_space<vmem>>) dst(%dma_wait3A_89 : memref<96x128xf32, #tpu.memory_space<vmem_shared>>)
      tpu.yield
    }) : () -> ()
    %add3A_23 = arith.constant 480 : i32
    %add3A_24 = arith.addi %mul3A_12, %add3A_23 : i32
    "tpu.region"() ({
      %run_scoped3A_81 = tpu.sem_alloc : memref<!tpu.dma_semaphore, #tpu.memory_space<semaphore_mem>>
      %dma_start3A_82 = arith.constant 0 : i32
      %dma_start3A_83 = tpu.memref_slice %arg12[%add3A_24, %dma_start3A_82] : memref<10112x128xf32, #tpu.memory_space<vmem_shared>> -> memref<96x128xf32, #tpu.memory_space<vmem_shared>>
      %dma_start3A_84 = arith.constant 0 : i32
      %dma_start3A_85 = tpu.memref_slice %arg12[%add3A_24, %dma_start3A_84] : memref<10112x128xf32, #tpu.memory_space<vmem_shared>> -> memref<96x128xf32, #tpu.memory_space<vmem_shared>>
      tpu.enqueue_dma source(%arg8 : memref<96x128xf32, #tpu.memory_space<vmem>>) target(%dma_start3A_85 : memref<96x128xf32, #tpu.memory_space<vmem_shared>>) target_semaphore(%run_scoped3A_81 : memref<!tpu.dma_semaphore, #tpu.memory_space<semaphore_mem>>)
      %dma_wait3A_86 = arith.constant 0 : i32
      %dma_wait3A_87 = tpu.memref_slice %arg12[%add3A_24, %dma_wait3A_86] : memref<10112x128xf32, #tpu.memory_space<vmem_shared>> -> memref<96x128xf32, #tpu.memory_space<vmem_shared>>
      %dma_wait3A_88 = arith.constant 0 : i32
      %dma_wait3A_89 = tpu.memref_slice %arg12[%add3A_24, %dma_wait3A_88] : memref<10112x128xf32, #tpu.memory_space<vmem_shared>> -> memref<96x128xf32, #tpu.memory_space<vmem_shared>>
      tpu.wait_dma2 semaphore(%run_scoped3A_81 : memref<!tpu.dma_semaphore, #tpu.memory_space<semaphore_mem>>) src(%arg8 : memref<96x128xf32, #tpu.memory_space<vmem>>) dst(%dma_wait3A_89 : memref<96x128xf32, #tpu.memory_space<vmem_shared>>)
      tpu.yield
    }) : () -> ()
    %add3A_25 = arith.constant 576 : i32
    %add3A_26 = arith.addi %mul3A_12, %add3A_25 : i32
    "tpu.region"() ({
      %run_scoped3A_81 = tpu.sem_alloc : memref<!tpu.dma_semaphore, #tpu.memory_space<semaphore_mem>>
      %dma_start3A_82 = arith.constant 0 : i32
      %dma_start3A_83 = arith.constant 0 : i32
      %dma_start3A_84 = tpu.memref_slice %arg8[%dma_start3A_82, %dma_start3A_83] : memref<96x128xf32, #tpu.memory_space<vmem>> -> memref<56x128xf32, #tpu.memory_space<vmem>>
      %dma_start3A_85 = arith.constant 0 : i32
      %dma_start3A_86 = tpu.memref_slice %arg12[%add3A_26, %dma_start3A_85] : memref<10112x128xf32, #tpu.memory_space<vmem_shared>> -> memref<56x128xf32, #tpu.memory_space<vmem_shared>>
      %dma_start3A_87 = arith.constant 0 : i32
      %dma_start3A_88 = tpu.memref_slice %arg12[%add3A_26, %dma_start3A_87] : memref<10112x128xf32, #tpu.memory_space<vmem_shared>> -> memref<56x128xf32, #tpu.memory_space<vmem_shared>>
      %dma_start3A_89 = arith.constant 0 : i32
      %dma_start3A_90 = arith.constant 0 : i32
      %dma_start3A_91 = tpu.memref_slice %arg8[%dma_start3A_89, %dma_start3A_90] : memref<96x128xf32, #tpu.memory_space<vmem>> -> memref<56x128xf32, #tpu.memory_space<vmem>>
      tpu.enqueue_dma source(%dma_start3A_91 : memref<56x128xf32, #tpu.memory_space<vmem>>) target(%dma_start3A_88 : memref<56x128xf32, #tpu.memory_space<vmem_shared>>) target_semaphore(%run_scoped3A_81 : memref<!tpu.dma_semaphore, #tpu.memory_space<semaphore_mem>>)
      %dma_wait3A_92 = arith.constant 0 : i32
      %dma_wait3A_93 = arith.constant 0 : i32
      %dma_wait3A_94 = tpu.memref_slice %arg8[%dma_wait3A_92, %dma_wait3A_93] : memref<96x128xf32, #tpu.memory_space<vmem>> -> memref<56x128xf32, #tpu.memory_space<vmem>>
      %dma_wait3A_95 = arith.constant 0 : i32
      %dma_wait3A_96 = tpu.memref_slice %arg12[%add3A_26, %dma_wait3A_95] : memref<10112x128xf32, #tpu.memory_space<vmem_shared>> -> memref<56x128xf32, #tpu.memory_space<vmem_shared>>
      %dma_wait3A_97 = arith.constant 0 : i32
      %dma_wait3A_98 = tpu.memref_slice %arg12[%add3A_26, %dma_wait3A_97] : memref<10112x128xf32, #tpu.memory_space<vmem_shared>> -> memref<56x128xf32, #tpu.memory_space<vmem_shared>>
      %dma_wait3A_99 = arith.constant 0 : i32
      %dma_wait3A_100 = arith.constant 0 : i32
      %dma_wait3A_101 = tpu.memref_slice %arg8[%dma_wait3A_99, %dma_wait3A_100] : memref<96x128xf32, #tpu.memory_space<vmem>> -> memref<56x128xf32, #tpu.memory_space<vmem>>
      tpu.wait_dma2 semaphore(%run_scoped3A_81 : memref<!tpu.dma_semaphore, #tpu.memory_space<semaphore_mem>>) src(%dma_wait3A_101 : memref<56x128xf32, #tpu.memory_space<vmem>>) dst(%dma_wait3A_98 : memref<56x128xf32, #tpu.memory_space<vmem_shared>>)
      tpu.yield
    }) : () -> ()
    %barrier3A = arith.constant 0 : index
    tpu.barrier barrier_id(%barrier3A)
    "tpu.region"() ({
      %run_scoped3A_81 = tpu.sem_alloc : memref<!tpu.dma_semaphore, #tpu.memory_space<semaphore_mem>>
      %dma_start3A_82 = arith.constant 0 : i32
      %dma_start3A_83 = arith.constant 0 : i32
      %dma_start3A_84 = tpu.memref_slice %arg4[%add3A, %dma_start3A_82, %dma_start3A_83] : memref<32x106x96xi32, #tpu.memory_space<hbm>> -> memref<1x106x96xi32, #tpu.memory_space<hbm>>
      %dma_start3A_85 = tpu.memref_squeeze %dma_start3A_84 : memref<1x106x96xi32, #tpu.memory_space<hbm>> -> memref<106x96xi32, #tpu.memory_space<hbm>>
      %dma_start3A_86 = arith.constant 0 : i32
      %dma_start3A_87 = arith.constant 0 : i32
      %dma_start3A_88 = tpu.memref_slice %arg4[%add3A, %dma_start3A_86, %dma_start3A_87] : memref<32x106x96xi32, #tpu.memory_space<hbm>> -> memref<1x106x96xi32, #tpu.memory_space<hbm>>
      %dma_start3A_89 = tpu.memref_squeeze %dma_start3A_88 : memref<1x106x96xi32, #tpu.memory_space<hbm>> -> memref<106x96xi32, #tpu.memory_space<hbm>>
      tpu.enqueue_dma source(%dma_start3A_89 : memref<106x96xi32, #tpu.memory_space<hbm>>) target(%arg7 : memref<106x96xi32, #tpu.memory_space<vmem>>) target_semaphore(%run_scoped3A_81 : memref<!tpu.dma_semaphore, #tpu.memory_space<semaphore_mem>>)
      %dma_wait3A_90 = arith.constant 0 : i32
      %dma_wait3A_91 = arith.constant 0 : i32
      %dma_wait3A_92 = tpu.memref_slice %arg4[%add3A, %dma_wait3A_90, %dma_wait3A_91] : memref<32x106x96xi32, #tpu.memory_space<hbm>> -> memref<1x106x96xi32, #tpu.memory_space<hbm>>
      %dma_wait3A_93 = tpu.memref_squeeze %dma_wait3A_92 : memref<1x106x96xi32, #tpu.memory_space<hbm>> -> memref<106x96xi32, #tpu.memory_space<hbm>>
      %dma_wait3A_94 = arith.constant 0 : i32
      %dma_wait3A_95 = arith.constant 0 : i32
      %dma_wait3A_96 = tpu.memref_slice %arg4[%add3A, %dma_wait3A_94, %dma_wait3A_95] : memref<32x106x96xi32, #tpu.memory_space<hbm>> -> memref<1x106x96xi32, #tpu.memory_space<hbm>>
      %dma_wait3A_97 = tpu.memref_squeeze %dma_wait3A_96 : memref<1x106x96xi32, #tpu.memory_space<hbm>> -> memref<106x96xi32, #tpu.memory_space<hbm>>
      tpu.wait_dma2 semaphore(%run_scoped3A_81 : memref<!tpu.dma_semaphore, #tpu.memory_space<semaphore_mem>>) src(%dma_wait3A_97 : memref<106x96xi32, #tpu.memory_space<hbm>>) dst(%arg7 : memref<106x96xi32, #tpu.memory_space<vmem>>)
      tpu.yield
    }) : () -> ()
    %mul3A_27 = arith.constant 0 : i32
    %mul3A_28 = arith.constant 96 : i32
    %mul3A_29 = arith.muli %mul3A_27, %mul3A_28 : i32
    %dma_start3A = tpu.memref_slice %arg6[%mul3A_29] : memref<10176xi32, #tpu.memory_space<vmem>> -> memref<96xi32, #tpu.memory_space<vmem>>
    %dma_start3A_30 = arith.constant 0 : i32
    %dma_start3A_31 = arith.constant 0 : i32
    %dma_start3A_32 = tpu.memref_slice %arg2[%dma_start3A_30, %dma_start3A_31] : memref<10000x128xf32, #tpu.memory_space<hbm>> -> memref<10000x128xf32, #tpu.memory_space<hbm>>
    tpu.enqueue_indirect_dma source(%dma_start3A_32 : memref<10000x128xf32, #tpu.memory_space<hbm>>) target(%arg8 : memref<96x128xf32, #tpu.memory_space<vmem>>) offsets(%dma_start3A : memref<96xi32, #tpu.memory_space<vmem>>) semaphore(%arg10 : memref<!tpu.dma_semaphore, #tpu.memory_space<semaphore_mem>>)
    %while3A_33 = arith.constant 0 : i64
    %while3A_34 = arith.constant 0 : i32
    %while3A_35 = arith.constant 52 : i32
    %while3A_36 = arith.subi %while3A_35, %while3A_34 : i32
    %while3A_37 = arith.addi %while3A_34, %while3A_36 : i32
    %while3A_38 = arith.constant 1 : i32
    %while3A_39 = arith.divsi %while3A_36, %while3A_38 : i32
    %while3A_40 = arith.muli %while3A_39, %while3A_38 : i32
    %while3A_41 = arith.addi %while3A_34, %while3A_40 : i32
    %while3A_42 = arith.constant 1 : i32
    scf.for %while3A_81 = %while3A_34 to %while3A_41 step %while3A_42  : i32 {
      %mul3A_82 = arith.constant 2 : i32
      %mul3A_83 = arith.muli %mul3A_82, %while3A_81 : i32
      %mul3A_84 = arith.constant 96 : i32
      %mul3A_85 = arith.muli %mul3A_83, %mul3A_84 : i32
      %dma_wait3A_86 = tpu.memref_slice %arg6[%mul3A_85] : memref<10176xi32, #tpu.memory_space<vmem>> -> memref<96xi32, #tpu.memory_space<vmem>>
      %dma_wait3A_87 = arith.constant 0 : i32
      %dma_wait3A_88 = arith.constant 0 : i32
      %dma_wait3A_89 = tpu.memref_slice %arg2[%dma_wait3A_87, %dma_wait3A_88] : memref<10000x128xf32, #tpu.memory_space<hbm>> -> memref<10000x128xf32, #tpu.memory_space<hbm>>
      tpu.wait_indirect_dma semaphore(%arg10 : memref<!tpu.dma_semaphore, #tpu.memory_space<semaphore_mem>>) src(%dma_wait3A_89 : memref<10000x128xf32, #tpu.memory_space<hbm>>) dst(%arg8 : memref<96x128xf32, #tpu.memory_space<vmem>>)
      %add3A_90 = arith.constant 1 : i32
      %add3A_91 = arith.addi %mul3A_83, %add3A_90 : i32
      %mul3A_92 = arith.constant 96 : i32
      %mul3A_93 = arith.muli %add3A_91, %mul3A_92 : i32
      %dma_start3A_94 = tpu.memref_slice %arg6[%mul3A_93] : memref<10176xi32, #tpu.memory_space<vmem>> -> memref<96xi32, #tpu.memory_space<vmem>>
      %dma_start3A_95 = arith.constant 0 : i32
      %dma_start3A_96 = arith.constant 0 : i32
      %dma_start3A_97 = tpu.memref_slice %arg2[%dma_start3A_95, %dma_start3A_96] : memref<10000x128xf32, #tpu.memory_space<hbm>> -> memref<10000x128xf32, #tpu.memory_space<hbm>>
      tpu.enqueue_indirect_dma source(%dma_start3A_97 : memref<10000x128xf32, #tpu.memory_space<hbm>>) target(%arg9 : memref<96x128xf32, #tpu.memory_space<vmem>>) offsets(%dma_start3A_94 : memref<96xi32, #tpu.memory_space<vmem>>) semaphore(%arg11 : memref<!tpu.dma_semaphore, #tpu.memory_space<semaphore_mem>>)
      "tpu.region"() ({
        %run_scoped3A_116 = tpu.sem_alloc : memref<!tpu.dma_semaphore, #tpu.memory_space<semaphore_mem>>
        %dma_start3A_117 = arith.constant 0 : i32
        %dma_start3A_118 = tpu.memref_slice %arg7[%mul3A_83, %dma_start3A_117] : memref<106x96xi32, #tpu.memory_space<vmem>> -> memref<1x96xi32, #tpu.memory_space<vmem>>
        %dma_start3A_119 = tpu.memref_squeeze %dma_start3A_118 : memref<1x96xi32, #tpu.memory_space<vmem>> -> memref<96xi32, #tpu.memory_space<vmem>>
        %dma_start3A_120 = arith.constant 0 : i32
        %dma_start3A_121 = arith.constant 0 : i32
        %dma_start3A_122 = tpu.memref_slice %arg12[%dma_start3A_120, %dma_start3A_121] : memref<10112x128xf32, #tpu.memory_space<vmem_shared>> -> memref<10112x128xf32, #tpu.memory_space<vmem_shared>>
        tpu.enqueue_indirect_dma source(%arg8 : memref<96x128xf32, #tpu.memory_space<vmem>>) target(%dma_start3A_122 : memref<10112x128xf32, #tpu.memory_space<vmem_shared>>) offsets(%dma_start3A_119 : memref<96xi32, #tpu.memory_space<vmem>>) semaphore(%run_scoped3A_116 : memref<!tpu.dma_semaphore, #tpu.memory_space<semaphore_mem>>) {add = true}
        %dma_wait3A_123 = arith.constant 0 : i32
        %dma_wait3A_124 = tpu.memref_slice %arg7[%mul3A_83, %dma_wait3A_123] : memref<106x96xi32, #tpu.memory_space<vmem>> -> memref<1x96xi32, #tpu.memory_space<vmem>>
        %dma_wait3A_125 = tpu.memref_squeeze %dma_wait3A_124 : memref<1x96xi32, #tpu.memory_space<vmem>> -> memref<96xi32, #tpu.memory_space<vmem>>
        %dma_wait3A_126 = arith.constant 0 : i32
        %dma_wait3A_127 = arith.constant 0 : i32
        %dma_wait3A_128 = tpu.memref_slice %arg12[%dma_wait3A_126, %dma_wait3A_127] : memref<10112x128xf32, #tpu.memory_space<vmem_shared>> -> memref<10112x128xf32, #tpu.memory_space<vmem_shared>>
        tpu.wait_indirect_dma semaphore(%run_scoped3A_116 : memref<!tpu.dma_semaphore, #tpu.memory_space<semaphore_mem>>) src(%arg8 : memref<96x128xf32, #tpu.memory_space<vmem>>) dst(%dma_wait3A_128 : memref<10112x128xf32, #tpu.memory_space<vmem_shared>>)
        tpu.yield
      }) : () -> ()
      %add3A_98 = arith.constant 1 : i32
      %add3A_99 = arith.addi %mul3A_83, %add3A_98 : i32
      %mul3A_100 = arith.constant 96 : i32
      %mul3A_101 = arith.muli %add3A_99, %mul3A_100 : i32
      %dma_wait3A_102 = tpu.memref_slice %arg6[%mul3A_101] : memref<10176xi32, #tpu.memory_space<vmem>> -> memref<96xi32, #tpu.memory_space<vmem>>
      %dma_wait3A_103 = arith.constant 0 : i32
      %dma_wait3A_104 = arith.constant 0 : i32
      %dma_wait3A_105 = tpu.memref_slice %arg2[%dma_wait3A_103, %dma_wait3A_104] : memref<10000x128xf32, #tpu.memory_space<hbm>> -> memref<10000x128xf32, #tpu.memory_space<hbm>>
      tpu.wait_indirect_dma semaphore(%arg11 : memref<!tpu.dma_semaphore, #tpu.memory_space<semaphore_mem>>) src(%dma_wait3A_105 : memref<10000x128xf32, #tpu.memory_space<hbm>>) dst(%arg9 : memref<96x128xf32, #tpu.memory_space<vmem>>)
      %add3A_106 = arith.constant 2 : i32
      %add3A_107 = arith.addi %mul3A_83, %add3A_106 : i32
      %mul3A_108 = arith.constant 96 : i32
      %mul3A_109 = arith.muli %add3A_107, %mul3A_108 : i32
      %dma_start3A_110 = tpu.memref_slice %arg6[%mul3A_109] : memref<10176xi32, #tpu.memory_space<vmem>> -> memref<96xi32, #tpu.memory_space<vmem>>
      %dma_start3A_111 = arith.constant 0 : i32
      %dma_start3A_112 = arith.constant 0 : i32
      %dma_start3A_113 = tpu.memref_slice %arg2[%dma_start3A_111, %dma_start3A_112] : memref<10000x128xf32, #tpu.memory_space<hbm>> -> memref<10000x128xf32, #tpu.memory_space<hbm>>
      tpu.enqueue_indirect_dma source(%dma_start3A_113 : memref<10000x128xf32, #tpu.memory_space<hbm>>) target(%arg8 : memref<96x128xf32, #tpu.memory_space<vmem>>) offsets(%dma_start3A_110 : memref<96xi32, #tpu.memory_space<vmem>>) semaphore(%arg10 : memref<!tpu.dma_semaphore, #tpu.memory_space<semaphore_mem>>)
      %add3A_114 = arith.constant 1 : i32
      %add3A_115 = arith.addi %mul3A_83, %add3A_114 : i32
      "tpu.region"() ({
        %run_scoped3A_116 = tpu.sem_alloc : memref<!tpu.dma_semaphore, #tpu.memory_space<semaphore_mem>>
        %dma_start3A_117 = arith.constant 0 : i32
        %dma_start3A_118 = tpu.memref_slice %arg7[%add3A_115, %dma_start3A_117] : memref<106x96xi32, #tpu.memory_space<vmem>> -> memref<1x96xi32, #tpu.memory_space<vmem>>
        %dma_start3A_119 = tpu.memref_squeeze %dma_start3A_118 : memref<1x96xi32, #tpu.memory_space<vmem>> -> memref<96xi32, #tpu.memory_space<vmem>>
        %dma_start3A_120 = arith.constant 0 : i32
        %dma_start3A_121 = arith.constant 0 : i32
        %dma_start3A_122 = tpu.memref_slice %arg12[%dma_start3A_120, %dma_start3A_121] : memref<10112x128xf32, #tpu.memory_space<vmem_shared>> -> memref<10112x128xf32, #tpu.memory_space<vmem_shared>>
        tpu.enqueue_indirect_dma source(%arg9 : memref<96x128xf32, #tpu.memory_space<vmem>>) target(%dma_start3A_122 : memref<10112x128xf32, #tpu.memory_space<vmem_shared>>) offsets(%dma_start3A_119 : memref<96xi32, #tpu.memory_space<vmem>>) semaphore(%run_scoped3A_116 : memref<!tpu.dma_semaphore, #tpu.memory_space<semaphore_mem>>) {add = true}
        %dma_wait3A_123 = arith.constant 0 : i32
        %dma_wait3A_124 = tpu.memref_slice %arg7[%add3A_115, %dma_wait3A_123] : memref<106x96xi32, #tpu.memory_space<vmem>> -> memref<1x96xi32, #tpu.memory_space<vmem>>
        %dma_wait3A_125 = tpu.memref_squeeze %dma_wait3A_124 : memref<1x96xi32, #tpu.memory_space<vmem>> -> memref<96xi32, #tpu.memory_space<vmem>>
        %dma_wait3A_126 = arith.constant 0 : i32
        %dma_wait3A_127 = arith.constant 0 : i32
        %dma_wait3A_128 = tpu.memref_slice %arg12[%dma_wait3A_126, %dma_wait3A_127] : memref<10112x128xf32, #tpu.memory_space<vmem_shared>> -> memref<10112x128xf32, #tpu.memory_space<vmem_shared>>
        tpu.wait_indirect_dma semaphore(%run_scoped3A_116 : memref<!tpu.dma_semaphore, #tpu.memory_space<semaphore_mem>>) src(%arg9 : memref<96x128xf32, #tpu.memory_space<vmem>>) dst(%dma_wait3A_128 : memref<10112x128xf32, #tpu.memory_space<vmem_shared>>)
        tpu.yield
      }) : () -> ()
    }
    %while3A_43 = arith.constant 1 : i32
    scf.for %while3A_81 = %while3A_41 to %while3A_37 step %while3A_43  : i32 {
      %mul3A_82 = arith.constant 2 : i32
      %mul3A_83 = arith.muli %mul3A_82, %while3A_81 : i32
      %mul3A_84 = arith.constant 96 : i32
      %mul3A_85 = arith.muli %mul3A_83, %mul3A_84 : i32
      %dma_wait3A_86 = tpu.memref_slice %arg6[%mul3A_85] : memref<10176xi32, #tpu.memory_space<vmem>> -> memref<96xi32, #tpu.memory_space<vmem>>
      %dma_wait3A_87 = arith.constant 0 : i32
      %dma_wait3A_88 = arith.constant 0 : i32
      %dma_wait3A_89 = tpu.memref_slice %arg2[%dma_wait3A_87, %dma_wait3A_88] : memref<10000x128xf32, #tpu.memory_space<hbm>> -> memref<10000x128xf32, #tpu.memory_space<hbm>>
      tpu.wait_indirect_dma semaphore(%arg10 : memref<!tpu.dma_semaphore, #tpu.memory_space<semaphore_mem>>) src(%dma_wait3A_89 : memref<10000x128xf32, #tpu.memory_space<hbm>>) dst(%arg8 : memref<96x128xf32, #tpu.memory_space<vmem>>)
      %add3A_90 = arith.constant 1 : i32
      %add3A_91 = arith.addi %mul3A_83, %add3A_90 : i32
      %mul3A_92 = arith.constant 96 : i32
      %mul3A_93 = arith.muli %add3A_91, %mul3A_92 : i32
      %dma_start3A_94 = tpu.memref_slice %arg6[%mul3A_93] : memref<10176xi32, #tpu.memory_space<vmem>> -> memref<96xi32, #tpu.memory_space<vmem>>
      %dma_start3A_95 = arith.constant 0 : i32
      %dma_start3A_96 = arith.constant 0 : i32
      %dma_start3A_97 = tpu.memref_slice %arg2[%dma_start3A_95, %dma_start3A_96] : memref<10000x128xf32, #tpu.memory_space<hbm>> -> memref<10000x128xf32, #tpu.memory_space<hbm>>
      tpu.enqueue_indirect_dma source(%dma_start3A_97 : memref<10000x128xf32, #tpu.memory_space<hbm>>) target(%arg9 : memref<96x128xf32, #tpu.memory_space<vmem>>) offsets(%dma_start3A_94 : memref<96xi32, #tpu.memory_space<vmem>>) semaphore(%arg11 : memref<!tpu.dma_semaphore, #tpu.memory_space<semaphore_mem>>)
      "tpu.region"() ({
        %run_scoped3A_116 = tpu.sem_alloc : memref<!tpu.dma_semaphore, #tpu.memory_space<semaphore_mem>>
        %dma_start3A_117 = arith.constant 0 : i32
        %dma_start3A_118 = tpu.memref_slice %arg7[%mul3A_83, %dma_start3A_117] : memref<106x96xi32, #tpu.memory_space<vmem>> -> memref<1x96xi32, #tpu.memory_space<vmem>>
        %dma_start3A_119 = tpu.memref_squeeze %dma_start3A_118 : memref<1x96xi32, #tpu.memory_space<vmem>> -> memref<96xi32, #tpu.memory_space<vmem>>
        %dma_start3A_120 = arith.constant 0 : i32
        %dma_start3A_121 = arith.constant 0 : i32
        %dma_start3A_122 = tpu.memref_slice %arg12[%dma_start3A_120, %dma_start3A_121] : memref<10112x128xf32, #tpu.memory_space<vmem_shared>> -> memref<10112x128xf32, #tpu.memory_space<vmem_shared>>
        tpu.enqueue_indirect_dma source(%arg8 : memref<96x128xf32, #tpu.memory_space<vmem>>) target(%dma_start3A_122 : memref<10112x128xf32, #tpu.memory_space<vmem_shared>>) offsets(%dma_start3A_119 : memref<96xi32, #tpu.memory_space<vmem>>) semaphore(%run_scoped3A_116 : memref<!tpu.dma_semaphore, #tpu.memory_space<semaphore_mem>>) {add = true}
        %dma_wait3A_123 = arith.constant 0 : i32
        %dma_wait3A_124 = tpu.memref_slice %arg7[%mul3A_83, %dma_wait3A_123] : memref<106x96xi32, #tpu.memory_space<vmem>> -> memref<1x96xi32, #tpu.memory_space<vmem>>
        %dma_wait3A_125 = tpu.memref_squeeze %dma_wait3A_124 : memref<1x96xi32, #tpu.memory_space<vmem>> -> memref<96xi32, #tpu.memory_space<vmem>>
        %dma_wait3A_126 = arith.constant 0 : i32
        %dma_wait3A_127 = arith.constant 0 : i32
        %dma_wait3A_128 = tpu.memref_slice %arg12[%dma_wait3A_126, %dma_wait3A_127] : memref<10112x128xf32, #tpu.memory_space<vmem_shared>> -> memref<10112x128xf32, #tpu.memory_space<vmem_shared>>
        tpu.wait_indirect_dma semaphore(%run_scoped3A_116 : memref<!tpu.dma_semaphore, #tpu.memory_space<semaphore_mem>>) src(%arg8 : memref<96x128xf32, #tpu.memory_space<vmem>>) dst(%dma_wait3A_128 : memref<10112x128xf32, #tpu.memory_space<vmem_shared>>)
        tpu.yield
      }) : () -> ()
      %add3A_98 = arith.constant 1 : i32
      %add3A_99 = arith.addi %mul3A_83, %add3A_98 : i32
      %mul3A_100 = arith.constant 96 : i32
      %mul3A_101 = arith.muli %add3A_99, %mul3A_100 : i32
      %dma_wait3A_102 = tpu.memref_slice %arg6[%mul3A_101] : memref<10176xi32, #tpu.memory_space<vmem>> -> memref<96xi32, #tpu.memory_space<vmem>>
      %dma_wait3A_103 = arith.constant 0 : i32
      %dma_wait3A_104 = arith.constant 0 : i32
      %dma_wait3A_105 = tpu.memref_slice %arg2[%dma_wait3A_103, %dma_wait3A_104] : memref<10000x128xf32, #tpu.memory_space<hbm>> -> memref<10000x128xf32, #tpu.memory_space<hbm>>
      tpu.wait_indirect_dma semaphore(%arg11 : memref<!tpu.dma_semaphore, #tpu.memory_space<semaphore_mem>>) src(%dma_wait3A_105 : memref<10000x128xf32, #tpu.memory_space<hbm>>) dst(%arg9 : memref<96x128xf32, #tpu.memory_space<vmem>>)
      %add3A_106 = arith.constant 2 : i32
      %add3A_107 = arith.addi %mul3A_83, %add3A_106 : i32
      %mul3A_108 = arith.constant 96 : i32
      %mul3A_109 = arith.muli %add3A_107, %mul3A_108 : i32
      %dma_start3A_110 = tpu.memref_slice %arg6[%mul3A_109] : memref<10176xi32, #tpu.memory_space<vmem>> -> memref<96xi32, #tpu.memory_space<vmem>>
      %dma_start3A_111 = arith.constant 0 : i32
      %dma_start3A_112 = arith.constant 0 : i32
      %dma_start3A_113 = tpu.memref_slice %arg2[%dma_start3A_111, %dma_start3A_112] : memref<10000x128xf32, #tpu.memory_space<hbm>> -> memref<10000x128xf32, #tpu.memory_space<hbm>>
      tpu.enqueue_indirect_dma source(%dma_start3A_113 : memref<10000x128xf32, #tpu.memory_space<hbm>>) target(%arg8 : memref<96x128xf32, #tpu.memory_space<vmem>>) offsets(%dma_start3A_110 : memref<96xi32, #tpu.memory_space<vmem>>) semaphore(%arg10 : memref<!tpu.dma_semaphore, #tpu.memory_space<semaphore_mem>>)
      %add3A_114 = arith.constant 1 : i32
      %add3A_115 = arith.addi %mul3A_83, %add3A_114 : i32
      "tpu.region"() ({
        %run_scoped3A_116 = tpu.sem_alloc : memref<!tpu.dma_semaphore, #tpu.memory_space<semaphore_mem>>
        %dma_start3A_117 = arith.constant 0 : i32
        %dma_start3A_118 = tpu.memref_slice %arg7[%add3A_115, %dma_start3A_117] : memref<106x96xi32, #tpu.memory_space<vmem>> -> memref<1x96xi32, #tpu.memory_space<vmem>>
        %dma_start3A_119 = tpu.memref_squeeze %dma_start3A_118 : memref<1x96xi32, #tpu.memory_space<vmem>> -> memref<96xi32, #tpu.memory_space<vmem>>
        %dma_start3A_120 = arith.constant 0 : i32
        %dma_start3A_121 = arith.constant 0 : i32
        %dma_start3A_122 = tpu.memref_slice %arg12[%dma_start3A_120, %dma_start3A_121] : memref<10112x128xf32, #tpu.memory_space<vmem_shared>> -> memref<10112x128xf32, #tpu.memory_space<vmem_shared>>
        tpu.enqueue_indirect_dma source(%arg9 : memref<96x128xf32, #tpu.memory_space<vmem>>) target(%dma_start3A_122 : memref<10112x128xf32, #tpu.memory_space<vmem_shared>>) offsets(%dma_start3A_119 : memref<96xi32, #tpu.memory_space<vmem>>) semaphore(%run_scoped3A_116 : memref<!tpu.dma_semaphore, #tpu.memory_space<semaphore_mem>>) {add = true}
        %dma_wait3A_123 = arith.constant 0 : i32
        %dma_wait3A_124 = tpu.memref_slice %arg7[%add3A_115, %dma_wait3A_123] : memref<106x96xi32, #tpu.memory_space<vmem>> -> memref<1x96xi32, #tpu.memory_space<vmem>>
        %dma_wait3A_125 = tpu.memref_squeeze %dma_wait3A_124 : memref<1x96xi32, #tpu.memory_space<vmem>> -> memref<96xi32, #tpu.memory_space<vmem>>
        %dma_wait3A_126 = arith.constant 0 : i32
        %dma_wait3A_127 = arith.constant 0 : i32
        %dma_wait3A_128 = tpu.memref_slice %arg12[%dma_wait3A_126, %dma_wait3A_127] : memref<10112x128xf32, #tpu.memory_space<vmem_shared>> -> memref<10112x128xf32, #tpu.memory_space<vmem_shared>>
        tpu.wait_indirect_dma semaphore(%run_scoped3A_116 : memref<!tpu.dma_semaphore, #tpu.memory_space<semaphore_mem>>) src(%arg9 : memref<96x128xf32, #tpu.memory_space<vmem>>) dst(%dma_wait3A_128 : memref<10112x128xf32, #tpu.memory_space<vmem_shared>>)
        tpu.yield
      }) : () -> ()
    }
    %mul3A_44 = arith.constant 104 : i32
    %mul3A_45 = arith.constant 96 : i32
    %mul3A_46 = arith.muli %mul3A_44, %mul3A_45 : i32
    %dma_wait3A = tpu.memref_slice %arg6[%mul3A_46] : memref<10176xi32, #tpu.memory_space<vmem>> -> memref<96xi32, #tpu.memory_space<vmem>>
    %dma_wait3A_47 = arith.constant 0 : i32
    %dma_wait3A_48 = arith.constant 0 : i32
    %dma_wait3A_49 = tpu.memref_slice %arg2[%dma_wait3A_47, %dma_wait3A_48] : memref<10000x128xf32, #tpu.memory_space<hbm>> -> memref<10000x128xf32, #tpu.memory_space<hbm>>
    tpu.wait_indirect_dma semaphore(%arg10 : memref<!tpu.dma_semaphore, #tpu.memory_space<semaphore_mem>>) src(%dma_wait3A_49 : memref<10000x128xf32, #tpu.memory_space<hbm>>) dst(%arg8 : memref<96x128xf32, #tpu.memory_space<vmem>>)
    %add3A_50 = arith.constant 104 : i32
    %add3A_51 = arith.constant 1 : i32
    %add3A_52 = arith.addi %add3A_50, %add3A_51 : i32
    %mul3A_53 = arith.constant 96 : i32
    %mul3A_54 = arith.muli %add3A_52, %mul3A_53 : i32
    %dma_start3A_55 = tpu.memref_slice %arg6[%mul3A_54] : memref<10176xi32, #tpu.memory_space<vmem>> -> memref<96xi32, #tpu.memory_space<vmem>>
    %dma_start3A_56 = arith.constant 0 : i32
    %dma_start3A_57 = arith.constant 0 : i32
    %dma_start3A_58 = tpu.memref_slice %arg2[%dma_start3A_56, %dma_start3A_57] : memref<10000x128xf32, #tpu.memory_space<hbm>> -> memref<10000x128xf32, #tpu.memory_space<hbm>>
    tpu.enqueue_indirect_dma source(%dma_start3A_58 : memref<10000x128xf32, #tpu.memory_space<hbm>>) target(%arg9 : memref<96x128xf32, #tpu.memory_space<vmem>>) offsets(%dma_start3A_55 : memref<96xi32, #tpu.memory_space<vmem>>) semaphore(%arg11 : memref<!tpu.dma_semaphore, #tpu.memory_space<semaphore_mem>>)
    %run_scoped3A = arith.constant 104 : i32
    "tpu.region"() ({
      %run_scoped3A_81 = tpu.sem_alloc : memref<!tpu.dma_semaphore, #tpu.memory_space<semaphore_mem>>
      %dma_start3A_82 = arith.constant 0 : i32
      %dma_start3A_83 = tpu.memref_slice %arg7[%run_scoped3A, %dma_start3A_82] : memref<106x96xi32, #tpu.memory_space<vmem>> -> memref<1x96xi32, #tpu.memory_space<vmem>>
      %dma_start3A_84 = tpu.memref_squeeze %dma_start3A_83 : memref<1x96xi32, #tpu.memory_space<vmem>> -> memref<96xi32, #tpu.memory_space<vmem>>
      %dma_start3A_85 = arith.constant 0 : i32
      %dma_start3A_86 = arith.constant 0 : i32
      %dma_start3A_87 = tpu.memref_slice %arg12[%dma_start3A_85, %dma_start3A_86] : memref<10112x128xf32, #tpu.memory_space<vmem_shared>> -> memref<10112x128xf32, #tpu.memory_space<vmem_shared>>
      tpu.enqueue_indirect_dma source(%arg8 : memref<96x128xf32, #tpu.memory_space<vmem>>) target(%dma_start3A_87 : memref<10112x128xf32, #tpu.memory_space<vmem_shared>>) offsets(%dma_start3A_84 : memref<96xi32, #tpu.memory_space<vmem>>) semaphore(%run_scoped3A_81 : memref<!tpu.dma_semaphore, #tpu.memory_space<semaphore_mem>>) {add = true}
      %dma_wait3A_88 = arith.constant 0 : i32
      %dma_wait3A_89 = tpu.memref_slice %arg7[%run_scoped3A, %dma_wait3A_88] : memref<106x96xi32, #tpu.memory_space<vmem>> -> memref<1x96xi32, #tpu.memory_space<vmem>>
      %dma_wait3A_90 = tpu.memref_squeeze %dma_wait3A_89 : memref<1x96xi32, #tpu.memory_space<vmem>> -> memref<96xi32, #tpu.memory_space<vmem>>
      %dma_wait3A_91 = arith.constant 0 : i32
      %dma_wait3A_92 = arith.constant 0 : i32
      %dma_wait3A_93 = tpu.memref_slice %arg12[%dma_wait3A_91, %dma_wait3A_92] : memref<10112x128xf32, #tpu.memory_space<vmem_shared>> -> memref<10112x128xf32, #tpu.memory_space<vmem_shared>>
      tpu.wait_indirect_dma semaphore(%run_scoped3A_81 : memref<!tpu.dma_semaphore, #tpu.memory_space<semaphore_mem>>) src(%arg8 : memref<96x128xf32, #tpu.memory_space<vmem>>) dst(%dma_wait3A_93 : memref<10112x128xf32, #tpu.memory_space<vmem_shared>>)
      tpu.yield
    }) : () -> ()
    %add3A_59 = arith.constant 104 : i32
    %add3A_60 = arith.constant 1 : i32
    %add3A_61 = arith.addi %add3A_59, %add3A_60 : i32
    %mul3A_62 = arith.constant 96 : i32
    %mul3A_63 = arith.muli %add3A_61, %mul3A_62 : i32
    %dma_wait3A_64 = tpu.memref_slice %arg6[%mul3A_63] : memref<10176xi32, #tpu.memory_space<vmem>> -> memref<96xi32, #tpu.memory_space<vmem>>
    %dma_wait3A_65 = arith.constant 0 : i32
    %dma_wait3A_66 = arith.constant 0 : i32
    %dma_wait3A_67 = tpu.memref_slice %arg2[%dma_wait3A_65, %dma_wait3A_66] : memref<10000x128xf32, #tpu.memory_space<hbm>> -> memref<10000x128xf32, #tpu.memory_space<hbm>>
    tpu.wait_indirect_dma semaphore(%arg11 : memref<!tpu.dma_semaphore, #tpu.memory_space<semaphore_mem>>) src(%dma_wait3A_67 : memref<10000x128xf32, #tpu.memory_space<hbm>>) dst(%arg9 : memref<96x128xf32, #tpu.memory_space<vmem>>)
    %add3A_68 = arith.constant 104 : i32
    %add3A_69 = arith.constant 1 : i32
    %add3A_70 = arith.addi %add3A_68, %add3A_69 : i32
    "tpu.region"() ({
      %run_scoped3A_81 = tpu.sem_alloc : memref<!tpu.dma_semaphore, #tpu.memory_space<semaphore_mem>>
      %dma_start3A_82 = arith.constant 0 : i32
      %dma_start3A_83 = tpu.memref_slice %arg7[%add3A_70, %dma_start3A_82] : memref<106x96xi32, #tpu.memory_space<vmem>> -> memref<1x96xi32, #tpu.memory_space<vmem>>
      %dma_start3A_84 = tpu.memref_squeeze %dma_start3A_83 : memref<1x96xi32, #tpu.memory_space<vmem>> -> memref<96xi32, #tpu.memory_space<vmem>>
      %dma_start3A_85 = arith.constant 0 : i32
      %dma_start3A_86 = arith.constant 0 : i32
      %dma_start3A_87 = tpu.memref_slice %arg12[%dma_start3A_85, %dma_start3A_86] : memref<10112x128xf32, #tpu.memory_space<vmem_shared>> -> memref<10112x128xf32, #tpu.memory_space<vmem_shared>>
      tpu.enqueue_indirect_dma source(%arg9 : memref<96x128xf32, #tpu.memory_space<vmem>>) target(%dma_start3A_87 : memref<10112x128xf32, #tpu.memory_space<vmem_shared>>) offsets(%dma_start3A_84 : memref<96xi32, #tpu.memory_space<vmem>>) semaphore(%run_scoped3A_81 : memref<!tpu.dma_semaphore, #tpu.memory_space<semaphore_mem>>) {add = true}
      %dma_wait3A_88 = arith.constant 0 : i32
      %dma_wait3A_89 = tpu.memref_slice %arg7[%add3A_70, %dma_wait3A_88] : memref<106x96xi32, #tpu.memory_space<vmem>> -> memref<1x96xi32, #tpu.memory_space<vmem>>
      %dma_wait3A_90 = tpu.memref_squeeze %dma_wait3A_89 : memref<1x96xi32, #tpu.memory_space<vmem>> -> memref<96xi32, #tpu.memory_space<vmem>>
      %dma_wait3A_91 = arith.constant 0 : i32
      %dma_wait3A_92 = arith.constant 0 : i32
      %dma_wait3A_93 = tpu.memref_slice %arg12[%dma_wait3A_91, %dma_wait3A_92] : memref<10112x128xf32, #tpu.memory_space<vmem_shared>> -> memref<10112x128xf32, #tpu.memory_space<vmem_shared>>
      tpu.wait_indirect_dma semaphore(%run_scoped3A_81 : memref<!tpu.dma_semaphore, #tpu.memory_space<semaphore_mem>>) src(%arg9 : memref<96x128xf32, #tpu.memory_space<vmem>>) dst(%dma_wait3A_93 : memref<10112x128xf32, #tpu.memory_space<vmem_shared>>)
      tpu.yield
    }) : () -> ()
    %barrier3A_71 = arith.constant 0 : index
    tpu.barrier barrier_id(%barrier3A_71)
    %barrier3A_72 = arith.constant 0 : index
    tpu.barrier barrier_id(%barrier3A_72)
    %mul3A_73 = arith.constant 624 : i32
    %mul3A_74 = arith.muli %arg1, %mul3A_73 : i32
    %lt3A = arith.constant 15 : i32
    %lt3A_75 = arith.cmpi slt, %arg1, %lt3A : i32
    %convert_element_type3A = arith.extui %lt3A_75 : i1 to i32
    %cond3A = arith.constant 0 : i32
    %cond3A_76 = arith.cmpi ne, %convert_element_type3A, %cond3A : i32
    scf.if %cond3A_76 {
      "tpu.region"() ({
        %run_scoped3A_81 = tpu.sem_alloc : memref<!tpu.dma_semaphore, #tpu.memory_space<semaphore_mem>>
        %dma_start3A_82 = arith.constant 0 : i32
        %dma_start3A_83 = tpu.memref_slice %arg5[%arg0, %mul3A_74, %dma_start3A_82] : memref<2x10000x128xf32, #tpu.memory_space<hbm>> -> memref<1x624x128xf32, #tpu.memory_space<hbm>>
        %dma_start3A_84 = tpu.memref_squeeze %dma_start3A_83 : memref<1x624x128xf32, #tpu.memory_space<hbm>> -> memref<624x128xf32, #tpu.memory_space<hbm>>
        %dma_start3A_85 = arith.constant 0 : i32
        %dma_start3A_86 = tpu.memref_slice %arg12[%mul3A_74, %dma_start3A_85] : memref<10112x128xf32, #tpu.memory_space<vmem_shared>> -> memref<624x128xf32, #tpu.memory_space<vmem_shared>>
        tpu.enqueue_dma source(%dma_start3A_86 : memref<624x128xf32, #tpu.memory_space<vmem_shared>>) target(%dma_start3A_84 : memref<624x128xf32, #tpu.memory_space<hbm>>) target_semaphore(%run_scoped3A_81 : memref<!tpu.dma_semaphore, #tpu.memory_space<semaphore_mem>>)
        %dma_wait3A_87 = arith.constant 0 : i32
        %dma_wait3A_88 = tpu.memref_slice %arg5[%arg0, %mul3A_74, %dma_wait3A_87] : memref<2x10000x128xf32, #tpu.memory_space<hbm>> -> memref<1x624x128xf32, #tpu.memory_space<hbm>>
        %dma_wait3A_89 = tpu.memref_squeeze %dma_wait3A_88 : memref<1x624x128xf32, #tpu.memory_space<hbm>> -> memref<624x128xf32, #tpu.memory_space<hbm>>
        %dma_wait3A_90 = arith.constant 0 : i32
        %dma_wait3A_91 = tpu.memref_slice %arg12[%mul3A_74, %dma_wait3A_90] : memref<10112x128xf32, #tpu.memory_space<vmem_shared>> -> memref<624x128xf32, #tpu.memory_space<vmem_shared>>
        tpu.wait_dma2 semaphore(%run_scoped3A_81 : memref<!tpu.dma_semaphore, #tpu.memory_space<semaphore_mem>>) src(%dma_wait3A_91 : memref<624x128xf32, #tpu.memory_space<vmem_shared>>) dst(%dma_wait3A_89 : memref<624x128xf32, #tpu.memory_space<hbm>>)
        tpu.yield
      }) : () -> ()
    } else {
    }
    %eq3A = arith.constant 15 : i32
    %eq3A_77 = arith.cmpi eq, %arg1, %eq3A : i32
    %convert_element_type3A_78 = arith.extui %eq3A_77 : i1 to i32
    %cond3A_79 = arith.constant 0 : i32
    %cond3A_80 = arith.cmpi ne, %convert_element_type3A_78, %cond3A_79 : i32
    scf.if %cond3A_80 {
      "tpu.region"() ({
        %run_scoped3A_81 = tpu.sem_alloc : memref<!tpu.dma_semaphore, #tpu.memory_space<semaphore_mem>>
        %dma_start3A_82 = arith.constant 9360 : i32
        %dma_start3A_83 = arith.constant 0 : i32
        %dma_start3A_84 = tpu.memref_slice %arg5[%arg0, %dma_start3A_82, %dma_start3A_83] : memref<2x10000x128xf32, #tpu.memory_space<hbm>> -> memref<1x640x128xf32, #tpu.memory_space<hbm>>
        %dma_start3A_85 = tpu.memref_squeeze %dma_start3A_84 : memref<1x640x128xf32, #tpu.memory_space<hbm>> -> memref<640x128xf32, #tpu.memory_space<hbm>>
        %dma_start3A_86 = arith.constant 9360 : i32
        %dma_start3A_87 = arith.constant 0 : i32
        %dma_start3A_88 = tpu.memref_slice %arg12[%dma_start3A_86, %dma_start3A_87] : memref<10112x128xf32, #tpu.memory_space<vmem_shared>> -> memref<640x128xf32, #tpu.memory_space<vmem_shared>>
        tpu.enqueue_dma source(%dma_start3A_88 : memref<640x128xf32, #tpu.memory_space<vmem_shared>>) target(%dma_start3A_85 : memref<640x128xf32, #tpu.memory_space<hbm>>) target_semaphore(%run_scoped3A_81 : memref<!tpu.dma_semaphore, #tpu.memory_space<semaphore_mem>>)
        %dma_wait3A_89 = arith.constant 9360 : i32
        %dma_wait3A_90 = arith.constant 0 : i32
        %dma_wait3A_91 = tpu.memref_slice %arg5[%arg0, %dma_wait3A_89, %dma_wait3A_90] : memref<2x10000x128xf32, #tpu.memory_space<hbm>> -> memref<1x640x128xf32, #tpu.memory_space<hbm>>
        %dma_wait3A_92 = tpu.memref_squeeze %dma_wait3A_91 : memref<1x640x128xf32, #tpu.memory_space<hbm>> -> memref<640x128xf32, #tpu.memory_space<hbm>>
        %dma_wait3A_93 = arith.constant 9360 : i32
        %dma_wait3A_94 = arith.constant 0 : i32
        %dma_wait3A_95 = tpu.memref_slice %arg12[%dma_wait3A_93, %dma_wait3A_94] : memref<10112x128xf32, #tpu.memory_space<vmem_shared>> -> memref<640x128xf32, #tpu.memory_space<vmem_shared>>
        tpu.wait_dma2 semaphore(%run_scoped3A_81 : memref<!tpu.dma_semaphore, #tpu.memory_space<semaphore_mem>>) src(%dma_wait3A_95 : memref<640x128xf32, #tpu.memory_space<vmem_shared>>) dst(%dma_wait3A_92 : memref<640x128xf32, #tpu.memory_space<hbm>>)
        tpu.yield
      }) : () -> ()
    } else {
    }
    return
  }
}

module attributes {stable_mosaic.version = 14 : i64} {
  func.func @_prep_body(%arg0: memref<2x10000x128xf32, #tpu.memory_space<vmem>>, %arg1: memref<10000x128xf32, #tpu.memory_space<vmem>>, %arg2: memref<10000x128xf32, #tpu.memory_space<vmem>>, %arg3: memref<10000x128xf32, #tpu.memory_space<vmem>>) attributes {dimension_semantics = [], scalar_prefetch = 0 : i64, scratch_operands = 0 : i64, tpu.core_type = #tpu.core_type<tc>} {
    %get3A = arith.constant 0 : index
    %get3A_0 = arith.constant 0 : index
    %get3A_1 = arith.constant 0 : index
    %get3A_2 = vector.load %arg0[%get3A, %get3A_0, %get3A_1] : memref<2x10000x128xf32, #tpu.memory_space<vmem>>, vector<1x10000x1xf32>
    %get3A_3 = vector.shape_cast %get3A_2 : vector<1x10000x1xf32> to vector<10000x1xf32>
    %get3A_4 = arith.constant 1 : index
    %get3A_5 = arith.constant 0 : index
    %get3A_6 = arith.constant 0 : index
    %get3A_7 = vector.load %arg0[%get3A_4, %get3A_5, %get3A_6] : memref<2x10000x128xf32, #tpu.memory_space<vmem>>, vector<1x10000x1xf32>
    %get3A_8 = vector.shape_cast %get3A_7 : vector<1x10000x1xf32> to vector<10000x1xf32>
    %add3A = arith.addf %get3A_3, %get3A_8 : vector<10000x1xf32>
    %add3A_9 = arith.constant 1.000000e+00 : f32
    %add3A_10 = vector.broadcast %add3A_9 : f32 to vector<10000x1xf32>
    %add3A_11 = arith.addf %add3A, %add3A_10 : vector<10000x1xf32>
    %rsqrt3A = math.rsqrt %add3A_11 : vector<10000x1xf32>
    %broadcast_in_dim3A = vector.shape_cast %rsqrt3A : vector<10000x1xf32> to vector<10000x1xf32>
    %broadcast_in_dim3A_12 = vector.broadcast %broadcast_in_dim3A : vector<10000x1xf32> to vector<10000x128xf32>
    %swap3A = arith.constant 0 : index
    %swap3A_13 = arith.constant 0 : index
    %swap3A_14 = vector.load %arg2[%swap3A, %swap3A_13] : memref<10000x128xf32, #tpu.memory_space<vmem>>, vector<10000x128xf32>
    tpu.vector_store %arg2[%swap3A, %swap3A_13], %broadcast_in_dim3A_12 {strides = array<i32>} : memref<10000x128xf32, #tpu.memory_space<vmem>>, vector<10000x128xf32>,
    %get3A_15 = arith.constant 0 : index
    %get3A_16 = arith.constant 0 : index
    %get3A_17 = vector.load %arg1[%get3A_15, %get3A_16] : memref<10000x128xf32, #tpu.memory_space<vmem>>, vector<10000x128xf32>
    %mul3A = vector.broadcast %rsqrt3A : vector<10000x1xf32> to vector<10000x128xf32>
    %mul3A_18 = arith.mulf %mul3A, %get3A_17 : vector<10000x128xf32>
    %swap3A_19 = arith.constant 0 : index
    %swap3A_20 = arith.constant 0 : index
    %swap3A_21 = vector.load %arg3[%swap3A_19, %swap3A_20] : memref<10000x128xf32, #tpu.memory_space<vmem>>, vector<10000x128xf32>
    tpu.vector_store %arg3[%swap3A_19, %swap3A_20], %mul3A_18 {strides = array<i32>} : memref<10000x128xf32, #tpu.memory_space<vmem>>, vector<10000x128xf32>,
    return
  }
}

module attributes {stable_mosaic.version = 14 : i64} {
  func.func @_mid_body(%arg0: memref<2x10000x128xf32, #tpu.memory_space<vmem>>, %arg1: memref<10000x128xf32, #tpu.memory_space<vmem>>, %arg2: memref<10000x128xf32, #tpu.memory_space<vmem>>, %arg3: memref<10000x128xf32, #tpu.memory_space<vmem>>) attributes {dimension_semantics = [], scalar_prefetch = 0 : i64, scratch_operands = 0 : i64, tpu.core_type = #tpu.core_type<tc>} {
    %get3A = arith.constant 0 : index
    %get3A_0 = arith.constant 0 : index
    %get3A_1 = vector.load %arg2[%get3A, %get3A_0] : memref<10000x128xf32, #tpu.memory_space<vmem>>, vector<10000x128xf32>
    %mul3A = arith.mulf %get3A_1, %get3A_1 : vector<10000x128xf32>
    %get3A_2 = arith.constant 0 : index
    %get3A_3 = arith.constant 0 : index
    %get3A_4 = arith.constant 0 : index
    %get3A_5 = vector.load %arg0[%get3A_2, %get3A_3, %get3A_4] : memref<2x10000x128xf32, #tpu.memory_space<vmem>>, vector<1x10000x128xf32>
    %get3A_6 = vector.shape_cast %get3A_5 : vector<1x10000x128xf32> to vector<10000x128xf32>
    %get3A_7 = arith.constant 1 : index
    %get3A_8 = arith.constant 0 : index
    %get3A_9 = arith.constant 0 : index
    %get3A_10 = vector.load %arg0[%get3A_7, %get3A_8, %get3A_9] : memref<2x10000x128xf32, #tpu.memory_space<vmem>>, vector<1x10000x128xf32>
    %get3A_11 = vector.shape_cast %get3A_10 : vector<1x10000x128xf32> to vector<10000x128xf32>
    %add3A = arith.addf %get3A_6, %get3A_11 : vector<10000x128xf32>
    %get3A_12 = arith.constant 0 : index
    %get3A_13 = arith.constant 0 : index
    %get3A_14 = vector.load %arg1[%get3A_12, %get3A_13] : memref<10000x128xf32, #tpu.memory_space<vmem>>, vector<10000x128xf32>
    %add3A_15 = arith.addf %add3A, %get3A_14 : vector<10000x128xf32>
    %mul3A_16 = arith.mulf %mul3A, %add3A_15 : vector<10000x128xf32>
    %swap3A = arith.constant 0 : index
    %swap3A_17 = arith.constant 0 : index
    %swap3A_18 = vector.load %arg3[%swap3A, %swap3A_17] : memref<10000x128xf32, #tpu.memory_space<vmem>>, vector<10000x128xf32>
    tpu.vector_store %arg3[%swap3A, %swap3A_17], %mul3A_16 {strides = array<i32>} : memref<10000x128xf32, #tpu.memory_space<vmem>>, vector<10000x128xf32>,
    return
  }
}

module attributes {stable_mosaic.version = 14 : i64} {
  func.func @_lend_body(%arg0: memref<2x10000x128xf32, #tpu.memory_space<vmem>>, %arg1: memref<10000x128xf32, #tpu.memory_space<vmem>>, %arg2: memref<10000x128xf32, #tpu.memory_space<vmem>>, %arg3: memref<128x128xf32, #tpu.memory_space<vmem>>, %arg4: memref<1x128xf32, #tpu.memory_space<vmem>>, %arg5: memref<10000x128xf32, #tpu.memory_space<vmem>>) attributes {dimension_semantics = [], scalar_prefetch = 0 : i64, scratch_operands = 0 : i64, tpu.core_type = #tpu.core_type<tc>} {
    %get3A = arith.constant 0 : index
    %get3A_0 = arith.constant 0 : index
    %get3A_1 = vector.load %arg2[%get3A, %get3A_0] : memref<10000x128xf32, #tpu.memory_space<vmem>>, vector<10000x128xf32>
    %get3A_2 = arith.constant 0 : index
    %get3A_3 = arith.constant 0 : index
    %get3A_4 = arith.constant 0 : index
    %get3A_5 = vector.load %arg0[%get3A_2, %get3A_3, %get3A_4] : memref<2x10000x128xf32, #tpu.memory_space<vmem>>, vector<1x10000x128xf32>
    %get3A_6 = vector.shape_cast %get3A_5 : vector<1x10000x128xf32> to vector<10000x128xf32>
    %get3A_7 = arith.constant 1 : index
    %get3A_8 = arith.constant 0 : index
    %get3A_9 = arith.constant 0 : index
    %get3A_10 = vector.load %arg0[%get3A_7, %get3A_8, %get3A_9] : memref<2x10000x128xf32, #tpu.memory_space<vmem>>, vector<1x10000x128xf32>
    %get3A_11 = vector.shape_cast %get3A_10 : vector<1x10000x128xf32> to vector<10000x128xf32>
    %add3A = arith.addf %get3A_6, %get3A_11 : vector<10000x128xf32>
    %get3A_12 = arith.constant 0 : index
    %get3A_13 = arith.constant 0 : index
    %get3A_14 = vector.load %arg1[%get3A_12, %get3A_13] : memref<10000x128xf32, #tpu.memory_space<vmem>>, vector<10000x128xf32>
    %add3A_15 = arith.addf %add3A, %get3A_14 : vector<10000x128xf32>
    %mul3A = arith.mulf %get3A_1, %add3A_15 : vector<10000x128xf32>
    %get3A_16 = arith.constant 0 : index
    %get3A_17 = arith.constant 0 : index
    %get3A_18 = vector.load %arg3[%get3A_16, %get3A_17] : memref<128x128xf32, #tpu.memory_space<vmem>>, vector<128x128xf32>
    %dot_general3A = arith.constant dense<0.000000e+00> : vector<10000x128xf32>
    %dot_general3A_19 = tpu.matmul %mul3A, %get3A_18, %dot_general3A {dimension_numbers = #tpu.dot_dimension_numbers<[1], [1], [0], [0], [0, 0, 1, 0], [], []>, transpose_lhs_hint = false} : vector<10000x128xf32>, vector<128x128xf32>, vector<10000x128xf32> -> vector<10000x128xf32>
    %get3A_20 = arith.constant 0 : index
    %get3A_21 = arith.constant 0 : index
    %get3A_22 = vector.load %arg4[%get3A_20, %get3A_21] : memref<1x128xf32, #tpu.memory_space<vmem>>, vector<1x128xf32>
    %add3A_23 = vector.broadcast %get3A_22 : vector<1x128xf32> to vector<10000x128xf32>
    %add3A_24 = arith.addf %dot_general3A_19, %add3A_23 : vector<10000x128xf32>
    %tanh3A = math.tanh %add3A_24 : vector<10000x128xf32>
    %mul3A_25 = arith.mulf %get3A_1, %tanh3A : vector<10000x128xf32>
    %swap3A = arith.constant 0 : index
    %swap3A_26 = arith.constant 0 : index
    %swap3A_27 = vector.load %arg5[%swap3A, %swap3A_26] : memref<10000x128xf32, #tpu.memory_space<vmem>>, vector<10000x128xf32>
    tpu.vector_store %arg5[%swap3A, %swap3A_26], %mul3A_25 {strides = array<i32>} : memref<10000x128xf32, #tpu.memory_space<vmem>>, vector<10000x128xf32>,
    return
  }
}

module attributes {stable_mosaic.version = 14 : i64} {
  func.func @_final_body(%arg0: memref<2x10000x128xf32, #tpu.memory_space<vmem>>, %arg1: memref<10000x128xf32, #tpu.memory_space<vmem>>, %arg2: memref<10000x128xf32, #tpu.memory_space<vmem>>, %arg3: memref<128x128xf32, #tpu.memory_space<vmem>>, %arg4: memref<1x128xf32, #tpu.memory_space<vmem>>, %arg5: memref<10000x1xi32, #tpu.memory_space<vmem>>, %arg6: memref<16x128xf32, #tpu.memory_space<vmem>>) attributes {dimension_semantics = [], scalar_prefetch = 0 : i64, scratch_operands = 0 : i64, tpu.core_type = #tpu.core_type<tc>} {
    %get3A = arith.constant 0 : index
    %get3A_0 = arith.constant 0 : index
    %get3A_1 = vector.load %arg2[%get3A, %get3A_0] : memref<10000x128xf32, #tpu.memory_space<vmem>>, vector<10000x128xf32>
    %get3A_2 = arith.constant 0 : index
    %get3A_3 = arith.constant 0 : index
    %get3A_4 = arith.constant 0 : index
    %get3A_5 = vector.load %arg0[%get3A_2, %get3A_3, %get3A_4] : memref<2x10000x128xf32, #tpu.memory_space<vmem>>, vector<1x10000x128xf32>
    %get3A_6 = vector.shape_cast %get3A_5 : vector<1x10000x128xf32> to vector<10000x128xf32>
    %get3A_7 = arith.constant 1 : index
    %get3A_8 = arith.constant 0 : index
    %get3A_9 = arith.constant 0 : index
    %get3A_10 = vector.load %arg0[%get3A_7, %get3A_8, %get3A_9] : memref<2x10000x128xf32, #tpu.memory_space<vmem>>, vector<1x10000x128xf32>
    %get3A_11 = vector.shape_cast %get3A_10 : vector<1x10000x128xf32> to vector<10000x128xf32>
    %add3A = arith.addf %get3A_6, %get3A_11 : vector<10000x128xf32>
    %get3A_12 = arith.constant 0 : index
    %get3A_13 = arith.constant 0 : index
    %get3A_14 = vector.load %arg1[%get3A_12, %get3A_13] : memref<10000x128xf32, #tpu.memory_space<vmem>>, vector<10000x128xf32>
    %add3A_15 = arith.addf %add3A, %get3A_14 : vector<10000x128xf32>
    %mul3A = arith.mulf %get3A_1, %add3A_15 : vector<10000x128xf32>
    %get3A_16 = arith.constant 0 : index
    %get3A_17 = arith.constant 0 : index
    %get3A_18 = vector.load %arg3[%get3A_16, %get3A_17] : memref<128x128xf32, #tpu.memory_space<vmem>>, vector<128x128xf32>
    %dot_general3A = arith.constant dense<0.000000e+00> : vector<10000x128xf32>
    %dot_general3A_19 = tpu.matmul %mul3A, %get3A_18, %dot_general3A {dimension_numbers = #tpu.dot_dimension_numbers<[1], [1], [0], [0], [0, 0, 1, 0], [], []>, transpose_lhs_hint = false} : vector<10000x128xf32>, vector<128x128xf32>, vector<10000x128xf32> -> vector<10000x128xf32>
    %get3A_20 = arith.constant 0 : index
    %get3A_21 = arith.constant 0 : index
    %get3A_22 = vector.load %arg4[%get3A_20, %get3A_21] : memref<1x128xf32, #tpu.memory_space<vmem>>, vector<1x128xf32>
    %add3A_23 = vector.broadcast %get3A_22 : vector<1x128xf32> to vector<10000x128xf32>
    %add3A_24 = arith.addf %dot_general3A_19, %add3A_23 : vector<10000x128xf32>
    %tanh3A = math.tanh %add3A_24 : vector<10000x128xf32>
    %get3A_25 = arith.constant 0 : index
    %get3A_26 = arith.constant 0 : index
    %get3A_27 = vector.load %arg5[%get3A_25, %get3A_26] : memref<10000x1xi32, #tpu.memory_space<vmem>>, vector<10000x1xi32>
    %iota3A = tpu.iota {dimensions = array<i32: 1>} : vector<10000x16xi32>
    %eq3A = vector.broadcast %get3A_27 : vector<10000x1xi32> to vector<10000x16xi32>
    %eq3A_28 = arith.cmpi eq, %eq3A, %iota3A : vector<10000x16xi32>
    %convert_element_type3A = arith.extui %eq3A_28 : vector<10000x16xi1> to vector<10000x16xi32>
    %convert_element_type3A_29 = arith.sitofp %convert_element_type3A : vector<10000x16xi32> to vector<10000x16xf32>
    %dot_general3A_30 = arith.constant dense<0.000000e+00> : vector<16x128xf32>
    %dot_general3A_31 = tpu.matmul %convert_element_type3A_29, %tanh3A, %dot_general3A_30 {dimension_numbers = #tpu.dot_dimension_numbers<[0], [0], [1], [1], [0, 1, 1, 1], [], []>, transpose_lhs_hint = false} : vector<10000x16xf32>, vector<10000x128xf32>, vector<16x128xf32> -> vector<16x128xf32>
    %broadcast_in_dim3A = arith.constant 1.000000e+00 : f32
    %broadcast_in_dim3A_32 = vector.broadcast %broadcast_in_dim3A : f32 to vector<10000x128xf32>
    %dot_general3A_33 = arith.constant dense<0.000000e+00> : vector<16x128xf32>
    %dot_general3A_34 = tpu.matmul %convert_element_type3A_29, %broadcast_in_dim3A_32, %dot_general3A_33 {dimension_numbers = #tpu.dot_dimension_numbers<[0], [0], [1], [1], [0, 1, 1, 1], [], []>, transpose_lhs_hint = false} : vector<10000x16xf32>, vector<10000x128xf32>, vector<16x128xf32> -> vector<16x128xf32>
    %max3A = arith.constant 1.000000e+00 : f32
    %max3A_35 = vector.broadcast %max3A : f32 to vector<16x128xf32>
    %max3A_36 = arith.maximumf %dot_general3A_34, %max3A_35 : vector<16x128xf32>
    %div3A = arith.divf %dot_general3A_31, %max3A_36 : vector<16x128xf32>
    %swap3A = arith.constant 0 : index
    %swap3A_37 = arith.constant 0 : index
    %swap3A_38 = vector.load %arg6[%swap3A, %swap3A_37] : memref<16x128xf32, #tpu.memory_space<vmem>>, vector<16x128xf32>
    tpu.vector_store %arg6[%swap3A, %swap3A_37], %div3A {strides = array<i32>} : memref<16x128xf32, #tpu.memory_space<vmem>>, vector<16x128xf32>,
    return
  }
}

</mosaic_0001>

<sc_bundles>
// kernel: kernel.12.cloned.1.call-start
scs
__scs_entry_jumppad:
0x0: {  	(pc) =	sbr.rel $0x88, $3  }
0x1: {  	(tag) =	ssettag $0x0;
	lr =	simm.s32 $0x1  }
0x2: {  	[smem:$0x3F9A] =	sst lr;
	_ =	strace $0xD0000000  }
0x3: {  	_ = 	snop  }
0x4: {  	_ = 	snop  }
0x5: {  	_ = 	snop  }
0x6: {  	_ = 	snop  }
0x7: {  	_ = 	snop  }
__scs_overlays_trampoline_lowered:
0x8: {  	[smem:$0x3FA9] =	sst s0  }
0x9: {  	[smem:$0x3FAA] =	sst s1  }
0xa: {  	[smem:$0x3FAB] =	sst s2  }
0xb: {  	[smem:$0x3FAC] =	sst s3  }
0xc: {  	[smem:$0x3FAD] =	sst s4  }
0xd: {  	[smem:$0x3FAE] =	sst s5  }
0xe: {  	[smem:$0x3FAF] =	sst s6  }
0xf: {  	[smem:$0x3FB0] =	sst s7  }
0x10: {  	[smem:$0x3FB1] =	sst s8  }
0x11: {  	[smem:$0x3FB2] =	sst s9;
	s0 =	simm.s32 @!p0 $0x0  }
0x12: {  	s1 =	sld [smem:$0x3F98];
	s0 =	simm.s32 @p0 $0x1  }
0x13: {  	[smem:$0x3FB3] =	sst s0;
	s0 =	simm.s32 @!p1 $0x0  }
0x14: {  	s2 =	sld [smem:$0x3F97];
	s0 =	simm.s32 @p1 $0x1  }
0x15: {  	[smem:$0x3FB4] =	sst s0;
	s0 =	simm.s32 @!p2 $0x0  }
0x16: {  	s3 =	sld [smem:$0x3FDB];
	s0 =	simm.s32 @p2 $0x1  }
0x17: {  	s4 =	simm.s32 $0x1BF5;
	[smem:$0x3FB6] =	sst s0  }
0x18: {  	s0 =	sld [smem:$0x3F99];
	_ =	swait.ge [sflag:s4], $0x0  }
0x19: {  	s7 =	sld [smem:$0x3F9A]  }
0x1a: {  	s8 =	sadd.s32 $0xFFFFE003, lr  }
0x1b: {  	s9 =	sadd.s32 $0xFFFFFEF7, lr;
	s5 =	simm.s32 $0xFFFFFFFF;
	p2 =	slt.u32 s8, $0xFFFFF086  }
0x1c: {  	p1 =	slt.u32 s9, $0xF7A;
	s5 =	simm.s32 @!p2 $0x0  }
0x1d: {  	s5 =	simm.s32 @p1 $0x1;
	p0 =	seq.s32 s7, s2  }
0x1e: {  	s7 =	smul.u32 @!p0 $0xF7A, s2;
	p2 =	seq.s32 @!p0 s5, $0x0  }
0x1f: {  	s9 =	smul.u32 $0xF7A, s1;
	s8 =	simm.s32 @!p0 $0x1BF5;
	p2 =	por !p2, p0  }
0x20: {  	[sflag:s8] =	ssyncset.s32 @!p0 $0xFFFFF086;
	s6 =	sadd.s32 @!p0 s3, s7;
	s7 =	simm.s32 @!p0 $0x108  }
0x21: {  	s3 =	sadd.s32 s3, s9;
	s6 =	sadd.s32 @!p0 $0x88, s6;
	s7 =	simm.s32 @p2 $0x1082  }
0x22: {  	[simem:s7], [sflag:s8] =	dma.local @!p0 [hbm:s6], $0xF7A  }
0x23: {  	s9 =	sor.u32 $0xD0000000, s2;
	s6 =	simm.s32 $0x108;
	_ =	swait.ge @!p0 [sflag:s8], $0x0  }
0x24: {  	s3 =	sadd.s32 $0x88, s3;
	s6 =	simm.s32 @!p1 $0x1082;
	[sflag:s4] =	ssyncset.s32 $0xFFFFF086  }
0x25: {  	[simem:s6], [sflag:s4] =	dma.local [hbm:s3], $0xF7A  }
0x26: {  	[smem:$0x3F9A] =	sst s1;
	(tag) =	ssettag s2;
	_ =	strace s9  }
0x27: {  	s1 =	sld [smem:$0x3FAA]  }
0x28: {  	s2 =	sld [smem:$0x3FAB]  }
0x29: {  	s4 =	sld [smem:$0x3FAD]  }
0x2a: {  	p0 =	seq.s32 s5, $0x0;
	s5 =	sld [smem:$0x3FAE]  }
0x2b: {  	s6 =	sld [smem:$0x3FAF]  }
0x2c: {  	s7 =	sld [smem:$0x3FB0]  }
0x2d: {  	s3 =	simm.s32 $0x108;
	s8 =	sld [smem:$0x3FB1]  }
0x2e: {  	s3 =	simm.s32 @!p0 $0x1082;
	s9 =	sld [smem:$0x3FB2]  }
0x2f: {  	lr =	sadd.s32 s0, s3;
	s0 =	sld [smem:$0x3FA9]  }
0x30: {  	s3 =	sld [smem:$0x3FAC]  }
0x31: {  	[smem:$0x3FB5] =	sst s10  }
0x32: {  	s10 =	sld [smem:$0x3FB3];
	_ =	sdelay $0x3  }
0x33: {  	p0 =	seq.s32 s10, $0x1;
	s10 =	sld [smem:$0x3FB5];
	_ =	sdelay $0x3  }
0x34: {  	[smem:$0x3FB5] =	sst s10  }
0x35: {  	s10 =	sld [smem:$0x3FB4];
	_ =	sdelay $0x3  }
0x36: {  	p1 =	seq.s32 s10, $0x1;
	s10 =	sld [smem:$0x3FB5];
	_ =	sdelay $0x3  }
0x37: {  	[smem:$0x3FB5] =	sst s10  }
0x38: {  	s10 =	sld [smem:$0x3FB6]  }
0x39: {  	_ = 	snop;
	(pc) =	sbr.ind lr, $3  }
0x3a: {  	_ = 	snop  }
0x3b: {  	_ = 	snop  }
0x3c: {  	p2 =	seq.s32 s10, $0x1;
	s10 =	sld [smem:$0x3FB5]  }
0x3d: {  	_ =	shalt  }
0x3e: {  	_ =	shalt  }
0x3f: {  	_ =	shalt  }
0x40: {  	_ =	shalt  }
0x41: {  	_ =	shalt  }
0x42: {  	_ =	shalt  }
0x43: {  	_ =	shalt  }
0x44: {  	_ =	shalt  }
0x45: {  	_ =	shalt  }
0x46: {  	_ =	shalt  }
0x47: {  	_ =	shalt  }
0x48: {  	_ =	shalt  }
0x49: {  	_ =	shalt  }
0x4a: {  	_ =	shalt  }
0x4b: {  	_ =	shalt  }
0x4c: {  	_ =	shalt  }
0x4d: {  	_ =	shalt  }
0x4e: {  	_ =	shalt  }
0x4f: {  	_ =	shalt  }
0x50: {  	_ =	shalt  }
0x51: {  	_ =	shalt  }
0x52: {  	_ =	shalt  }
0x53: {  	_ =	shalt  }
0x54: {  	_ =	shalt  }
0x55: {  	_ =	shalt  }
0x56: {  	_ =	shalt  }
0x57: {  	_ =	shalt  }
0x58: {  	_ =	shalt  }
0x59: {  	_ =	shalt  }
0x5a: {  	_ =	shalt  }
0x5b: {  	_ =	shalt  }
0x5c: {  	_ =	shalt  }
0x5d: {  	_ =	shalt  }
0x5e: {  	_ =	shalt  }
0x5f: {  	_ =	shalt  }
0x60: {  	_ =	shalt  }
0x61: {  	_ =	shalt  }
0x62: {  	_ =	shalt  }
0x63: {  	_ =	shalt  }
0x64: {  	_ =	shalt  }
0x65: {  	_ =	shalt  }
0x66: {  	_ =	shalt  }
0x67: {  	_ =	shalt  }
0x68: {  	_ =	shalt  }
0x69: {  	_ =	shalt  }
0x6a: {  	_ =	shalt  }
0x6b: {  	_ =	shalt  }
0x6c: {  	_ =	shalt  }
0x6d: {  	_ =	shalt  }
0x6e: {  	_ =	shalt  }
0x6f: {  	_ =	shalt  }
0x70: {  	_ =	shalt  }
0x71: {  	_ =	shalt  }
0x72: {  	_ =	shalt  }
0x73: {  	_ =	shalt  }
0x74: {  	_ =	shalt  }
0x75: {  	_ =	shalt  }
0x76: {  	_ =	shalt  }
0x77: {  	_ =	shalt  }
0x78: {  	_ =	shalt  }
0x79: {  	_ =	shalt  }
0x7a: {  	_ =	shalt  }
0x7b: {  	_ =	shalt  }
0x7c: {  	_ =	shalt  }
0x7d: {  	_ =	shalt  }
0x7e: {  	_ =	shalt  }
0x7f: {  	_ =	shalt  }
0x80: {  	_ =	shalt  }
0x81: {  	_ =	shalt  }
0x82: {  	_ =	shalt  }
0x83: {  	_ =	shalt  }
0x84: {  	_ =	shalt  }
0x85: {  	_ =	shalt  }
0x86: {  	_ =	shalt  }
0x87: {  	_ =	shalt  }
.Lfunc_end0:
.L_simem_size_0:
called_computation_lowered:
.L_overlay_start_0:
0x88: {  	s2 =	sld [smem:$0x3FD9]  }
0x89: {  	s3 =	sld [smem:$0x3FFE];
	_ =	sdelay $0x1  }
0x8a: {  	s1 =	srdreg.scid  }
0x8b: {  	s0 =	sand.u32 $0x1, s1  }
0x8c: {  	s16 =	sshll.u32 s0, $0xA;
	s2 =	sadd.s32 s3, s2  }
0x8d: {  	s2 =	sadd.s32 s2, s16  }
0x8e: {  	[smem:$0x3FC1] =	sst s2  }
0x8f: {  	_ = 	snop  }
0x90: {  	(tm) =	ssettm $0x1  }
0x91: {  	s17 =	sld [smem:$0x3FFB];
	_ =	sdelay $0x3  }
0x92: {  	_ =	strace s17  }
0x93: {  	s2 =	sld [smem:$0x3FFC];
	_ =	sdelay $0x3  }
0x94: {  	_ =	strace s2  }
0x95: {  	s2 =	sld [smem:$0x3FFD];
	_ =	sdelay $0x3  }
0x96: {  	_ =	strace s2  }
0x97: {  	_ =	strace $0x8FFFFFFF  }
0x98: {  	s18 =	sld [smem:$0x3FDB];
	_ =	sdelay $0x1  }
0x99: {  	s19 =	simm.s32 $_scs_section_size  }
0x9a: {  	s4 =	simm.s32 $_size__tile_overlayer_lowered;
	s5 =	simm.s32 $_tile_overlayer_lowered  }
0x9b: {  	s22 =	simm.s32 $0x1BFF;
	s21 =	sshll.u32 s5, $0x1;
	s2 =	sadd.s32 s19, s18  }
0x9c: {  	s6 =	simm.s32 $0x0;
	s20 =	sshll.u32 s4, $0x1;
	s4 =	sadd.s32 s21, s2  }
0x9d: {  	[timem:s6], [sflag:s22] =	dma.local [hbm:s4], s20  }
0x9e: {  	_ =	swait.ge [sflag:s22], s20  }
0x9f: {  	s3 =	ssub.s32 $0x0, s20;
	[sflag:s22] =	ssyncset.done $0x0  }
0xa0: {  	[sflag:s22] =	ssyncadd.s32 s3;
	_ =	sdelay $0x1  }
0xa1: {  	s23 =	simm.s32 $0x1B8B  }
0xa2: {  	_ =	swait.ge [sflag:s23], $0x1  }
0xa3: {  	[sflag:s23] =	ssyncset.done $0x0  }
0xa4: {  	s25 =	simm.s32 $0x1B8E;
	s24 =	sld [smem:$0x3FFE];
	[sflag:s23] =	ssyncadd.s32 $0xFFFFFFFF  }
0xa5: {  	s26 =	simm.s32 $execute0_lowered;
	[smem:$0x3FD2] =	sst s25  }
0xa6: {  	s4 =	sshll.u32 s26, $0x1;
	_ =	strace $0x80000046;
	[dreg:$0x1] =	wrdreg $0xFFFFFFFF  }
0xa7: {  	s28 =	simm.s32 $_size_execute0_lowered;
	s2 =	sadd.s32 s2, s4;
	[dreg:$0x0] =	wrdreg $0x0  }
0xa8: {  	s4 =	sshll.u32 s28, $0x1;
	[dreg:$0x2] =	wrdreg s2  }
0xa9: {  	[dreg:$0x3] =	wrdreg s4  }
0xaa: {  	[dreg:$0x4] =	wrdreg $0xC0  }
0xab: {  	_ =	task [dreg:s6], $0x5FFFF  }
0xac: {  	[dreg:$0x1] =	wrdreg $0xFFFFFFFF  }
0xad: {  	[dreg:$0x0] =	wrdreg $0x60  }
0xae: {  	[dreg:$0x2] =	wrdreg s24  }
0xaf: {  	[dreg:$0x3] =	wrdreg $0xC0000  }
0xb0: {  	[dreg:$0x4] =	wrdreg $0x9  }
0xb1: {  	_ =	task.clear_ibuf [dreg:s6], $0x5FFFF;
	_ =	strace $0x90000046  }
0xb2: {  	s29 =	simm.s32 $0x9;
	_ =	strace $0x80000048  }
0xb3: {  	_ =	swait.ge [sflag:s29], $0x1  }
0xb4: {  	[sflag:s29] =	ssyncadd.s32 $0xFFFFFFFF  }
0xb5: {  	_ =	strace $0x90000048  }
0xb6: {  	_ =	sfence  }
0xb7: {  	s30 =	sld [smem:$0x0];
	_ =	sdelay $0x2  }
0xb8: {  	s31 =	sshll.u32 s1, $0xD;
	s1 =	sshrl.u32 s1, $0x2  }
0xb9: {  	s3 =	sand.u32 $0x4000, s31;
	s1 =	sadd.s32 s1, s30  }
0xba: {  	s0 =	sor.u32 s3, s0;
	s1 =	sshll.u32 s1, $0x11  }
0xbb: {  	s0 =	sor.u32 s1, s0  }
0xbc: {  	s0 =	sadd.s32 $0x8F2B, s0  }
0xbd: {  	[sflag:s0] =	ssyncadd.remote.s32 $0x1  }
0xbe: {  	_ =	sfence.sel $0xFFFF  }
0xbf: {  	[dreg:$0x0] =	wrdreg $0xFFFFFFFF;
	(pc) =	sbr.abs _section_cstart, $3  }
0xc0: {  	[dreg:$0x1] =	wrdreg $0xFFFFFFFF  }
0xc1: {  	_ =	task.clear_ibuf [dreg:s6], $0x2FFFF;
	_ =	strace $0x9FFFFFFF  }
0xc2: {  	(tm) =	ssettm $0x7FFFFFFF  }
0xc3: {  	_ =	shalt  }
tec
execute0_lowered:
.L_overlay_start_1:
0x0: {  	(tag) =	ssettag $0x1  }
0x1: {  	s0 =	rddreg [dreg:$0x0];
	s1 =	srdreg.scid  }
0x2: {  	s17 =	stileid.u32;
	s2 =	rddreg [dreg:$0x1];
	s6 =	simm.s32 $0x0  }
0x3: {  	s19 =	simm.s32 $0x3;
	s20 =	simm.s32 $0x6000;
	s22 =	simm.s32 $0x60  }
0x4: {  	s21 =	stileid.u32;
	s23 =	simm.s32 $0x1;
	s28 =	simm.s32 $0x2  }
0x5: {  	s29 =	simm.s32 $0x2760;
	s30 =	simm.s32 $0x5C00;
	s25 =	smul.u32 $0x4F000, s17  }
0x6: {  	s31 =	simm.s32 $0x5C80;
	s1 =	sand.u32 $0x1, s1;
	s14 =	smul.u32 $0x13800, s17  }
0x7: {  	s3 =	sshll.u32 s17, $0x1;
	s4 =	sshrl.u32 s17, $0x2;
	s15 =	smul.u32 $0x4E000, s17  }
0x8: {  	[smem:$0x7FF] =	sst s6;
	p0 =	seq.s32 s17, $0xF;
	s4 =	smul.u32 $0x14000, s4  }
0x9: {  	s3 =	sor.u32 s1, s3;
	s7 =	ssub.s32 $0x2, s1;
	s1 =	smul.u32 $0x138800, s1  }
0xa: {  	_ =	strace $0x80000047;
	s5 =	sshll.u32 s3, $0x7;
	s3 =	smul.u32 $0x700, s3  }
0xb: {  	s8 =	sshrl.u32 s7, $0x1;
	s6 =	sshrl.u32 s25, $0x2;
	s15 =	sshrl.u32 s15, $0x2  }
0xc: {  	s5 =	sand.u32 $0x380, s5;
	s16 =	ssub.s32 s7, s8;
	s6 =	sadd.s32 s6, s2  }
0xd: {  	s26 =	sadd.s32 s14, s1;
	s1 =	sshrl.u32 s1, $0x3;
	s5 =	sor.u32 s4, s5  }
0xe: {  	s4 =	sadd.s32 $0x1B600, s0;
	s3 =	sadd.s32 s3, s0;
	s7 =	sadd.s32 $0x3000, s6  }
0xf: {  	s8 =	sadd.s32 $0x6000, s6;
	s9 =	sadd.s32 $0x9000, s6;
	s10 =	sadd.s32 $0xC000, s6  }
0x10: {  	s11 =	sadd.s32 $0xF000, s6;
	s12 =	sadd.s32 $0x12000, s6;
	s16 =	smax.u32 s16, $0x1  }
0x11: {  	s5 =	sshrl.u32 s5, $0x3;
	s13 =	sadd.s32 $0x3600, s3;
	s3 =	sshrl.u32 s26, $0x3  }
0x12: {  	s26 =	simm.s32 $0x9000;
	s5 =	sadd.s32 s5, s0;
	s0 =	sadd.s32 $0x42800, s0  }
0x13: {  	s5 =	sadd.s32 $0x11600, s5;
	s1 =	sadd.s32 s0, s1;
	s14 =	sadd.s32 s0, s3  }
0x14: {  	s0 =	sadd.s32 s15, s2;
	s15 =	sadd.s32 $0x24900, s1;
	s1 =	sadd.s32 $0x124800, s2  }
0x15: {  	v0 =	vimm.f32 $0.0e+00;
	s25 =	sshrl.u32 @!p0 s0, $0x3;
	s24 =	sshrl.u32 @p0 s1, $0x3;
	s1 =	simm.s32 $0x0  }
.LBB2_1:
0x16: {  	s0 =	simm.s32 $0x0;
	s3 =	simm.s32 $0x80;
	s17 =	simm.s32 $0x400  }
0x17: {  	[tilespmem:s0], [sflag:$0x3] =	stream.strided.gather [hbm4b:s5+s3], $0x2800, s17, s3, $0x38;
	[tilespmem:$0x1FC00] =	vst v63  }
0x18: {  	_ =	swait.ge [sflag:s19], $0x2800  }
0x19: {  	[sflag:s19] =	ssyncset.done $0x0  }
0x1a: {  	s0 =	simm.s32 $0x70;
	s3 =	simm.s32 $0x3C0;
	[sflag:s19] =	ssyncadd.s32 $0xFFFFD800  }
.LBB2_2:
0x1b: {  	p1 =	sne.s32 s3, $0xBFC0;
	[tilespmem:s0+$0x6000] =	vst v0  }
0x1c: {  	[tilespmem:s0+$0x5F90] =	vst v0  }
0x1d: {  	[tilespmem:s0+$0x5FA0] =	vst v0  }
.Ltmp0:
0x1e: {  	[tilespmem:s0+$0x5FB0] =	vst v0;
	(pc) =	sbr.rel @p1 .LBB2_2-.Ltmp0, $4  }
0x1f: {  	[tilespmem:s0+$0x5FC0] =	vst v0  }
0x20: {  	[tilespmem:s0+$0x5FD0] =	vst v0  }
0x21: {  	[tilespmem:s0+$0x5FE0] =	vst v0  }
0x22: {  	[tilespmem:s0+$0x5FF0] =	vst v0;
	s0 =	sshra.s32 s3, $0x2;
	s3 =	sadd.s32 $0x200, s3  }
0x23: {  	[tilespmem:s0+$0x6000] =	vst v0  }
0x24: {  	[tilespmem:s0+$0x5F90] =	vst v0  }
0x25: {  	[tilespmem:s0+$0x5FA0] =	vst v0  }
0x26: {  	[tilespmem:s0+$0x5FB0] =	vst v0  }
0x27: {  	[tilespmem:s0+$0x5FC0] =	vst v0  }
0x28: {  	[tilespmem:s0+$0x5FD0] =	vst v0  }
0x29: {  	[tilespmem:s0+$0x5FE0] =	vst v0  }
0x2a: {  	[tilespmem:s0+$0x5FF0] =	vst v0  }
0x2b: {  	[spmem:s6] =	stream.linear.scatter [tilespmem:s20], [sflag:$0x3], $0x3000, $0x38;
	[tilespmem:$0x1FC00] =	vst v63  }
0x2c: {  	_ =	swait.ge [sflag:s19], $0x3000  }
0x2d: {  	[sflag:s19] =	ssyncset.done $0x0  }
0x2e: {  	[sflag:s19] =	ssyncadd.s32 $0xFFFFD000  }
0x2f: {  	[spmem:s7] =	stream.linear.scatter [tilespmem:s20], [sflag:$0x3], $0x3000, $0x38;
	[tilespmem:$0x1FC00] =	vst v63  }
0x30: {  	_ =	swait.ge [sflag:s19], $0x3000  }
0x31: {  	[sflag:s19] =	ssyncset.done $0x0  }
0x32: {  	[sflag:s19] =	ssyncadd.s32 $0xFFFFD000  }
0x33: {  	[spmem:s8] =	stream.linear.scatter [tilespmem:s20], [sflag:$0x3], $0x3000, $0x38;
	[tilespmem:$0x1FC00] =	vst v63  }
0x34: {  	_ =	swait.ge [sflag:s19], $0x3000  }
0x35: {  	[sflag:s19] =	ssyncset.done $0x0  }
0x36: {  	[sflag:s19] =	ssyncadd.s32 $0xFFFFD000  }
0x37: {  	[spmem:s9] =	stream.linear.scatter [tilespmem:s20], [sflag:$0x3], $0x3000, $0x38;
	[tilespmem:$0x1FC00] =	vst v63  }
0x38: {  	_ =	swait.ge [sflag:s19], $0x3000  }
0x39: {  	[sflag:s19] =	ssyncset.done $0x0  }
0x3a: {  	[sflag:s19] =	ssyncadd.s32 $0xFFFFD000  }
0x3b: {  	[spmem:s10] =	stream.linear.scatter [tilespmem:s20], [sflag:$0x3], $0x3000, $0x38;
	[tilespmem:$0x1FC00] =	vst v63  }
0x3c: {  	_ =	swait.ge [sflag:s19], $0x3000  }
0x3d: {  	[sflag:s19] =	ssyncset.done $0x0  }
0x3e: {  	[sflag:s19] =	ssyncadd.s32 $0xFFFFD000  }
0x3f: {  	[spmem:s11] =	stream.linear.scatter [tilespmem:s20], [sflag:$0x3], $0x3000, $0x38;
	[tilespmem:$0x1FC00] =	vst v63  }
0x40: {  	_ =	swait.ge [sflag:s19], $0x3000  }
0x41: {  	[sflag:s19] =	ssyncset.done $0x0  }
0x42: {  	[sflag:s19] =	ssyncadd.s32 $0xFFFFD000  }
0x43: {  	[spmem:s12] =	stream.linear.scatter [tilespmem:s20], [sflag:$0x3], $0x1C00, $0x38;
	[tilespmem:$0x1FC00] =	vst v63  }
0x44: {  	_ =	swait.ge [sflag:s19], $0x1C00  }
0x45: {  	[sflag:s19] =	ssyncset.done $0x0  }
0x46: {  	[sflag:s19] =	ssyncadd.s32 $0xFFFFE400  }
0x47: {  	s18 =	simm.s32 $0x0;
	s3 =	simm.s32 $0x2800;
	[bflag:$0x0] =	sbarrier.arrive $0xFFFF  }
0x48: {  	[tilespmem:s3], [sflag:$0x3] =	stream.linear.gather [hbm4b:s13+s18], $0x3500, $0x38;
	[tilespmem:$0x1FC00] =	vst v63  }
0x49: {  	_ =	swait.ge [sflag:s19], $0x3500  }
0x4a: {  	[sflag:s19] =	ssyncset.done $0x0  }
0x4b: {  	[sflag:s19] =	ssyncadd.s32 $0xFFFFCB00  }
0x4c: {  	[tilespmem:s20], [sflag:$0x1] =	stream.indirect.gather [hbm4b:s4+s22], $0x80, s18, s22, $0xb8;
	[tilespmem:$0x1FC00] =	vst v63  }
0x4d: {  	_ =	swait.ge [sflag:s23], $0x3000  }
0x4e: {  	[sflag:s23] =	ssyncset.done $0x0  }
0x4f: {  	s3 =	simm.s32 $0x60;
	[sflag:s23] =	ssyncadd.s32 $0xFFFFD000  }
0x50: {  	[tilespmem:s26], [sflag:$0x2] =	stream.indirect.gather [hbm4b:s4+s22], $0x80, s3, s22, $0xb8;
	[tilespmem:$0x1FC00] =	vst v63  }
0x51: {  	s17 =	simm.s32 $0x2800  }
0x52: {  	[spmem:s2] =	stream.indirect.scatter.add.f32 [tilespmem:s20], [sflag:$0x3], $0x80, s17, s22, $0xb8;
	[tilespmem:$0x1FC00] =	vst v63  }
0x53: {  	_ =	swait.ge [sflag:s19], $0x3000  }
0x54: {  	[sflag:s19] =	ssyncset.done $0x0  }
0x55: {  	[sflag:s19] =	ssyncadd.s32 $0xFFFFD000  }
0x56: {  	_ =	swait.ge [sflag:s28], $0x3000  }
0x57: {  	[sflag:s28] =	ssyncset.done $0x0  }
0x58: {  	s3 =	simm.s32 $0xC0;
	[sflag:s28] =	ssyncadd.s32 $0xFFFFD000  }
0x59: {  	[tilespmem:s20], [sflag:$0x1] =	stream.indirect.gather [hbm4b:s4+s22], $0x80, s3, s22, $0xb8;
	[tilespmem:$0x1FC00] =	vst v63  }
0x5a: {  	s18 =	simm.s32 $0x2880  }
0x5b: {  	[spmem:s2] =	stream.indirect.scatter.add.f32 [tilespmem:s26], [sflag:$0x3], $0x80, s18, s22, $0xb8;
	[tilespmem:$0x1FC00] =	vst v63  }
0x5c: {  	_ =	swait.ge [sflag:s19], $0x3000  }
0x5d: {  	s0 =	simm.s32 $0x400;
	[sflag:s19] =	ssyncset.done $0x0  }
.LBB2_4:
0x5e: {  	p1 =	sne.s32 s0, $0xCC00;
	[sflag:s19] =	ssyncadd.s32 $0xFFFFD000;
	s3 =	sadd.s32 $0xC0, s3  }
0x5f: {  	s17 =	smov.u32 s0;
	s0 =	sadd.s32 $0x400, s0  }
0x60: {  	_ =	swait.ge [sflag:s23], $0x3000  }
0x61: {  	[sflag:s23] =	ssyncset.done $0x0  }
0x62: {  	s18 =	sadd.s32 $0xFFFFFFA0, s3;
	s17 =	sshra.s32 s17, $0x2;
	[sflag:s23] =	ssyncadd.s32 $0xFFFFD000  }
0x63: {  	[tilespmem:s26], [sflag:$0x2] =	stream.indirect.gather [hbm4b:s4+s22], $0x80, s18, s22, $0xb8;
	[tilespmem:$0x1FC00] =	vst v63  }
0x64: {  	s18 =	sadd.s32 $0x2800, s17  }
0x65: {  	[spmem:s2] =	stream.indirect.scatter.add.f32 [tilespmem:s20], [sflag:$0x3], $0x80, s18, s22, $0xb8;
	[tilespmem:$0x1FC00] =	vst v63  }
0x66: {  	_ =	swait.ge [sflag:s19], $0x3000  }
0x67: {  	[sflag:s19] =	ssyncset.done $0x0  }
0x68: {  	[sflag:s19] =	ssyncadd.s32 $0xFFFFD000  }
0x69: {  	_ =	swait.ge [sflag:s28], $0x3000  }
0x6a: {  	[sflag:s28] =	ssyncset.done $0x0  }
0x6b: {  	[sflag:s28] =	ssyncadd.s32 $0xFFFFD000  }
0x6c: {  	[tilespmem:s20], [sflag:$0x1] =	stream.indirect.gather [hbm4b:s4+s22], $0x80, s3, s22, $0xb8;
	[tilespmem:$0x1FC00] =	vst v63  }
.Ltmp1:
0x6d: {  	_ = 	snop;
	(pc) =	sbr.rel @p1 .LBB2_4-.Ltmp1, $4  }
0x6e: {  	s17 =	sadd.s32 $0x2880, s17  }
0x6f: {  	[spmem:s2] =	stream.indirect.scatter.add.f32 [tilespmem:s26], [sflag:$0x3], $0x80, s17, s22, $0xb8;
	[tilespmem:$0x1FC00] =	vst v63  }
0x70: {  	_ =	swait.ge [sflag:s19], $0x3000  }
0x71: {  	[sflag:s19] =	ssyncset.done $0x0  }
0x72: {  	[sflag:s19] =	ssyncadd.s32 $0xFFFFD000  }
0x73: {  	_ =	swait.ge [sflag:s23], $0x3000  }
0x74: {  	[sflag:s23] =	ssyncset.done $0x0  }
0x75: {  	[sflag:s23] =	ssyncadd.s32 $0xFFFFD000  }
0x76: {  	[tilespmem:s26], [sflag:$0x2] =	stream.indirect.gather [hbm4b:s4+s22], $0x80, s29, s22, $0xb8;
	[tilespmem:$0x1FC00] =	vst v63  }
0x77: {  	_ = 	snop  }
0x78: {  	[spmem:s2] =	stream.indirect.scatter.add.f32 [tilespmem:s20], [sflag:$0x3], $0x80, s30, s22, $0xb8;
	[tilespmem:$0x1FC00] =	vst v63  }
0x79: {  	_ =	swait.ge [sflag:s19], $0x3000  }
0x7a: {  	[sflag:s19] =	ssyncset.done $0x0  }
0x7b: {  	[sflag:s19] =	ssyncadd.s32 $0xFFFFD000  }
0x7c: {  	_ =	swait.ge [sflag:s28], $0x3000  }
0x7d: {  	[sflag:s28] =	ssyncset.done $0x0  }
0x7e: {  	[sflag:s28] =	ssyncadd.s32 $0xFFFFD000  }
0x7f: {  	[spmem:s2] =	stream.indirect.scatter.add.f32 [tilespmem:s26], [sflag:$0x3], $0x80, s31, s22, $0xb8;
	[tilespmem:$0x1FC00] =	vst v63  }
0x80: {  	_ =	swait.ge [sflag:s19], $0x3000  }
0x81: {  	[sflag:s19] =	ssyncset.done $0x0  }
0x82: {  	[sflag:s19] =	ssyncadd.s32 $0xFFFFD000  }
0x83: {  	[bflag:$0x0] =	sbarrier.arrive $0xFFFF  }
0x84: {  	s0 =	simm.s32 @p0 $0x1FC3;
	[bflag:$0x0] =	sbarrier.arrive $0xFFFF  }
0x85: {  	[hbm:s15], [sflag:s0] =	dma.local @p0 [spmem:s24], $0x2800  }
0x86: {  	s0 =	simm.s32 @p0 $0x3  }
0x87: {  	_ =	swait.ge @p0 [sflag:s0], $0x2800  }
0x88: {  	s3 =	sshll.u32 @!p0 s21, $0x6;
	s1 =	sadd.s32 $0x1, s1;
	[sflag:s0] =	ssyncset.done @p0 $0x0  }
0x89: {  	p1 =	sne.s32 s1, s16;
	[sflag:s0] =	ssyncadd.s32 @p0 $0xFFFFD800;
	s0 =	sor.u32 @!p0 $0x1C03, s3  }
0x8a: {  	[hbm:s14], [sflag:s0] =	dma.local @!p0 [spmem:s25], $0x2700  }
.Ltmp2:
0x8b: {  	_ = 	snop;
	(pc) =	sbr.rel @p1 .LBB2_1-.Ltmp2, $4  }
0x8c: {  	s0 =	simm.s32 @!p0 $0x3  }
0x8d: {  	_ =	swait.ge @!p0 [sflag:s0], $0x2700  }
0x8e: {  	[sflag:s0] =	ssyncset.done @!p0 $0x0  }
0x8f: {  	[sflag:s0] =	ssyncadd.s32 @!p0 $0xFFFFD900  }
0x90: {  	_ =	sfence.sel $0x180000  }
0x91: {  	[bflag:$0x0] =	sbarrier.arrive $0xFFFF  }
0x92: {  	_ =	strace $0x90000047  }
0x93: {  	[bflag:$0x2] =	sbarrier.arrive $0xFFFF  }
0x94: {  	p0 =	sne.s32 s21, $0x0;
	s0 =	rddreg [dreg:$0x2]  }
0x95: {  	s0 =	sadd.s32 @!p0 $0x100000, s0  }
0x96: {  	[sflag:s0] =	ssyncadd.tile.s32 @!p0 $0x1;
	_ =	shalt  }
.Lfunc_end2:
_tile_overlayer_lowered:
.L_overlay_start_2:
0x97: {  	(tag) =	ssettag $0x2  }
0x98: {  	s0 =	rddreg [dreg:$0x0];
	s2 =	stileid.u32  }
0x99: {  	s1 =	rddreg [dreg:$0x1];
	p0 =	sne.s32 s2, $0x0  }
0x9a: {  	s3 =	rddreg [dreg:$0x2];
	[bflag:$0x3] =	sbarrier.arrive $0xFFFF;
	s2 =	simm.s32 @!p0 $0x1C03  }
0x9b: {  	[timem:s3], [sflag:s2] =	dma.local @!p0 [hbm:s0], s1  }
0x9c: {  	s0 =	simm.s32 @!p0 $0x3  }
0x9d: {  	_ =	swait.ge @!p0 [sflag:s0], s1  }
0x9e: {  	s1 =	ssub.s32 @!p0 $0x0, s1;
	[sflag:s0] =	ssyncset.done @!p0 $0x0  }
0x9f: {  	[sflag:s0] =	ssyncadd.s32 @!p0 s1  }
0xa0: {  	[bflag:$0x3] =	sbarrier.arrive $0xFFFF  }
0xa1: {  	_ =	shalt  }

// kernel: kernel.15.cloned.1.call-start
scs
__scs_entry_jumppad:
0x0: {  	(pc) =	sbr.rel $0x88, $3  }
0x1: {  	(tag) =	ssettag $0x0;
	lr =	simm.s32 $0x1  }
0x2: {  	[smem:$0x3F9A] =	sst lr;
	_ =	strace $0xD0000000  }
0x3: {  	_ = 	snop  }
0x4: {  	_ = 	snop  }
0x5: {  	_ = 	snop  }
0x6: {  	_ = 	snop  }
0x7: {  	_ = 	snop  }
__scs_overlays_trampoline_lowered:
0x8: {  	[smem:$0x3FA9] =	sst s0  }
0x9: {  	[smem:$0x3FAA] =	sst s1  }
0xa: {  	[smem:$0x3FAB] =	sst s2  }
0xb: {  	[smem:$0x3FAC] =	sst s3  }
0xc: {  	[smem:$0x3FAD] =	sst s4  }
0xd: {  	[smem:$0x3FAE] =	sst s5  }
0xe: {  	[smem:$0x3FAF] =	sst s6  }
0xf: {  	[smem:$0x3FB0] =	sst s7  }
0x10: {  	[smem:$0x3FB1] =	sst s8  }
0x11: {  	[smem:$0x3FB2] =	sst s9;
	s0 =	simm.s32 @!p0 $0x0  }
0x12: {  	s1 =	sld [smem:$0x3F98];
	s0 =	simm.s32 @p0 $0x1  }
0x13: {  	[smem:$0x3FB3] =	sst s0;
	s0 =	simm.s32 @!p1 $0x0  }
0x14: {  	s2 =	sld [smem:$0x3F97];
	s0 =	simm.s32 @p1 $0x1  }
0x15: {  	[smem:$0x3FB4] =	sst s0;
	s0 =	simm.s32 @!p2 $0x0  }
0x16: {  	s3 =	sld [smem:$0x3FDB];
	s0 =	simm.s32 @p2 $0x1  }
0x17: {  	s4 =	simm.s32 $0x1BF5;
	[smem:$0x3FB6] =	sst s0  }
0x18: {  	s0 =	sld [smem:$0x3F99];
	_ =	swait.ge [sflag:s4], $0x0  }
0x19: {  	s7 =	sld [smem:$0x3F9A]  }
0x1a: {  	s8 =	sadd.s32 $0xFFFFE003, lr  }
0x1b: {  	s9 =	sadd.s32 $0xFFFFFEF7, lr;
	s5 =	simm.s32 $0xFFFFFFFF;
	p2 =	slt.u32 s8, $0xFFFFF086  }
0x1c: {  	p1 =	slt.u32 s9, $0xF7A;
	s5 =	simm.s32 @!p2 $0x0  }
0x1d: {  	s5 =	simm.s32 @p1 $0x1;
	p0 =	seq.s32 s7, s2  }
0x1e: {  	s7 =	smul.u32 @!p0 $0xF7A, s2;
	p2 =	seq.s32 @!p0 s5, $0x0  }
0x1f: {  	s9 =	smul.u32 $0xF7A, s1;
	s8 =	simm.s32 @!p0 $0x1BF5;
	p2 =	por !p2, p0  }
0x20: {  	[sflag:s8] =	ssyncset.s32 @!p0 $0xFFFFF086;
	s6 =	sadd.s32 @!p0 s3, s7;
	s7 =	simm.s32 @!p0 $0x108  }
0x21: {  	s3 =	sadd.s32 s3, s9;
	s6 =	sadd.s32 @!p0 $0x88, s6;
	s7 =	simm.s32 @p2 $0x1082  }
0x22: {  	[simem:s7], [sflag:s8] =	dma.local @!p0 [hbm:s6], $0xF7A  }
0x23: {  	s9 =	sor.u32 $0xD0000000, s2;
	s6 =	simm.s32 $0x108;
	_ =	swait.ge @!p0 [sflag:s8], $0x0  }
0x24: {  	s3 =	sadd.s32 $0x88, s3;
	s6 =	simm.s32 @!p1 $0x1082;
	[sflag:s4] =	ssyncset.s32 $0xFFFFF086  }
0x25: {  	[simem:s6], [sflag:s4] =	dma.local [hbm:s3], $0xF7A  }
0x26: {  	[smem:$0x3F9A] =	sst s1;
	(tag) =	ssettag s2;
	_ =	strace s9  }
0x27: {  	s1 =	sld [smem:$0x3FAA]  }
0x28: {  	s2 =	sld [smem:$0x3FAB]  }
0x29: {  	s4 =	sld [smem:$0x3FAD]  }
0x2a: {  	p0 =	seq.s32 s5, $0x0;
	s5 =	sld [smem:$0x3FAE]  }
0x2b: {  	s6 =	sld [smem:$0x3FAF]  }
0x2c: {  	s7 =	sld [smem:$0x3FB0]  }
0x2d: {  	s3 =	simm.s32 $0x108;
	s8 =	sld [smem:$0x3FB1]  }
0x2e: {  	s3 =	simm.s32 @!p0 $0x1082;
	s9 =	sld [smem:$0x3FB2]  }
0x2f: {  	lr =	sadd.s32 s0, s3;
	s0 =	sld [smem:$0x3FA9]  }
0x30: {  	s3 =	sld [smem:$0x3FAC]  }
0x31: {  	[smem:$0x3FB5] =	sst s10  }
0x32: {  	s10 =	sld [smem:$0x3FB3];
	_ =	sdelay $0x3  }
0x33: {  	p0 =	seq.s32 s10, $0x1;
	s10 =	sld [smem:$0x3FB5];
	_ =	sdelay $0x3  }
0x34: {  	[smem:$0x3FB5] =	sst s10  }
0x35: {  	s10 =	sld [smem:$0x3FB4];
	_ =	sdelay $0x3  }
0x36: {  	p1 =	seq.s32 s10, $0x1;
	s10 =	sld [smem:$0x3FB5];
	_ =	sdelay $0x3  }
0x37: {  	[smem:$0x3FB5] =	sst s10  }
0x38: {  	s10 =	sld [smem:$0x3FB6]  }
0x39: {  	_ = 	snop;
	(pc) =	sbr.ind lr, $3  }
0x3a: {  	_ = 	snop  }
0x3b: {  	_ = 	snop  }
0x3c: {  	p2 =	seq.s32 s10, $0x1;
	s10 =	sld [smem:$0x3FB5]  }
0x3d: {  	_ =	shalt  }
0x3e: {  	_ =	shalt  }
0x3f: {  	_ =	shalt  }
0x40: {  	_ =	shalt  }
0x41: {  	_ =	shalt  }
0x42: {  	_ =	shalt  }
0x43: {  	_ =	shalt  }
0x44: {  	_ =	shalt  }
0x45: {  	_ =	shalt  }
0x46: {  	_ =	shalt  }
0x47: {  	_ =	shalt  }
0x48: {  	_ =	shalt  }
0x49: {  	_ =	shalt  }
0x4a: {  	_ =	shalt  }
0x4b: {  	_ =	shalt  }
0x4c: {  	_ =	shalt  }
0x4d: {  	_ =	shalt  }
0x4e: {  	_ =	shalt  }
0x4f: {  	_ =	shalt  }
0x50: {  	_ =	shalt  }
0x51: {  	_ =	shalt  }
0x52: {  	_ =	shalt  }
0x53: {  	_ =	shalt  }
0x54: {  	_ =	shalt  }
0x55: {  	_ =	shalt  }
0x56: {  	_ =	shalt  }
0x57: {  	_ =	shalt  }
0x58: {  	_ =	shalt  }
0x59: {  	_ =	shalt  }
0x5a: {  	_ =	shalt  }
0x5b: {  	_ =	shalt  }
0x5c: {  	_ =	shalt  }
0x5d: {  	_ =	shalt  }
0x5e: {  	_ =	shalt  }
0x5f: {  	_ =	shalt  }
0x60: {  	_ =	shalt  }
0x61: {  	_ =	shalt  }
0x62: {  	_ =	shalt  }
0x63: {  	_ =	shalt  }
0x64: {  	_ =	shalt  }
0x65: {  	_ =	shalt  }
0x66: {  	_ =	shalt  }
0x67: {  	_ =	shalt  }
0x68: {  	_ =	shalt  }
0x69: {  	_ =	shalt  }
0x6a: {  	_ =	shalt  }
0x6b: {  	_ =	shalt  }
0x6c: {  	_ =	shalt  }
0x6d: {  	_ =	shalt  }
0x6e: {  	_ =	shalt  }
0x6f: {  	_ =	shalt  }
0x70: {  	_ =	shalt  }
0x71: {  	_ =	shalt  }
0x72: {  	_ =	shalt  }
0x73: {  	_ =	shalt  }
0x74: {  	_ =	shalt  }
0x75: {  	_ =	shalt  }
0x76: {  	_ =	shalt  }
0x77: {  	_ =	shalt  }
0x78: {  	_ =	shalt  }
0x79: {  	_ =	shalt  }
0x7a: {  	_ =	shalt  }
0x7b: {  	_ =	shalt  }
0x7c: {  	_ =	shalt  }
0x7d: {  	_ =	shalt  }
0x7e: {  	_ =	shalt  }
0x7f: {  	_ =	shalt  }
0x80: {  	_ =	shalt  }
0x81: {  	_ =	shalt  }
0x82: {  	_ =	shalt  }
0x83: {  	_ =	shalt  }
0x84: {  	_ =	shalt  }
0x85: {  	_ =	shalt  }
0x86: {  	_ =	shalt  }
0x87: {  	_ =	shalt  }
.Lfunc_end0:
.L_simem_size_0:
called_computation.1_lowered:
.L_overlay_start_0:
0x88: {  	s2 =	sld [smem:$0x3FD9]  }
0x89: {  	s3 =	sld [smem:$0x3FFE];
	_ =	sdelay $0x1  }
0x8a: {  	s1 =	srdreg.scid  }
0x8b: {  	s0 =	sand.u32 $0x1, s1  }
0x8c: {  	s16 =	sshll.u32 s0, $0xA;
	s2 =	sadd.s32 s3, s2  }
0x8d: {  	s2 =	sadd.s32 s2, s16  }
0x8e: {  	[smem:$0x3FC1] =	sst s2  }
0x8f: {  	_ = 	snop  }
0x90: {  	(tm) =	ssettm $0x1  }
0x91: {  	s17 =	sld [smem:$0x3FFB];
	_ =	sdelay $0x3  }
0x92: {  	_ =	strace s17  }
0x93: {  	s2 =	sld [smem:$0x3FFC];
	_ =	sdelay $0x3  }
0x94: {  	_ =	strace s2  }
0x95: {  	s2 =	sld [smem:$0x3FFD];
	_ =	sdelay $0x3  }
0x96: {  	_ =	strace s2  }
0x97: {  	_ =	strace $0x8FFFFFFF  }
0x98: {  	s18 =	sld [smem:$0x3FDB];
	_ =	sdelay $0x1  }
0x99: {  	s19 =	simm.s32 $_scs_section_size  }
0x9a: {  	s4 =	simm.s32 $_size__tile_overlayer_lowered;
	s5 =	simm.s32 $_tile_overlayer_lowered  }
0x9b: {  	s22 =	simm.s32 $0x1BFF;
	s21 =	sshll.u32 s5, $0x1;
	s2 =	sadd.s32 s19, s18  }
0x9c: {  	s6 =	simm.s32 $0x0;
	s20 =	sshll.u32 s4, $0x1;
	s4 =	sadd.s32 s21, s2  }
0x9d: {  	[timem:s6], [sflag:s22] =	dma.local [hbm:s4], s20  }
0x9e: {  	_ =	swait.ge [sflag:s22], s20  }
0x9f: {  	s3 =	ssub.s32 $0x0, s20;
	[sflag:s22] =	ssyncset.done $0x0  }
0xa0: {  	[sflag:s22] =	ssyncadd.s32 s3;
	_ =	sdelay $0x1  }
0xa1: {  	s23 =	simm.s32 $0x1B8B  }
0xa2: {  	_ =	swait.ge [sflag:s23], $0x1  }
0xa3: {  	[sflag:s23] =	ssyncset.done $0x0  }
0xa4: {  	s25 =	simm.s32 $0x1B8E;
	s24 =	sld [smem:$0x3FFE];
	[sflag:s23] =	ssyncadd.s32 $0xFFFFFFFF  }
0xa5: {  	s26 =	simm.s32 $execute0_lowered;
	[smem:$0x3FD2] =	sst s25  }
0xa6: {  	s4 =	sshll.u32 s26, $0x1;
	_ =	strace $0x80000049;
	[dreg:$0x1] =	wrdreg $0xFFFFFFFF  }
0xa7: {  	s28 =	simm.s32 $_size_execute0_lowered;
	s2 =	sadd.s32 s2, s4;
	[dreg:$0x0] =	wrdreg $0x0  }
0xa8: {  	s4 =	sshll.u32 s28, $0x1;
	[dreg:$0x2] =	wrdreg s2  }
0xa9: {  	[dreg:$0x3] =	wrdreg s4  }
0xaa: {  	[dreg:$0x4] =	wrdreg $0xC0  }
0xab: {  	_ =	task [dreg:s6], $0x5FFFF  }
0xac: {  	[dreg:$0x1] =	wrdreg $0xFFFFFFFF  }
0xad: {  	[dreg:$0x0] =	wrdreg $0x60  }
0xae: {  	[dreg:$0x2] =	wrdreg s24  }
0xaf: {  	[dreg:$0x3] =	wrdreg $0xC0000  }
0xb0: {  	[dreg:$0x4] =	wrdreg $0x9  }
0xb1: {  	_ =	task.clear_ibuf [dreg:s6], $0x5FFFF;
	_ =	strace $0x90000049  }
0xb2: {  	s29 =	simm.s32 $0x9;
	_ =	strace $0x8000004B  }
0xb3: {  	_ =	swait.ge [sflag:s29], $0x1  }
0xb4: {  	[sflag:s29] =	ssyncadd.s32 $0xFFFFFFFF  }
0xb5: {  	_ =	strace $0x9000004B  }
0xb6: {  	_ =	sfence  }
0xb7: {  	s30 =	sld [smem:$0x0];
	_ =	sdelay $0x2  }
0xb8: {  	s31 =	sshll.u32 s1, $0xD;
	s1 =	sshrl.u32 s1, $0x2  }
0xb9: {  	s3 =	sand.u32 $0x4000, s31;
	s1 =	sadd.s32 s1, s30  }
0xba: {  	s0 =	sor.u32 s3, s0;
	s1 =	sshll.u32 s1, $0x11  }
0xbb: {  	s0 =	sor.u32 s1, s0  }
0xbc: {  	s0 =	sadd.s32 $0x8F2B, s0  }
0xbd: {  	[sflag:s0] =	ssyncadd.remote.s32 $0x1  }
0xbe: {  	_ =	sfence.sel $0xFFFF  }
0xbf: {  	[dreg:$0x0] =	wrdreg $0xFFFFFFFF;
	(pc) =	sbr.abs _section_cstart, $3  }
0xc0: {  	[dreg:$0x1] =	wrdreg $0xFFFFFFFF  }
0xc1: {  	_ =	task.clear_ibuf [dreg:s6], $0x2FFFF;
	_ =	strace $0x9FFFFFFF  }
0xc2: {  	(tm) =	ssettm $0x7FFFFFFF  }
0xc3: {  	_ =	shalt  }
tec
execute0_lowered:
.L_overlay_start_1:
0x0: {  	(tag) =	ssettag $0x1  }
0x1: {  	s0 =	rddreg [dreg:$0x0];
	s1 =	srdreg.scid  }
0x2: {  	s17 =	stileid.u32;
	s2 =	rddreg [dreg:$0x1];
	s6 =	simm.s32 $0x0  }
0x3: {  	s19 =	simm.s32 $0x3;
	s20 =	simm.s32 $0x6000;
	s22 =	simm.s32 $0x60  }
0x4: {  	s21 =	stileid.u32;
	s23 =	simm.s32 $0x1;
	s28 =	simm.s32 $0x2  }
0x5: {  	s29 =	simm.s32 $0x2760;
	s30 =	simm.s32 $0x5C00;
	s25 =	smul.u32 $0x4F000, s17  }
0x6: {  	s31 =	simm.s32 $0x5C80;
	s1 =	sand.u32 $0x1, s1;
	s14 =	smul.u32 $0x13800, s17  }
0x7: {  	s3 =	sshll.u32 s17, $0x1;
	s4 =	sshrl.u32 s17, $0x2;
	s15 =	smul.u32 $0x4E000, s17  }
0x8: {  	[smem:$0x7FF] =	sst s6;
	p0 =	seq.s32 s17, $0xF;
	s4 =	smul.u32 $0x14000, s4  }
0x9: {  	s3 =	sor.u32 s1, s3;
	s7 =	ssub.s32 $0x2, s1;
	s1 =	smul.u32 $0x138800, s1  }
0xa: {  	_ =	strace $0x8000004A;
	s5 =	sshll.u32 s3, $0x7;
	s3 =	smul.u32 $0x700, s3  }
0xb: {  	s8 =	sshrl.u32 s7, $0x1;
	s6 =	sshrl.u32 s25, $0x2;
	s15 =	sshrl.u32 s15, $0x2  }
0xc: {  	s5 =	sand.u32 $0x380, s5;
	s16 =	ssub.s32 s7, s8;
	s6 =	sadd.s32 s6, s2  }
0xd: {  	s26 =	sadd.s32 s14, s1;
	s1 =	sshrl.u32 s1, $0x3;
	s5 =	sor.u32 s4, s5  }
0xe: {  	s4 =	sadd.s32 $0x1B600, s0;
	s3 =	sadd.s32 s3, s0;
	s7 =	sadd.s32 $0x3000, s6  }
0xf: {  	s8 =	sadd.s32 $0x6000, s6;
	s9 =	sadd.s32 $0x9000, s6;
	s10 =	sadd.s32 $0xC000, s6  }
0x10: {  	s11 =	sadd.s32 $0xF000, s6;
	s12 =	sadd.s32 $0x12000, s6;
	s16 =	smax.u32 s16, $0x1  }
0x11: {  	s5 =	sshrl.u32 s5, $0x3;
	s13 =	sadd.s32 $0x3600, s3;
	s3 =	sshrl.u32 s26, $0x3  }
0x12: {  	s26 =	simm.s32 $0x9000;
	s5 =	sadd.s32 s5, s0;
	s0 =	sadd.s32 $0x42800, s0  }
0x13: {  	s5 =	sadd.s32 $0x11600, s5;
	s1 =	sadd.s32 s0, s1;
	s14 =	sadd.s32 s0, s3  }
0x14: {  	s0 =	sadd.s32 s15, s2;
	s15 =	sadd.s32 $0x24900, s1;
	s1 =	sadd.s32 $0x124800, s2  }
0x15: {  	v0 =	vimm.f32 $0.0e+00;
	s25 =	sshrl.u32 @!p0 s0, $0x3;
	s24 =	sshrl.u32 @p0 s1, $0x3;
	s1 =	simm.s32 $0x0  }
.LBB2_1:
0x16: {  	s0 =	simm.s32 $0x0;
	s3 =	simm.s32 $0x80;
	s17 =	simm.s32 $0x400  }
0x17: {  	[tilespmem:s0], [sflag:$0x3] =	stream.strided.gather [hbm4b:s5+s3], $0x2800, s17, s3, $0x38;
	[tilespmem:$0x1FC00] =	vst v63  }
0x18: {  	_ =	swait.ge [sflag:s19], $0x2800  }
0x19: {  	[sflag:s19] =	ssyncset.done $0x0  }
0x1a: {  	s0 =	simm.s32 $0x70;
	s3 =	simm.s32 $0x3C0;
	[sflag:s19] =	ssyncadd.s32 $0xFFFFD800  }
.LBB2_2:
0x1b: {  	p1 =	sne.s32 s3, $0xBFC0;
	[tilespmem:s0+$0x6000] =	vst v0  }
0x1c: {  	[tilespmem:s0+$0x5F90] =	vst v0  }
0x1d: {  	[tilespmem:s0+$0x5FA0] =	vst v0  }
.Ltmp0:
0x1e: {  	[tilespmem:s0+$0x5FB0] =	vst v0;
	(pc) =	sbr.rel @p1 .LBB2_2-.Ltmp0, $4  }
0x1f: {  	[tilespmem:s0+$0x5FC0] =	vst v0  }
0x20: {  	[tilespmem:s0+$0x5FD0] =	vst v0  }
0x21: {  	[tilespmem:s0+$0x5FE0] =	vst v0  }
0x22: {  	[tilespmem:s0+$0x5FF0] =	vst v0;
	s0 =	sshra.s32 s3, $0x2;
	s3 =	sadd.s32 $0x200, s3  }
0x23: {  	[tilespmem:s0+$0x6000] =	vst v0  }
0x24: {  	[tilespmem:s0+$0x5F90] =	vst v0  }
0x25: {  	[tilespmem:s0+$0x5FA0] =	vst v0  }
0x26: {  	[tilespmem:s0+$0x5FB0] =	vst v0  }
0x27: {  	[tilespmem:s0+$0x5FC0] =	vst v0  }
0x28: {  	[tilespmem:s0+$0x5FD0] =	vst v0  }
0x29: {  	[tilespmem:s0+$0x5FE0] =	vst v0  }
0x2a: {  	[tilespmem:s0+$0x5FF0] =	vst v0  }
0x2b: {  	[spmem:s6] =	stream.linear.scatter [tilespmem:s20], [sflag:$0x3], $0x3000, $0x38;
	[tilespmem:$0x1FC00] =	vst v63  }
0x2c: {  	_ =	swait.ge [sflag:s19], $0x3000  }
0x2d: {  	[sflag:s19] =	ssyncset.done $0x0  }
0x2e: {  	[sflag:s19] =	ssyncadd.s32 $0xFFFFD000  }
0x2f: {  	[spmem:s7] =	stream.linear.scatter [tilespmem:s20], [sflag:$0x3], $0x3000, $0x38;
	[tilespmem:$0x1FC00] =	vst v63  }
0x30: {  	_ =	swait.ge [sflag:s19], $0x3000  }
0x31: {  	[sflag:s19] =	ssyncset.done $0x0  }
0x32: {  	[sflag:s19] =	ssyncadd.s32 $0xFFFFD000  }
0x33: {  	[spmem:s8] =	stream.linear.scatter [tilespmem:s20], [sflag:$0x3], $0x3000, $0x38;
	[tilespmem:$0x1FC00] =	vst v63  }
0x34: {  	_ =	swait.ge [sflag:s19], $0x3000  }
0x35: {  	[sflag:s19] =	ssyncset.done $0x0  }
0x36: {  	[sflag:s19] =	ssyncadd.s32 $0xFFFFD000  }
0x37: {  	[spmem:s9] =	stream.linear.scatter [tilespmem:s20], [sflag:$0x3], $0x3000, $0x38;
	[tilespmem:$0x1FC00] =	vst v63  }
0x38: {  	_ =	swait.ge [sflag:s19], $0x3000  }
0x39: {  	[sflag:s19] =	ssyncset.done $0x0  }
0x3a: {  	[sflag:s19] =	ssyncadd.s32 $0xFFFFD000  }
0x3b: {  	[spmem:s10] =	stream.linear.scatter [tilespmem:s20], [sflag:$0x3], $0x3000, $0x38;
	[tilespmem:$0x1FC00] =	vst v63  }
0x3c: {  	_ =	swait.ge [sflag:s19], $0x3000  }
0x3d: {  	[sflag:s19] =	ssyncset.done $0x0  }
0x3e: {  	[sflag:s19] =	ssyncadd.s32 $0xFFFFD000  }
0x3f: {  	[spmem:s11] =	stream.linear.scatter [tilespmem:s20], [sflag:$0x3], $0x3000, $0x38;
	[tilespmem:$0x1FC00] =	vst v63  }
0x40: {  	_ =	swait.ge [sflag:s19], $0x3000  }
0x41: {  	[sflag:s19] =	ssyncset.done $0x0  }
0x42: {  	[sflag:s19] =	ssyncadd.s32 $0xFFFFD000  }
0x43: {  	[spmem:s12] =	stream.linear.scatter [tilespmem:s20], [sflag:$0x3], $0x1C00, $0x38;
	[tilespmem:$0x1FC00] =	vst v63  }
0x44: {  	_ =	swait.ge [sflag:s19], $0x1C00  }
0x45: {  	[sflag:s19] =	ssyncset.done $0x0  }
0x46: {  	[sflag:s19] =	ssyncadd.s32 $0xFFFFE400  }
0x47: {  	s18 =	simm.s32 $0x0;
	s3 =	simm.s32 $0x2800;
	[bflag:$0x0] =	sbarrier.arrive $0xFFFF  }
0x48: {  	[tilespmem:s3], [sflag:$0x3] =	stream.linear.gather [hbm4b:s13+s18], $0x3500, $0x38;
	[tilespmem:$0x1FC00] =	vst v63  }
0x49: {  	_ =	swait.ge [sflag:s19], $0x3500  }
0x4a: {  	[sflag:s19] =	ssyncset.done $0x0  }
0x4b: {  	[sflag:s19] =	ssyncadd.s32 $0xFFFFCB00  }
0x4c: {  	[tilespmem:s20], [sflag:$0x1] =	stream.indirect.gather [hbm4b:s4+s22], $0x80, s18, s22, $0xb8;
	[tilespmem:$0x1FC00] =	vst v63  }
0x4d: {  	_ =	swait.ge [sflag:s23], $0x3000  }
0x4e: {  	[sflag:s23] =	ssyncset.done $0x0  }
0x4f: {  	s3 =	simm.s32 $0x60;
	[sflag:s23] =	ssyncadd.s32 $0xFFFFD000  }
0x50: {  	[tilespmem:s26], [sflag:$0x2] =	stream.indirect.gather [hbm4b:s4+s22], $0x80, s3, s22, $0xb8;
	[tilespmem:$0x1FC00] =	vst v63  }
0x51: {  	s17 =	simm.s32 $0x2800  }
0x52: {  	[spmem:s2] =	stream.indirect.scatter.add.f32 [tilespmem:s20], [sflag:$0x3], $0x80, s17, s22, $0xb8;
	[tilespmem:$0x1FC00] =	vst v63  }
0x53: {  	_ =	swait.ge [sflag:s19], $0x3000  }
0x54: {  	[sflag:s19] =	ssyncset.done $0x0  }
0x55: {  	[sflag:s19] =	ssyncadd.s32 $0xFFFFD000  }
0x56: {  	_ =	swait.ge [sflag:s28], $0x3000  }
0x57: {  	[sflag:s28] =	ssyncset.done $0x0  }
0x58: {  	s3 =	simm.s32 $0xC0;
	[sflag:s28] =	ssyncadd.s32 $0xFFFFD000  }
0x59: {  	[tilespmem:s20], [sflag:$0x1] =	stream.indirect.gather [hbm4b:s4+s22], $0x80, s3, s22, $0xb8;
	[tilespmem:$0x1FC00] =	vst v63  }
0x5a: {  	s18 =	simm.s32 $0x2880  }
0x5b: {  	[spmem:s2] =	stream.indirect.scatter.add.f32 [tilespmem:s26], [sflag:$0x3], $0x80, s18, s22, $0xb8;
	[tilespmem:$0x1FC00] =	vst v63  }
0x5c: {  	_ =	swait.ge [sflag:s19], $0x3000  }
0x5d: {  	s0 =	simm.s32 $0x400;
	[sflag:s19] =	ssyncset.done $0x0  }
.LBB2_4:
0x5e: {  	p1 =	sne.s32 s0, $0xCC00;
	[sflag:s19] =	ssyncadd.s32 $0xFFFFD000;
	s3 =	sadd.s32 $0xC0, s3  }
0x5f: {  	s17 =	smov.u32 s0;
	s0 =	sadd.s32 $0x400, s0  }
0x60: {  	_ =	swait.ge [sflag:s23], $0x3000  }
0x61: {  	[sflag:s23] =	ssyncset.done $0x0  }
0x62: {  	s18 =	sadd.s32 $0xFFFFFFA0, s3;
	s17 =	sshra.s32 s17, $0x2;
	[sflag:s23] =	ssyncadd.s32 $0xFFFFD000  }
0x63: {  	[tilespmem:s26], [sflag:$0x2] =	stream.indirect.gather [hbm4b:s4+s22], $0x80, s18, s22, $0xb8;
	[tilespmem:$0x1FC00] =	vst v63  }
0x64: {  	s18 =	sadd.s32 $0x2800, s17  }
0x65: {  	[spmem:s2] =	stream.indirect.scatter.add.f32 [tilespmem:s20], [sflag:$0x3], $0x80, s18, s22, $0xb8;
	[tilespmem:$0x1FC00] =	vst v63  }
0x66: {  	_ =	swait.ge [sflag:s19], $0x3000  }
0x67: {  	[sflag:s19] =	ssyncset.done $0x0  }
0x68: {  	[sflag:s19] =	ssyncadd.s32 $0xFFFFD000  }
0x69: {  	_ =	swait.ge [sflag:s28], $0x3000  }
0x6a: {  	[sflag:s28] =	ssyncset.done $0x0  }
0x6b: {  	[sflag:s28] =	ssyncadd.s32 $0xFFFFD000  }
0x6c: {  	[tilespmem:s20], [sflag:$0x1] =	stream.indirect.gather [hbm4b:s4+s22], $0x80, s3, s22, $0xb8;
	[tilespmem:$0x1FC00] =	vst v63  }
.Ltmp1:
0x6d: {  	_ = 	snop;
	(pc) =	sbr.rel @p1 .LBB2_4-.Ltmp1, $4  }
0x6e: {  	s17 =	sadd.s32 $0x2880, s17  }
0x6f: {  	[spmem:s2] =	stream.indirect.scatter.add.f32 [tilespmem:s26], [sflag:$0x3], $0x80, s17, s22, $0xb8;
	[tilespmem:$0x1FC00] =	vst v63  }
0x70: {  	_ =	swait.ge [sflag:s19], $0x3000  }
0x71: {  	[sflag:s19] =	ssyncset.done $0x0  }
0x72: {  	[sflag:s19] =	ssyncadd.s32 $0xFFFFD000  }
0x73: {  	_ =	swait.ge [sflag:s23], $0x3000  }
0x74: {  	[sflag:s23] =	ssyncset.done $0x0  }
0x75: {  	[sflag:s23] =	ssyncadd.s32 $0xFFFFD000  }
0x76: {  	[tilespmem:s26], [sflag:$0x2] =	stream.indirect.gather [hbm4b:s4+s22], $0x80, s29, s22, $0xb8;
	[tilespmem:$0x1FC00] =	vst v63  }
0x77: {  	_ = 	snop  }
0x78: {  	[spmem:s2] =	stream.indirect.scatter.add.f32 [tilespmem:s20], [sflag:$0x3], $0x80, s30, s22, $0xb8;
	[tilespmem:$0x1FC00] =	vst v63  }
0x79: {  	_ =	swait.ge [sflag:s19], $0x3000  }
0x7a: {  	[sflag:s19] =	ssyncset.done $0x0  }
0x7b: {  	[sflag:s19] =	ssyncadd.s32 $0xFFFFD000  }
0x7c: {  	_ =	swait.ge [sflag:s28], $0x3000  }
0x7d: {  	[sflag:s28] =	ssyncset.done $0x0  }
0x7e: {  	[sflag:s28] =	ssyncadd.s32 $0xFFFFD000  }
0x7f: {  	[spmem:s2] =	stream.indirect.scatter.add.f32 [tilespmem:s26], [sflag:$0x3], $0x80, s31, s22, $0xb8;
	[tilespmem:$0x1FC00] =	vst v63  }
0x80: {  	_ =	swait.ge [sflag:s19], $0x3000  }
0x81: {  	[sflag:s19] =	ssyncset.done $0x0  }
0x82: {  	[sflag:s19] =	ssyncadd.s32 $0xFFFFD000  }
0x83: {  	[bflag:$0x0] =	sbarrier.arrive $0xFFFF  }
0x84: {  	s0 =	simm.s32 @p0 $0x1FC3;
	[bflag:$0x0] =	sbarrier.arrive $0xFFFF  }
0x85: {  	[hbm:s15], [sflag:s0] =	dma.local @p0 [spmem:s24], $0x2800  }
0x86: {  	s0 =	simm.s32 @p0 $0x3  }
0x87: {  	_ =	swait.ge @p0 [sflag:s0], $0x2800  }
0x88: {  	s3 =	sshll.u32 @!p0 s21, $0x6;
	s1 =	sadd.s32 $0x1, s1;
	[sflag:s0] =	ssyncset.done @p0 $0x0  }
0x89: {  	p1 =	sne.s32 s1, s16;
	[sflag:s0] =	ssyncadd.s32 @p0 $0xFFFFD800;
	s0 =	sor.u32 @!p0 $0x1C03, s3  }
0x8a: {  	[hbm:s14], [sflag:s0] =	dma.local @!p0 [spmem:s25], $0x2700  }
.Ltmp2:
0x8b: {  	_ = 	snop;
	(pc) =	sbr.rel @p1 .LBB2_1-.Ltmp2, $4  }
0x8c: {  	s0 =	simm.s32 @!p0 $0x3  }
0x8d: {  	_ =	swait.ge @!p0 [sflag:s0], $0x2700  }
0x8e: {  	[sflag:s0] =	ssyncset.done @!p0 $0x0  }
0x8f: {  	[sflag:s0] =	ssyncadd.s32 @!p0 $0xFFFFD900  }
0x90: {  	_ =	sfence.sel $0x180000  }
0x91: {  	[bflag:$0x0] =	sbarrier.arrive $0xFFFF  }
0x92: {  	_ =	strace $0x9000004A  }
0x93: {  	[bflag:$0x2] =	sbarrier.arrive $0xFFFF  }
0x94: {  	p0 =	sne.s32 s21, $0x0;
	s0 =	rddreg [dreg:$0x2]  }
0x95: {  	s0 =	sadd.s32 @!p0 $0x100000, s0  }
0x96: {  	[sflag:s0] =	ssyncadd.tile.s32 @!p0 $0x1;
	_ =	shalt  }
.Lfunc_end2:
_tile_overlayer_lowered:
.L_overlay_start_2:
0x97: {  	(tag) =	ssettag $0x2  }
0x98: {  	s0 =	rddreg [dreg:$0x0];
	s2 =	stileid.u32  }
0x99: {  	s1 =	rddreg [dreg:$0x1];
	p0 =	sne.s32 s2, $0x0  }
0x9a: {  	s3 =	rddreg [dreg:$0x2];
	[bflag:$0x3] =	sbarrier.arrive $0xFFFF;
	s2 =	simm.s32 @!p0 $0x1C03  }
0x9b: {  	[timem:s3], [sflag:s2] =	dma.local @!p0 [hbm:s0], s1  }
0x9c: {  	s0 =	simm.s32 @!p0 $0x3  }
0x9d: {  	_ =	swait.ge @!p0 [sflag:s0], s1  }
0x9e: {  	s1 =	ssub.s32 @!p0 $0x0, s1;
	[sflag:s0] =	ssyncset.done @!p0 $0x0  }
0x9f: {  	[sflag:s0] =	ssyncadd.s32 @!p0 s1  }
0xa0: {  	[bflag:$0x3] =	sbarrier.arrive $0xFFFF  }
0xa1: {  	_ =	shalt  }

// kernel: kernel.18.cloned.1.call-start
scs
__scs_entry_jumppad:
0x0: {  	(pc) =	sbr.rel $0x88, $3  }
0x1: {  	(tag) =	ssettag $0x0;
	lr =	simm.s32 $0x1  }
0x2: {  	[smem:$0x3F9A] =	sst lr;
	_ =	strace $0xD0000000  }
0x3: {  	_ = 	snop  }
0x4: {  	_ = 	snop  }
0x5: {  	_ = 	snop  }
0x6: {  	_ = 	snop  }
0x7: {  	_ = 	snop  }
__scs_overlays_trampoline_lowered:
0x8: {  	[smem:$0x3FA9] =	sst s0  }
0x9: {  	[smem:$0x3FAA] =	sst s1  }
0xa: {  	[smem:$0x3FAB] =	sst s2  }
0xb: {  	[smem:$0x3FAC] =	sst s3  }
0xc: {  	[smem:$0x3FAD] =	sst s4  }
0xd: {  	[smem:$0x3FAE] =	sst s5  }
0xe: {  	[smem:$0x3FAF] =	sst s6  }
0xf: {  	[smem:$0x3FB0] =	sst s7  }
0x10: {  	[smem:$0x3FB1] =	sst s8  }
0x11: {  	[smem:$0x3FB2] =	sst s9;
	s0 =	simm.s32 @!p0 $0x0  }
0x12: {  	s1 =	sld [smem:$0x3F98];
	s0 =	simm.s32 @p0 $0x1  }
0x13: {  	[smem:$0x3FB3] =	sst s0;
	s0 =	simm.s32 @!p1 $0x0  }
0x14: {  	s2 =	sld [smem:$0x3F97];
	s0 =	simm.s32 @p1 $0x1  }
0x15: {  	[smem:$0x3FB4] =	sst s0;
	s0 =	simm.s32 @!p2 $0x0  }
0x16: {  	s3 =	sld [smem:$0x3FDB];
	s0 =	simm.s32 @p2 $0x1  }
0x17: {  	s4 =	simm.s32 $0x1BF5;
	[smem:$0x3FB6] =	sst s0  }
0x18: {  	s0 =	sld [smem:$0x3F99];
	_ =	swait.ge [sflag:s4], $0x0  }
0x19: {  	s7 =	sld [smem:$0x3F9A]  }
0x1a: {  	s8 =	sadd.s32 $0xFFFFE003, lr  }
0x1b: {  	s9 =	sadd.s32 $0xFFFFFEF7, lr;
	s5 =	simm.s32 $0xFFFFFFFF;
	p2 =	slt.u32 s8, $0xFFFFF086  }
0x1c: {  	p1 =	slt.u32 s9, $0xF7A;
	s5 =	simm.s32 @!p2 $0x0  }
0x1d: {  	s5 =	simm.s32 @p1 $0x1;
	p0 =	seq.s32 s7, s2  }
0x1e: {  	s7 =	smul.u32 @!p0 $0xF7A, s2;
	p2 =	seq.s32 @!p0 s5, $0x0  }
0x1f: {  	s9 =	smul.u32 $0xF7A, s1;
	s8 =	simm.s32 @!p0 $0x1BF5;
	p2 =	por !p2, p0  }
0x20: {  	[sflag:s8] =	ssyncset.s32 @!p0 $0xFFFFF086;
	s6 =	sadd.s32 @!p0 s3, s7;
	s7 =	simm.s32 @!p0 $0x108  }
0x21: {  	s3 =	sadd.s32 s3, s9;
	s6 =	sadd.s32 @!p0 $0x88, s6;
	s7 =	simm.s32 @p2 $0x1082  }
0x22: {  	[simem:s7], [sflag:s8] =	dma.local @!p0 [hbm:s6], $0xF7A  }
0x23: {  	s9 =	sor.u32 $0xD0000000, s2;
	s6 =	simm.s32 $0x108;
	_ =	swait.ge @!p0 [sflag:s8], $0x0  }
0x24: {  	s3 =	sadd.s32 $0x88, s3;
	s6 =	simm.s32 @!p1 $0x1082;
	[sflag:s4] =	ssyncset.s32 $0xFFFFF086  }
0x25: {  	[simem:s6], [sflag:s4] =	dma.local [hbm:s3], $0xF7A  }
0x26: {  	[smem:$0x3F9A] =	sst s1;
	(tag) =	ssettag s2;
	_ =	strace s9  }
0x27: {  	s1 =	sld [smem:$0x3FAA]  }
0x28: {  	s2 =	sld [smem:$0x3FAB]  }
0x29: {  	s4 =	sld [smem:$0x3FAD]  }
0x2a: {  	p0 =	seq.s32 s5, $0x0;
	s5 =	sld [smem:$0x3FAE]  }
0x2b: {  	s6 =	sld [smem:$0x3FAF]  }
0x2c: {  	s7 =	sld [smem:$0x3FB0]  }
0x2d: {  	s3 =	simm.s32 $0x108;
	s8 =	sld [smem:$0x3FB1]  }
0x2e: {  	s3 =	simm.s32 @!p0 $0x1082;
	s9 =	sld [smem:$0x3FB2]  }
0x2f: {  	lr =	sadd.s32 s0, s3;
	s0 =	sld [smem:$0x3FA9]  }
0x30: {  	s3 =	sld [smem:$0x3FAC]  }
0x31: {  	[smem:$0x3FB5] =	sst s10  }
0x32: {  	s10 =	sld [smem:$0x3FB3];
	_ =	sdelay $0x3  }
0x33: {  	p0 =	seq.s32 s10, $0x1;
	s10 =	sld [smem:$0x3FB5];
	_ =	sdelay $0x3  }
0x34: {  	[smem:$0x3FB5] =	sst s10  }
0x35: {  	s10 =	sld [smem:$0x3FB4];
	_ =	sdelay $0x3  }
0x36: {  	p1 =	seq.s32 s10, $0x1;
	s10 =	sld [smem:$0x3FB5];
	_ =	sdelay $0x3  }
0x37: {  	[smem:$0x3FB5] =	sst s10  }
0x38: {  	s10 =	sld [smem:$0x3FB6]  }
0x39: {  	_ = 	snop;
	(pc) =	sbr.ind lr, $3  }
0x3a: {  	_ = 	snop  }
0x3b: {  	_ = 	snop  }
0x3c: {  	p2 =	seq.s32 s10, $0x1;
	s10 =	sld [smem:$0x3FB5]  }
0x3d: {  	_ =	shalt  }
0x3e: {  	_ =	shalt  }
0x3f: {  	_ =	shalt  }
0x40: {  	_ =	shalt  }
0x41: {  	_ =	shalt  }
0x42: {  	_ =	shalt  }
0x43: {  	_ =	shalt  }
0x44: {  	_ =	shalt  }
0x45: {  	_ =	shalt  }
0x46: {  	_ =	shalt  }
0x47: {  	_ =	shalt  }
0x48: {  	_ =	shalt  }
0x49: {  	_ =	shalt  }
0x4a: {  	_ =	shalt  }
0x4b: {  	_ =	shalt  }
0x4c: {  	_ =	shalt  }
0x4d: {  	_ =	shalt  }
0x4e: {  	_ =	shalt  }
0x4f: {  	_ =	shalt  }
0x50: {  	_ =	shalt  }
0x51: {  	_ =	shalt  }
0x52: {  	_ =	shalt  }
0x53: {  	_ =	shalt  }
0x54: {  	_ =	shalt  }
0x55: {  	_ =	shalt  }
0x56: {  	_ =	shalt  }
0x57: {  	_ =	shalt  }
0x58: {  	_ =	shalt  }
0x59: {  	_ =	shalt  }
0x5a: {  	_ =	shalt  }
0x5b: {  	_ =	shalt  }
0x5c: {  	_ =	shalt  }
0x5d: {  	_ =	shalt  }
0x5e: {  	_ =	shalt  }
0x5f: {  	_ =	shalt  }
0x60: {  	_ =	shalt  }
0x61: {  	_ =	shalt  }
0x62: {  	_ =	shalt  }
0x63: {  	_ =	shalt  }
0x64: {  	_ =	shalt  }
0x65: {  	_ =	shalt  }
0x66: {  	_ =	shalt  }
0x67: {  	_ =	shalt  }
0x68: {  	_ =	shalt  }
0x69: {  	_ =	shalt  }
0x6a: {  	_ =	shalt  }
0x6b: {  	_ =	shalt  }
0x6c: {  	_ =	shalt  }
0x6d: {  	_ =	shalt  }
0x6e: {  	_ =	shalt  }
0x6f: {  	_ =	shalt  }
0x70: {  	_ =	shalt  }
0x71: {  	_ =	shalt  }
0x72: {  	_ =	shalt  }
0x73: {  	_ =	shalt  }
0x74: {  	_ =	shalt  }
0x75: {  	_ =	shalt  }
0x76: {  	_ =	shalt  }
0x77: {  	_ =	shalt  }
0x78: {  	_ =	shalt  }
0x79: {  	_ =	shalt  }
0x7a: {  	_ =	shalt  }
0x7b: {  	_ =	shalt  }
0x7c: {  	_ =	shalt  }
0x7d: {  	_ =	shalt  }
0x7e: {  	_ =	shalt  }
0x7f: {  	_ =	shalt  }
0x80: {  	_ =	shalt  }
0x81: {  	_ =	shalt  }
0x82: {  	_ =	shalt  }
0x83: {  	_ =	shalt  }
0x84: {  	_ =	shalt  }
0x85: {  	_ =	shalt  }
0x86: {  	_ =	shalt  }
0x87: {  	_ =	shalt  }
.Lfunc_end0:
.L_simem_size_0:
called_computation.2_lowered:
.L_overlay_start_0:
0x88: {  	s2 =	sld [smem:$0x3FD9]  }
0x89: {  	s3 =	sld [smem:$0x3FFE];
	_ =	sdelay $0x1  }
0x8a: {  	s1 =	srdreg.scid  }
0x8b: {  	s0 =	sand.u32 $0x1, s1  }
0x8c: {  	s16 =	sshll.u32 s0, $0xA;
	s2 =	sadd.s32 s3, s2  }
0x8d: {  	s2 =	sadd.s32 s2, s16  }
0x8e: {  	[smem:$0x3FC1] =	sst s2  }
0x8f: {  	_ = 	snop  }
0x90: {  	(tm) =	ssettm $0x1  }
0x91: {  	s17 =	sld [smem:$0x3FFB];
	_ =	sdelay $0x3  }
0x92: {  	_ =	strace s17  }
0x93: {  	s2 =	sld [smem:$0x3FFC];
	_ =	sdelay $0x3  }
0x94: {  	_ =	strace s2  }
0x95: {  	s2 =	sld [smem:$0x3FFD];
	_ =	sdelay $0x3  }
0x96: {  	_ =	strace s2  }
0x97: {  	_ =	strace $0x8FFFFFFF  }
0x98: {  	s18 =	sld [smem:$0x3FDB];
	_ =	sdelay $0x1  }
0x99: {  	s19 =	simm.s32 $_scs_section_size  }
0x9a: {  	s4 =	simm.s32 $_size__tile_overlayer_lowered;
	s5 =	simm.s32 $_tile_overlayer_lowered  }
0x9b: {  	s22 =	simm.s32 $0x1BFF;
	s21 =	sshll.u32 s5, $0x1;
	s2 =	sadd.s32 s19, s18  }
0x9c: {  	s6 =	simm.s32 $0x0;
	s20 =	sshll.u32 s4, $0x1;
	s4 =	sadd.s32 s21, s2  }
0x9d: {  	[timem:s6], [sflag:s22] =	dma.local [hbm:s4], s20  }
0x9e: {  	_ =	swait.ge [sflag:s22], s20  }
0x9f: {  	s3 =	ssub.s32 $0x0, s20;
	[sflag:s22] =	ssyncset.done $0x0  }
0xa0: {  	[sflag:s22] =	ssyncadd.s32 s3;
	_ =	sdelay $0x1  }
0xa1: {  	s23 =	simm.s32 $0x1B8B  }
0xa2: {  	_ =	swait.ge [sflag:s23], $0x1  }
0xa3: {  	[sflag:s23] =	ssyncset.done $0x0  }
0xa4: {  	s25 =	simm.s32 $0x1B8E;
	s24 =	sld [smem:$0x3FFE];
	[sflag:s23] =	ssyncadd.s32 $0xFFFFFFFF  }
0xa5: {  	s26 =	simm.s32 $execute0_lowered;
	[smem:$0x3FD2] =	sst s25  }
0xa6: {  	s4 =	sshll.u32 s26, $0x1;
	_ =	strace $0x8000004C;
	[dreg:$0x1] =	wrdreg $0xFFFFFFFF  }
0xa7: {  	s28 =	simm.s32 $_size_execute0_lowered;
	s2 =	sadd.s32 s2, s4;
	[dreg:$0x0] =	wrdreg $0x0  }
0xa8: {  	s4 =	sshll.u32 s28, $0x1;
	[dreg:$0x2] =	wrdreg s2  }
0xa9: {  	[dreg:$0x3] =	wrdreg s4  }
0xaa: {  	[dreg:$0x4] =	wrdreg $0xC0  }
0xab: {  	_ =	task [dreg:s6], $0x5FFFF  }
0xac: {  	[dreg:$0x1] =	wrdreg $0xFFFFFFFF  }
0xad: {  	[dreg:$0x0] =	wrdreg $0x60  }
0xae: {  	[dreg:$0x2] =	wrdreg s24  }
0xaf: {  	[dreg:$0x3] =	wrdreg $0xC0000  }
0xb0: {  	[dreg:$0x4] =	wrdreg $0x9  }
0xb1: {  	_ =	task.clear_ibuf [dreg:s6], $0x5FFFF;
	_ =	strace $0x9000004C  }
0xb2: {  	s29 =	simm.s32 $0x9;
	_ =	strace $0x8000004E  }
0xb3: {  	_ =	swait.ge [sflag:s29], $0x1  }
0xb4: {  	[sflag:s29] =	ssyncadd.s32 $0xFFFFFFFF  }
0xb5: {  	_ =	strace $0x9000004E  }
0xb6: {  	_ =	sfence  }
0xb7: {  	s30 =	sld [smem:$0x0];
	_ =	sdelay $0x2  }
0xb8: {  	s31 =	sshll.u32 s1, $0xD;
	s1 =	sshrl.u32 s1, $0x2  }
0xb9: {  	s3 =	sand.u32 $0x4000, s31;
	s1 =	sadd.s32 s1, s30  }
0xba: {  	s0 =	sor.u32 s3, s0;
	s1 =	sshll.u32 s1, $0x11  }
0xbb: {  	s0 =	sor.u32 s1, s0  }
0xbc: {  	s0 =	sadd.s32 $0x8F2B, s0  }
0xbd: {  	[sflag:s0] =	ssyncadd.remote.s32 $0x1  }
0xbe: {  	_ =	sfence.sel $0xFFFF  }
0xbf: {  	[dreg:$0x0] =	wrdreg $0xFFFFFFFF;
	(pc) =	sbr.abs _section_cstart, $3  }
0xc0: {  	[dreg:$0x1] =	wrdreg $0xFFFFFFFF  }
0xc1: {  	_ =	task.clear_ibuf [dreg:s6], $0x2FFFF;
	_ =	strace $0x9FFFFFFF  }
0xc2: {  	(tm) =	ssettm $0x7FFFFFFF  }
0xc3: {  	_ =	shalt  }
tec
execute0_lowered:
.L_overlay_start_1:
0x0: {  	(tag) =	ssettag $0x1  }
0x1: {  	s0 =	rddreg [dreg:$0x0];
	s1 =	srdreg.scid  }
0x2: {  	s17 =	stileid.u32;
	s2 =	rddreg [dreg:$0x1];
	s6 =	simm.s32 $0x0  }
0x3: {  	s19 =	simm.s32 $0x3;
	s20 =	simm.s32 $0x6000;
	s22 =	simm.s32 $0x60  }
0x4: {  	s21 =	stileid.u32;
	s23 =	simm.s32 $0x1;
	s28 =	simm.s32 $0x2  }
0x5: {  	s29 =	simm.s32 $0x2760;
	s30 =	simm.s32 $0x5C00;
	s25 =	smul.u32 $0x4F000, s17  }
0x6: {  	s31 =	simm.s32 $0x5C80;
	s1 =	sand.u32 $0x1, s1;
	s14 =	smul.u32 $0x13800, s17  }
0x7: {  	s3 =	sshll.u32 s17, $0x1;
	s4 =	sshrl.u32 s17, $0x2;
	s15 =	smul.u32 $0x4E000, s17  }
0x8: {  	[smem:$0x7FF] =	sst s6;
	p0 =	seq.s32 s17, $0xF;
	s4 =	smul.u32 $0x14000, s4  }
0x9: {  	s3 =	sor.u32 s1, s3;
	s7 =	ssub.s32 $0x2, s1;
	s1 =	smul.u32 $0x138800, s1  }
0xa: {  	_ =	strace $0x8000004D;
	s5 =	sshll.u32 s3, $0x7;
	s3 =	smul.u32 $0x700, s3  }
0xb: {  	s8 =	sshrl.u32 s7, $0x1;
	s6 =	sshrl.u32 s25, $0x2;
	s15 =	sshrl.u32 s15, $0x2  }
0xc: {  	s5 =	sand.u32 $0x380, s5;
	s16 =	ssub.s32 s7, s8;
	s6 =	sadd.s32 s6, s2  }
0xd: {  	s26 =	sadd.s32 s14, s1;
	s1 =	sshrl.u32 s1, $0x3;
	s5 =	sor.u32 s4, s5  }
0xe: {  	s4 =	sadd.s32 $0x1B600, s0;
	s3 =	sadd.s32 s3, s0;
	s7 =	sadd.s32 $0x3000, s6  }
0xf: {  	s8 =	sadd.s32 $0x6000, s6;
	s9 =	sadd.s32 $0x9000, s6;
	s10 =	sadd.s32 $0xC000, s6  }
0x10: {  	s11 =	sadd.s32 $0xF000, s6;
	s12 =	sadd.s32 $0x12000, s6;
	s16 =	smax.u32 s16, $0x1  }
0x11: {  	s5 =	sshrl.u32 s5, $0x3;
	s13 =	sadd.s32 $0x3600, s3;
	s3 =	sshrl.u32 s26, $0x3  }
0x12: {  	s26 =	simm.s32 $0x9000;
	s5 =	sadd.s32 s5, s0;
	s0 =	sadd.s32 $0x42800, s0  }
0x13: {  	s5 =	sadd.s32 $0x11600, s5;
	s1 =	sadd.s32 s0, s1;
	s14 =	sadd.s32 s0, s3  }
0x14: {  	s0 =	sadd.s32 s15, s2;
	s15 =	sadd.s32 $0x24900, s1;
	s1 =	sadd.s32 $0x124800, s2  }
0x15: {  	v0 =	vimm.f32 $0.0e+00;
	s25 =	sshrl.u32 @!p0 s0, $0x3;
	s24 =	sshrl.u32 @p0 s1, $0x3;
	s1 =	simm.s32 $0x0  }
.LBB2_1:
0x16: {  	s0 =	simm.s32 $0x0;
	s3 =	simm.s32 $0x80;
	s17 =	simm.s32 $0x400  }
0x17: {  	[tilespmem:s0], [sflag:$0x3] =	stream.strided.gather [hbm4b:s5+s3], $0x2800, s17, s3, $0x38;
	[tilespmem:$0x1FC00] =	vst v63  }
0x18: {  	_ =	swait.ge [sflag:s19], $0x2800  }
0x19: {  	[sflag:s19] =	ssyncset.done $0x0  }
0x1a: {  	s0 =	simm.s32 $0x70;
	s3 =	simm.s32 $0x3C0;
	[sflag:s19] =	ssyncadd.s32 $0xFFFFD800  }
.LBB2_2:
0x1b: {  	p1 =	sne.s32 s3, $0xBFC0;
	[tilespmem:s0+$0x6000] =	vst v0  }
0x1c: {  	[tilespmem:s0+$0x5F90] =	vst v0  }
0x1d: {  	[tilespmem:s0+$0x5FA0] =	vst v0  }
.Ltmp0:
0x1e: {  	[tilespmem:s0+$0x5FB0] =	vst v0;
	(pc) =	sbr.rel @p1 .LBB2_2-.Ltmp0, $4  }
0x1f: {  	[tilespmem:s0+$0x5FC0] =	vst v0  }
0x20: {  	[tilespmem:s0+$0x5FD0] =	vst v0  }
0x21: {  	[tilespmem:s0+$0x5FE0] =	vst v0  }
0x22: {  	[tilespmem:s0+$0x5FF0] =	vst v0;
	s0 =	sshra.s32 s3, $0x2;
	s3 =	sadd.s32 $0x200, s3  }
0x23: {  	[tilespmem:s0+$0x6000] =	vst v0  }
0x24: {  	[tilespmem:s0+$0x5F90] =	vst v0  }
0x25: {  	[tilespmem:s0+$0x5FA0] =	vst v0  }
0x26: {  	[tilespmem:s0+$0x5FB0] =	vst v0  }
0x27: {  	[tilespmem:s0+$0x5FC0] =	vst v0  }
0x28: {  	[tilespmem:s0+$0x5FD0] =	vst v0  }
0x29: {  	[tilespmem:s0+$0x5FE0] =	vst v0  }
0x2a: {  	[tilespmem:s0+$0x5FF0] =	vst v0  }
0x2b: {  	[spmem:s6] =	stream.linear.scatter [tilespmem:s20], [sflag:$0x3], $0x3000, $0x38;
	[tilespmem:$0x1FC00] =	vst v63  }
0x2c: {  	_ =	swait.ge [sflag:s19], $0x3000  }
0x2d: {  	[sflag:s19] =	ssyncset.done $0x0  }
0x2e: {  	[sflag:s19] =	ssyncadd.s32 $0xFFFFD000  }
0x2f: {  	[spmem:s7] =	stream.linear.scatter [tilespmem:s20], [sflag:$0x3], $0x3000, $0x38;
	[tilespmem:$0x1FC00] =	vst v63  }
0x30: {  	_ =	swait.ge [sflag:s19], $0x3000  }
0x31: {  	[sflag:s19] =	ssyncset.done $0x0  }
0x32: {  	[sflag:s19] =	ssyncadd.s32 $0xFFFFD000  }
0x33: {  	[spmem:s8] =	stream.linear.scatter [tilespmem:s20], [sflag:$0x3], $0x3000, $0x38;
	[tilespmem:$0x1FC00] =	vst v63  }
0x34: {  	_ =	swait.ge [sflag:s19], $0x3000  }
0x35: {  	[sflag:s19] =	ssyncset.done $0x0  }
0x36: {  	[sflag:s19] =	ssyncadd.s32 $0xFFFFD000  }
0x37: {  	[spmem:s9] =	stream.linear.scatter [tilespmem:s20], [sflag:$0x3], $0x3000, $0x38;
	[tilespmem:$0x1FC00] =	vst v63  }
0x38: {  	_ =	swait.ge [sflag:s19], $0x3000  }
0x39: {  	[sflag:s19] =	ssyncset.done $0x0  }
0x3a: {  	[sflag:s19] =	ssyncadd.s32 $0xFFFFD000  }
0x3b: {  	[spmem:s10] =	stream.linear.scatter [tilespmem:s20], [sflag:$0x3], $0x3000, $0x38;
	[tilespmem:$0x1FC00] =	vst v63  }
0x3c: {  	_ =	swait.ge [sflag:s19], $0x3000  }
0x3d: {  	[sflag:s19] =	ssyncset.done $0x0  }
0x3e: {  	[sflag:s19] =	ssyncadd.s32 $0xFFFFD000  }
0x3f: {  	[spmem:s11] =	stream.linear.scatter [tilespmem:s20], [sflag:$0x3], $0x3000, $0x38;
	[tilespmem:$0x1FC00] =	vst v63  }
0x40: {  	_ =	swait.ge [sflag:s19], $0x3000  }
0x41: {  	[sflag:s19] =	ssyncset.done $0x0  }
0x42: {  	[sflag:s19] =	ssyncadd.s32 $0xFFFFD000  }
0x43: {  	[spmem:s12] =	stream.linear.scatter [tilespmem:s20], [sflag:$0x3], $0x1C00, $0x38;
	[tilespmem:$0x1FC00] =	vst v63  }
0x44: {  	_ =	swait.ge [sflag:s19], $0x1C00  }
0x45: {  	[sflag:s19] =	ssyncset.done $0x0  }
0x46: {  	[sflag:s19] =	ssyncadd.s32 $0xFFFFE400  }
0x47: {  	s18 =	simm.s32 $0x0;
	s3 =	simm.s32 $0x2800;
	[bflag:$0x0] =	sbarrier.arrive $0xFFFF  }
0x48: {  	[tilespmem:s3], [sflag:$0x3] =	stream.linear.gather [hbm4b:s13+s18], $0x3500, $0x38;
	[tilespmem:$0x1FC00] =	vst v63  }
0x49: {  	_ =	swait.ge [sflag:s19], $0x3500  }
0x4a: {  	[sflag:s19] =	ssyncset.done $0x0  }
0x4b: {  	[sflag:s19] =	ssyncadd.s32 $0xFFFFCB00  }
0x4c: {  	[tilespmem:s20], [sflag:$0x1] =	stream.indirect.gather [hbm4b:s4+s22], $0x80, s18, s22, $0xb8;
	[tilespmem:$0x1FC00] =	vst v63  }
0x4d: {  	_ =	swait.ge [sflag:s23], $0x3000  }
0x4e: {  	[sflag:s23] =	ssyncset.done $0x0  }
0x4f: {  	s3 =	simm.s32 $0x60;
	[sflag:s23] =	ssyncadd.s32 $0xFFFFD000  }
0x50: {  	[tilespmem:s26], [sflag:$0x2] =	stream.indirect.gather [hbm4b:s4+s22], $0x80, s3, s22, $0xb8;
	[tilespmem:$0x1FC00] =	vst v63  }
0x51: {  	s17 =	simm.s32 $0x2800  }
0x52: {  	[spmem:s2] =	stream.indirect.scatter.add.f32 [tilespmem:s20], [sflag:$0x3], $0x80, s17, s22, $0xb8;
	[tilespmem:$0x1FC00] =	vst v63  }
0x53: {  	_ =	swait.ge [sflag:s19], $0x3000  }
0x54: {  	[sflag:s19] =	ssyncset.done $0x0  }
0x55: {  	[sflag:s19] =	ssyncadd.s32 $0xFFFFD000  }
0x56: {  	_ =	swait.ge [sflag:s28], $0x3000  }
0x57: {  	[sflag:s28] =	ssyncset.done $0x0  }
0x58: {  	s3 =	simm.s32 $0xC0;
	[sflag:s28] =	ssyncadd.s32 $0xFFFFD000  }
0x59: {  	[tilespmem:s20], [sflag:$0x1] =	stream.indirect.gather [hbm4b:s4+s22], $0x80, s3, s22, $0xb8;
	[tilespmem:$0x1FC00] =	vst v63  }
0x5a: {  	s18 =	simm.s32 $0x2880  }
0x5b: {  	[spmem:s2] =	stream.indirect.scatter.add.f32 [tilespmem:s26], [sflag:$0x3], $0x80, s18, s22, $0xb8;
	[tilespmem:$0x1FC00] =	vst v63  }
0x5c: {  	_ =	swait.ge [sflag:s19], $0x3000  }
0x5d: {  	s0 =	simm.s32 $0x400;
	[sflag:s19] =	ssyncset.done $0x0  }
.LBB2_4:
0x5e: {  	p1 =	sne.s32 s0, $0xCC00;
	[sflag:s19] =	ssyncadd.s32 $0xFFFFD000;
	s3 =	sadd.s32 $0xC0, s3  }
0x5f: {  	s17 =	smov.u32 s0;
	s0 =	sadd.s32 $0x400, s0  }
0x60: {  	_ =	swait.ge [sflag:s23], $0x3000  }
0x61: {  	[sflag:s23] =	ssyncset.done $0x0  }
0x62: {  	s18 =	sadd.s32 $0xFFFFFFA0, s3;
	s17 =	sshra.s32 s17, $0x2;
	[sflag:s23] =	ssyncadd.s32 $0xFFFFD000  }
0x63: {  	[tilespmem:s26], [sflag:$0x2] =	stream.indirect.gather [hbm4b:s4+s22], $0x80, s18, s22, $0xb8;
	[tilespmem:$0x1FC00] =	vst v63  }
0x64: {  	s18 =	sadd.s32 $0x2800, s17  }
0x65: {  	[spmem:s2] =	stream.indirect.scatter.add.f32 [tilespmem:s20], [sflag:$0x3], $0x80, s18, s22, $0xb8;
	[tilespmem:$0x1FC00] =	vst v63  }
0x66: {  	_ =	swait.ge [sflag:s19], $0x3000  }
0x67: {  	[sflag:s19] =	ssyncset.done $0x0  }
0x68: {  	[sflag:s19] =	ssyncadd.s32 $0xFFFFD000  }
0x69: {  	_ =	swait.ge [sflag:s28], $0x3000  }
0x6a: {  	[sflag:s28] =	ssyncset.done $0x0  }
0x6b: {  	[sflag:s28] =	ssyncadd.s32 $0xFFFFD000  }
0x6c: {  	[tilespmem:s20], [sflag:$0x1] =	stream.indirect.gather [hbm4b:s4+s22], $0x80, s3, s22, $0xb8;
	[tilespmem:$0x1FC00] =	vst v63  }
.Ltmp1:
0x6d: {  	_ = 	snop;
	(pc) =	sbr.rel @p1 .LBB2_4-.Ltmp1, $4  }
0x6e: {  	s17 =	sadd.s32 $0x2880, s17  }
0x6f: {  	[spmem:s2] =	stream.indirect.scatter.add.f32 [tilespmem:s26], [sflag:$0x3], $0x80, s17, s22, $0xb8;
	[tilespmem:$0x1FC00] =	vst v63  }
0x70: {  	_ =	swait.ge [sflag:s19], $0x3000  }
0x71: {  	[sflag:s19] =	ssyncset.done $0x0  }
0x72: {  	[sflag:s19] =	ssyncadd.s32 $0xFFFFD000  }
0x73: {  	_ =	swait.ge [sflag:s23], $0x3000  }
0x74: {  	[sflag:s23] =	ssyncset.done $0x0  }
0x75: {  	[sflag:s23] =	ssyncadd.s32 $0xFFFFD000  }
0x76: {  	[tilespmem:s26], [sflag:$0x2] =	stream.indirect.gather [hbm4b:s4+s22], $0x80, s29, s22, $0xb8;
	[tilespmem:$0x1FC00] =	vst v63  }
0x77: {  	_ = 	snop  }
0x78: {  	[spmem:s2] =	stream.indirect.scatter.add.f32 [tilespmem:s20], [sflag:$0x3], $0x80, s30, s22, $0xb8;
	[tilespmem:$0x1FC00] =	vst v63  }
0x79: {  	_ =	swait.ge [sflag:s19], $0x3000  }
0x7a: {  	[sflag:s19] =	ssyncset.done $0x0  }
0x7b: {  	[sflag:s19] =	ssyncadd.s32 $0xFFFFD000  }
0x7c: {  	_ =	swait.ge [sflag:s28], $0x3000  }
0x7d: {  	[sflag:s28] =	ssyncset.done $0x0  }
0x7e: {  	[sflag:s28] =	ssyncadd.s32 $0xFFFFD000  }
0x7f: {  	[spmem:s2] =	stream.indirect.scatter.add.f32 [tilespmem:s26], [sflag:$0x3], $0x80, s31, s22, $0xb8;
	[tilespmem:$0x1FC00] =	vst v63  }
0x80: {  	_ =	swait.ge [sflag:s19], $0x3000  }
0x81: {  	[sflag:s19] =	ssyncset.done $0x0  }
0x82: {  	[sflag:s19] =	ssyncadd.s32 $0xFFFFD000  }
0x83: {  	[bflag:$0x0] =	sbarrier.arrive $0xFFFF  }
0x84: {  	s0 =	simm.s32 @p0 $0x1FC3;
	[bflag:$0x0] =	sbarrier.arrive $0xFFFF  }
0x85: {  	[hbm:s15], [sflag:s0] =	dma.local @p0 [spmem:s24], $0x2800  }
0x86: {  	s0 =	simm.s32 @p0 $0x3  }
0x87: {  	_ =	swait.ge @p0 [sflag:s0], $0x2800  }
0x88: {  	s3 =	sshll.u32 @!p0 s21, $0x6;
	s1 =	sadd.s32 $0x1, s1;
	[sflag:s0] =	ssyncset.done @p0 $0x0  }
0x89: {  	p1 =	sne.s32 s1, s16;
	[sflag:s0] =	ssyncadd.s32 @p0 $0xFFFFD800;
	s0 =	sor.u32 @!p0 $0x1C03, s3  }
0x8a: {  	[hbm:s14], [sflag:s0] =	dma.local @!p0 [spmem:s25], $0x2700  }
.Ltmp2:
0x8b: {  	_ = 	snop;
	(pc) =	sbr.rel @p1 .LBB2_1-.Ltmp2, $4  }
0x8c: {  	s0 =	simm.s32 @!p0 $0x3  }
0x8d: {  	_ =	swait.ge @!p0 [sflag:s0], $0x2700  }
0x8e: {  	[sflag:s0] =	ssyncset.done @!p0 $0x0  }
0x8f: {  	[sflag:s0] =	ssyncadd.s32 @!p0 $0xFFFFD900  }
0x90: {  	_ =	sfence.sel $0x180000  }
0x91: {  	[bflag:$0x0] =	sbarrier.arrive $0xFFFF  }
0x92: {  	_ =	strace $0x9000004D  }
0x93: {  	[bflag:$0x2] =	sbarrier.arrive $0xFFFF  }
0x94: {  	p0 =	sne.s32 s21, $0x0;
	s0 =	rddreg [dreg:$0x2]  }
0x95: {  	s0 =	sadd.s32 @!p0 $0x100000, s0  }
0x96: {  	[sflag:s0] =	ssyncadd.tile.s32 @!p0 $0x1;
	_ =	shalt  }
.Lfunc_end2:
_tile_overlayer_lowered:
.L_overlay_start_2:
0x97: {  	(tag) =	ssettag $0x2  }
0x98: {  	s0 =	rddreg [dreg:$0x0];
	s2 =	stileid.u32  }
0x99: {  	s1 =	rddreg [dreg:$0x1];
	p0 =	sne.s32 s2, $0x0  }
0x9a: {  	s3 =	rddreg [dreg:$0x2];
	[bflag:$0x3] =	sbarrier.arrive $0xFFFF;
	s2 =	simm.s32 @!p0 $0x1C03  }
0x9b: {  	[timem:s3], [sflag:s2] =	dma.local @!p0 [hbm:s0], s1  }
0x9c: {  	s0 =	simm.s32 @!p0 $0x3  }
0x9d: {  	_ =	swait.ge @!p0 [sflag:s0], s1  }
0x9e: {  	s1 =	ssub.s32 @!p0 $0x0, s1;
	[sflag:s0] =	ssyncset.done @!p0 $0x0  }
0x9f: {  	[sflag:s0] =	ssyncadd.s32 @!p0 s1  }
0xa0: {  	[bflag:$0x3] =	sbarrier.arrive $0xFFFF  }
0xa1: {  	_ =	shalt  }

// kernel: kernel.21.cloned.1.call-start
scs
__scs_entry_jumppad:
0x0: {  	(pc) =	sbr.rel $0x88, $3  }
0x1: {  	(tag) =	ssettag $0x0;
	lr =	simm.s32 $0x1  }
0x2: {  	[smem:$0x3F9A] =	sst lr;
	_ =	strace $0xD0000000  }
0x3: {  	_ = 	snop  }
0x4: {  	_ = 	snop  }
0x5: {  	_ = 	snop  }
0x6: {  	_ = 	snop  }
0x7: {  	_ = 	snop  }
__scs_overlays_trampoline_lowered:
0x8: {  	[smem:$0x3FA9] =	sst s0  }
0x9: {  	[smem:$0x3FAA] =	sst s1  }
0xa: {  	[smem:$0x3FAB] =	sst s2  }
0xb: {  	[smem:$0x3FAC] =	sst s3  }
0xc: {  	[smem:$0x3FAD] =	sst s4  }
0xd: {  	[smem:$0x3FAE] =	sst s5  }
0xe: {  	[smem:$0x3FAF] =	sst s6  }
0xf: {  	[smem:$0x3FB0] =	sst s7  }
0x10: {  	[smem:$0x3FB1] =	sst s8  }
0x11: {  	[smem:$0x3FB2] =	sst s9;
	s0 =	simm.s32 @!p0 $0x0  }
0x12: {  	s1 =	sld [smem:$0x3F98];
	s0 =	simm.s32 @p0 $0x1  }
0x13: {  	[smem:$0x3FB3] =	sst s0;
	s0 =	simm.s32 @!p1 $0x0  }
0x14: {  	s2 =	sld [smem:$0x3F97];
	s0 =	simm.s32 @p1 $0x1  }
0x15: {  	[smem:$0x3FB4] =	sst s0;
	s0 =	simm.s32 @!p2 $0x0  }
0x16: {  	s3 =	sld [smem:$0x3FDB];
	s0 =	simm.s32 @p2 $0x1  }
0x17: {  	s4 =	simm.s32 $0x1BF5;
	[smem:$0x3FB6] =	sst s0  }
0x18: {  	s0 =	sld [smem:$0x3F99];
	_ =	swait.ge [sflag:s4], $0x0  }
0x19: {  	s7 =	sld [smem:$0x3F9A]  }
0x1a: {  	s8 =	sadd.s32 $0xFFFFE003, lr  }
0x1b: {  	s9 =	sadd.s32 $0xFFFFFEF7, lr;
	s5 =	simm.s32 $0xFFFFFFFF;
	p2 =	slt.u32 s8, $0xFFFFF086  }
0x1c: {  	p1 =	slt.u32 s9, $0xF7A;
	s5 =	simm.s32 @!p2 $0x0  }
0x1d: {  	s5 =	simm.s32 @p1 $0x1;
	p0 =	seq.s32 s7, s2  }
0x1e: {  	s7 =	smul.u32 @!p0 $0xF7A, s2;
	p2 =	seq.s32 @!p0 s5, $0x0  }
0x1f: {  	s9 =	smul.u32 $0xF7A, s1;
	s8 =	simm.s32 @!p0 $0x1BF5;
	p2 =	por !p2, p0  }
0x20: {  	[sflag:s8] =	ssyncset.s32 @!p0 $0xFFFFF086;
	s6 =	sadd.s32 @!p0 s3, s7;
	s7 =	simm.s32 @!p0 $0x108  }
0x21: {  	s3 =	sadd.s32 s3, s9;
	s6 =	sadd.s32 @!p0 $0x88, s6;
	s7 =	simm.s32 @p2 $0x1082  }
0x22: {  	[simem:s7], [sflag:s8] =	dma.local @!p0 [hbm:s6], $0xF7A  }
0x23: {  	s9 =	sor.u32 $0xD0000000, s2;
	s6 =	simm.s32 $0x108;
	_ =	swait.ge @!p0 [sflag:s8], $0x0  }
0x24: {  	s3 =	sadd.s32 $0x88, s3;
	s6 =	simm.s32 @!p1 $0x1082;
	[sflag:s4] =	ssyncset.s32 $0xFFFFF086  }
0x25: {  	[simem:s6], [sflag:s4] =	dma.local [hbm:s3], $0xF7A  }
0x26: {  	[smem:$0x3F9A] =	sst s1;
	(tag) =	ssettag s2;
	_ =	strace s9  }
0x27: {  	s1 =	sld [smem:$0x3FAA]  }
0x28: {  	s2 =	sld [smem:$0x3FAB]  }
0x29: {  	s4 =	sld [smem:$0x3FAD]  }
0x2a: {  	p0 =	seq.s32 s5, $0x0;
	s5 =	sld [smem:$0x3FAE]  }
0x2b: {  	s6 =	sld [smem:$0x3FAF]  }
0x2c: {  	s7 =	sld [smem:$0x3FB0]  }
0x2d: {  	s3 =	simm.s32 $0x108;
	s8 =	sld [smem:$0x3FB1]  }
0x2e: {  	s3 =	simm.s32 @!p0 $0x1082;
	s9 =	sld [smem:$0x3FB2]  }
0x2f: {  	lr =	sadd.s32 s0, s3;
	s0 =	sld [smem:$0x3FA9]  }
0x30: {  	s3 =	sld [smem:$0x3FAC]  }
0x31: {  	[smem:$0x3FB5] =	sst s10  }
0x32: {  	s10 =	sld [smem:$0x3FB3];
	_ =	sdelay $0x3  }
0x33: {  	p0 =	seq.s32 s10, $0x1;
	s10 =	sld [smem:$0x3FB5];
	_ =	sdelay $0x3  }
0x34: {  	[smem:$0x3FB5] =	sst s10  }
0x35: {  	s10 =	sld [smem:$0x3FB4];
	_ =	sdelay $0x3  }
0x36: {  	p1 =	seq.s32 s10, $0x1;
	s10 =	sld [smem:$0x3FB5];
	_ =	sdelay $0x3  }
0x37: {  	[smem:$0x3FB5] =	sst s10  }
0x38: {  	s10 =	sld [smem:$0x3FB6]  }
0x39: {  	_ = 	snop;
	(pc) =	sbr.ind lr, $3  }
0x3a: {  	_ = 	snop  }
0x3b: {  	_ = 	snop  }
0x3c: {  	p2 =	seq.s32 s10, $0x1;
	s10 =	sld [smem:$0x3FB5]  }
0x3d: {  	_ =	shalt  }
0x3e: {  	_ =	shalt  }
0x3f: {  	_ =	shalt  }
0x40: {  	_ =	shalt  }
0x41: {  	_ =	shalt  }
0x42: {  	_ =	shalt  }
0x43: {  	_ =	shalt  }
0x44: {  	_ =	shalt  }
0x45: {  	_ =	shalt  }
0x46: {  	_ =	shalt  }
0x47: {  	_ =	shalt  }
0x48: {  	_ =	shalt  }
0x49: {  	_ =	shalt  }
0x4a: {  	_ =	shalt  }
0x4b: {  	_ =	shalt  }
0x4c: {  	_ =	shalt  }
0x4d: {  	_ =	shalt  }
0x4e: {  	_ =	shalt  }
0x4f: {  	_ =	shalt  }
0x50: {  	_ =	shalt  }
0x51: {  	_ =	shalt  }
0x52: {  	_ =	shalt  }
0x53: {  	_ =	shalt  }
0x54: {  	_ =	shalt  }
0x55: {  	_ =	shalt  }
0x56: {  	_ =	shalt  }
0x57: {  	_ =	shalt  }
0x58: {  	_ =	shalt  }
0x59: {  	_ =	shalt  }
0x5a: {  	_ =	shalt  }
0x5b: {  	_ =	shalt  }
0x5c: {  	_ =	shalt  }
0x5d: {  	_ =	shalt  }
0x5e: {  	_ =	shalt  }
0x5f: {  	_ =	shalt  }
0x60: {  	_ =	shalt  }
0x61: {  	_ =	shalt  }
0x62: {  	_ =	shalt  }
0x63: {  	_ =	shalt  }
0x64: {  	_ =	shalt  }
0x65: {  	_ =	shalt  }
0x66: {  	_ =	shalt  }
0x67: {  	_ =	shalt  }
0x68: {  	_ =	shalt  }
0x69: {  	_ =	shalt  }
0x6a: {  	_ =	shalt  }
0x6b: {  	_ =	shalt  }
0x6c: {  	_ =	shalt  }
0x6d: {  	_ =	shalt  }
0x6e: {  	_ =	shalt  }
0x6f: {  	_ =	shalt  }
0x70: {  	_ =	shalt  }
0x71: {  	_ =	shalt  }
0x72: {  	_ =	shalt  }
0x73: {  	_ =	shalt  }
0x74: {  	_ =	shalt  }
0x75: {  	_ =	shalt  }
0x76: {  	_ =	shalt  }
0x77: {  	_ =	shalt  }
0x78: {  	_ =	shalt  }
0x79: {  	_ =	shalt  }
0x7a: {  	_ =	shalt  }
0x7b: {  	_ =	shalt  }
0x7c: {  	_ =	shalt  }
0x7d: {  	_ =	shalt  }
0x7e: {  	_ =	shalt  }
0x7f: {  	_ =	shalt  }
0x80: {  	_ =	shalt  }
0x81: {  	_ =	shalt  }
0x82: {  	_ =	shalt  }
0x83: {  	_ =	shalt  }
0x84: {  	_ =	shalt  }
0x85: {  	_ =	shalt  }
0x86: {  	_ =	shalt  }
0x87: {  	_ =	shalt  }
.Lfunc_end0:
.L_simem_size_0:
called_computation.3_lowered:
.L_overlay_start_0:
0x88: {  	s2 =	sld [smem:$0x3FD9]  }
0x89: {  	s3 =	sld [smem:$0x3FFE];
	_ =	sdelay $0x1  }
0x8a: {  	s1 =	srdreg.scid  }
0x8b: {  	s0 =	sand.u32 $0x1, s1  }
0x8c: {  	s16 =	sshll.u32 s0, $0xA;
	s2 =	sadd.s32 s3, s2  }
0x8d: {  	s2 =	sadd.s32 s2, s16  }
0x8e: {  	[smem:$0x3FC1] =	sst s2  }
0x8f: {  	_ = 	snop  }
0x90: {  	(tm) =	ssettm $0x1  }
0x91: {  	s17 =	sld [smem:$0x3FFB];
	_ =	sdelay $0x3  }
0x92: {  	_ =	strace s17  }
0x93: {  	s2 =	sld [smem:$0x3FFC];
	_ =	sdelay $0x3  }
0x94: {  	_ =	strace s2  }
0x95: {  	s2 =	sld [smem:$0x3FFD];
	_ =	sdelay $0x3  }
0x96: {  	_ =	strace s2  }
0x97: {  	_ =	strace $0x8FFFFFFF  }
0x98: {  	s18 =	sld [smem:$0x3FDB];
	_ =	sdelay $0x1  }
0x99: {  	s19 =	simm.s32 $_scs_section_size  }
0x9a: {  	s4 =	simm.s32 $_size__tile_overlayer_lowered;
	s5 =	simm.s32 $_tile_overlayer_lowered  }
0x9b: {  	s22 =	simm.s32 $0x1BFF;
	s21 =	sshll.u32 s5, $0x1;
	s2 =	sadd.s32 s19, s18  }
0x9c: {  	s6 =	simm.s32 $0x0;
	s20 =	sshll.u32 s4, $0x1;
	s4 =	sadd.s32 s21, s2  }
0x9d: {  	[timem:s6], [sflag:s22] =	dma.local [hbm:s4], s20  }
0x9e: {  	_ =	swait.ge [sflag:s22], s20  }
0x9f: {  	s3 =	ssub.s32 $0x0, s20;
	[sflag:s22] =	ssyncset.done $0x0  }
0xa0: {  	[sflag:s22] =	ssyncadd.s32 s3;
	_ =	sdelay $0x1  }
0xa1: {  	s23 =	simm.s32 $0x1B8B  }
0xa2: {  	_ =	swait.ge [sflag:s23], $0x1  }
0xa3: {  	[sflag:s23] =	ssyncset.done $0x0  }
0xa4: {  	s25 =	simm.s32 $0x1B8E;
	s24 =	sld [smem:$0x3FFE];
	[sflag:s23] =	ssyncadd.s32 $0xFFFFFFFF  }
0xa5: {  	s26 =	simm.s32 $execute0_lowered;
	[smem:$0x3FD2] =	sst s25  }
0xa6: {  	s4 =	sshll.u32 s26, $0x1;
	_ =	strace $0x8000004F;
	[dreg:$0x1] =	wrdreg $0xFFFFFFFF  }
0xa7: {  	s28 =	simm.s32 $_size_execute0_lowered;
	s2 =	sadd.s32 s2, s4;
	[dreg:$0x0] =	wrdreg $0x0  }
0xa8: {  	s4 =	sshll.u32 s28, $0x1;
	[dreg:$0x2] =	wrdreg s2  }
0xa9: {  	[dreg:$0x3] =	wrdreg s4  }
0xaa: {  	[dreg:$0x4] =	wrdreg $0xC0  }
0xab: {  	_ =	task [dreg:s6], $0x5FFFF  }
0xac: {  	[dreg:$0x1] =	wrdreg $0xFFFFFFFF  }
0xad: {  	[dreg:$0x0] =	wrdreg $0x60  }
0xae: {  	[dreg:$0x2] =	wrdreg s24  }
0xaf: {  	[dreg:$0x3] =	wrdreg $0xC0000  }
0xb0: {  	[dreg:$0x4] =	wrdreg $0x9  }
0xb1: {  	_ =	task.clear_ibuf [dreg:s6], $0x5FFFF;
	_ =	strace $0x9000004F  }
0xb2: {  	s29 =	simm.s32 $0x9;
	_ =	strace $0x80000051  }
0xb3: {  	_ =	swait.ge [sflag:s29], $0x1  }
0xb4: {  	[sflag:s29] =	ssyncadd.s32 $0xFFFFFFFF  }
0xb5: {  	_ =	strace $0x90000051  }
0xb6: {  	_ =	sfence  }
0xb7: {  	s30 =	sld [smem:$0x0];
	_ =	sdelay $0x2  }
0xb8: {  	s31 =	sshll.u32 s1, $0xD;
	s1 =	sshrl.u32 s1, $0x2  }
0xb9: {  	s3 =	sand.u32 $0x4000, s31;
	s1 =	sadd.s32 s1, s30  }
0xba: {  	s0 =	sor.u32 s3, s0;
	s1 =	sshll.u32 s1, $0x11  }
0xbb: {  	s0 =	sor.u32 s1, s0  }
0xbc: {  	s0 =	sadd.s32 $0x8F2B, s0  }
0xbd: {  	[sflag:s0] =	ssyncadd.remote.s32 $0x1  }
0xbe: {  	_ =	sfence.sel $0xFFFF  }
0xbf: {  	[dreg:$0x0] =	wrdreg $0xFFFFFFFF;
	(pc) =	sbr.abs _section_cstart, $3  }
0xc0: {  	[dreg:$0x1] =	wrdreg $0xFFFFFFFF  }
0xc1: {  	_ =	task.clear_ibuf [dreg:s6], $0x2FFFF;
	_ =	strace $0x9FFFFFFF  }
0xc2: {  	(tm) =	ssettm $0x7FFFFFFF  }
0xc3: {  	_ =	shalt  }
tec
execute0_lowered:
.L_overlay_start_1:
0x0: {  	(tag) =	ssettag $0x1  }
0x1: {  	s0 =	rddreg [dreg:$0x0];
	s1 =	srdreg.scid  }
0x2: {  	s17 =	stileid.u32;
	s2 =	rddreg [dreg:$0x1];
	s6 =	simm.s32 $0x0  }
0x3: {  	s19 =	simm.s32 $0x3;
	s20 =	simm.s32 $0x6000;
	s22 =	simm.s32 $0x60  }
0x4: {  	s21 =	stileid.u32;
	s23 =	simm.s32 $0x1;
	s28 =	simm.s32 $0x2  }
0x5: {  	s29 =	simm.s32 $0x2760;
	s30 =	simm.s32 $0x5C00;
	s25 =	smul.u32 $0x4F000, s17  }
0x6: {  	s31 =	simm.s32 $0x5C80;
	s1 =	sand.u32 $0x1, s1;
	s14 =	smul.u32 $0x13800, s17  }
0x7: {  	s3 =	sshll.u32 s17, $0x1;
	s4 =	sshrl.u32 s17, $0x2;
	s15 =	smul.u32 $0x4E000, s17  }
0x8: {  	[smem:$0x7FF] =	sst s6;
	p0 =	seq.s32 s17, $0xF;
	s4 =	smul.u32 $0x14000, s4  }
0x9: {  	s3 =	sor.u32 s1, s3;
	s7 =	ssub.s32 $0x2, s1;
	s1 =	smul.u32 $0x138800, s1  }
0xa: {  	_ =	strace $0x80000050;
	s5 =	sshll.u32 s3, $0x7;
	s3 =	smul.u32 $0x700, s3  }
0xb: {  	s8 =	sshrl.u32 s7, $0x1;
	s6 =	sshrl.u32 s25, $0x2;
	s15 =	sshrl.u32 s15, $0x2  }
0xc: {  	s5 =	sand.u32 $0x380, s5;
	s16 =	ssub.s32 s7, s8;
	s6 =	sadd.s32 s6, s2  }
0xd: {  	s26 =	sadd.s32 s14, s1;
	s1 =	sshrl.u32 s1, $0x3;
	s5 =	sor.u32 s4, s5  }
0xe: {  	s4 =	sadd.s32 $0x1B600, s0;
	s3 =	sadd.s32 s3, s0;
	s7 =	sadd.s32 $0x3000, s6  }
0xf: {  	s8 =	sadd.s32 $0x6000, s6;
	s9 =	sadd.s32 $0x9000, s6;
	s10 =	sadd.s32 $0xC000, s6  }
0x10: {  	s11 =	sadd.s32 $0xF000, s6;
	s12 =	sadd.s32 $0x12000, s6;
	s16 =	smax.u32 s16, $0x1  }
0x11: {  	s5 =	sshrl.u32 s5, $0x3;
	s13 =	sadd.s32 $0x3600, s3;
	s3 =	sshrl.u32 s26, $0x3  }
0x12: {  	s26 =	simm.s32 $0x9000;
	s5 =	sadd.s32 s5, s0;
	s0 =	sadd.s32 $0x42800, s0  }
0x13: {  	s5 =	sadd.s32 $0x11600, s5;
	s1 =	sadd.s32 s0, s1;
	s14 =	sadd.s32 s0, s3  }
0x14: {  	s0 =	sadd.s32 s15, s2;
	s15 =	sadd.s32 $0x24900, s1;
	s1 =	sadd.s32 $0x124800, s2  }
0x15: {  	v0 =	vimm.f32 $0.0e+00;
	s25 =	sshrl.u32 @!p0 s0, $0x3;
	s24 =	sshrl.u32 @p0 s1, $0x3;
	s1 =	simm.s32 $0x0  }
.LBB2_1:
0x16: {  	s0 =	simm.s32 $0x0;
	s3 =	simm.s32 $0x80;
	s17 =	simm.s32 $0x400  }
0x17: {  	[tilespmem:s0], [sflag:$0x3] =	stream.strided.gather [hbm4b:s5+s3], $0x2800, s17, s3, $0x38;
	[tilespmem:$0x1FC00] =	vst v63  }
0x18: {  	_ =	swait.ge [sflag:s19], $0x2800  }
0x19: {  	[sflag:s19] =	ssyncset.done $0x0  }
0x1a: {  	s0 =	simm.s32 $0x70;
	s3 =	simm.s32 $0x3C0;
	[sflag:s19] =	ssyncadd.s32 $0xFFFFD800  }
.LBB2_2:
0x1b: {  	p1 =	sne.s32 s3, $0xBFC0;
	[tilespmem:s0+$0x6000] =	vst v0  }
0x1c: {  	[tilespmem:s0+$0x5F90] =	vst v0  }
0x1d: {  	[tilespmem:s0+$0x5FA0] =	vst v0  }
.Ltmp0:
0x1e: {  	[tilespmem:s0+$0x5FB0] =	vst v0;
	(pc) =	sbr.rel @p1 .LBB2_2-.Ltmp0, $4  }
0x1f: {  	[tilespmem:s0+$0x5FC0] =	vst v0  }
0x20: {  	[tilespmem:s0+$0x5FD0] =	vst v0  }
0x21: {  	[tilespmem:s0+$0x5FE0] =	vst v0  }
0x22: {  	[tilespmem:s0+$0x5FF0] =	vst v0;
	s0 =	sshra.s32 s3, $0x2;
	s3 =	sadd.s32 $0x200, s3  }
0x23: {  	[tilespmem:s0+$0x6000] =	vst v0  }
0x24: {  	[tilespmem:s0+$0x5F90] =	vst v0  }
0x25: {  	[tilespmem:s0+$0x5FA0] =	vst v0  }
0x26: {  	[tilespmem:s0+$0x5FB0] =	vst v0  }
0x27: {  	[tilespmem:s0+$0x5FC0] =	vst v0  }
0x28: {  	[tilespmem:s0+$0x5FD0] =	vst v0  }
0x29: {  	[tilespmem:s0+$0x5FE0] =	vst v0  }
0x2a: {  	[tilespmem:s0+$0x5FF0] =	vst v0  }
0x2b: {  	[spmem:s6] =	stream.linear.scatter [tilespmem:s20], [sflag:$0x3], $0x3000, $0x38;
	[tilespmem:$0x1FC00] =	vst v63  }
0x2c: {  	_ =	swait.ge [sflag:s19], $0x3000  }
0x2d: {  	[sflag:s19] =	ssyncset.done $0x0  }
0x2e: {  	[sflag:s19] =	ssyncadd.s32 $0xFFFFD000  }
0x2f: {  	[spmem:s7] =	stream.linear.scatter [tilespmem:s20], [sflag:$0x3], $0x3000, $0x38;
	[tilespmem:$0x1FC00] =	vst v63  }
0x30: {  	_ =	swait.ge [sflag:s19], $0x3000  }
0x31: {  	[sflag:s19] =	ssyncset.done $0x0  }
0x32: {  	[sflag:s19] =	ssyncadd.s32 $0xFFFFD000  }
0x33: {  	[spmem:s8] =	stream.linear.scatter [tilespmem:s20], [sflag:$0x3], $0x3000, $0x38;
	[tilespmem:$0x1FC00] =	vst v63  }
0x34: {  	_ =	swait.ge [sflag:s19], $0x3000  }
0x35: {  	[sflag:s19] =	ssyncset.done $0x0  }
0x36: {  	[sflag:s19] =	ssyncadd.s32 $0xFFFFD000  }
0x37: {  	[spmem:s9] =	stream.linear.scatter [tilespmem:s20], [sflag:$0x3], $0x3000, $0x38;
	[tilespmem:$0x1FC00] =	vst v63  }
0x38: {  	_ =	swait.ge [sflag:s19], $0x3000  }
0x39: {  	[sflag:s19] =	ssyncset.done $0x0  }
0x3a: {  	[sflag:s19] =	ssyncadd.s32 $0xFFFFD000  }
0x3b: {  	[spmem:s10] =	stream.linear.scatter [tilespmem:s20], [sflag:$0x3], $0x3000, $0x38;
	[tilespmem:$0x1FC00] =	vst v63  }
0x3c: {  	_ =	swait.ge [sflag:s19], $0x3000  }
0x3d: {  	[sflag:s19] =	ssyncset.done $0x0  }
0x3e: {  	[sflag:s19] =	ssyncadd.s32 $0xFFFFD000  }
0x3f: {  	[spmem:s11] =	stream.linear.scatter [tilespmem:s20], [sflag:$0x3], $0x3000, $0x38;
	[tilespmem:$0x1FC00] =	vst v63  }
0x40: {  	_ =	swait.ge [sflag:s19], $0x3000  }
0x41: {  	[sflag:s19] =	ssyncset.done $0x0  }
0x42: {  	[sflag:s19] =	ssyncadd.s32 $0xFFFFD000  }
0x43: {  	[spmem:s12] =	stream.linear.scatter [tilespmem:s20], [sflag:$0x3], $0x1C00, $0x38;
	[tilespmem:$0x1FC00] =	vst v63  }
0x44: {  	_ =	swait.ge [sflag:s19], $0x1C00  }
0x45: {  	[sflag:s19] =	ssyncset.done $0x0  }
0x46: {  	[sflag:s19] =	ssyncadd.s32 $0xFFFFE400  }
0x47: {  	s18 =	simm.s32 $0x0;
	s3 =	simm.s32 $0x2800;
	[bflag:$0x0] =	sbarrier.arrive $0xFFFF  }
0x48: {  	[tilespmem:s3], [sflag:$0x3] =	stream.linear.gather [hbm4b:s13+s18], $0x3500, $0x38;
	[tilespmem:$0x1FC00] =	vst v63  }
0x49: {  	_ =	swait.ge [sflag:s19], $0x3500  }
0x4a: {  	[sflag:s19] =	ssyncset.done $0x0  }
0x4b: {  	[sflag:s19] =	ssyncadd.s32 $0xFFFFCB00  }
0x4c: {  	[tilespmem:s20], [sflag:$0x1] =	stream.indirect.gather [hbm4b:s4+s22], $0x80, s18, s22, $0xb8;
	[tilespmem:$0x1FC00] =	vst v63  }
0x4d: {  	_ =	swait.ge [sflag:s23], $0x3000  }
0x4e: {  	[sflag:s23] =	ssyncset.done $0x0  }
0x4f: {  	s3 =	simm.s32 $0x60;
	[sflag:s23] =	ssyncadd.s32 $0xFFFFD000  }
0x50: {  	[tilespmem:s26], [sflag:$0x2] =	stream.indirect.gather [hbm4b:s4+s22], $0x80, s3, s22, $0xb8;
	[tilespmem:$0x1FC00] =	vst v63  }
0x51: {  	s17 =	simm.s32 $0x2800  }
0x52: {  	[spmem:s2] =	stream.indirect.scatter.add.f32 [tilespmem:s20], [sflag:$0x3], $0x80, s17, s22, $0xb8;
	[tilespmem:$0x1FC00] =	vst v63  }
0x53: {  	_ =	swait.ge [sflag:s19], $0x3000  }
0x54: {  	[sflag:s19] =	ssyncset.done $0x0  }
0x55: {  	[sflag:s19] =	ssyncadd.s32 $0xFFFFD000  }
0x56: {  	_ =	swait.ge [sflag:s28], $0x3000  }
0x57: {  	[sflag:s28] =	ssyncset.done $0x0  }
0x58: {  	s3 =	simm.s32 $0xC0;
	[sflag:s28] =	ssyncadd.s32 $0xFFFFD000  }
0x59: {  	[tilespmem:s20], [sflag:$0x1] =	stream.indirect.gather [hbm4b:s4+s22], $0x80, s3, s22, $0xb8;
	[tilespmem:$0x1FC00] =	vst v63  }
0x5a: {  	s18 =	simm.s32 $0x2880  }
0x5b: {  	[spmem:s2] =	stream.indirect.scatter.add.f32 [tilespmem:s26], [sflag:$0x3], $0x80, s18, s22, $0xb8;
	[tilespmem:$0x1FC00] =	vst v63  }
0x5c: {  	_ =	swait.ge [sflag:s19], $0x3000  }
0x5d: {  	s0 =	simm.s32 $0x400;
	[sflag:s19] =	ssyncset.done $0x0  }
.LBB2_4:
0x5e: {  	p1 =	sne.s32 s0, $0xCC00;
	[sflag:s19] =	ssyncadd.s32 $0xFFFFD000;
	s3 =	sadd.s32 $0xC0, s3  }
0x5f: {  	s17 =	smov.u32 s0;
	s0 =	sadd.s32 $0x400, s0  }
0x60: {  	_ =	swait.ge [sflag:s23], $0x3000  }
0x61: {  	[sflag:s23] =	ssyncset.done $0x0  }
0x62: {  	s18 =	sadd.s32 $0xFFFFFFA0, s3;
	s17 =	sshra.s32 s17, $0x2;
	[sflag:s23] =	ssyncadd.s32 $0xFFFFD000  }
0x63: {  	[tilespmem:s26], [sflag:$0x2] =	stream.indirect.gather [hbm4b:s4+s22], $0x80, s18, s22, $0xb8;
	[tilespmem:$0x1FC00] =	vst v63  }
0x64: {  	s18 =	sadd.s32 $0x2800, s17  }
0x65: {  	[spmem:s2] =	stream.indirect.scatter.add.f32 [tilespmem:s20], [sflag:$0x3], $0x80, s18, s22, $0xb8;
	[tilespmem:$0x1FC00] =	vst v63  }
0x66: {  	_ =	swait.ge [sflag:s19], $0x3000  }
0x67: {  	[sflag:s19] =	ssyncset.done $0x0  }
0x68: {  	[sflag:s19] =	ssyncadd.s32 $0xFFFFD000  }
0x69: {  	_ =	swait.ge [sflag:s28], $0x3000  }
0x6a: {  	[sflag:s28] =	ssyncset.done $0x0  }
0x6b: {  	[sflag:s28] =	ssyncadd.s32 $0xFFFFD000  }
0x6c: {  	[tilespmem:s20], [sflag:$0x1] =	stream.indirect.gather [hbm4b:s4+s22], $0x80, s3, s22, $0xb8;
	[tilespmem:$0x1FC00] =	vst v63  }
.Ltmp1:
0x6d: {  	_ = 	snop;
	(pc) =	sbr.rel @p1 .LBB2_4-.Ltmp1, $4  }
0x6e: {  	s17 =	sadd.s32 $0x2880, s17  }
0x6f: {  	[spmem:s2] =	stream.indirect.scatter.add.f32 [tilespmem:s26], [sflag:$0x3], $0x80, s17, s22, $0xb8;
	[tilespmem:$0x1FC00] =	vst v63  }
0x70: {  	_ =	swait.ge [sflag:s19], $0x3000  }
0x71: {  	[sflag:s19] =	ssyncset.done $0x0  }
0x72: {  	[sflag:s19] =	ssyncadd.s32 $0xFFFFD000  }
0x73: {  	_ =	swait.ge [sflag:s23], $0x3000  }
0x74: {  	[sflag:s23] =	ssyncset.done $0x0  }
0x75: {  	[sflag:s23] =	ssyncadd.s32 $0xFFFFD000  }
0x76: {  	[tilespmem:s26], [sflag:$0x2] =	stream.indirect.gather [hbm4b:s4+s22], $0x80, s29, s22, $0xb8;
	[tilespmem:$0x1FC00] =	vst v63  }
0x77: {  	_ = 	snop  }
0x78: {  	[spmem:s2] =	stream.indirect.scatter.add.f32 [tilespmem:s20], [sflag:$0x3], $0x80, s30, s22, $0xb8;
	[tilespmem:$0x1FC00] =	vst v63  }
0x79: {  	_ =	swait.ge [sflag:s19], $0x3000  }
0x7a: {  	[sflag:s19] =	ssyncset.done $0x0  }
0x7b: {  	[sflag:s19] =	ssyncadd.s32 $0xFFFFD000  }
0x7c: {  	_ =	swait.ge [sflag:s28], $0x3000  }
0x7d: {  	[sflag:s28] =	ssyncset.done $0x0  }
0x7e: {  	[sflag:s28] =	ssyncadd.s32 $0xFFFFD000  }
0x7f: {  	[spmem:s2] =	stream.indirect.scatter.add.f32 [tilespmem:s26], [sflag:$0x3], $0x80, s31, s22, $0xb8;
	[tilespmem:$0x1FC00] =	vst v63  }
0x80: {  	_ =	swait.ge [sflag:s19], $0x3000  }
0x81: {  	[sflag:s19] =	ssyncset.done $0x0  }
0x82: {  	[sflag:s19] =	ssyncadd.s32 $0xFFFFD000  }
0x83: {  	[bflag:$0x0] =	sbarrier.arrive $0xFFFF  }
0x84: {  	s0 =	simm.s32 @p0 $0x1FC3;
	[bflag:$0x0] =	sbarrier.arrive $0xFFFF  }
0x85: {  	[hbm:s15], [sflag:s0] =	dma.local @p0 [spmem:s24], $0x2800  }
0x86: {  	s0 =	simm.s32 @p0 $0x3  }
0x87: {  	_ =	swait.ge @p0 [sflag:s0], $0x2800  }
0x88: {  	s3 =	sshll.u32 @!p0 s21, $0x6;
	s1 =	sadd.s32 $0x1, s1;
	[sflag:s0] =	ssyncset.done @p0 $0x0  }
0x89: {  	p1 =	sne.s32 s1, s16;
	[sflag:s0] =	ssyncadd.s32 @p0 $0xFFFFD800;
	s0 =	sor.u32 @!p0 $0x1C03, s3  }
0x8a: {  	[hbm:s14], [sflag:s0] =	dma.local @!p0 [spmem:s25], $0x2700  }
.Ltmp2:
0x8b: {  	_ = 	snop;
	(pc) =	sbr.rel @p1 .LBB2_1-.Ltmp2, $4  }
0x8c: {  	s0 =	simm.s32 @!p0 $0x3  }
0x8d: {  	_ =	swait.ge @!p0 [sflag:s0], $0x2700  }
0x8e: {  	[sflag:s0] =	ssyncset.done @!p0 $0x0  }
0x8f: {  	[sflag:s0] =	ssyncadd.s32 @!p0 $0xFFFFD900  }
0x90: {  	_ =	sfence.sel $0x180000  }
0x91: {  	[bflag:$0x0] =	sbarrier.arrive $0xFFFF  }
0x92: {  	_ =	strace $0x90000050  }
0x93: {  	[bflag:$0x2] =	sbarrier.arrive $0xFFFF  }
0x94: {  	p0 =	sne.s32 s21, $0x0;
	s0 =	rddreg [dreg:$0x2]  }
0x95: {  	s0 =	sadd.s32 @!p0 $0x100000, s0  }
0x96: {  	[sflag:s0] =	ssyncadd.tile.s32 @!p0 $0x1;
	_ =	shalt  }
.Lfunc_end2:
_tile_overlayer_lowered:
.L_overlay_start_2:
0x97: {  	(tag) =	ssettag $0x2  }
0x98: {  	s0 =	rddreg [dreg:$0x0];
	s2 =	stileid.u32  }
0x99: {  	s1 =	rddreg [dreg:$0x1];
	p0 =	sne.s32 s2, $0x0  }
0x9a: {  	s3 =	rddreg [dreg:$0x2];
	[bflag:$0x3] =	sbarrier.arrive $0xFFFF;
	s2 =	simm.s32 @!p0 $0x1C03  }
0x9b: {  	[timem:s3], [sflag:s2] =	dma.local @!p0 [hbm:s0], s1  }
0x9c: {  	s0 =	simm.s32 @!p0 $0x3  }
0x9d: {  	_ =	swait.ge @!p0 [sflag:s0], s1  }
0x9e: {  	s1 =	ssub.s32 @!p0 $0x0, s1;
	[sflag:s0] =	ssyncset.done @!p0 $0x0  }
0x9f: {  	[sflag:s0] =	ssyncadd.s32 @!p0 s1  }
0xa0: {  	[bflag:$0x3] =	sbarrier.arrive $0xFFFF  }
0xa1: {  	_ =	shalt  }

// kernel: kernel.24.cloned.1.call-start
scs
__scs_entry_jumppad:
0x0: {  	(pc) =	sbr.rel $0x88, $3  }
0x1: {  	(tag) =	ssettag $0x0;
	lr =	simm.s32 $0x1  }
0x2: {  	[smem:$0x3F9A] =	sst lr;
	_ =	strace $0xD0000000  }
0x3: {  	_ = 	snop  }
0x4: {  	_ = 	snop  }
0x5: {  	_ = 	snop  }
0x6: {  	_ = 	snop  }
0x7: {  	_ = 	snop  }
__scs_overlays_trampoline_lowered:
0x8: {  	[smem:$0x3FA9] =	sst s0  }
0x9: {  	[smem:$0x3FAA] =	sst s1  }
0xa: {  	[smem:$0x3FAB] =	sst s2  }
0xb: {  	[smem:$0x3FAC] =	sst s3  }
0xc: {  	[smem:$0x3FAD] =	sst s4  }
0xd: {  	[smem:$0x3FAE] =	sst s5  }
0xe: {  	[smem:$0x3FAF] =	sst s6  }
0xf: {  	[smem:$0x3FB0] =	sst s7  }
0x10: {  	[smem:$0x3FB1] =	sst s8  }
0x11: {  	[smem:$0x3FB2] =	sst s9;
	s0 =	simm.s32 @!p0 $0x0  }
0x12: {  	s1 =	sld [smem:$0x3F98];
	s0 =	simm.s32 @p0 $0x1  }
0x13: {  	[smem:$0x3FB3] =	sst s0;
	s0 =	simm.s32 @!p1 $0x0  }
0x14: {  	s2 =	sld [smem:$0x3F97];
	s0 =	simm.s32 @p1 $0x1  }
0x15: {  	[smem:$0x3FB4] =	sst s0;
	s0 =	simm.s32 @!p2 $0x0  }
0x16: {  	s3 =	sld [smem:$0x3FDB];
	s0 =	simm.s32 @p2 $0x1  }
0x17: {  	s4 =	simm.s32 $0x1BF5;
	[smem:$0x3FB6] =	sst s0  }
0x18: {  	s0 =	sld [smem:$0x3F99];
	_ =	swait.ge [sflag:s4], $0x0  }
0x19: {  	s7 =	sld [smem:$0x3F9A]  }
0x1a: {  	s8 =	sadd.s32 $0xFFFFE003, lr  }
0x1b: {  	s9 =	sadd.s32 $0xFFFFFEF7, lr;
	s5 =	simm.s32 $0xFFFFFFFF;
	p2 =	slt.u32 s8, $0xFFFFF086  }
0x1c: {  	p1 =	slt.u32 s9, $0xF7A;
	s5 =	simm.s32 @!p2 $0x0  }
0x1d: {  	s5 =	simm.s32 @p1 $0x1;
	p0 =	seq.s32 s7, s2  }
0x1e: {  	s7 =	smul.u32 @!p0 $0xF7A, s2;
	p2 =	seq.s32 @!p0 s5, $0x0  }
0x1f: {  	s9 =	smul.u32 $0xF7A, s1;
	s8 =	simm.s32 @!p0 $0x1BF5;
	p2 =	por !p2, p0  }
0x20: {  	[sflag:s8] =	ssyncset.s32 @!p0 $0xFFFFF086;
	s6 =	sadd.s32 @!p0 s3, s7;
	s7 =	simm.s32 @!p0 $0x108  }
0x21: {  	s3 =	sadd.s32 s3, s9;
	s6 =	sadd.s32 @!p0 $0x88, s6;
	s7 =	simm.s32 @p2 $0x1082  }
0x22: {  	[simem:s7], [sflag:s8] =	dma.local @!p0 [hbm:s6], $0xF7A  }
0x23: {  	s9 =	sor.u32 $0xD0000000, s2;
	s6 =	simm.s32 $0x108;
	_ =	swait.ge @!p0 [sflag:s8], $0x0  }
0x24: {  	s3 =	sadd.s32 $0x88, s3;
	s6 =	simm.s32 @!p1 $0x1082;
	[sflag:s4] =	ssyncset.s32 $0xFFFFF086  }
0x25: {  	[simem:s6], [sflag:s4] =	dma.local [hbm:s3], $0xF7A  }
0x26: {  	[smem:$0x3F9A] =	sst s1;
	(tag) =	ssettag s2;
	_ =	strace s9  }
0x27: {  	s1 =	sld [smem:$0x3FAA]  }
0x28: {  	s2 =	sld [smem:$0x3FAB]  }
0x29: {  	s4 =	sld [smem:$0x3FAD]  }
0x2a: {  	p0 =	seq.s32 s5, $0x0;
	s5 =	sld [smem:$0x3FAE]  }
0x2b: {  	s6 =	sld [smem:$0x3FAF]  }
0x2c: {  	s7 =	sld [smem:$0x3FB0]  }
0x2d: {  	s3 =	simm.s32 $0x108;
	s8 =	sld [smem:$0x3FB1]  }
0x2e: {  	s3 =	simm.s32 @!p0 $0x1082;
	s9 =	sld [smem:$0x3FB2]  }
0x2f: {  	lr =	sadd.s32 s0, s3;
	s0 =	sld [smem:$0x3FA9]  }
0x30: {  	s3 =	sld [smem:$0x3FAC]  }
0x31: {  	[smem:$0x3FB5] =	sst s10  }
0x32: {  	s10 =	sld [smem:$0x3FB3];
	_ =	sdelay $0x3  }
0x33: {  	p0 =	seq.s32 s10, $0x1;
	s10 =	sld [smem:$0x3FB5];
	_ =	sdelay $0x3  }
0x34: {  	[smem:$0x3FB5] =	sst s10  }
0x35: {  	s10 =	sld [smem:$0x3FB4];
	_ =	sdelay $0x3  }
0x36: {  	p1 =	seq.s32 s10, $0x1;
	s10 =	sld [smem:$0x3FB5];
	_ =	sdelay $0x3  }
0x37: {  	[smem:$0x3FB5] =	sst s10  }
0x38: {  	s10 =	sld [smem:$0x3FB6]  }
0x39: {  	_ = 	snop;
	(pc) =	sbr.ind lr, $3  }
0x3a: {  	_ = 	snop  }
0x3b: {  	_ = 	snop  }
0x3c: {  	p2 =	seq.s32 s10, $0x1;
	s10 =	sld [smem:$0x3FB5]  }
0x3d: {  	_ =	shalt  }
0x3e: {  	_ =	shalt  }
0x3f: {  	_ =	shalt  }
0x40: {  	_ =	shalt  }
0x41: {  	_ =	shalt  }
0x42: {  	_ =	shalt  }
0x43: {  	_ =	shalt  }
0x44: {  	_ =	shalt  }
0x45: {  	_ =	shalt  }
0x46: {  	_ =	shalt  }
0x47: {  	_ =	shalt  }
0x48: {  	_ =	shalt  }
0x49: {  	_ =	shalt  }
0x4a: {  	_ =	shalt  }
0x4b: {  	_ =	shalt  }
0x4c: {  	_ =	shalt  }
0x4d: {  	_ =	shalt  }
0x4e: {  	_ =	shalt  }
0x4f: {  	_ =	shalt  }
0x50: {  	_ =	shalt  }
0x51: {  	_ =	shalt  }
0x52: {  	_ =	shalt  }
0x53: {  	_ =	shalt  }
0x54: {  	_ =	shalt  }
0x55: {  	_ =	shalt  }
0x56: {  	_ =	shalt  }
0x57: {  	_ =	shalt  }
0x58: {  	_ =	shalt  }
0x59: {  	_ =	shalt  }
0x5a: {  	_ =	shalt  }
0x5b: {  	_ =	shalt  }
0x5c: {  	_ =	shalt  }
0x5d: {  	_ =	shalt  }
0x5e: {  	_ =	shalt  }
0x5f: {  	_ =	shalt  }
0x60: {  	_ =	shalt  }
0x61: {  	_ =	shalt  }
0x62: {  	_ =	shalt  }
0x63: {  	_ =	shalt  }
0x64: {  	_ =	shalt  }
0x65: {  	_ =	shalt  }
0x66: {  	_ =	shalt  }
0x67: {  	_ =	shalt  }
0x68: {  	_ =	shalt  }
0x69: {  	_ =	shalt  }
0x6a: {  	_ =	shalt  }
0x6b: {  	_ =	shalt  }
0x6c: {  	_ =	shalt  }
0x6d: {  	_ =	shalt  }
0x6e: {  	_ =	shalt  }
0x6f: {  	_ =	shalt  }
0x70: {  	_ =	shalt  }
0x71: {  	_ =	shalt  }
0x72: {  	_ =	shalt  }
0x73: {  	_ =	shalt  }
0x74: {  	_ =	shalt  }
0x75: {  	_ =	shalt  }
0x76: {  	_ =	shalt  }
0x77: {  	_ =	shalt  }
0x78: {  	_ =	shalt  }
0x79: {  	_ =	shalt  }
0x7a: {  	_ =	shalt  }
0x7b: {  	_ =	shalt  }
0x7c: {  	_ =	shalt  }
0x7d: {  	_ =	shalt  }
0x7e: {  	_ =	shalt  }
0x7f: {  	_ =	shalt  }
0x80: {  	_ =	shalt  }
0x81: {  	_ =	shalt  }
0x82: {  	_ =	shalt  }
0x83: {  	_ =	shalt  }
0x84: {  	_ =	shalt  }
0x85: {  	_ =	shalt  }
0x86: {  	_ =	shalt  }
0x87: {  	_ =	shalt  }
.Lfunc_end0:
.L_simem_size_0:
called_computation.4_lowered:
.L_overlay_start_0:
0x88: {  	s2 =	sld [smem:$0x3FD9]  }
0x89: {  	s3 =	sld [smem:$0x3FFE];
	_ =	sdelay $0x1  }
0x8a: {  	s1 =	srdreg.scid  }
0x8b: {  	s0 =	sand.u32 $0x1, s1  }
0x8c: {  	s16 =	sshll.u32 s0, $0xA;
	s2 =	sadd.s32 s3, s2  }
0x8d: {  	s2 =	sadd.s32 s2, s16  }
0x8e: {  	[smem:$0x3FC1] =	sst s2  }
0x8f: {  	_ = 	snop  }
0x90: {  	(tm) =	ssettm $0x1  }
0x91: {  	s17 =	sld [smem:$0x3FFB];
	_ =	sdelay $0x3  }
0x92: {  	_ =	strace s17  }
0x93: {  	s2 =	sld [smem:$0x3FFC];
	_ =	sdelay $0x3  }
0x94: {  	_ =	strace s2  }
0x95: {  	s2 =	sld [smem:$0x3FFD];
	_ =	sdelay $0x3  }
0x96: {  	_ =	strace s2  }
0x97: {  	_ =	strace $0x8FFFFFFF  }
0x98: {  	s18 =	sld [smem:$0x3FDB];
	_ =	sdelay $0x1  }
0x99: {  	s19 =	simm.s32 $_scs_section_size  }
0x9a: {  	s4 =	simm.s32 $_size__tile_overlayer_lowered;
	s5 =	simm.s32 $_tile_overlayer_lowered  }
0x9b: {  	s22 =	simm.s32 $0x1BFF;
	s21 =	sshll.u32 s5, $0x1;
	s2 =	sadd.s32 s19, s18  }
0x9c: {  	s6 =	simm.s32 $0x0;
	s20 =	sshll.u32 s4, $0x1;
	s4 =	sadd.s32 s21, s2  }
0x9d: {  	[timem:s6], [sflag:s22] =	dma.local [hbm:s4], s20  }
0x9e: {  	_ =	swait.ge [sflag:s22], s20  }
0x9f: {  	s3 =	ssub.s32 $0x0, s20;
	[sflag:s22] =	ssyncset.done $0x0  }
0xa0: {  	[sflag:s22] =	ssyncadd.s32 s3;
	_ =	sdelay $0x1  }
0xa1: {  	s23 =	simm.s32 $0x1B8B  }
0xa2: {  	_ =	swait.ge [sflag:s23], $0x1  }
0xa3: {  	[sflag:s23] =	ssyncset.done $0x0  }
0xa4: {  	s25 =	simm.s32 $0x1B8E;
	s24 =	sld [smem:$0x3FFE];
	[sflag:s23] =	ssyncadd.s32 $0xFFFFFFFF  }
0xa5: {  	s26 =	simm.s32 $execute0_lowered;
	[smem:$0x3FD2] =	sst s25  }
0xa6: {  	s4 =	sshll.u32 s26, $0x1;
	_ =	strace $0x80000052;
	[dreg:$0x1] =	wrdreg $0xFFFFFFFF  }
0xa7: {  	s28 =	simm.s32 $_size_execute0_lowered;
	s2 =	sadd.s32 s2, s4;
	[dreg:$0x0] =	wrdreg $0x0  }
0xa8: {  	s4 =	sshll.u32 s28, $0x1;
	[dreg:$0x2] =	wrdreg s2  }
0xa9: {  	[dreg:$0x3] =	wrdreg s4  }
0xaa: {  	[dreg:$0x4] =	wrdreg $0xC0  }
0xab: {  	_ =	task [dreg:s6], $0x5FFFF  }
0xac: {  	[dreg:$0x1] =	wrdreg $0xFFFFFFFF  }
0xad: {  	[dreg:$0x0] =	wrdreg $0x60  }
0xae: {  	[dreg:$0x2] =	wrdreg s24  }
0xaf: {  	[dreg:$0x3] =	wrdreg $0xC0000  }
0xb0: {  	[dreg:$0x4] =	wrdreg $0x9  }
0xb1: {  	_ =	task.clear_ibuf [dreg:s6], $0x5FFFF;
	_ =	strace $0x90000052  }
0xb2: {  	s29 =	simm.s32 $0x9;
	_ =	strace $0x80000054  }
0xb3: {  	_ =	swait.ge [sflag:s29], $0x1  }
0xb4: {  	[sflag:s29] =	ssyncadd.s32 $0xFFFFFFFF  }
0xb5: {  	_ =	strace $0x90000054  }
0xb6: {  	_ =	sfence  }
0xb7: {  	s30 =	sld [smem:$0x0];
	_ =	sdelay $0x2  }
0xb8: {  	s31 =	sshll.u32 s1, $0xD;
	s1 =	sshrl.u32 s1, $0x2  }
0xb9: {  	s3 =	sand.u32 $0x4000, s31;
	s1 =	sadd.s32 s1, s30  }
0xba: {  	s0 =	sor.u32 s3, s0;
	s1 =	sshll.u32 s1, $0x11  }
0xbb: {  	s0 =	sor.u32 s1, s0  }
0xbc: {  	s0 =	sadd.s32 $0x8F2B, s0  }
0xbd: {  	[sflag:s0] =	ssyncadd.remote.s32 $0x1  }
0xbe: {  	_ =	sfence.sel $0xFFFF  }
0xbf: {  	[dreg:$0x0] =	wrdreg $0xFFFFFFFF;
	(pc) =	sbr.abs _section_cstart, $3  }
0xc0: {  	[dreg:$0x1] =	wrdreg $0xFFFFFFFF  }
0xc1: {  	_ =	task.clear_ibuf [dreg:s6], $0x2FFFF;
	_ =	strace $0x9FFFFFFF  }
0xc2: {  	(tm) =	ssettm $0x7FFFFFFF  }
0xc3: {  	_ =	shalt  }
tec
execute0_lowered:
.L_overlay_start_1:
0x0: {  	(tag) =	ssettag $0x1  }
0x1: {  	s0 =	rddreg [dreg:$0x0];
	s1 =	srdreg.scid  }
0x2: {  	s17 =	stileid.u32;
	s2 =	rddreg [dreg:$0x1];
	s6 =	simm.s32 $0x0  }
0x3: {  	s19 =	simm.s32 $0x3;
	s20 =	simm.s32 $0x6000;
	s22 =	simm.s32 $0x60  }
0x4: {  	s21 =	stileid.u32;
	s23 =	simm.s32 $0x1;
	s28 =	simm.s32 $0x2  }
0x5: {  	s29 =	simm.s32 $0x2760;
	s30 =	simm.s32 $0x5C00;
	s25 =	smul.u32 $0x4F000, s17  }
0x6: {  	s31 =	simm.s32 $0x5C80;
	s1 =	sand.u32 $0x1, s1;
	s14 =	smul.u32 $0x13800, s17  }
0x7: {  	s3 =	sshll.u32 s17, $0x1;
	s4 =	sshrl.u32 s17, $0x2;
	s15 =	smul.u32 $0x4E000, s17  }
0x8: {  	[smem:$0x7FF] =	sst s6;
	p0 =	seq.s32 s17, $0xF;
	s4 =	smul.u32 $0x14000, s4  }
0x9: {  	s3 =	sor.u32 s1, s3;
	s7 =	ssub.s32 $0x2, s1;
	s1 =	smul.u32 $0x138800, s1  }
0xa: {  	_ =	strace $0x80000053;
	s5 =	sshll.u32 s3, $0x7;
	s3 =	smul.u32 $0x700, s3  }
0xb: {  	s8 =	sshrl.u32 s7, $0x1;
	s6 =	sshrl.u32 s25, $0x2;
	s15 =	sshrl.u32 s15, $0x2  }
0xc: {  	s5 =	sand.u32 $0x380, s5;
	s16 =	ssub.s32 s7, s8;
	s6 =	sadd.s32 s6, s2  }
0xd: {  	s26 =	sadd.s32 s14, s1;
	s1 =	sshrl.u32 s1, $0x3;
	s5 =	sor.u32 s4, s5  }
0xe: {  	s4 =	sadd.s32 $0x1B600, s0;
	s3 =	sadd.s32 s3, s0;
	s7 =	sadd.s32 $0x3000, s6  }
0xf: {  	s8 =	sadd.s32 $0x6000, s6;
	s9 =	sadd.s32 $0x9000, s6;
	s10 =	sadd.s32 $0xC000, s6  }
0x10: {  	s11 =	sadd.s32 $0xF000, s6;
	s12 =	sadd.s32 $0x12000, s6;
	s16 =	smax.u32 s16, $0x1  }
0x11: {  	s5 =	sshrl.u32 s5, $0x3;
	s13 =	sadd.s32 $0x3600, s3;
	s3 =	sshrl.u32 s26, $0x3  }
0x12: {  	s26 =	simm.s32 $0x9000;
	s5 =	sadd.s32 s5, s0;
	s0 =	sadd.s32 $0x42800, s0  }
0x13: {  	s5 =	sadd.s32 $0x11600, s5;
	s1 =	sadd.s32 s0, s1;
	s14 =	sadd.s32 s0, s3  }
0x14: {  	s0 =	sadd.s32 s15, s2;
	s15 =	sadd.s32 $0x24900, s1;
	s1 =	sadd.s32 $0x124800, s2  }
0x15: {  	v0 =	vimm.f32 $0.0e+00;
	s25 =	sshrl.u32 @!p0 s0, $0x3;
	s24 =	sshrl.u32 @p0 s1, $0x3;
	s1 =	simm.s32 $0x0  }
.LBB2_1:
0x16: {  	s0 =	simm.s32 $0x0;
	s3 =	simm.s32 $0x80;
	s17 =	simm.s32 $0x400  }
0x17: {  	[tilespmem:s0], [sflag:$0x3] =	stream.strided.gather [hbm4b:s5+s3], $0x2800, s17, s3, $0x38;
	[tilespmem:$0x1FC00] =	vst v63  }
0x18: {  	_ =	swait.ge [sflag:s19], $0x2800  }
0x19: {  	[sflag:s19] =	ssyncset.done $0x0  }
0x1a: {  	s0 =	simm.s32 $0x70;
	s3 =	simm.s32 $0x3C0;
	[sflag:s19] =	ssyncadd.s32 $0xFFFFD800  }
.LBB2_2:
0x1b: {  	p1 =	sne.s32 s3, $0xBFC0;
	[tilespmem:s0+$0x6000] =	vst v0  }
0x1c: {  	[tilespmem:s0+$0x5F90] =	vst v0  }
0x1d: {  	[tilespmem:s0+$0x5FA0] =	vst v0  }
.Ltmp0:
0x1e: {  	[tilespmem:s0+$0x5FB0] =	vst v0;
	(pc) =	sbr.rel @p1 .LBB2_2-.Ltmp0, $4  }
0x1f: {  	[tilespmem:s0+$0x5FC0] =	vst v0  }
0x20: {  	[tilespmem:s0+$0x5FD0] =	vst v0  }
0x21: {  	[tilespmem:s0+$0x5FE0] =	vst v0  }
0x22: {  	[tilespmem:s0+$0x5FF0] =	vst v0;
	s0 =	sshra.s32 s3, $0x2;
	s3 =	sadd.s32 $0x200, s3  }
0x23: {  	[tilespmem:s0+$0x6000] =	vst v0  }
0x24: {  	[tilespmem:s0+$0x5F90] =	vst v0  }
0x25: {  	[tilespmem:s0+$0x5FA0] =	vst v0  }
0x26: {  	[tilespmem:s0+$0x5FB0] =	vst v0  }
0x27: {  	[tilespmem:s0+$0x5FC0] =	vst v0  }
0x28: {  	[tilespmem:s0+$0x5FD0] =	vst v0  }
0x29: {  	[tilespmem:s0+$0x5FE0] =	vst v0  }
0x2a: {  	[tilespmem:s0+$0x5FF0] =	vst v0  }
0x2b: {  	[spmem:s6] =	stream.linear.scatter [tilespmem:s20], [sflag:$0x3], $0x3000, $0x38;
	[tilespmem:$0x1FC00] =	vst v63  }
0x2c: {  	_ =	swait.ge [sflag:s19], $0x3000  }
0x2d: {  	[sflag:s19] =	ssyncset.done $0x0  }
0x2e: {  	[sflag:s19] =	ssyncadd.s32 $0xFFFFD000  }
0x2f: {  	[spmem:s7] =	stream.linear.scatter [tilespmem:s20], [sflag:$0x3], $0x3000, $0x38;
	[tilespmem:$0x1FC00] =	vst v63  }
0x30: {  	_ =	swait.ge [sflag:s19], $0x3000  }
0x31: {  	[sflag:s19] =	ssyncset.done $0x0  }
0x32: {  	[sflag:s19] =	ssyncadd.s32 $0xFFFFD000  }
0x33: {  	[spmem:s8] =	stream.linear.scatter [tilespmem:s20], [sflag:$0x3], $0x3000, $0x38;
	[tilespmem:$0x1FC00] =	vst v63  }
0x34: {  	_ =	swait.ge [sflag:s19], $0x3000  }
0x35: {  	[sflag:s19] =	ssyncset.done $0x0  }
0x36: {  	[sflag:s19] =	ssyncadd.s32 $0xFFFFD000  }
0x37: {  	[spmem:s9] =	stream.linear.scatter [tilespmem:s20], [sflag:$0x3], $0x3000, $0x38;
	[tilespmem:$0x1FC00] =	vst v63  }
0x38: {  	_ =	swait.ge [sflag:s19], $0x3000  }
0x39: {  	[sflag:s19] =	ssyncset.done $0x0  }
0x3a: {  	[sflag:s19] =	ssyncadd.s32 $0xFFFFD000  }
0x3b: {  	[spmem:s10] =	stream.linear.scatter [tilespmem:s20], [sflag:$0x3], $0x3000, $0x38;
	[tilespmem:$0x1FC00] =	vst v63  }
0x3c: {  	_ =	swait.ge [sflag:s19], $0x3000  }
0x3d: {  	[sflag:s19] =	ssyncset.done $0x0  }
0x3e: {  	[sflag:s19] =	ssyncadd.s32 $0xFFFFD000  }
0x3f: {  	[spmem:s11] =	stream.linear.scatter [tilespmem:s20], [sflag:$0x3], $0x3000, $0x38;
	[tilespmem:$0x1FC00] =	vst v63  }
0x40: {  	_ =	swait.ge [sflag:s19], $0x3000  }
0x41: {  	[sflag:s19] =	ssyncset.done $0x0  }
0x42: {  	[sflag:s19] =	ssyncadd.s32 $0xFFFFD000  }
0x43: {  	[spmem:s12] =	stream.linear.scatter [tilespmem:s20], [sflag:$0x3], $0x1C00, $0x38;
	[tilespmem:$0x1FC00] =	vst v63  }
0x44: {  	_ =	swait.ge [sflag:s19], $0x1C00  }
0x45: {  	[sflag:s19] =	ssyncset.done $0x0  }
0x46: {  	[sflag:s19] =	ssyncadd.s32 $0xFFFFE400  }
0x47: {  	s18 =	simm.s32 $0x0;
	s3 =	simm.s32 $0x2800;
	[bflag:$0x0] =	sbarrier.arrive $0xFFFF  }
0x48: {  	[tilespmem:s3], [sflag:$0x3] =	stream.linear.gather [hbm4b:s13+s18], $0x3500, $0x38;
	[tilespmem:$0x1FC00] =	vst v63  }
0x49: {  	_ =	swait.ge [sflag:s19], $0x3500  }
0x4a: {  	[sflag:s19] =	ssyncset.done $0x0  }
0x4b: {  	[sflag:s19] =	ssyncadd.s32 $0xFFFFCB00  }
0x4c: {  	[tilespmem:s20], [sflag:$0x1] =	stream.indirect.gather [hbm4b:s4+s22], $0x80, s18, s22, $0xb8;
	[tilespmem:$0x1FC00] =	vst v63  }
0x4d: {  	_ =	swait.ge [sflag:s23], $0x3000  }
0x4e: {  	[sflag:s23] =	ssyncset.done $0x0  }
0x4f: {  	s3 =	simm.s32 $0x60;
	[sflag:s23] =	ssyncadd.s32 $0xFFFFD000  }
0x50: {  	[tilespmem:s26], [sflag:$0x2] =	stream.indirect.gather [hbm4b:s4+s22], $0x80, s3, s22, $0xb8;
	[tilespmem:$0x1FC00] =	vst v63  }
0x51: {  	s17 =	simm.s32 $0x2800  }
0x52: {  	[spmem:s2] =	stream.indirect.scatter.add.f32 [tilespmem:s20], [sflag:$0x3], $0x80, s17, s22, $0xb8;
	[tilespmem:$0x1FC00] =	vst v63  }
0x53: {  	_ =	swait.ge [sflag:s19], $0x3000  }
0x54: {  	[sflag:s19] =	ssyncset.done $0x0  }
0x55: {  	[sflag:s19] =	ssyncadd.s32 $0xFFFFD000  }
0x56: {  	_ =	swait.ge [sflag:s28], $0x3000  }
0x57: {  	[sflag:s28] =	ssyncset.done $0x0  }
0x58: {  	s3 =	simm.s32 $0xC0;
	[sflag:s28] =	ssyncadd.s32 $0xFFFFD000  }
0x59: {  	[tilespmem:s20], [sflag:$0x1] =	stream.indirect.gather [hbm4b:s4+s22], $0x80, s3, s22, $0xb8;
	[tilespmem:$0x1FC00] =	vst v63  }
0x5a: {  	s18 =	simm.s32 $0x2880  }
0x5b: {  	[spmem:s2] =	stream.indirect.scatter.add.f32 [tilespmem:s26], [sflag:$0x3], $0x80, s18, s22, $0xb8;
	[tilespmem:$0x1FC00] =	vst v63  }
0x5c: {  	_ =	swait.ge [sflag:s19], $0x3000  }
0x5d: {  	s0 =	simm.s32 $0x400;
	[sflag:s19] =	ssyncset.done $0x0  }
.LBB2_4:
0x5e: {  	p1 =	sne.s32 s0, $0xCC00;
	[sflag:s19] =	ssyncadd.s32 $0xFFFFD000;
	s3 =	sadd.s32 $0xC0, s3  }
0x5f: {  	s17 =	smov.u32 s0;
	s0 =	sadd.s32 $0x400, s0  }
0x60: {  	_ =	swait.ge [sflag:s23], $0x3000  }
0x61: {  	[sflag:s23] =	ssyncset.done $0x0  }
0x62: {  	s18 =	sadd.s32 $0xFFFFFFA0, s3;
	s17 =	sshra.s32 s17, $0x2;
	[sflag:s23] =	ssyncadd.s32 $0xFFFFD000  }
0x63: {  	[tilespmem:s26], [sflag:$0x2] =	stream.indirect.gather [hbm4b:s4+s22], $0x80, s18, s22, $0xb8;
	[tilespmem:$0x1FC00] =	vst v63  }
0x64: {  	s18 =	sadd.s32 $0x2800, s17  }
0x65: {  	[spmem:s2] =	stream.indirect.scatter.add.f32 [tilespmem:s20], [sflag:$0x3], $0x80, s18, s22, $0xb8;
	[tilespmem:$0x1FC00] =	vst v63  }
0x66: {  	_ =	swait.ge [sflag:s19], $0x3000  }
0x67: {  	[sflag:s19] =	ssyncset.done $0x0  }
0x68: {  	[sflag:s19] =	ssyncadd.s32 $0xFFFFD000  }
0x69: {  	_ =	swait.ge [sflag:s28], $0x3000  }
0x6a: {  	[sflag:s28] =	ssyncset.done $0x0  }
0x6b: {  	[sflag:s28] =	ssyncadd.s32 $0xFFFFD000  }
0x6c: {  	[tilespmem:s20], [sflag:$0x1] =	stream.indirect.gather [hbm4b:s4+s22], $0x80, s3, s22, $0xb8;
	[tilespmem:$0x1FC00] =	vst v63  }
.Ltmp1:
0x6d: {  	_ = 	snop;
	(pc) =	sbr.rel @p1 .LBB2_4-.Ltmp1, $4  }
0x6e: {  	s17 =	sadd.s32 $0x2880, s17  }
0x6f: {  	[spmem:s2] =	stream.indirect.scatter.add.f32 [tilespmem:s26], [sflag:$0x3], $0x80, s17, s22, $0xb8;
	[tilespmem:$0x1FC00] =	vst v63  }
0x70: {  	_ =	swait.ge [sflag:s19], $0x3000  }
0x71: {  	[sflag:s19] =	ssyncset.done $0x0  }
0x72: {  	[sflag:s19] =	ssyncadd.s32 $0xFFFFD000  }
0x73: {  	_ =	swait.ge [sflag:s23], $0x3000  }
0x74: {  	[sflag:s23] =	ssyncset.done $0x0  }
0x75: {  	[sflag:s23] =	ssyncadd.s32 $0xFFFFD000  }
0x76: {  	[tilespmem:s26], [sflag:$0x2] =	stream.indirect.gather [hbm4b:s4+s22], $0x80, s29, s22, $0xb8;
	[tilespmem:$0x1FC00] =	vst v63  }
0x77: {  	_ = 	snop  }
0x78: {  	[spmem:s2] =	stream.indirect.scatter.add.f32 [tilespmem:s20], [sflag:$0x3], $0x80, s30, s22, $0xb8;
	[tilespmem:$0x1FC00] =	vst v63  }
0x79: {  	_ =	swait.ge [sflag:s19], $0x3000  }
0x7a: {  	[sflag:s19] =	ssyncset.done $0x0  }
0x7b: {  	[sflag:s19] =	ssyncadd.s32 $0xFFFFD000  }
0x7c: {  	_ =	swait.ge [sflag:s28], $0x3000  }
0x7d: {  	[sflag:s28] =	ssyncset.done $0x0  }
0x7e: {  	[sflag:s28] =	ssyncadd.s32 $0xFFFFD000  }
0x7f: {  	[spmem:s2] =	stream.indirect.scatter.add.f32 [tilespmem:s26], [sflag:$0x3], $0x80, s31, s22, $0xb8;
	[tilespmem:$0x1FC00] =	vst v63  }
0x80: {  	_ =	swait.ge [sflag:s19], $0x3000  }
0x81: {  	[sflag:s19] =	ssyncset.done $0x0  }
0x82: {  	[sflag:s19] =	ssyncadd.s32 $0xFFFFD000  }
0x83: {  	[bflag:$0x0] =	sbarrier.arrive $0xFFFF  }
0x84: {  	s0 =	simm.s32 @p0 $0x1FC3;
	[bflag:$0x0] =	sbarrier.arrive $0xFFFF  }
0x85: {  	[hbm:s15], [sflag:s0] =	dma.local @p0 [spmem:s24], $0x2800  }
0x86: {  	s0 =	simm.s32 @p0 $0x3  }
0x87: {  	_ =	swait.ge @p0 [sflag:s0], $0x2800  }
0x88: {  	s3 =	sshll.u32 @!p0 s21, $0x6;
	s1 =	sadd.s32 $0x1, s1;
	[sflag:s0] =	ssyncset.done @p0 $0x0  }
0x89: {  	p1 =	sne.s32 s1, s16;
	[sflag:s0] =	ssyncadd.s32 @p0 $0xFFFFD800;
	s0 =	sor.u32 @!p0 $0x1C03, s3  }
0x8a: {  	[hbm:s14], [sflag:s0] =	dma.local @!p0 [spmem:s25], $0x2700  }
.Ltmp2:
0x8b: {  	_ = 	snop;
	(pc) =	sbr.rel @p1 .LBB2_1-.Ltmp2, $4  }
0x8c: {  	s0 =	simm.s32 @!p0 $0x3  }
0x8d: {  	_ =	swait.ge @!p0 [sflag:s0], $0x2700  }
0x8e: {  	[sflag:s0] =	ssyncset.done @!p0 $0x0  }
0x8f: {  	[sflag:s0] =	ssyncadd.s32 @!p0 $0xFFFFD900  }
0x90: {  	_ =	sfence.sel $0x180000  }
0x91: {  	[bflag:$0x0] =	sbarrier.arrive $0xFFFF  }
0x92: {  	_ =	strace $0x90000053  }
0x93: {  	[bflag:$0x2] =	sbarrier.arrive $0xFFFF  }
0x94: {  	p0 =	sne.s32 s21, $0x0;
	s0 =	rddreg [dreg:$0x2]  }
0x95: {  	s0 =	sadd.s32 @!p0 $0x100000, s0  }
0x96: {  	[sflag:s0] =	ssyncadd.tile.s32 @!p0 $0x1;
	_ =	shalt  }
.Lfunc_end2:
_tile_overlayer_lowered:
.L_overlay_start_2:
0x97: {  	(tag) =	ssettag $0x2  }
0x98: {  	s0 =	rddreg [dreg:$0x0];
	s2 =	stileid.u32  }
0x99: {  	s1 =	rddreg [dreg:$0x1];
	p0 =	sne.s32 s2, $0x0  }
0x9a: {  	s3 =	rddreg [dreg:$0x2];
	[bflag:$0x3] =	sbarrier.arrive $0xFFFF;
	s2 =	simm.s32 @!p0 $0x1C03  }
0x9b: {  	[timem:s3], [sflag:s2] =	dma.local @!p0 [hbm:s0], s1  }
0x9c: {  	s0 =	simm.s32 @!p0 $0x3  }
0x9d: {  	_ =	swait.ge @!p0 [sflag:s0], s1  }
0x9e: {  	s1 =	ssub.s32 @!p0 $0x0, s1;
	[sflag:s0] =	ssyncset.done @!p0 $0x0  }
0x9f: {  	[sflag:s0] =	ssyncadd.s32 @!p0 s1  }
0xa0: {  	[bflag:$0x3] =	sbarrier.arrive $0xFFFF  }
0xa1: {  	_ =	shalt  }

</sc_bundles>
